<compile_context>
chip_gen: v7x
topology: tpu7x:2x2x1
jax: 0.10.2.dev20260603
libtpu: 0.0.44.dev20260713+nightly
codegen_flags: <defaults>
</compile_context>

<pallas_src>
import jax
import jax.numpy as jnp
from jax import lax
from jax.experimental import pallas as pl
from jax.experimental.pallas import tpu as pltpu
from jax.experimental.pallas import tpu_sc as plsc

_NN = 50000
_D = 64
_NE = 800000
_B = 4096
_NEG = 40
_REG = 1e-4

_NC = 2
_NS = 16
_CW = 128
_CT = 200
_EPT = _CT * _CW
_EP = _EPT * _NC * _NS

_NP = 51200
_HR = _NP // 2
_AR = 12800
_ATR = _AR + 128
_OPT = _AR // _NS
_SUB = 64
_RF = 8
_NRF = _CT // _RF
_ZR2 = 32


def _mesh():
    return plsc.VectorSubcoreMesh(core_axis_name="c", subcore_axis_name="s")


_DGA = 51456
_DGT = _DGA // _NS


def _deg_body(col_hbm, out_hbm, colv, ones_v, stg, sem, acc):
    c = lax.axis_index("c")
    s = lax.axis_index("s")

    def fill(i, _):
        stg[pl.ds(i * 16, 16)] = jnp.zeros((16,), jnp.float32)
        return 0
    lax.fori_loop(0, _DGT // 16, fill, 0)
    for i in range(8):
        ones_v[pl.ds(i * 16, 16)] = jnp.ones((16,), jnp.float32)
    pltpu.sync_copy(stg, acc.at[pl.ds(s * _DGT, _DGT)])
    plsc.subcore_barrier()

    pltpu.sync_copy(col_hbm.at[c, s], colv)

    def chunk(j, _):
        pltpu.sync_copy(ones_v, acc.at[colv.at[j]], add=True)
        return 0
    lax.fori_loop(0, _CT, chunk, 0)

    plsc.subcore_barrier()
    pltpu.sync_copy(acc.at[pl.ds(s * _DGT, _DGT)], stg)
    pltpu.sync_copy(stg, out_hbm.at[pl.ds(c * _DGA + s * _DGT, _DGT)])


def _sc_deg(colx):
    f = pl.kernel(
        _deg_body,
        out_type=jax.ShapeDtypeStruct((_NC * _DGA,), jnp.float32),
        mesh=_mesh(),
        scratch_types=[
            pltpu.VMEM((_CT, _CW), jnp.int32),
            pltpu.VMEM((_CW,), jnp.float32),
            pltpu.VMEM((_DGT,), jnp.float32),
            pltpu.SemaphoreType.DMA,
            pltpu.VMEM_SHARED((_DGA,), jnp.float32),
        ],
    )
    return f(colx)


def _spmv_body(rowx_hbm, colx_hbm, yrep_hbm, out_hbm,
               rowv, colv, gidxa, sidxa, gidxb, sidxb, gbufa, gbufb, zbuf,
               sema, semb, acc):
    c = lax.axis_index("c")
    s = lax.axis_index("s")

    def fill(i, _):
        for q in range(8):
            zbuf[i, pl.ds(q * 16, 16)] = jnp.zeros((16,), jnp.float32)
        return 0

    for p in range(2):
        base = p * (_NP // 2)
        lax.fori_loop(0, _ZR2, fill, 0)
        for i in range(_OPT // _ZR2):
            pltpu.sync_copy(zbuf, acc.at[pl.ds(s * _OPT + i * _ZR2, _ZR2)])
        plsc.subcore_barrier()

        def refill(r, _):
            pltpu.sync_copy(rowx_hbm.at[c, s, pl.ds(r * _RF, _RF)], rowv)
            pltpu.sync_copy(colx_hbm.at[c, s, pl.ds(r * _RF, _RF)], colv)

            def build(q, gidx, sidx):
                j, h = q // 2, (q % 2) * _SUB
                for k in range(_SUB // 16):
                    rv = rowv[j, pl.ds(h + k * 16, 16)]
                    cv = colv[j, pl.ds(h + k * 16, 16)]
                    gidx[pl.ds(k * 16, 16)] = rv + (cv & 1) * _NP
                    rel = cv - base
                    ok = (rel >= 0) & (rel < _NP // 2)
                    sidx[pl.ds(k * 16, 16)] = jnp.where(
                        ok, lax.shift_right_logical(rel, 1), _AR + (cv & 127))

            for q in range(2 * _RF):
                build(q, gidxa, sidxa)
                pltpu.async_copy(yrep_hbm.at[gidxa], gbufa, sema).wait()
                pltpu.sync_copy(gbufa, acc.at[sidxa], add=True)
            return 0
        lax.fori_loop(0, _NRF, refill, 0)

        plsc.subcore_barrier()
        for i in range(_OPT // _ZR2):
            r0 = s * _OPT + i * _ZR2
            pltpu.sync_copy(acc.at[pl.ds(r0, _ZR2)], zbuf)
            pltpu.sync_copy(zbuf, out_hbm.at[c, pl.ds(p * _AR + r0, _ZR2)])
        plsc.subcore_barrier()


def _sc_spmv(rowx, colx, yrep):
    f = pl.kernel(
        _spmv_body,
        out_type=jax.ShapeDtypeStruct((_NC, _HR, 128), jnp.float32),
        mesh=_mesh(),
        scratch_types=[
            pltpu.VMEM((_RF, _CW), jnp.int32),
            pltpu.VMEM((_RF, _CW), jnp.int32),
            pltpu.VMEM((_SUB,), jnp.int32),
            pltpu.VMEM((_SUB,), jnp.int32),
            pltpu.VMEM((_SUB,), jnp.int32),
            pltpu.VMEM((_SUB,), jnp.int32),
            pltpu.VMEM((_SUB, 128), jnp.float32),
            pltpu.VMEM((_SUB, 128), jnp.float32),
            pltpu.VMEM((_ZR2, 128), jnp.float32),
            pltpu.SemaphoreType.DMA,
            pltpu.SemaphoreType.DMA,
            pltpu.VMEM_SHARED((_ATR, 128), jnp.float32),
        ],
    )
    return f(rowx, colx, yrep)


def _gather_body(z_hbm, u_hbm, v_hbm, n_hbm, outu, outv, outn,
                 idxu, idxv, idxn, hidx, gbuf, sem):
    c = lax.axis_index("c")
    s = lax.axis_index("s")
    wid = c * _NS + s

    pltpu.sync_copy(u_hbm.at[c, s], idxu)
    pltpu.sync_copy(v_hbm.at[c, s], idxv)
    pltpu.sync_copy(n_hbm.at[c, s], idxn)

    def half(src_row):
        for k in range(8):
            iv = src_row[pl.ds(k * 16, 16)]
            hidx[pl.ds(k * 16, 16)] = jnp.where(iv >= _HR, iv - _HR, iv)

    half(idxu.at[0])
    pltpu.async_copy(z_hbm.at[hidx], gbuf, sem).wait()
    pltpu.sync_copy(gbuf, outu.at[pl.ds(wid * 128, 128)])
    half(idxv.at[0])
    pltpu.async_copy(z_hbm.at[hidx], gbuf, sem).wait()
    pltpu.sync_copy(gbuf, outv.at[pl.ds(wid * 128, 128)])

    def body(j, _):
        half(idxn.at[j])
        pltpu.async_copy(z_hbm.at[hidx], gbuf, sem).wait()
        pltpu.sync_copy(gbuf, outn.at[pl.ds(j * _B + wid * 128, 128)])
        return 0
    lax.fori_loop(0, _NEG, body, 0)


def _sc_gather(z, u4, v4, n4):
    f = pl.kernel(
        _gather_body,
        out_type=(
            jax.ShapeDtypeStruct((_B, 128), jnp.float32),
            jax.ShapeDtypeStruct((_B, 128), jnp.float32),
            jax.ShapeDtypeStruct((_B * _NEG, 128), jnp.float32),
        ),
        mesh=_mesh(),
        scratch_types=[
            pltpu.VMEM((1, 128), jnp.int32),
            pltpu.VMEM((1, 128), jnp.int32),
            pltpu.VMEM((_NEG, 128), jnp.int32),
            pltpu.VMEM((128,), jnp.int32),
            pltpu.VMEM((128, 128), jnp.float32),
            pltpu.SemaphoreType.DMA,
        ],
    )
    return f(z, u4, v4, n4)


_BN = 2048
_GRID = _NP // _BN


def _rep_rows(y):
    z = jnp.zeros_like(y)
    a = jnp.concatenate([y, z], axis=1)[:, None, :]
    b = jnp.concatenate([z, y], axis=1)[:, None, :]
    return jnp.concatenate([a, b], axis=1).reshape(2 * y.shape[0], 128)


def _prep_body(deg_ref, e_ref, y_ref):
    i = pl.program_id(0)
    deg = deg_ref[0, :] + deg_ref[1, :]
    dis = jnp.where(deg > 0, lax.rsqrt(deg), 0.0)
    y = e_ref[...] * dis[:, None]
    z = jnp.zeros_like(y)

    @pl.when(i < _GRID)
    def _():
        y_ref[...] = jnp.concatenate([y, z], axis=1)

    @pl.when(i >= _GRID)
    def _():
        y_ref[...] = jnp.concatenate([z, y], axis=1)


def _tc_prep(deg2, E):
    return pl.pallas_call(
        _prep_body,
        grid=(2 * _GRID,),
        in_specs=[
            pl.BlockSpec((_NC, _BN), lambda i: (0, i % _GRID)),
            pl.BlockSpec((_BN, _D), lambda i: (i % _GRID, 0)),
        ],
        out_specs=pl.BlockSpec((_BN, 128), lambda i: (i, 0)),
        out_shape=jax.ShapeDtypeStruct((2 * _NP, 128), jnp.float32),
    )(deg2, E)


def _scale_body(deg_ref, g_ref, y_ref):
    i = pl.program_id(0)
    deg = deg_ref[0, :] + deg_ref[1, :]
    inv = jnp.where(deg > 0, 1.0 / deg, 0.0)
    y = (g_ref[0] + g_ref[1]) * inv[:, None]
    z = jnp.zeros_like(y)

    @pl.when(i < _GRID)
    def _():
        y_ref[...] = jnp.concatenate([y, z], axis=1)

    @pl.when(i >= _GRID)
    def _():
        y_ref[...] = jnp.concatenate([z, y], axis=1)


def _tc_scale(deg2, gp):
    return pl.pallas_call(
        _scale_body,
        grid=(2 * _GRID,),
        in_specs=[
            pl.BlockSpec((_NC, _BN), lambda i: (0, i % _GRID)),
            pl.BlockSpec((_NC, _BN, _D), lambda i: (0, i % _GRID, 0)),
        ],
        out_specs=pl.BlockSpec((_BN, 128), lambda i: (i, 0)),
        out_shape=jax.ShapeDtypeStruct((2 * _NP, 128), jnp.float32),
    )(deg2, gp)


def _dense_body(deg_ref, e_ref, e2_ref, g1_ref, g2_ref, w0t_ref, b0_ref,
                w1t_ref, b1_ref, awt_ref, ab_ref, qw_ref, z_ref):
    deg = deg_ref[0, :] + deg_ref[1, :]
    dis = jnp.where(deg > 0, lax.rsqrt(deg), 0.0)[:, None]
    g1 = g1_ref[0] + g1_ref[1]
    g2 = g2_ref[0] + g2_ref[1]
    e = e_ref[...]
    zp = (e + dis * g1 + dis * g2) * (1.0 / 3.0)
    h = jnp.maximum(
        jnp.dot(e2_ref[...], w0t_ref[...],
                preferred_element_type=jnp.float32) + b0_ref[...], 0.0)
    zn = jnp.maximum(
        jnp.dot(h, w1t_ref[...],
                preferred_element_type=jnp.float32) + b1_ref[...], 0.0)
    tp = jnp.tanh(jnp.dot(zp, awt_ref[...],
                          preferred_element_type=jnp.float32) + ab_ref[...])
    tn = jnp.tanh(jnp.dot(zn, awt_ref[...],
                          preferred_element_type=jnp.float32) + ab_ref[...])
    q = qw_ref[...]
    wp = jnp.sum(tp * q, axis=1, keepdims=True)
    wn = jnp.sum(tn * q, axis=1, keepdims=True)
    m = jnp.maximum(wp, wn)
    ap = jnp.exp(wp - m)
    an = jnp.exp(wn - m)
    zz = (ap * zp + an * zn) / (ap + an)
    z_ref[...] = zz


def _tc_dense(deg2, E, E2, g1p, g2p, w0t, b0, w1t, b1, awt, ab, qw):
    wspec = pl.BlockSpec((_D, _D), lambda i: (0, 0))
    bspec = pl.BlockSpec((1, _D), lambda i: (0, 0))
    _BN2 = _BN // 2
    ng = 2 * _GRID
    return pl.pallas_call(
        _dense_body,
        grid=(ng,),
        in_specs=[
            pl.BlockSpec((_NC, _BN2), lambda i: (0, i)),
            pl.BlockSpec((_BN2, _D), lambda i: (i, 0)),
            pl.BlockSpec((_BN2, _D), lambda i: (i, 0)),
            pl.BlockSpec((_NC, _BN2, _D), lambda i: (0, i, 0)),
            pl.BlockSpec((_NC, _BN2, _D), lambda i: (0, i, 0)),
            wspec, bspec, wspec, bspec, wspec, bspec, bspec,
        ],
        out_specs=pl.BlockSpec((_BN2, _D), lambda i: (i, 0)),
        out_shape=jax.ShapeDtypeStruct((_NP, _D), jnp.float32),
    )(deg2, E, E2, g1p, g2p, w0t, b0, w1t, b1, awt, ab, qw)


_BPR_BN = 128
_BPR_GRID = _B // _BPR_BN


def _sel(rows, idx):
    lo = rows[:, :_D]
    hi = rows[:, _D:]
    return jnp.where(idx >= _HR, hi, lo)


def _bpr_body(u_ref, v_ref, n_ref, ui_ref, vi_ref, ni_ref, w_ref, out_ref):
    i = pl.program_id(0)
    u_ = _sel(u_ref[...], ui_ref[0, :][:, None])
    v_ = _sel(v_ref[...], vi_ref[0, :][:, None])
    pos = jnp.sum(u_ * v_, axis=1)
    sgn = jnp.sign(w_ref[0, :])
    sp = sgn * pos
    ls = jnp.zeros_like(pos)
    reg = jnp.sum(u_ * u_) + jnp.sum(v_ * v_)
    for j in range(_NEG):
        nfj = _sel(n_ref[j], ni_ref[j][:, None])
        negj = jnp.sum(u_ * nfj, axis=1)
        ls = ls + jax.nn.log_sigmoid(sp - negj)
        reg = reg + jnp.sum(nfj * nfj)
    blk = -jnp.sum(ls) + _REG * reg

    @pl.when(i == 0)
    def _():
        out_ref[...] = jnp.zeros((1, 128), jnp.float32)
    out_ref[...] += jnp.full((1, 128), blk)


def _tc_bpr(U, V, Nf, ui, vi, niT, w2):
    return pl.pallas_call(
        _bpr_body,
        grid=(_BPR_GRID,),
        in_specs=[
            pl.BlockSpec((_BPR_BN, 128), lambda i: (i, 0)),
            pl.BlockSpec((_BPR_BN, 128), lambda i: (i, 0)),
            pl.BlockSpec((_NEG, _BPR_BN, 128), lambda i: (0, i, 0)),
            pl.BlockSpec((1, _BPR_BN), lambda i: (0, i)),
            pl.BlockSpec((1, _BPR_BN), lambda i: (0, i)),
            pl.BlockSpec((_NEG, _BPR_BN), lambda i: (0, i)),
            pl.BlockSpec((1, _BPR_BN), lambda i: (0, i)),
        ],
        out_specs=pl.BlockSpec((1, 128), lambda i: (0, 0)),
        out_shape=jax.ShapeDtypeStruct((1, 128), jnp.float32),
    )(U, V, Nf, ui, vi, niT, w2)


def kernel(edge_index, u, v, w, n, E, E2, mlp_w0, mlp_b0, mlp_w1, mlp_b1,
           attn_w, attn_b, q_w):
    row = edge_index[0].astype(jnp.int32)
    col = edge_index[1].astype(jnp.int32)
    pad = _EP - _NE
    prange = jnp.arange(pad, dtype=jnp.int32)
    rowp = jnp.concatenate([row, jnp.zeros((pad,), jnp.int32)])
    colp = jnp.concatenate([col, _NP + (prange & 255)])
    rowx = rowp.reshape(_NC, _NS, _CT, _CW)
    colx = colp.reshape(_NC, _NS, _CT, _CW)
    u4 = u.astype(jnp.int32).reshape(_NC, _NS, 1, 128)
    v4 = v.astype(jnp.int32).reshape(_NC, _NS, 1, 128)
    n4 = (n.astype(jnp.int32).T.reshape(_NEG, _NC, _NS, 128)
          .transpose(1, 2, 0, 3))

    degj = jnp.zeros((_NP,), jnp.float32).at[col].add(1.0)
    deg2 = jnp.stack([degj, jnp.zeros_like(degj)])

    yrep0 = _tc_prep(deg2, E)

    def _layer(yrep, _):
        y = yrep[:_NP, :_D]
        g = jnp.zeros((_NP, _D), jnp.float32).at[col].add(y[row])
        gp = jnp.stack([g, jnp.zeros_like(g)])
        return _tc_scale(deg2, gp), gp

    _, gs = lax.scan(_layer, yrep0, None, length=2)
    g1p, g2p = gs[0], gs[1]

    degs = deg2[0] + deg2[1]
    diss = jnp.where(degs > 0, degs ** -0.5, 0.0)[:, None]
    g1s = g1p[0] + g1p[1]
    g2s = g2p[0] + g2p[1]
    Ep = jnp.pad(E, ((0, _NP - _NN), (0, 0)))
    E2p = jnp.pad(E2, ((0, _NP - _NN), (0, 0)))
    zp_ = (Ep + diss * g1s + diss * g2s) / 3.0
    hh = jax.nn.relu(E2p @ mlp_w0.T + mlp_b0)
    zn_ = jax.nn.relu(hh @ mlp_w1.T + mlp_b1)
    wp_ = jnp.tanh(zp_ @ attn_w.T + attn_b) @ q_w.T
    wn_ = jnp.tanh(zn_ @ attn_w.T + attn_b) @ q_w.T
    al = jax.nn.softmax(jnp.concatenate([wp_, wn_], axis=1), axis=1)
    Zr = al[:, 0:1] * zp_ + al[:, 1:2] * zn_
    Z2 = jnp.concatenate([Zr[:_HR], Zr[_HR:]], axis=1)

    ui_ = u.astype(jnp.int32)
    vi_ = v.astype(jnp.int32)
    nij = n.astype(jnp.int32).T.reshape(-1)
    U = Z2[jnp.where(ui_ >= _HR, ui_ - _HR, ui_)]
    V = Z2[jnp.where(vi_ >= _HR, vi_ - _HR, vi_)]
    Nf = Z2[jnp.where(nij >= _HR, nij - _HR, nij)]
    loss = _tc_bpr(U, V, Nf.reshape(_NEG, _B, 128),
                   u.astype(jnp.int32).reshape(1, _B),
                   v.astype(jnp.int32).reshape(1, _B),
                   n.astype(jnp.int32).T,
                   w.reshape(1, _B))
    return loss[0, 0]

# --- scband reference (transcript-rebuilt; emitter-appended) ---
"""Pipeline reference for scband-si-re-n-42365557408249 (READ-ONLY COPY).

The authoritative reference and input builder live on the scoring server;
editing this copy changes nothing except your own understanding.
"""

import jax, jax.numpy as jnp
import numpy as np

M = 40000
NV = 10000
NUM_NODES = 50000
DIM = 64
REG = 1e-4
N_EDGES = 800000
BATCH = 4096
NUM_NEG = 40
NUM_LAYERS = 2


def _xavier(key, shape):
    fan_out, fan_in = shape[0], shape[1]
    std = (2.0 / (fan_in + fan_out)) ** 0.5
    return jax.random.normal(key, shape, dtype=jnp.float32) * std


def setup_inputs(seed: int = 0):
    key = jax.random.key(seed)
    ks = jax.random.split(key, 16)
    inp = {}
    inp['edge_index'] = jax.random.randint(ks[0], (2, N_EDGES), 0, NUM_NODES)
    inp['u'] = jax.random.randint(ks[1], (BATCH,), 0, M)
    inp['v'] = jax.random.randint(ks[2], (BATCH,), 0, NUM_NODES)
    inp['w'] = jax.random.normal(ks[3], (BATCH,), dtype=jnp.float32)
    inp['n'] = jax.random.randint(ks[4], (BATCH, NUM_NEG), 0, NUM_NODES)
    inp['E'] = _xavier(ks[5], (NUM_NODES, DIM))
    inp['E2'] = _xavier(ks[6], (NUM_NODES, DIM))
    inp['mlp_w0'] = _xavier(ks[7], (DIM, DIM))
    inp['mlp_b0'] = jnp.zeros((DIM,), dtype=jnp.float32)
    inp['mlp_w1'] = _xavier(ks[8], (DIM, DIM))
    inp['mlp_b1'] = jnp.zeros((DIM,), dtype=jnp.float32)
    inp['attn_w'] = _xavier(ks[9], (DIM, DIM))
    inp['attn_b'] = jnp.zeros((DIM,), dtype=jnp.float32)
    inp['q_w'] = _xavier(ks[10], (1, DIM))
    return inp


def _lightgconv(x, row, col):
    # LightGCN-style propagation: out[col] += deg^-1/2[row]*deg^-1/2[col] * x[row]
    deg = jnp.zeros((x.shape[0],), dtype=x.dtype).at[col].add(1.0)
    dis = jnp.where(deg > 0, deg ** -0.5, 0.0)
    norm = dis[row] * dis[col]
    msg = norm[:, None] * x[row]
    return jnp.zeros_like(x).at[col].add(msg)


def _aggregate(E, E2, mlp_w0, mlp_b0, mlp_w1, mlp_b1, attn_w, attn_b, q_w, row, col):
    B = [E]
    x = _lightgconv(E, row, col)
    B.append(x)
    for _ in range(1, NUM_LAYERS):
        x = _lightgconv(x, row, col)
        B.append(x)
    z_p = sum(B) / len(B)
    # MLP branch (eval mode: dropout disabled)
    x = jax.nn.relu(E2 @ mlp_w0.T + mlp_b0)
    x = jax.nn.relu(x @ mlp_w1.T + mlp_b1)
    z_n = x
    w_p = jnp.tanh(z_p @ attn_w.T + attn_b) @ q_w.T
    w_n = jnp.tanh(z_n @ attn_w.T + attn_b) @ q_w.T
    alpha = jax.nn.softmax(jnp.concatenate([w_p, w_n], axis=1), axis=1)
    Z = alpha[:, 0:1] * z_p + alpha[:, 1:2] * z_n
    return Z


def reference(edge_index, u, v, w, n, E, E2, mlp_w0, mlp_b0, mlp_w1, mlp_b1, attn_w, attn_b, q_w):
    row, col = edge_index[0], edge_index[1]
    emb = _aggregate(E, E2, mlp_w0, mlp_b0, mlp_w1, mlp_b1, attn_w, attn_b, q_w, row, col)
    u_ = emb[u]
    v_ = emb[v]
    n_ = emb[n]
    pos = (u_ * v_).sum(axis=1)
    neg = (u_[:, None, :] * n_).sum(axis=2)
    sbpr = jax.nn.log_sigmoid(jnp.sign(w)[:, None] * pos[:, None] - neg).sum(axis=1)
    reg_loss = jnp.sum(jnp.linalg.norm(u_, axis=1) ** 2) + jnp.sum(jnp.linalg.norm(v_, axis=1) ** 2) + jnp.sum(jnp.linalg.norm(n_, axis=2) ** 2)
    return -jnp.sum(sbpr) + REG * reg_loss

if __name__ == "__main__":
    import jax
    _d = setup_inputs()
    print(jax.jit(kernel)(*tuple(_d.values())))

</pallas_src>

<mosaic_0001>
module attributes {stable_mosaic.version = 14 : i64} {
  func.func @_prep_body(%arg0: i32, %arg1: memref<2x2048xf32, #tpu.memory_space<vmem>>, %arg2: memref<2048x64xf32, #tpu.memory_space<vmem>>, %arg3: memref<2048x128xf32, #tpu.memory_space<vmem>>) attributes {dimension_semantics = [#tpu.dimension_semantics<arbitrary>], iteration_bounds = array<i64: 50>, scalar_prefetch = 0 : i64, scratch_operands = 0 : i64, tpu.core_type = #tpu.core_type<tc>, window_params = [{transform_indices = @transform_0, window_bounds = array<i64: 2, 2048>}, {transform_indices = @transform_1, window_bounds = array<i64: 2048, 64>}, {transform_indices = @transform_2, window_bounds = array<i64: 2048, 128>}]} {
    %get3A = arith.constant 0 : index
    %get3A_0 = arith.constant 0 : index
    %get3A_1 = vector.load %arg1[%get3A, %get3A_0] : memref<2x2048xf32, #tpu.memory_space<vmem>>, vector<1x2048xf32>
    %get3A_2 = vector.shape_cast %get3A_1 : vector<1x2048xf32> to vector<2048xf32>
    %get3A_3 = arith.constant 1 : index
    %get3A_4 = arith.constant 0 : index
    %get3A_5 = vector.load %arg1[%get3A_3, %get3A_4] : memref<2x2048xf32, #tpu.memory_space<vmem>>, vector<1x2048xf32>
    %get3A_6 = vector.shape_cast %get3A_5 : vector<1x2048xf32> to vector<2048xf32>
    %add3A = arith.addf %get3A_2, %get3A_6 : vector<2048xf32>
    %gt3A = arith.constant 0.000000e+00 : f32
    %gt3A_7 = vector.broadcast %gt3A : f32 to vector<2048xf32>
    %gt3A_8 = arith.cmpf ogt, %add3A, %gt3A_7 : vector<2048xf32>
    %rsqrt3A = math.rsqrt %add3A : vector<2048xf32>
    %jit3A = arith.constant 0.000000e+00 : f32
    %broadcast_in_dim3A = vector.broadcast %jit3A : f32 to vector<2048xf32>
    %select_n3A = arith.select %gt3A_8, %rsqrt3A, %broadcast_in_dim3A : vector<2048xi1>, vector<2048xf32>
    %get3A_9 = arith.constant 0 : index
    %get3A_10 = arith.constant 0 : index
    %get3A_11 = vector.load %arg2[%get3A_9, %get3A_10] : memref<2048x64xf32, #tpu.memory_space<vmem>>, vector<2048x64xf32>
    %broadcast_in_dim3A_12 = vector.shape_cast %select_n3A : vector<2048xf32> to vector<2048x1xf32>
    %mul3A = vector.broadcast %broadcast_in_dim3A_12 : vector<2048x1xf32> to vector<2048x64xf32>
    %mul3A_13 = arith.mulf %get3A_11, %mul3A : vector<2048x64xf32>
    %broadcast_in_dim3A_14 = arith.constant 0.000000e+00 : f32
    %broadcast_in_dim3A_15 = vector.broadcast %broadcast_in_dim3A_14 : f32 to vector<2048x64xf32>
    %lt3A = arith.constant 25 : i32
    %lt3A_16 = arith.cmpi slt, %arg0, %lt3A : i32
    %convert_element_type3A = arith.extui %lt3A_16 : i1 to i32
    %cond3A = arith.constant 0 : i32
    %cond3A_17 = arith.cmpi ne, %convert_element_type3A, %cond3A : i32
    scf.if %cond3A_17 {
      %concatenate3A = tpu.concatenate %mul3A_13, %broadcast_in_dim3A_15 in 1 : vector<2048x64xf32>, vector<2048x64xf32> -> vector<2048x128xf32>
      %swap3A = arith.constant 0 : index
      %swap3A_22 = arith.constant 0 : index
      %swap3A_23 = vector.load %arg3[%swap3A, %swap3A_22] : memref<2048x128xf32, #tpu.memory_space<vmem>>, vector<2048x128xf32>
      tpu.vector_store %arg3[%swap3A, %swap3A_22], %concatenate3A {strides = array<i32>} : memref<2048x128xf32, #tpu.memory_space<vmem>>, vector<2048x128xf32>,
    } else {
    }
    %ge3A = arith.constant 25 : i32
    %ge3A_18 = arith.cmpi sge, %arg0, %ge3A : i32
    %convert_element_type3A_19 = arith.extui %ge3A_18 : i1 to i32
    %cond3A_20 = arith.constant 0 : i32
    %cond3A_21 = arith.cmpi ne, %convert_element_type3A_19, %cond3A_20 : i32
    scf.if %cond3A_21 {
      %concatenate3A = tpu.concatenate %broadcast_in_dim3A_15, %mul3A_13 in 1 : vector<2048x64xf32>, vector<2048x64xf32> -> vector<2048x128xf32>
      %swap3A = arith.constant 0 : index
      %swap3A_22 = arith.constant 0 : index
      %swap3A_23 = vector.load %arg3[%swap3A, %swap3A_22] : memref<2048x128xf32, #tpu.memory_space<vmem>>, vector<2048x128xf32>
      tpu.vector_store %arg3[%swap3A, %swap3A_22], %concatenate3A {strides = array<i32>} : memref<2048x128xf32, #tpu.memory_space<vmem>>, vector<2048x128xf32>,
    } else {
    }
    return
  }
  func.func @transform_0(%arg0: i32) -> (i32, i32) {
    %jit3A = arith.constant 25 : i32
    %eq3A = arith.constant 0 : i32
    %eq3A_0 = arith.cmpi eq, %jit3A, %eq3A : i32
    %jit3A_1 = arith.constant 1 : i32
    %select_n3A = arith.select %eq3A_0, %jit3A_1, %jit3A : i32
    %rem3A = arith.remsi %arg0, %select_n3A : i32
    %ne3A = arith.constant 0 : i32
    %ne3A_2 = arith.cmpi ne, %rem3A, %ne3A : i32
    %lt3A = arith.constant 0 : i32
    %lt3A_3 = arith.cmpi slt, %rem3A, %lt3A : i32
    %lt3A_4 = arith.constant 0 : i32
    %lt3A_5 = arith.cmpi slt, %select_n3A, %lt3A_4 : i32
    %ne3A_6 = arith.xori %lt3A_3, %lt3A_5 : i1
    %and3A = arith.andi %ne3A_6, %ne3A_2 : i1
    %add3A = arith.addi %rem3A, %select_n3A : i32
    %select_n3A_7 = arith.select %and3A, %add3A, %rem3A : i32
    %c0_i32 = arith.constant 0 : i32
    %c0_i32_8 = arith.constant 0 : i32
    return %c0_i32, %select_n3A_7 : i32, i32
  }
  func.func @transform_1(%arg0: i32) -> (i32, i32) {
    %jit3A = arith.constant 25 : i32
    %eq3A = arith.constant 0 : i32
    %eq3A_0 = arith.cmpi eq, %jit3A, %eq3A : i32
    %jit3A_1 = arith.constant 1 : i32
    %select_n3A = arith.select %eq3A_0, %jit3A_1, %jit3A : i32
    %rem3A = arith.remsi %arg0, %select_n3A : i32
    %ne3A = arith.constant 0 : i32
    %ne3A_2 = arith.cmpi ne, %rem3A, %ne3A : i32
    %lt3A = arith.constant 0 : i32
    %lt3A_3 = arith.cmpi slt, %rem3A, %lt3A : i32
    %lt3A_4 = arith.constant 0 : i32
    %lt3A_5 = arith.cmpi slt, %select_n3A, %lt3A_4 : i32
    %ne3A_6 = arith.xori %lt3A_3, %lt3A_5 : i1
    %and3A = arith.andi %ne3A_6, %ne3A_2 : i1
    %add3A = arith.addi %rem3A, %select_n3A : i32
    %select_n3A_7 = arith.select %and3A, %add3A, %rem3A : i32
    %c0_i32 = arith.constant 0 : i32
    %c0_i32_8 = arith.constant 0 : i32
    return %select_n3A_7, %c0_i32 : i32, i32
  }
  func.func @transform_2(%arg0: i32) -> (i32, i32) {
    %c0_i32 = arith.constant 0 : i32
    %c0_i32_0 = arith.constant 0 : i32
    return %arg0, %c0_i32 : i32, i32
  }
}

module attributes {stable_mosaic.version = 14 : i64} {
  func.func @_scale_body(%arg0: i32, %arg1: memref<2x2048xf32, #tpu.memory_space<vmem>>, %arg2: memref<2x2048x64xf32, #tpu.memory_space<vmem>>, %arg3: memref<2048x128xf32, #tpu.memory_space<vmem>>) attributes {dimension_semantics = [#tpu.dimension_semantics<arbitrary>], iteration_bounds = array<i64: 50>, scalar_prefetch = 0 : i64, scratch_operands = 0 : i64, tpu.core_type = #tpu.core_type<tc>, window_params = [{transform_indices = @transform_0, window_bounds = array<i64: 2, 2048>}, {transform_indices = @transform_1, window_bounds = array<i64: 2, 2048, 64>}, {transform_indices = @transform_2, window_bounds = array<i64: 2048, 128>}]} {
    %get3A = arith.constant 0 : index
    %get3A_0 = arith.constant 0 : index
    %get3A_1 = vector.load %arg1[%get3A, %get3A_0] : memref<2x2048xf32, #tpu.memory_space<vmem>>, vector<1x2048xf32>
    %get3A_2 = vector.shape_cast %get3A_1 : vector<1x2048xf32> to vector<2048xf32>
    %get3A_3 = arith.constant 1 : index
    %get3A_4 = arith.constant 0 : index
    %get3A_5 = vector.load %arg1[%get3A_3, %get3A_4] : memref<2x2048xf32, #tpu.memory_space<vmem>>, vector<1x2048xf32>
    %get3A_6 = vector.shape_cast %get3A_5 : vector<1x2048xf32> to vector<2048xf32>
    %add3A = arith.addf %get3A_2, %get3A_6 : vector<2048xf32>
    %gt3A = arith.constant 0.000000e+00 : f32
    %gt3A_7 = vector.broadcast %gt3A : f32 to vector<2048xf32>
    %gt3A_8 = arith.cmpf ogt, %add3A, %gt3A_7 : vector<2048xf32>
    %div3A = arith.constant 1.000000e+00 : f32
    %div3A_9 = vector.broadcast %div3A : f32 to vector<2048xf32>
    %div3A_10 = arith.divf %div3A_9, %add3A : vector<2048xf32>
    %jit3A = arith.constant 0.000000e+00 : f32
    %broadcast_in_dim3A = vector.broadcast %jit3A : f32 to vector<2048xf32>
    %select_n3A = arith.select %gt3A_8, %div3A_10, %broadcast_in_dim3A : vector<2048xi1>, vector<2048xf32>
    %get3A_11 = arith.constant 0 : index
    %get3A_12 = arith.constant 0 : index
    %get3A_13 = arith.constant 0 : index
    %get3A_14 = vector.load %arg2[%get3A_11, %get3A_12, %get3A_13] : memref<2x2048x64xf32, #tpu.memory_space<vmem>>, vector<1x2048x64xf32>
    %get3A_15 = vector.shape_cast %get3A_14 : vector<1x2048x64xf32> to vector<2048x64xf32>
    %get3A_16 = arith.constant 1 : index
    %get3A_17 = arith.constant 0 : index
    %get3A_18 = arith.constant 0 : index
    %get3A_19 = vector.load %arg2[%get3A_16, %get3A_17, %get3A_18] : memref<2x2048x64xf32, #tpu.memory_space<vmem>>, vector<1x2048x64xf32>
    %get3A_20 = vector.shape_cast %get3A_19 : vector<1x2048x64xf32> to vector<2048x64xf32>
    %add3A_21 = arith.addf %get3A_15, %get3A_20 : vector<2048x64xf32>
    %broadcast_in_dim3A_22 = vector.shape_cast %select_n3A : vector<2048xf32> to vector<2048x1xf32>
    %mul3A = vector.broadcast %broadcast_in_dim3A_22 : vector<2048x1xf32> to vector<2048x64xf32>
    %mul3A_23 = arith.mulf %add3A_21, %mul3A : vector<2048x64xf32>
    %broadcast_in_dim3A_24 = arith.constant 0.000000e+00 : f32
    %broadcast_in_dim3A_25 = vector.broadcast %broadcast_in_dim3A_24 : f32 to vector<2048x64xf32>
    %lt3A = arith.constant 25 : i32
    %lt3A_26 = arith.cmpi slt, %arg0, %lt3A : i32
    %convert_element_type3A = arith.extui %lt3A_26 : i1 to i32
    %cond3A = arith.constant 0 : i32
    %cond3A_27 = arith.cmpi ne, %convert_element_type3A, %cond3A : i32
    scf.if %cond3A_27 {
      %concatenate3A = tpu.concatenate %mul3A_23, %broadcast_in_dim3A_25 in 1 : vector<2048x64xf32>, vector<2048x64xf32> -> vector<2048x128xf32>
      %swap3A = arith.constant 0 : index
      %swap3A_32 = arith.constant 0 : index
      %swap3A_33 = vector.load %arg3[%swap3A, %swap3A_32] : memref<2048x128xf32, #tpu.memory_space<vmem>>, vector<2048x128xf32>
      tpu.vector_store %arg3[%swap3A, %swap3A_32], %concatenate3A {strides = array<i32>} : memref<2048x128xf32, #tpu.memory_space<vmem>>, vector<2048x128xf32>,
    } else {
    }
    %ge3A = arith.constant 25 : i32
    %ge3A_28 = arith.cmpi sge, %arg0, %ge3A : i32
    %convert_element_type3A_29 = arith.extui %ge3A_28 : i1 to i32
    %cond3A_30 = arith.constant 0 : i32
    %cond3A_31 = arith.cmpi ne, %convert_element_type3A_29, %cond3A_30 : i32
    scf.if %cond3A_31 {
      %concatenate3A = tpu.concatenate %broadcast_in_dim3A_25, %mul3A_23 in 1 : vector<2048x64xf32>, vector<2048x64xf32> -> vector<2048x128xf32>
      %swap3A = arith.constant 0 : index
      %swap3A_32 = arith.constant 0 : index
      %swap3A_33 = vector.load %arg3[%swap3A, %swap3A_32] : memref<2048x128xf32, #tpu.memory_space<vmem>>, vector<2048x128xf32>
      tpu.vector_store %arg3[%swap3A, %swap3A_32], %concatenate3A {strides = array<i32>} : memref<2048x128xf32, #tpu.memory_space<vmem>>, vector<2048x128xf32>,
    } else {
    }
    return
  }
  func.func @transform_0(%arg0: i32) -> (i32, i32) {
    %jit3A = arith.constant 25 : i32
    %eq3A = arith.constant 0 : i32
    %eq3A_0 = arith.cmpi eq, %jit3A, %eq3A : i32
    %jit3A_1 = arith.constant 1 : i32
    %select_n3A = arith.select %eq3A_0, %jit3A_1, %jit3A : i32
    %rem3A = arith.remsi %arg0, %select_n3A : i32
    %ne3A = arith.constant 0 : i32
    %ne3A_2 = arith.cmpi ne, %rem3A, %ne3A : i32
    %lt3A = arith.constant 0 : i32
    %lt3A_3 = arith.cmpi slt, %rem3A, %lt3A : i32
    %lt3A_4 = arith.constant 0 : i32
    %lt3A_5 = arith.cmpi slt, %select_n3A, %lt3A_4 : i32
    %ne3A_6 = arith.xori %lt3A_3, %lt3A_5 : i1
    %and3A = arith.andi %ne3A_6, %ne3A_2 : i1
    %add3A = arith.addi %rem3A, %select_n3A : i32
    %select_n3A_7 = arith.select %and3A, %add3A, %rem3A : i32
    %c0_i32 = arith.constant 0 : i32
    %c0_i32_8 = arith.constant 0 : i32
    return %c0_i32, %select_n3A_7 : i32, i32
  }
  func.func @transform_1(%arg0: i32) -> (i32, i32, i32) {
    %jit3A = arith.constant 25 : i32
    %eq3A = arith.constant 0 : i32
    %eq3A_0 = arith.cmpi eq, %jit3A, %eq3A : i32
    %jit3A_1 = arith.constant 1 : i32
    %select_n3A = arith.select %eq3A_0, %jit3A_1, %jit3A : i32
    %rem3A = arith.remsi %arg0, %select_n3A : i32
    %ne3A = arith.constant 0 : i32
    %ne3A_2 = arith.cmpi ne, %rem3A, %ne3A : i32
    %lt3A = arith.constant 0 : i32
    %lt3A_3 = arith.cmpi slt, %rem3A, %lt3A : i32
    %lt3A_4 = arith.constant 0 : i32
    %lt3A_5 = arith.cmpi slt, %select_n3A, %lt3A_4 : i32
    %ne3A_6 = arith.xori %lt3A_3, %lt3A_5 : i1
    %and3A = arith.andi %ne3A_6, %ne3A_2 : i1
    %add3A = arith.addi %rem3A, %select_n3A : i32
    %select_n3A_7 = arith.select %and3A, %add3A, %rem3A : i32
    %c0_i32 = arith.constant 0 : i32
    %c0_i32_8 = arith.constant 0 : i32
    %c0_i32_9 = arith.constant 0 : i32
    return %c0_i32, %select_n3A_7, %c0_i32_8 : i32, i32, i32
  }
  func.func @transform_2(%arg0: i32) -> (i32, i32) {
    %c0_i32 = arith.constant 0 : i32
    %c0_i32_0 = arith.constant 0 : i32
    return %arg0, %c0_i32 : i32, i32
  }
}

module attributes {stable_mosaic.version = 14 : i64} {
  func.func @_bpr_body(%arg0: i32, %arg1: memref<128x128xf32, #tpu.memory_space<vmem>>, %arg2: memref<128x128xf32, #tpu.memory_space<vmem>>, %arg3: memref<40x128x128xf32, #tpu.memory_space<vmem>>, %arg4: memref<1x128xi32, #tpu.memory_space<vmem>>, %arg5: memref<1x128xi32, #tpu.memory_space<vmem>>, %arg6: memref<40x128xi32, #tpu.memory_space<vmem>>, %arg7: memref<1x128xf32, #tpu.memory_space<vmem>>, %arg8: memref<1x128xf32, #tpu.memory_space<vmem>>) attributes {dimension_semantics = [#tpu.dimension_semantics<arbitrary>], iteration_bounds = array<i64: 32>, scalar_prefetch = 0 : i64, scratch_operands = 0 : i64, tpu.core_type = #tpu.core_type<tc>, window_params = [{transform_indices = @transform_0, window_bounds = array<i64: 128, 128>}, {transform_indices = @transform_1, window_bounds = array<i64: 128, 128>}, {transform_indices = @transform_2, window_bounds = array<i64: 40, 128, 128>}, {transform_indices = @transform_3, window_bounds = array<i64: 1, 128>}, {transform_indices = @transform_4, window_bounds = array<i64: 1, 128>}, {transform_indices = @transform_5, window_bounds = array<i64: 40, 128>}, {transform_indices = @transform_6, window_bounds = array<i64: 1, 128>}, {pipeline_mode = #tpu.pipeline_mode<synchronous>, transform_indices = @transform_7, window_bounds = array<i64: 1, 128>}]} {
    %get3A = arith.constant 0 : index
    %get3A_0 = arith.constant 0 : index
    %get3A_1 = vector.load %arg1[%get3A, %get3A_0] : memref<128x128xf32, #tpu.memory_space<vmem>>, vector<128x128xf32>
    %get3A_2 = arith.constant 0 : index
    %get3A_3 = arith.constant 0 : index
    %get3A_4 = vector.load %arg4[%get3A_2, %get3A_3] : memref<1x128xi32, #tpu.memory_space<vmem>>, vector<1x128xi32>
    %get3A_5 = vector.shape_cast %get3A_4 : vector<1x128xi32> to vector<128xi32>
    %broadcast_in_dim3A = vector.shape_cast %get3A_5 : vector<128xi32> to vector<128x1xi32>
    %slice3A = vector.extract_strided_slice %get3A_1 {offsets = [0, 0], sizes = [128, 64], strides = [1, 1]} : vector<128x128xf32> to vector<128x64xf32>
    %slice3A_6 = vector.extract_strided_slice %get3A_1 {offsets = [0, 64], sizes = [128, 64], strides = [1, 1]} : vector<128x128xf32> to vector<128x64xf32>
    %ge3A = arith.constant 25600 : i32
    %ge3A_7 = vector.broadcast %ge3A : i32 to vector<128x1xi32>
    %ge3A_8 = arith.cmpi sge, %broadcast_in_dim3A, %ge3A_7 : vector<128x1xi32>
    %broadcast_in_dim3A_9 = vector.shape_cast %ge3A_8 : vector<128x1xi1> to vector<128x1xi1>
    %broadcast_in_dim3A_10 = vector.broadcast %broadcast_in_dim3A_9 : vector<128x1xi1> to vector<128x64xi1>
    %select_n3A = arith.select %broadcast_in_dim3A_10, %slice3A_6, %slice3A : vector<128x64xi1>, vector<128x64xf32>
    %get3A_11 = arith.constant 0 : index
    %get3A_12 = arith.constant 0 : index
    %get3A_13 = vector.load %arg2[%get3A_11, %get3A_12] : memref<128x128xf32, #tpu.memory_space<vmem>>, vector<128x128xf32>
    %get3A_14 = arith.constant 0 : index
    %get3A_15 = arith.constant 0 : index
    %get3A_16 = vector.load %arg5[%get3A_14, %get3A_15] : memref<1x128xi32, #tpu.memory_space<vmem>>, vector<1x128xi32>
    %get3A_17 = vector.shape_cast %get3A_16 : vector<1x128xi32> to vector<128xi32>
    %broadcast_in_dim3A_18 = vector.shape_cast %get3A_17 : vector<128xi32> to vector<128x1xi32>
    %slice3A_19 = vector.extract_strided_slice %get3A_13 {offsets = [0, 0], sizes = [128, 64], strides = [1, 1]} : vector<128x128xf32> to vector<128x64xf32>
    %slice3A_20 = vector.extract_strided_slice %get3A_13 {offsets = [0, 64], sizes = [128, 64], strides = [1, 1]} : vector<128x128xf32> to vector<128x64xf32>
    %ge3A_21 = arith.constant 25600 : i32
    %ge3A_22 = vector.broadcast %ge3A_21 : i32 to vector<128x1xi32>
    %ge3A_23 = arith.cmpi sge, %broadcast_in_dim3A_18, %ge3A_22 : vector<128x1xi32>
    %broadcast_in_dim3A_24 = vector.shape_cast %ge3A_23 : vector<128x1xi1> to vector<128x1xi1>
    %broadcast_in_dim3A_25 = vector.broadcast %broadcast_in_dim3A_24 : vector<128x1xi1> to vector<128x64xi1>
    %select_n3A_26 = arith.select %broadcast_in_dim3A_25, %slice3A_20, %slice3A_19 : vector<128x64xi1>, vector<128x64xf32>
    %mul3A = arith.mulf %select_n3A, %select_n3A_26 : vector<128x64xf32>
    %reduce_sum3A = arith.constant dense<0.000000e+00> : vector<128xf32>
    %reduce_sum3A_27 = vector.multi_reduction <add>, %mul3A, %reduce_sum3A [1] : vector<128x64xf32> to vector<128xf32>
    %get3A_28 = arith.constant 0 : index
    %get3A_29 = arith.constant 0 : index
    %get3A_30 = vector.load %arg7[%get3A_28, %get3A_29] : memref<1x128xf32, #tpu.memory_space<vmem>>, vector<1x128xf32>
    %get3A_31 = vector.shape_cast %get3A_30 : vector<1x128xf32> to vector<128xf32>
    %sign3A = tpu.bitcast %get3A_31 : vector<128xf32> -> vector<128xi32>
    %sign3A_32 = arith.constant -2147483648 : i32
    %sign3A_33 = vector.broadcast %sign3A_32 : i32 to vector<128xi32>
    %sign3A_34 = arith.andi %sign3A, %sign3A_33 : vector<128xi32>
    %sign3A_35 = arith.constant 1065353216 : i32
    %sign3A_36 = vector.broadcast %sign3A_35 : i32 to vector<128xi32>
    %sign3A_37 = arith.ori %sign3A_36, %sign3A_34 : vector<128xi32>
    %sign3A_38 = tpu.bitcast %sign3A_37 : vector<128xi32> -> vector<128xf32>
    %sign3A_39 = math.absf %get3A_31 : vector<128xf32>
    %sign3A_40 = arith.constant 0.000000e+00 : f32
    %sign3A_41 = vector.broadcast %sign3A_40 : f32 to vector<128xf32>
    %sign3A_42 = arith.cmpf ogt, %sign3A_39, %sign3A_41 : vector<128xf32>
    %sign3A_43 = arith.select %sign3A_42, %sign3A_38, %get3A_31 : vector<128xi1>, vector<128xf32>
    %mul3A_44 = arith.mulf %sign3A_43, %reduce_sum3A_27 : vector<128xf32>
    %broadcast_in_dim3A_45 = arith.constant 0.000000e+00 : f32
    %broadcast_in_dim3A_46 = vector.broadcast %broadcast_in_dim3A_45 : f32 to vector<128xf32>
    %mul3A_47 = arith.mulf %select_n3A, %select_n3A : vector<128x64xf32>
    %reduce_sum3A_48 = vector.shape_cast %mul3A_47 : vector<128x64xf32> to vector<1x128x64xf32>
    %reduce_sum3A_49 = arith.constant dense<0.000000e+00> : vector<1xf32>
    %reduce_sum3A_50 = vector.multi_reduction <add>, %reduce_sum3A_48, %reduce_sum3A_49 [1, 2] : vector<1x128x64xf32> to vector<1xf32>
    %reduce_sum3A_51 = vector.shape_cast %reduce_sum3A_50 : vector<1xf32> to vector<1x1x1xf32>
    %reduce_sum3A_52 = vector.extract %reduce_sum3A_51[0, 0, 0] : f32 from vector<1x1x1xf32>
    %mul3A_53 = arith.mulf %select_n3A_26, %select_n3A_26 : vector<128x64xf32>
    %reduce_sum3A_54 = vector.shape_cast %mul3A_53 : vector<128x64xf32> to vector<1x128x64xf32>
    %reduce_sum3A_55 = arith.constant dense<0.000000e+00> : vector<1xf32>
    %reduce_sum3A_56 = vector.multi_reduction <add>, %reduce_sum3A_54, %reduce_sum3A_55 [1, 2] : vector<1x128x64xf32> to vector<1xf32>
    %reduce_sum3A_57 = vector.shape_cast %reduce_sum3A_56 : vector<1xf32> to vector<1x1x1xf32>
    %reduce_sum3A_58 = vector.extract %reduce_sum3A_57[0, 0, 0] : f32 from vector<1x1x1xf32>
    %add3A = arith.addf %reduce_sum3A_52, %reduce_sum3A_58 : f32
    %get3A_59 = arith.constant 0 : index
    %get3A_60 = arith.constant 0 : index
    %get3A_61 = arith.constant 0 : index
    %get3A_62 = vector.load %arg3[%get3A_59, %get3A_60, %get3A_61] : memref<40x128x128xf32, #tpu.memory_space<vmem>>, vector<1x128x128xf32>
    %get3A_63 = vector.shape_cast %get3A_62 : vector<1x128x128xf32> to vector<128x128xf32>
    %get3A_64 = arith.constant 0 : index
    %get3A_65 = arith.constant 0 : index
    %get3A_66 = vector.load %arg6[%get3A_64, %get3A_65] : memref<40x128xi32, #tpu.memory_space<vmem>>, vector<1x128xi32>
    %get3A_67 = vector.shape_cast %get3A_66 : vector<1x128xi32> to vector<128xi32>
    %broadcast_in_dim3A_68 = vector.shape_cast %get3A_67 : vector<128xi32> to vector<128x1xi32>
    %slice3A_69 = vector.extract_strided_slice %get3A_63 {offsets = [0, 0], sizes = [128, 64], strides = [1, 1]} : vector<128x128xf32> to vector<128x64xf32>
    %slice3A_70 = vector.extract_strided_slice %get3A_63 {offsets = [0, 64], sizes = [128, 64], strides = [1, 1]} : vector<128x128xf32> to vector<128x64xf32>
    %ge3A_71 = arith.constant 25600 : i32
    %ge3A_72 = vector.broadcast %ge3A_71 : i32 to vector<128x1xi32>
    %ge3A_73 = arith.cmpi sge, %broadcast_in_dim3A_68, %ge3A_72 : vector<128x1xi32>
    %broadcast_in_dim3A_74 = vector.shape_cast %ge3A_73 : vector<128x1xi1> to vector<128x1xi1>
    %broadcast_in_dim3A_75 = vector.broadcast %broadcast_in_dim3A_74 : vector<128x1xi1> to vector<128x64xi1>
    %select_n3A_76 = arith.select %broadcast_in_dim3A_75, %slice3A_70, %slice3A_69 : vector<128x64xi1>, vector<128x64xf32>
    %mul3A_77 = arith.mulf %select_n3A, %select_n3A_76 : vector<128x64xf32>
    %reduce_sum3A_78 = arith.constant dense<0.000000e+00> : vector<128xf32>
    %reduce_sum3A_79 = vector.multi_reduction <add>, %mul3A_77, %reduce_sum3A_78 [1] : vector<128x64xf32> to vector<128xf32>
    %sub3A = arith.subf %mul3A_44, %reduce_sum3A_79 : vector<128xf32>
    %neg3A = arith.constant 0.000000e+00 : f32
    %neg3A_80 = vector.broadcast %neg3A : f32 to vector<128xf32>
    %neg3A_81 = arith.subf %neg3A_80, %sub3A : vector<128xf32>
    %custom_jvp_call3A = arith.constant 0.000000e+00 : f32
    %max3A = vector.broadcast %custom_jvp_call3A : f32 to vector<128xf32>
    %max3A_82 = arith.maximumf %neg3A_81, %max3A : vector<128xf32>
    %sub3A_83 = vector.broadcast %custom_jvp_call3A : f32 to vector<128xf32>
    %sub3A_84 = arith.subf %neg3A_81, %sub3A_83 : vector<128xf32>
    %ne3A = arith.cmpf one, %sub3A_84, %sub3A_84 : vector<128xf32>
    %add3A_85 = vector.broadcast %custom_jvp_call3A : f32 to vector<128xf32>
    %add3A_86 = arith.addf %neg3A_81, %add3A_85 : vector<128xf32>
    %abs3A = math.absf %sub3A_84 : vector<128xf32>
    %neg3A_87 = arith.constant 0.000000e+00 : f32
    %neg3A_88 = vector.broadcast %neg3A_87 : f32 to vector<128xf32>
    %neg3A_89 = arith.subf %neg3A_88, %abs3A : vector<128xf32>
    %exp3A = math.exp %neg3A_89 : vector<128xf32>
    %log1p3A = math.log1p %exp3A : vector<128xf32>
    %add3A_90 = arith.addf %max3A_82, %log1p3A : vector<128xf32>
    %select_n3A_91 = arith.select %ne3A, %add3A_86, %add3A_90 : vector<128xi1>, vector<128xf32>
    %neg3A_92 = arith.constant 0.000000e+00 : f32
    %neg3A_93 = vector.broadcast %neg3A_92 : f32 to vector<128xf32>
    %neg3A_94 = arith.subf %neg3A_93, %select_n3A_91 : vector<128xf32>
    %add3A_95 = arith.addf %broadcast_in_dim3A_46, %neg3A_94 : vector<128xf32>
    %mul3A_96 = arith.mulf %select_n3A_76, %select_n3A_76 : vector<128x64xf32>
    %reduce_sum3A_97 = vector.shape_cast %mul3A_96 : vector<128x64xf32> to vector<1x128x64xf32>
    %reduce_sum3A_98 = arith.constant dense<0.000000e+00> : vector<1xf32>
    %reduce_sum3A_99 = vector.multi_reduction <add>, %reduce_sum3A_97, %reduce_sum3A_98 [1, 2] : vector<1x128x64xf32> to vector<1xf32>
    %reduce_sum3A_100 = vector.shape_cast %reduce_sum3A_99 : vector<1xf32> to vector<1x1x1xf32>
    %reduce_sum3A_101 = vector.extract %reduce_sum3A_100[0, 0, 0] : f32 from vector<1x1x1xf32>
    %add3A_102 = arith.addf %add3A, %reduce_sum3A_101 : f32
    %get3A_103 = arith.constant 1 : index
    %get3A_104 = arith.constant 0 : index
    %get3A_105 = arith.constant 0 : index
    %get3A_106 = vector.load %arg3[%get3A_103, %get3A_104, %get3A_105] : memref<40x128x128xf32, #tpu.memory_space<vmem>>, vector<1x128x128xf32>
    %get3A_107 = vector.shape_cast %get3A_106 : vector<1x128x128xf32> to vector<128x128xf32>
    %get3A_108 = arith.constant 1 : index
    %get3A_109 = arith.constant 0 : index
    %get3A_110 = vector.load %arg6[%get3A_108, %get3A_109] : memref<40x128xi32, #tpu.memory_space<vmem>>, vector<1x128xi32>
    %get3A_111 = vector.shape_cast %get3A_110 : vector<1x128xi32> to vector<128xi32>
    %broadcast_in_dim3A_112 = vector.shape_cast %get3A_111 : vector<128xi32> to vector<128x1xi32>
    %slice3A_113 = vector.extract_strided_slice %get3A_107 {offsets = [0, 0], sizes = [128, 64], strides = [1, 1]} : vector<128x128xf32> to vector<128x64xf32>
    %slice3A_114 = vector.extract_strided_slice %get3A_107 {offsets = [0, 64], sizes = [128, 64], strides = [1, 1]} : vector<128x128xf32> to vector<128x64xf32>
    %ge3A_115 = arith.constant 25600 : i32
    %ge3A_116 = vector.broadcast %ge3A_115 : i32 to vector<128x1xi32>
    %ge3A_117 = arith.cmpi sge, %broadcast_in_dim3A_112, %ge3A_116 : vector<128x1xi32>
    %broadcast_in_dim3A_118 = vector.shape_cast %ge3A_117 : vector<128x1xi1> to vector<128x1xi1>
    %broadcast_in_dim3A_119 = vector.broadcast %broadcast_in_dim3A_118 : vector<128x1xi1> to vector<128x64xi1>
    %select_n3A_120 = arith.select %broadcast_in_dim3A_119, %slice3A_114, %slice3A_113 : vector<128x64xi1>, vector<128x64xf32>
    %mul3A_121 = arith.mulf %select_n3A, %select_n3A_120 : vector<128x64xf32>
    %reduce_sum3A_122 = arith.constant dense<0.000000e+00> : vector<128xf32>
    %reduce_sum3A_123 = vector.multi_reduction <add>, %mul3A_121, %reduce_sum3A_122 [1] : vector<128x64xf32> to vector<128xf32>
    %sub3A_124 = arith.subf %mul3A_44, %reduce_sum3A_123 : vector<128xf32>
    %neg3A_125 = arith.constant 0.000000e+00 : f32
    %neg3A_126 = vector.broadcast %neg3A_125 : f32 to vector<128xf32>
    %neg3A_127 = arith.subf %neg3A_126, %sub3A_124 : vector<128xf32>
    %custom_jvp_call3A_128 = arith.constant 0.000000e+00 : f32
    %max3A_129 = vector.broadcast %custom_jvp_call3A_128 : f32 to vector<128xf32>
    %max3A_130 = arith.maximumf %neg3A_127, %max3A_129 : vector<128xf32>
    %sub3A_131 = vector.broadcast %custom_jvp_call3A_128 : f32 to vector<128xf32>
    %sub3A_132 = arith.subf %neg3A_127, %sub3A_131 : vector<128xf32>
    %ne3A_133 = arith.cmpf one, %sub3A_132, %sub3A_132 : vector<128xf32>
    %add3A_134 = vector.broadcast %custom_jvp_call3A_128 : f32 to vector<128xf32>
    %add3A_135 = arith.addf %neg3A_127, %add3A_134 : vector<128xf32>
    %abs3A_136 = math.absf %sub3A_132 : vector<128xf32>
    %neg3A_137 = arith.constant 0.000000e+00 : f32
    %neg3A_138 = vector.broadcast %neg3A_137 : f32 to vector<128xf32>
    %neg3A_139 = arith.subf %neg3A_138, %abs3A_136 : vector<128xf32>
    %exp3A_140 = math.exp %neg3A_139 : vector<128xf32>
    %log1p3A_141 = math.log1p %exp3A_140 : vector<128xf32>
    %add3A_142 = arith.addf %max3A_130, %log1p3A_141 : vector<128xf32>
    %select_n3A_143 = arith.select %ne3A_133, %add3A_135, %add3A_142 : vector<128xi1>, vector<128xf32>
    %neg3A_144 = arith.constant 0.000000e+00 : f32
    %neg3A_145 = vector.broadcast %neg3A_144 : f32 to vector<128xf32>
    %neg3A_146 = arith.subf %neg3A_145, %select_n3A_143 : vector<128xf32>
    %add3A_147 = arith.addf %add3A_95, %neg3A_146 : vector<128xf32>
    %mul3A_148 = arith.mulf %select_n3A_120, %select_n3A_120 : vector<128x64xf32>
    %reduce_sum3A_149 = vector.shape_cast %mul3A_148 : vector<128x64xf32> to vector<1x128x64xf32>
    %reduce_sum3A_150 = arith.constant dense<0.000000e+00> : vector<1xf32>
    %reduce_sum3A_151 = vector.multi_reduction <add>, %reduce_sum3A_149, %reduce_sum3A_150 [1, 2] : vector<1x128x64xf32> to vector<1xf32>
    %reduce_sum3A_152 = vector.shape_cast %reduce_sum3A_151 : vector<1xf32> to vector<1x1x1xf32>
    %reduce_sum3A_153 = vector.extract %reduce_sum3A_152[0, 0, 0] : f32 from vector<1x1x1xf32>
    %add3A_154 = arith.addf %add3A_102, %reduce_sum3A_153 : f32
    %get3A_155 = arith.constant 2 : index
    %get3A_156 = arith.constant 0 : index
    %get3A_157 = arith.constant 0 : index
    %get3A_158 = vector.load %arg3[%get3A_155, %get3A_156, %get3A_157] : memref<40x128x128xf32, #tpu.memory_space<vmem>>, vector<1x128x128xf32>
    %get3A_159 = vector.shape_cast %get3A_158 : vector<1x128x128xf32> to vector<128x128xf32>
    %get3A_160 = arith.constant 2 : index
    %get3A_161 = arith.constant 0 : index
    %get3A_162 = vector.load %arg6[%get3A_160, %get3A_161] : memref<40x128xi32, #tpu.memory_space<vmem>>, vector<1x128xi32>
    %get3A_163 = vector.shape_cast %get3A_162 : vector<1x128xi32> to vector<128xi32>
    %broadcast_in_dim3A_164 = vector.shape_cast %get3A_163 : vector<128xi32> to vector<128x1xi32>
    %slice3A_165 = vector.extract_strided_slice %get3A_159 {offsets = [0, 0], sizes = [128, 64], strides = [1, 1]} : vector<128x128xf32> to vector<128x64xf32>
    %slice3A_166 = vector.extract_strided_slice %get3A_159 {offsets = [0, 64], sizes = [128, 64], strides = [1, 1]} : vector<128x128xf32> to vector<128x64xf32>
    %ge3A_167 = arith.constant 25600 : i32
    %ge3A_168 = vector.broadcast %ge3A_167 : i32 to vector<128x1xi32>
    %ge3A_169 = arith.cmpi sge, %broadcast_in_dim3A_164, %ge3A_168 : vector<128x1xi32>
    %broadcast_in_dim3A_170 = vector.shape_cast %ge3A_169 : vector<128x1xi1> to vector<128x1xi1>
    %broadcast_in_dim3A_171 = vector.broadcast %broadcast_in_dim3A_170 : vector<128x1xi1> to vector<128x64xi1>
    %select_n3A_172 = arith.select %broadcast_in_dim3A_171, %slice3A_166, %slice3A_165 : vector<128x64xi1>, vector<128x64xf32>
    %mul3A_173 = arith.mulf %select_n3A, %select_n3A_172 : vector<128x64xf32>
    %reduce_sum3A_174 = arith.constant dense<0.000000e+00> : vector<128xf32>
    %reduce_sum3A_175 = vector.multi_reduction <add>, %mul3A_173, %reduce_sum3A_174 [1] : vector<128x64xf32> to vector<128xf32>
    %sub3A_176 = arith.subf %mul3A_44, %reduce_sum3A_175 : vector<128xf32>
    %neg3A_177 = arith.constant 0.000000e+00 : f32
    %neg3A_178 = vector.broadcast %neg3A_177 : f32 to vector<128xf32>
    %neg3A_179 = arith.subf %neg3A_178, %sub3A_176 : vector<128xf32>
    %custom_jvp_call3A_180 = arith.constant 0.000000e+00 : f32
    %max3A_181 = vector.broadcast %custom_jvp_call3A_180 : f32 to vector<128xf32>
    %max3A_182 = arith.maximumf %neg3A_179, %max3A_181 : vector<128xf32>
    %sub3A_183 = vector.broadcast %custom_jvp_call3A_180 : f32 to vector<128xf32>
    %sub3A_184 = arith.subf %neg3A_179, %sub3A_183 : vector<128xf32>
    %ne3A_185 = arith.cmpf one, %sub3A_184, %sub3A_184 : vector<128xf32>
    %add3A_186 = vector.broadcast %custom_jvp_call3A_180 : f32 to vector<128xf32>
    %add3A_187 = arith.addf %neg3A_179, %add3A_186 : vector<128xf32>
    %abs3A_188 = math.absf %sub3A_184 : vector<128xf32>
    %neg3A_189 = arith.constant 0.000000e+00 : f32
    %neg3A_190 = vector.broadcast %neg3A_189 : f32 to vector<128xf32>
    %neg3A_191 = arith.subf %neg3A_190, %abs3A_188 : vector<128xf32>
    %exp3A_192 = math.exp %neg3A_191 : vector<128xf32>
    %log1p3A_193 = math.log1p %exp3A_192 : vector<128xf32>
    %add3A_194 = arith.addf %max3A_182, %log1p3A_193 : vector<128xf32>
    %select_n3A_195 = arith.select %ne3A_185, %add3A_187, %add3A_194 : vector<128xi1>, vector<128xf32>
    %neg3A_196 = arith.constant 0.000000e+00 : f32
    %neg3A_197 = vector.broadcast %neg3A_196 : f32 to vector<128xf32>
    %neg3A_198 = arith.subf %neg3A_197, %select_n3A_195 : vector<128xf32>
    %add3A_199 = arith.addf %add3A_147, %neg3A_198 : vector<128xf32>
    %mul3A_200 = arith.mulf %select_n3A_172, %select_n3A_172 : vector<128x64xf32>
    %reduce_sum3A_201 = vector.shape_cast %mul3A_200 : vector<128x64xf32> to vector<1x128x64xf32>
    %reduce_sum3A_202 = arith.constant dense<0.000000e+00> : vector<1xf32>
    %reduce_sum3A_203 = vector.multi_reduction <add>, %reduce_sum3A_201, %reduce_sum3A_202 [1, 2] : vector<1x128x64xf32> to vector<1xf32>
    %reduce_sum3A_204 = vector.shape_cast %reduce_sum3A_203 : vector<1xf32> to vector<1x1x1xf32>
    %reduce_sum3A_205 = vector.extract %reduce_sum3A_204[0, 0, 0] : f32 from vector<1x1x1xf32>
    %add3A_206 = arith.addf %add3A_154, %reduce_sum3A_205 : f32
    %get3A_207 = arith.constant 3 : index
    %get3A_208 = arith.constant 0 : index
    %get3A_209 = arith.constant 0 : index
    %get3A_210 = vector.load %arg3[%get3A_207, %get3A_208, %get3A_209] : memref<40x128x128xf32, #tpu.memory_space<vmem>>, vector<1x128x128xf32>
    %get3A_211 = vector.shape_cast %get3A_210 : vector<1x128x128xf32> to vector<128x128xf32>
    %get3A_212 = arith.constant 3 : index
    %get3A_213 = arith.constant 0 : index
    %get3A_214 = vector.load %arg6[%get3A_212, %get3A_213] : memref<40x128xi32, #tpu.memory_space<vmem>>, vector<1x128xi32>
    %get3A_215 = vector.shape_cast %get3A_214 : vector<1x128xi32> to vector<128xi32>
    %broadcast_in_dim3A_216 = vector.shape_cast %get3A_215 : vector<128xi32> to vector<128x1xi32>
    %slice3A_217 = vector.extract_strided_slice %get3A_211 {offsets = [0, 0], sizes = [128, 64], strides = [1, 1]} : vector<128x128xf32> to vector<128x64xf32>
    %slice3A_218 = vector.extract_strided_slice %get3A_211 {offsets = [0, 64], sizes = [128, 64], strides = [1, 1]} : vector<128x128xf32> to vector<128x64xf32>
    %ge3A_219 = arith.constant 25600 : i32
    %ge3A_220 = vector.broadcast %ge3A_219 : i32 to vector<128x1xi32>
    %ge3A_221 = arith.cmpi sge, %broadcast_in_dim3A_216, %ge3A_220 : vector<128x1xi32>
    %broadcast_in_dim3A_222 = vector.shape_cast %ge3A_221 : vector<128x1xi1> to vector<128x1xi1>
    %broadcast_in_dim3A_223 = vector.broadcast %broadcast_in_dim3A_222 : vector<128x1xi1> to vector<128x64xi1>
    %select_n3A_224 = arith.select %broadcast_in_dim3A_223, %slice3A_218, %slice3A_217 : vector<128x64xi1>, vector<128x64xf32>
    %mul3A_225 = arith.mulf %select_n3A, %select_n3A_224 : vector<128x64xf32>
    %reduce_sum3A_226 = arith.constant dense<0.000000e+00> : vector<128xf32>
    %reduce_sum3A_227 = vector.multi_reduction <add>, %mul3A_225, %reduce_sum3A_226 [1] : vector<128x64xf32> to vector<128xf32>
    %sub3A_228 = arith.subf %mul3A_44, %reduce_sum3A_227 : vector<128xf32>
    %neg3A_229 = arith.constant 0.000000e+00 : f32
    %neg3A_230 = vector.broadcast %neg3A_229 : f32 to vector<128xf32>
    %neg3A_231 = arith.subf %neg3A_230, %sub3A_228 : vector<128xf32>
    %custom_jvp_call3A_232 = arith.constant 0.000000e+00 : f32
    %max3A_233 = vector.broadcast %custom_jvp_call3A_232 : f32 to vector<128xf32>
    %max3A_234 = arith.maximumf %neg3A_231, %max3A_233 : vector<128xf32>
    %sub3A_235 = vector.broadcast %custom_jvp_call3A_232 : f32 to vector<128xf32>
    %sub3A_236 = arith.subf %neg3A_231, %sub3A_235 : vector<128xf32>
    %ne3A_237 = arith.cmpf one, %sub3A_236, %sub3A_236 : vector<128xf32>
    %add3A_238 = vector.broadcast %custom_jvp_call3A_232 : f32 to vector<128xf32>
    %add3A_239 = arith.addf %neg3A_231, %add3A_238 : vector<128xf32>
    %abs3A_240 = math.absf %sub3A_236 : vector<128xf32>
    %neg3A_241 = arith.constant 0.000000e+00 : f32
    %neg3A_242 = vector.broadcast %neg3A_241 : f32 to vector<128xf32>
    %neg3A_243 = arith.subf %neg3A_242, %abs3A_240 : vector<128xf32>
    %exp3A_244 = math.exp %neg3A_243 : vector<128xf32>
    %log1p3A_245 = math.log1p %exp3A_244 : vector<128xf32>
    %add3A_246 = arith.addf %max3A_234, %log1p3A_245 : vector<128xf32>
    %select_n3A_247 = arith.select %ne3A_237, %add3A_239, %add3A_246 : vector<128xi1>, vector<128xf32>
    %neg3A_248 = arith.constant 0.000000e+00 : f32
    %neg3A_249 = vector.broadcast %neg3A_248 : f32 to vector<128xf32>
    %neg3A_250 = arith.subf %neg3A_249, %select_n3A_247 : vector<128xf32>
    %add3A_251 = arith.addf %add3A_199, %neg3A_250 : vector<128xf32>
    %mul3A_252 = arith.mulf %select_n3A_224, %select_n3A_224 : vector<128x64xf32>
    %reduce_sum3A_253 = vector.shape_cast %mul3A_252 : vector<128x64xf32> to vector<1x128x64xf32>
    %reduce_sum3A_254 = arith.constant dense<0.000000e+00> : vector<1xf32>
    %reduce_sum3A_255 = vector.multi_reduction <add>, %reduce_sum3A_253, %reduce_sum3A_254 [1, 2] : vector<1x128x64xf32> to vector<1xf32>
    %reduce_sum3A_256 = vector.shape_cast %reduce_sum3A_255 : vector<1xf32> to vector<1x1x1xf32>
    %reduce_sum3A_257 = vector.extract %reduce_sum3A_256[0, 0, 0] : f32 from vector<1x1x1xf32>
    %add3A_258 = arith.addf %add3A_206, %reduce_sum3A_257 : f32
    %get3A_259 = arith.constant 4 : index
    %get3A_260 = arith.constant 0 : index
    %get3A_261 = arith.constant 0 : index
    %get3A_262 = vector.load %arg3[%get3A_259, %get3A_260, %get3A_261] : memref<40x128x128xf32, #tpu.memory_space<vmem>>, vector<1x128x128xf32>
    %get3A_263 = vector.shape_cast %get3A_262 : vector<1x128x128xf32> to vector<128x128xf32>
    %get3A_264 = arith.constant 4 : index
    %get3A_265 = arith.constant 0 : index
    %get3A_266 = vector.load %arg6[%get3A_264, %get3A_265] : memref<40x128xi32, #tpu.memory_space<vmem>>, vector<1x128xi32>
    %get3A_267 = vector.shape_cast %get3A_266 : vector<1x128xi32> to vector<128xi32>
    %broadcast_in_dim3A_268 = vector.shape_cast %get3A_267 : vector<128xi32> to vector<128x1xi32>
    %slice3A_269 = vector.extract_strided_slice %get3A_263 {offsets = [0, 0], sizes = [128, 64], strides = [1, 1]} : vector<128x128xf32> to vector<128x64xf32>
    %slice3A_270 = vector.extract_strided_slice %get3A_263 {offsets = [0, 64], sizes = [128, 64], strides = [1, 1]} : vector<128x128xf32> to vector<128x64xf32>
    %ge3A_271 = arith.constant 25600 : i32
    %ge3A_272 = vector.broadcast %ge3A_271 : i32 to vector<128x1xi32>
    %ge3A_273 = arith.cmpi sge, %broadcast_in_dim3A_268, %ge3A_272 : vector<128x1xi32>
    %broadcast_in_dim3A_274 = vector.shape_cast %ge3A_273 : vector<128x1xi1> to vector<128x1xi1>
    %broadcast_in_dim3A_275 = vector.broadcast %broadcast_in_dim3A_274 : vector<128x1xi1> to vector<128x64xi1>
    %select_n3A_276 = arith.select %broadcast_in_dim3A_275, %slice3A_270, %slice3A_269 : vector<128x64xi1>, vector<128x64xf32>
    %mul3A_277 = arith.mulf %select_n3A, %select_n3A_276 : vector<128x64xf32>
    %reduce_sum3A_278 = arith.constant dense<0.000000e+00> : vector<128xf32>
    %reduce_sum3A_279 = vector.multi_reduction <add>, %mul3A_277, %reduce_sum3A_278 [1] : vector<128x64xf32> to vector<128xf32>
    %sub3A_280 = arith.subf %mul3A_44, %reduce_sum3A_279 : vector<128xf32>
    %neg3A_281 = arith.constant 0.000000e+00 : f32
    %neg3A_282 = vector.broadcast %neg3A_281 : f32 to vector<128xf32>
    %neg3A_283 = arith.subf %neg3A_282, %sub3A_280 : vector<128xf32>
    %custom_jvp_call3A_284 = arith.constant 0.000000e+00 : f32
    %max3A_285 = vector.broadcast %custom_jvp_call3A_284 : f32 to vector<128xf32>
    %max3A_286 = arith.maximumf %neg3A_283, %max3A_285 : vector<128xf32>
    %sub3A_287 = vector.broadcast %custom_jvp_call3A_284 : f32 to vector<128xf32>
    %sub3A_288 = arith.subf %neg3A_283, %sub3A_287 : vector<128xf32>
    %ne3A_289 = arith.cmpf one, %sub3A_288, %sub3A_288 : vector<128xf32>
    %add3A_290 = vector.broadcast %custom_jvp_call3A_284 : f32 to vector<128xf32>
    %add3A_291 = arith.addf %neg3A_283, %add3A_290 : vector<128xf32>
    %abs3A_292 = math.absf %sub3A_288 : vector<128xf32>
    %neg3A_293 = arith.constant 0.000000e+00 : f32
    %neg3A_294 = vector.broadcast %neg3A_293 : f32 to vector<128xf32>
    %neg3A_295 = arith.subf %neg3A_294, %abs3A_292 : vector<128xf32>
    %exp3A_296 = math.exp %neg3A_295 : vector<128xf32>
    %log1p3A_297 = math.log1p %exp3A_296 : vector<128xf32>
    %add3A_298 = arith.addf %max3A_286, %log1p3A_297 : vector<128xf32>
    %select_n3A_299 = arith.select %ne3A_289, %add3A_291, %add3A_298 : vector<128xi1>, vector<128xf32>
    %neg3A_300 = arith.constant 0.000000e+00 : f32
    %neg3A_301 = vector.broadcast %neg3A_300 : f32 to vector<128xf32>
    %neg3A_302 = arith.subf %neg3A_301, %select_n3A_299 : vector<128xf32>
    %add3A_303 = arith.addf %add3A_251, %neg3A_302 : vector<128xf32>
    %mul3A_304 = arith.mulf %select_n3A_276, %select_n3A_276 : vector<128x64xf32>
    %reduce_sum3A_305 = vector.shape_cast %mul3A_304 : vector<128x64xf32> to vector<1x128x64xf32>
    %reduce_sum3A_306 = arith.constant dense<0.000000e+00> : vector<1xf32>
    %reduce_sum3A_307 = vector.multi_reduction <add>, %reduce_sum3A_305, %reduce_sum3A_306 [1, 2] : vector<1x128x64xf32> to vector<1xf32>
    %reduce_sum3A_308 = vector.shape_cast %reduce_sum3A_307 : vector<1xf32> to vector<1x1x1xf32>
    %reduce_sum3A_309 = vector.extract %reduce_sum3A_308[0, 0, 0] : f32 from vector<1x1x1xf32>
    %add3A_310 = arith.addf %add3A_258, %reduce_sum3A_309 : f32
    %get3A_311 = arith.constant 5 : index
    %get3A_312 = arith.constant 0 : index
    %get3A_313 = arith.constant 0 : index
    %get3A_314 = vector.load %arg3[%get3A_311, %get3A_312, %get3A_313] : memref<40x128x128xf32, #tpu.memory_space<vmem>>, vector<1x128x128xf32>
    %get3A_315 = vector.shape_cast %get3A_314 : vector<1x128x128xf32> to vector<128x128xf32>
    %get3A_316 = arith.constant 5 : index
    %get3A_317 = arith.constant 0 : index
    %get3A_318 = vector.load %arg6[%get3A_316, %get3A_317] : memref<40x128xi32, #tpu.memory_space<vmem>>, vector<1x128xi32>
    %get3A_319 = vector.shape_cast %get3A_318 : vector<1x128xi32> to vector<128xi32>
    %broadcast_in_dim3A_320 = vector.shape_cast %get3A_319 : vector<128xi32> to vector<128x1xi32>
    %slice3A_321 = vector.extract_strided_slice %get3A_315 {offsets = [0, 0], sizes = [128, 64], strides = [1, 1]} : vector<128x128xf32> to vector<128x64xf32>
    %slice3A_322 = vector.extract_strided_slice %get3A_315 {offsets = [0, 64], sizes = [128, 64], strides = [1, 1]} : vector<128x128xf32> to vector<128x64xf32>
    %ge3A_323 = arith.constant 25600 : i32
    %ge3A_324 = vector.broadcast %ge3A_323 : i32 to vector<128x1xi32>
    %ge3A_325 = arith.cmpi sge, %broadcast_in_dim3A_320, %ge3A_324 : vector<128x1xi32>
    %broadcast_in_dim3A_326 = vector.shape_cast %ge3A_325 : vector<128x1xi1> to vector<128x1xi1>
    %broadcast_in_dim3A_327 = vector.broadcast %broadcast_in_dim3A_326 : vector<128x1xi1> to vector<128x64xi1>
    %select_n3A_328 = arith.select %broadcast_in_dim3A_327, %slice3A_322, %slice3A_321 : vector<128x64xi1>, vector<128x64xf32>
    %mul3A_329 = arith.mulf %select_n3A, %select_n3A_328 : vector<128x64xf32>
    %reduce_sum3A_330 = arith.constant dense<0.000000e+00> : vector<128xf32>
    %reduce_sum3A_331 = vector.multi_reduction <add>, %mul3A_329, %reduce_sum3A_330 [1] : vector<128x64xf32> to vector<128xf32>
    %sub3A_332 = arith.subf %mul3A_44, %reduce_sum3A_331 : vector<128xf32>
    %neg3A_333 = arith.constant 0.000000e+00 : f32
    %neg3A_334 = vector.broadcast %neg3A_333 : f32 to vector<128xf32>
    %neg3A_335 = arith.subf %neg3A_334, %sub3A_332 : vector<128xf32>
    %custom_jvp_call3A_336 = arith.constant 0.000000e+00 : f32
    %max3A_337 = vector.broadcast %custom_jvp_call3A_336 : f32 to vector<128xf32>
    %max3A_338 = arith.maximumf %neg3A_335, %max3A_337 : vector<128xf32>
    %sub3A_339 = vector.broadcast %custom_jvp_call3A_336 : f32 to vector<128xf32>
    %sub3A_340 = arith.subf %neg3A_335, %sub3A_339 : vector<128xf32>
    %ne3A_341 = arith.cmpf one, %sub3A_340, %sub3A_340 : vector<128xf32>
    %add3A_342 = vector.broadcast %custom_jvp_call3A_336 : f32 to vector<128xf32>
    %add3A_343 = arith.addf %neg3A_335, %add3A_342 : vector<128xf32>
    %abs3A_344 = math.absf %sub3A_340 : vector<128xf32>
    %neg3A_345 = arith.constant 0.000000e+00 : f32
    %neg3A_346 = vector.broadcast %neg3A_345 : f32 to vector<128xf32>
    %neg3A_347 = arith.subf %neg3A_346, %abs3A_344 : vector<128xf32>
    %exp3A_348 = math.exp %neg3A_347 : vector<128xf32>
    %log1p3A_349 = math.log1p %exp3A_348 : vector<128xf32>
    %add3A_350 = arith.addf %max3A_338, %log1p3A_349 : vector<128xf32>
    %select_n3A_351 = arith.select %ne3A_341, %add3A_343, %add3A_350 : vector<128xi1>, vector<128xf32>
    %neg3A_352 = arith.constant 0.000000e+00 : f32
    %neg3A_353 = vector.broadcast %neg3A_352 : f32 to vector<128xf32>
    %neg3A_354 = arith.subf %neg3A_353, %select_n3A_351 : vector<128xf32>
    %add3A_355 = arith.addf %add3A_303, %neg3A_354 : vector<128xf32>
    %mul3A_356 = arith.mulf %select_n3A_328, %select_n3A_328 : vector<128x64xf32>
    %reduce_sum3A_357 = vector.shape_cast %mul3A_356 : vector<128x64xf32> to vector<1x128x64xf32>
    %reduce_sum3A_358 = arith.constant dense<0.000000e+00> : vector<1xf32>
    %reduce_sum3A_359 = vector.multi_reduction <add>, %reduce_sum3A_357, %reduce_sum3A_358 [1, 2] : vector<1x128x64xf32> to vector<1xf32>
    %reduce_sum3A_360 = vector.shape_cast %reduce_sum3A_359 : vector<1xf32> to vector<1x1x1xf32>
    %reduce_sum3A_361 = vector.extract %reduce_sum3A_360[0, 0, 0] : f32 from vector<1x1x1xf32>
    %add3A_362 = arith.addf %add3A_310, %reduce_sum3A_361 : f32
    %get3A_363 = arith.constant 6 : index
    %get3A_364 = arith.constant 0 : index
    %get3A_365 = arith.constant 0 : index
    %get3A_366 = vector.load %arg3[%get3A_363, %get3A_364, %get3A_365] : memref<40x128x128xf32, #tpu.memory_space<vmem>>, vector<1x128x128xf32>
    %get3A_367 = vector.shape_cast %get3A_366 : vector<1x128x128xf32> to vector<128x128xf32>
    %get3A_368 = arith.constant 6 : index
    %get3A_369 = arith.constant 0 : index
    %get3A_370 = vector.load %arg6[%get3A_368, %get3A_369] : memref<40x128xi32, #tpu.memory_space<vmem>>, vector<1x128xi32>
    %get3A_371 = vector.shape_cast %get3A_370 : vector<1x128xi32> to vector<128xi32>
    %broadcast_in_dim3A_372 = vector.shape_cast %get3A_371 : vector<128xi32> to vector<128x1xi32>
    %slice3A_373 = vector.extract_strided_slice %get3A_367 {offsets = [0, 0], sizes = [128, 64], strides = [1, 1]} : vector<128x128xf32> to vector<128x64xf32>
    %slice3A_374 = vector.extract_strided_slice %get3A_367 {offsets = [0, 64], sizes = [128, 64], strides = [1, 1]} : vector<128x128xf32> to vector<128x64xf32>
    %ge3A_375 = arith.constant 25600 : i32
    %ge3A_376 = vector.broadcast %ge3A_375 : i32 to vector<128x1xi32>
    %ge3A_377 = arith.cmpi sge, %broadcast_in_dim3A_372, %ge3A_376 : vector<128x1xi32>
    %broadcast_in_dim3A_378 = vector.shape_cast %ge3A_377 : vector<128x1xi1> to vector<128x1xi1>
    %broadcast_in_dim3A_379 = vector.broadcast %broadcast_in_dim3A_378 : vector<128x1xi1> to vector<128x64xi1>
    %select_n3A_380 = arith.select %broadcast_in_dim3A_379, %slice3A_374, %slice3A_373 : vector<128x64xi1>, vector<128x64xf32>
    %mul3A_381 = arith.mulf %select_n3A, %select_n3A_380 : vector<128x64xf32>
    %reduce_sum3A_382 = arith.constant dense<0.000000e+00> : vector<128xf32>
    %reduce_sum3A_383 = vector.multi_reduction <add>, %mul3A_381, %reduce_sum3A_382 [1] : vector<128x64xf32> to vector<128xf32>
    %sub3A_384 = arith.subf %mul3A_44, %reduce_sum3A_383 : vector<128xf32>
    %neg3A_385 = arith.constant 0.000000e+00 : f32
    %neg3A_386 = vector.broadcast %neg3A_385 : f32 to vector<128xf32>
    %neg3A_387 = arith.subf %neg3A_386, %sub3A_384 : vector<128xf32>
    %custom_jvp_call3A_388 = arith.constant 0.000000e+00 : f32
    %max3A_389 = vector.broadcast %custom_jvp_call3A_388 : f32 to vector<128xf32>
    %max3A_390 = arith.maximumf %neg3A_387, %max3A_389 : vector<128xf32>
    %sub3A_391 = vector.broadcast %custom_jvp_call3A_388 : f32 to vector<128xf32>
    %sub3A_392 = arith.subf %neg3A_387, %sub3A_391 : vector<128xf32>
    %ne3A_393 = arith.cmpf one, %sub3A_392, %sub3A_392 : vector<128xf32>
    %add3A_394 = vector.broadcast %custom_jvp_call3A_388 : f32 to vector<128xf32>
    %add3A_395 = arith.addf %neg3A_387, %add3A_394 : vector<128xf32>
    %abs3A_396 = math.absf %sub3A_392 : vector<128xf32>
    %neg3A_397 = arith.constant 0.000000e+00 : f32
    %neg3A_398 = vector.broadcast %neg3A_397 : f32 to vector<128xf32>
    %neg3A_399 = arith.subf %neg3A_398, %abs3A_396 : vector<128xf32>
    %exp3A_400 = math.exp %neg3A_399 : vector<128xf32>
    %log1p3A_401 = math.log1p %exp3A_400 : vector<128xf32>
    %add3A_402 = arith.addf %max3A_390, %log1p3A_401 : vector<128xf32>
    %select_n3A_403 = arith.select %ne3A_393, %add3A_395, %add3A_402 : vector<128xi1>, vector<128xf32>
    %neg3A_404 = arith.constant 0.000000e+00 : f32
    %neg3A_405 = vector.broadcast %neg3A_404 : f32 to vector<128xf32>
    %neg3A_406 = arith.subf %neg3A_405, %select_n3A_403 : vector<128xf32>
    %add3A_407 = arith.addf %add3A_355, %neg3A_406 : vector<128xf32>
    %mul3A_408 = arith.mulf %select_n3A_380, %select_n3A_380 : vector<128x64xf32>
    %reduce_sum3A_409 = vector.shape_cast %mul3A_408 : vector<128x64xf32> to vector<1x128x64xf32>
    %reduce_sum3A_410 = arith.constant dense<0.000000e+00> : vector<1xf32>
    %reduce_sum3A_411 = vector.multi_reduction <add>, %reduce_sum3A_409, %reduce_sum3A_410 [1, 2] : vector<1x128x64xf32> to vector<1xf32>
    %reduce_sum3A_412 = vector.shape_cast %reduce_sum3A_411 : vector<1xf32> to vector<1x1x1xf32>
    %reduce_sum3A_413 = vector.extract %reduce_sum3A_412[0, 0, 0] : f32 from vector<1x1x1xf32>
    %add3A_414 = arith.addf %add3A_362, %reduce_sum3A_413 : f32
    %get3A_415 = arith.constant 7 : index
    %get3A_416 = arith.constant 0 : index
    %get3A_417 = arith.constant 0 : index
    %get3A_418 = vector.load %arg3[%get3A_415, %get3A_416, %get3A_417] : memref<40x128x128xf32, #tpu.memory_space<vmem>>, vector<1x128x128xf32>
    %get3A_419 = vector.shape_cast %get3A_418 : vector<1x128x128xf32> to vector<128x128xf32>
    %get3A_420 = arith.constant 7 : index
    %get3A_421 = arith.constant 0 : index
    %get3A_422 = vector.load %arg6[%get3A_420, %get3A_421] : memref<40x128xi32, #tpu.memory_space<vmem>>, vector<1x128xi32>
    %get3A_423 = vector.shape_cast %get3A_422 : vector<1x128xi32> to vector<128xi32>
    %broadcast_in_dim3A_424 = vector.shape_cast %get3A_423 : vector<128xi32> to vector<128x1xi32>
    %slice3A_425 = vector.extract_strided_slice %get3A_419 {offsets = [0, 0], sizes = [128, 64], strides = [1, 1]} : vector<128x128xf32> to vector<128x64xf32>
    %slice3A_426 = vector.extract_strided_slice %get3A_419 {offsets = [0, 64], sizes = [128, 64], strides = [1, 1]} : vector<128x128xf32> to vector<128x64xf32>
    %ge3A_427 = arith.constant 25600 : i32
    %ge3A_428 = vector.broadcast %ge3A_427 : i32 to vector<128x1xi32>
    %ge3A_429 = arith.cmpi sge, %broadcast_in_dim3A_424, %ge3A_428 : vector<128x1xi32>
    %broadcast_in_dim3A_430 = vector.shape_cast %ge3A_429 : vector<128x1xi1> to vector<128x1xi1>
    %broadcast_in_dim3A_431 = vector.broadcast %broadcast_in_dim3A_430 : vector<128x1xi1> to vector<128x64xi1>
    %select_n3A_432 = arith.select %broadcast_in_dim3A_431, %slice3A_426, %slice3A_425 : vector<128x64xi1>, vector<128x64xf32>
    %mul3A_433 = arith.mulf %select_n3A, %select_n3A_432 : vector<128x64xf32>
    %reduce_sum3A_434 = arith.constant dense<0.000000e+00> : vector<128xf32>
    %reduce_sum3A_435 = vector.multi_reduction <add>, %mul3A_433, %reduce_sum3A_434 [1] : vector<128x64xf32> to vector<128xf32>
    %sub3A_436 = arith.subf %mul3A_44, %reduce_sum3A_435 : vector<128xf32>
    %neg3A_437 = arith.constant 0.000000e+00 : f32
    %neg3A_438 = vector.broadcast %neg3A_437 : f32 to vector<128xf32>
    %neg3A_439 = arith.subf %neg3A_438, %sub3A_436 : vector<128xf32>
    %custom_jvp_call3A_440 = arith.constant 0.000000e+00 : f32
    %max3A_441 = vector.broadcast %custom_jvp_call3A_440 : f32 to vector<128xf32>
    %max3A_442 = arith.maximumf %neg3A_439, %max3A_441 : vector<128xf32>
    %sub3A_443 = vector.broadcast %custom_jvp_call3A_440 : f32 to vector<128xf32>
    %sub3A_444 = arith.subf %neg3A_439, %sub3A_443 : vector<128xf32>
    %ne3A_445 = arith.cmpf one, %sub3A_444, %sub3A_444 : vector<128xf32>
    %add3A_446 = vector.broadcast %custom_jvp_call3A_440 : f32 to vector<128xf32>
    %add3A_447 = arith.addf %neg3A_439, %add3A_446 : vector<128xf32>
    %abs3A_448 = math.absf %sub3A_444 : vector<128xf32>
    %neg3A_449 = arith.constant 0.000000e+00 : f32
    %neg3A_450 = vector.broadcast %neg3A_449 : f32 to vector<128xf32>
    %neg3A_451 = arith.subf %neg3A_450, %abs3A_448 : vector<128xf32>
    %exp3A_452 = math.exp %neg3A_451 : vector<128xf32>
    %log1p3A_453 = math.log1p %exp3A_452 : vector<128xf32>
    %add3A_454 = arith.addf %max3A_442, %log1p3A_453 : vector<128xf32>
    %select_n3A_455 = arith.select %ne3A_445, %add3A_447, %add3A_454 : vector<128xi1>, vector<128xf32>
    %neg3A_456 = arith.constant 0.000000e+00 : f32
    %neg3A_457 = vector.broadcast %neg3A_456 : f32 to vector<128xf32>
    %neg3A_458 = arith.subf %neg3A_457, %select_n3A_455 : vector<128xf32>
    %add3A_459 = arith.addf %add3A_407, %neg3A_458 : vector<128xf32>
    %mul3A_460 = arith.mulf %select_n3A_432, %select_n3A_432 : vector<128x64xf32>
    %reduce_sum3A_461 = vector.shape_cast %mul3A_460 : vector<128x64xf32> to vector<1x128x64xf32>
    %reduce_sum3A_462 = arith.constant dense<0.000000e+00> : vector<1xf32>
    %reduce_sum3A_463 = vector.multi_reduction <add>, %reduce_sum3A_461, %reduce_sum3A_462 [1, 2] : vector<1x128x64xf32> to vector<1xf32>
    %reduce_sum3A_464 = vector.shape_cast %reduce_sum3A_463 : vector<1xf32> to vector<1x1x1xf32>
    %reduce_sum3A_465 = vector.extract %reduce_sum3A_464[0, 0, 0] : f32 from vector<1x1x1xf32>
    %add3A_466 = arith.addf %add3A_414, %reduce_sum3A_465 : f32
    %get3A_467 = arith.constant 8 : index
    %get3A_468 = arith.constant 0 : index
    %get3A_469 = arith.constant 0 : index
    %get3A_470 = vector.load %arg3[%get3A_467, %get3A_468, %get3A_469] : memref<40x128x128xf32, #tpu.memory_space<vmem>>, vector<1x128x128xf32>
    %get3A_471 = vector.shape_cast %get3A_470 : vector<1x128x128xf32> to vector<128x128xf32>
    %get3A_472 = arith.constant 8 : index
    %get3A_473 = arith.constant 0 : index
    %get3A_474 = vector.load %arg6[%get3A_472, %get3A_473] : memref<40x128xi32, #tpu.memory_space<vmem>>, vector<1x128xi32>
    %get3A_475 = vector.shape_cast %get3A_474 : vector<1x128xi32> to vector<128xi32>
    %broadcast_in_dim3A_476 = vector.shape_cast %get3A_475 : vector<128xi32> to vector<128x1xi32>
    %slice3A_477 = vector.extract_strided_slice %get3A_471 {offsets = [0, 0], sizes = [128, 64], strides = [1, 1]} : vector<128x128xf32> to vector<128x64xf32>
    %slice3A_478 = vector.extract_strided_slice %get3A_471 {offsets = [0, 64], sizes = [128, 64], strides = [1, 1]} : vector<128x128xf32> to vector<128x64xf32>
    %ge3A_479 = arith.constant 25600 : i32
    %ge3A_480 = vector.broadcast %ge3A_479 : i32 to vector<128x1xi32>
    %ge3A_481 = arith.cmpi sge, %broadcast_in_dim3A_476, %ge3A_480 : vector<128x1xi32>
    %broadcast_in_dim3A_482 = vector.shape_cast %ge3A_481 : vector<128x1xi1> to vector<128x1xi1>
    %broadcast_in_dim3A_483 = vector.broadcast %broadcast_in_dim3A_482 : vector<128x1xi1> to vector<128x64xi1>
    %select_n3A_484 = arith.select %broadcast_in_dim3A_483, %slice3A_478, %slice3A_477 : vector<128x64xi1>, vector<128x64xf32>
    %mul3A_485 = arith.mulf %select_n3A, %select_n3A_484 : vector<128x64xf32>
    %reduce_sum3A_486 = arith.constant dense<0.000000e+00> : vector<128xf32>
    %reduce_sum3A_487 = vector.multi_reduction <add>, %mul3A_485, %reduce_sum3A_486 [1] : vector<128x64xf32> to vector<128xf32>
    %sub3A_488 = arith.subf %mul3A_44, %reduce_sum3A_487 : vector<128xf32>
    %neg3A_489 = arith.constant 0.000000e+00 : f32
    %neg3A_490 = vector.broadcast %neg3A_489 : f32 to vector<128xf32>
    %neg3A_491 = arith.subf %neg3A_490, %sub3A_488 : vector<128xf32>
    %custom_jvp_call3A_492 = arith.constant 0.000000e+00 : f32
    %max3A_493 = vector.broadcast %custom_jvp_call3A_492 : f32 to vector<128xf32>
    %max3A_494 = arith.maximumf %neg3A_491, %max3A_493 : vector<128xf32>
    %sub3A_495 = vector.broadcast %custom_jvp_call3A_492 : f32 to vector<128xf32>
    %sub3A_496 = arith.subf %neg3A_491, %sub3A_495 : vector<128xf32>
    %ne3A_497 = arith.cmpf one, %sub3A_496, %sub3A_496 : vector<128xf32>
    %add3A_498 = vector.broadcast %custom_jvp_call3A_492 : f32 to vector<128xf32>
    %add3A_499 = arith.addf %neg3A_491, %add3A_498 : vector<128xf32>
    %abs3A_500 = math.absf %sub3A_496 : vector<128xf32>
    %neg3A_501 = arith.constant 0.000000e+00 : f32
    %neg3A_502 = vector.broadcast %neg3A_501 : f32 to vector<128xf32>
    %neg3A_503 = arith.subf %neg3A_502, %abs3A_500 : vector<128xf32>
    %exp3A_504 = math.exp %neg3A_503 : vector<128xf32>
    %log1p3A_505 = math.log1p %exp3A_504 : vector<128xf32>
    %add3A_506 = arith.addf %max3A_494, %log1p3A_505 : vector<128xf32>
    %select_n3A_507 = arith.select %ne3A_497, %add3A_499, %add3A_506 : vector<128xi1>, vector<128xf32>
    %neg3A_508 = arith.constant 0.000000e+00 : f32
    %neg3A_509 = vector.broadcast %neg3A_508 : f32 to vector<128xf32>
    %neg3A_510 = arith.subf %neg3A_509, %select_n3A_507 : vector<128xf32>
    %add3A_511 = arith.addf %add3A_459, %neg3A_510 : vector<128xf32>
    %mul3A_512 = arith.mulf %select_n3A_484, %select_n3A_484 : vector<128x64xf32>
    %reduce_sum3A_513 = vector.shape_cast %mul3A_512 : vector<128x64xf32> to vector<1x128x64xf32>
    %reduce_sum3A_514 = arith.constant dense<0.000000e+00> : vector<1xf32>
    %reduce_sum3A_515 = vector.multi_reduction <add>, %reduce_sum3A_513, %reduce_sum3A_514 [1, 2] : vector<1x128x64xf32> to vector<1xf32>
    %reduce_sum3A_516 = vector.shape_cast %reduce_sum3A_515 : vector<1xf32> to vector<1x1x1xf32>
    %reduce_sum3A_517 = vector.extract %reduce_sum3A_516[0, 0, 0] : f32 from vector<1x1x1xf32>
    %add3A_518 = arith.addf %add3A_466, %reduce_sum3A_517 : f32
    %get3A_519 = arith.constant 9 : index
    %get3A_520 = arith.constant 0 : index
    %get3A_521 = arith.constant 0 : index
    %get3A_522 = vector.load %arg3[%get3A_519, %get3A_520, %get3A_521] : memref<40x128x128xf32, #tpu.memory_space<vmem>>, vector<1x128x128xf32>
    %get3A_523 = vector.shape_cast %get3A_522 : vector<1x128x128xf32> to vector<128x128xf32>
    %get3A_524 = arith.constant 9 : index
    %get3A_525 = arith.constant 0 : index
    %get3A_526 = vector.load %arg6[%get3A_524, %get3A_525] : memref<40x128xi32, #tpu.memory_space<vmem>>, vector<1x128xi32>
    %get3A_527 = vector.shape_cast %get3A_526 : vector<1x128xi32> to vector<128xi32>
    %broadcast_in_dim3A_528 = vector.shape_cast %get3A_527 : vector<128xi32> to vector<128x1xi32>
    %slice3A_529 = vector.extract_strided_slice %get3A_523 {offsets = [0, 0], sizes = [128, 64], strides = [1, 1]} : vector<128x128xf32> to vector<128x64xf32>
    %slice3A_530 = vector.extract_strided_slice %get3A_523 {offsets = [0, 64], sizes = [128, 64], strides = [1, 1]} : vector<128x128xf32> to vector<128x64xf32>
    %ge3A_531 = arith.constant 25600 : i32
    %ge3A_532 = vector.broadcast %ge3A_531 : i32 to vector<128x1xi32>
    %ge3A_533 = arith.cmpi sge, %broadcast_in_dim3A_528, %ge3A_532 : vector<128x1xi32>
    %broadcast_in_dim3A_534 = vector.shape_cast %ge3A_533 : vector<128x1xi1> to vector<128x1xi1>
    %broadcast_in_dim3A_535 = vector.broadcast %broadcast_in_dim3A_534 : vector<128x1xi1> to vector<128x64xi1>
    %select_n3A_536 = arith.select %broadcast_in_dim3A_535, %slice3A_530, %slice3A_529 : vector<128x64xi1>, vector<128x64xf32>
    %mul3A_537 = arith.mulf %select_n3A, %select_n3A_536 : vector<128x64xf32>
    %reduce_sum3A_538 = arith.constant dense<0.000000e+00> : vector<128xf32>
    %reduce_sum3A_539 = vector.multi_reduction <add>, %mul3A_537, %reduce_sum3A_538 [1] : vector<128x64xf32> to vector<128xf32>
    %sub3A_540 = arith.subf %mul3A_44, %reduce_sum3A_539 : vector<128xf32>
    %neg3A_541 = arith.constant 0.000000e+00 : f32
    %neg3A_542 = vector.broadcast %neg3A_541 : f32 to vector<128xf32>
    %neg3A_543 = arith.subf %neg3A_542, %sub3A_540 : vector<128xf32>
    %custom_jvp_call3A_544 = arith.constant 0.000000e+00 : f32
    %max3A_545 = vector.broadcast %custom_jvp_call3A_544 : f32 to vector<128xf32>
    %max3A_546 = arith.maximumf %neg3A_543, %max3A_545 : vector<128xf32>
    %sub3A_547 = vector.broadcast %custom_jvp_call3A_544 : f32 to vector<128xf32>
    %sub3A_548 = arith.subf %neg3A_543, %sub3A_547 : vector<128xf32>
    %ne3A_549 = arith.cmpf one, %sub3A_548, %sub3A_548 : vector<128xf32>
    %add3A_550 = vector.broadcast %custom_jvp_call3A_544 : f32 to vector<128xf32>
    %add3A_551 = arith.addf %neg3A_543, %add3A_550 : vector<128xf32>
    %abs3A_552 = math.absf %sub3A_548 : vector<128xf32>
    %neg3A_553 = arith.constant 0.000000e+00 : f32
    %neg3A_554 = vector.broadcast %neg3A_553 : f32 to vector<128xf32>
    %neg3A_555 = arith.subf %neg3A_554, %abs3A_552 : vector<128xf32>
    %exp3A_556 = math.exp %neg3A_555 : vector<128xf32>
    %log1p3A_557 = math.log1p %exp3A_556 : vector<128xf32>
    %add3A_558 = arith.addf %max3A_546, %log1p3A_557 : vector<128xf32>
    %select_n3A_559 = arith.select %ne3A_549, %add3A_551, %add3A_558 : vector<128xi1>, vector<128xf32>
    %neg3A_560 = arith.constant 0.000000e+00 : f32
    %neg3A_561 = vector.broadcast %neg3A_560 : f32 to vector<128xf32>
    %neg3A_562 = arith.subf %neg3A_561, %select_n3A_559 : vector<128xf32>
    %add3A_563 = arith.addf %add3A_511, %neg3A_562 : vector<128xf32>
    %mul3A_564 = arith.mulf %select_n3A_536, %select_n3A_536 : vector<128x64xf32>
    %reduce_sum3A_565 = vector.shape_cast %mul3A_564 : vector<128x64xf32> to vector<1x128x64xf32>
    %reduce_sum3A_566 = arith.constant dense<0.000000e+00> : vector<1xf32>
    %reduce_sum3A_567 = vector.multi_reduction <add>, %reduce_sum3A_565, %reduce_sum3A_566 [1, 2] : vector<1x128x64xf32> to vector<1xf32>
    %reduce_sum3A_568 = vector.shape_cast %reduce_sum3A_567 : vector<1xf32> to vector<1x1x1xf32>
    %reduce_sum3A_569 = vector.extract %reduce_sum3A_568[0, 0, 0] : f32 from vector<1x1x1xf32>
    %add3A_570 = arith.addf %add3A_518, %reduce_sum3A_569 : f32
    %get3A_571 = arith.constant 10 : index
    %get3A_572 = arith.constant 0 : index
    %get3A_573 = arith.constant 0 : index
    %get3A_574 = vector.load %arg3[%get3A_571, %get3A_572, %get3A_573] : memref<40x128x128xf32, #tpu.memory_space<vmem>>, vector<1x128x128xf32>
    %get3A_575 = vector.shape_cast %get3A_574 : vector<1x128x128xf32> to vector<128x128xf32>
    %get3A_576 = arith.constant 10 : index
    %get3A_577 = arith.constant 0 : index
    %get3A_578 = vector.load %arg6[%get3A_576, %get3A_577] : memref<40x128xi32, #tpu.memory_space<vmem>>, vector<1x128xi32>
    %get3A_579 = vector.shape_cast %get3A_578 : vector<1x128xi32> to vector<128xi32>
    %broadcast_in_dim3A_580 = vector.shape_cast %get3A_579 : vector<128xi32> to vector<128x1xi32>
    %slice3A_581 = vector.extract_strided_slice %get3A_575 {offsets = [0, 0], sizes = [128, 64], strides = [1, 1]} : vector<128x128xf32> to vector<128x64xf32>
    %slice3A_582 = vector.extract_strided_slice %get3A_575 {offsets = [0, 64], sizes = [128, 64], strides = [1, 1]} : vector<128x128xf32> to vector<128x64xf32>
    %ge3A_583 = arith.constant 25600 : i32
    %ge3A_584 = vector.broadcast %ge3A_583 : i32 to vector<128x1xi32>
    %ge3A_585 = arith.cmpi sge, %broadcast_in_dim3A_580, %ge3A_584 : vector<128x1xi32>
    %broadcast_in_dim3A_586 = vector.shape_cast %ge3A_585 : vector<128x1xi1> to vector<128x1xi1>
    %broadcast_in_dim3A_587 = vector.broadcast %broadcast_in_dim3A_586 : vector<128x1xi1> to vector<128x64xi1>
    %select_n3A_588 = arith.select %broadcast_in_dim3A_587, %slice3A_582, %slice3A_581 : vector<128x64xi1>, vector<128x64xf32>
    %mul3A_589 = arith.mulf %select_n3A, %select_n3A_588 : vector<128x64xf32>
    %reduce_sum3A_590 = arith.constant dense<0.000000e+00> : vector<128xf32>
    %reduce_sum3A_591 = vector.multi_reduction <add>, %mul3A_589, %reduce_sum3A_590 [1] : vector<128x64xf32> to vector<128xf32>
    %sub3A_592 = arith.subf %mul3A_44, %reduce_sum3A_591 : vector<128xf32>
    %neg3A_593 = arith.constant 0.000000e+00 : f32
    %neg3A_594 = vector.broadcast %neg3A_593 : f32 to vector<128xf32>
    %neg3A_595 = arith.subf %neg3A_594, %sub3A_592 : vector<128xf32>
    %custom_jvp_call3A_596 = arith.constant 0.000000e+00 : f32
    %max3A_597 = vector.broadcast %custom_jvp_call3A_596 : f32 to vector<128xf32>
    %max3A_598 = arith.maximumf %neg3A_595, %max3A_597 : vector<128xf32>
    %sub3A_599 = vector.broadcast %custom_jvp_call3A_596 : f32 to vector<128xf32>
    %sub3A_600 = arith.subf %neg3A_595, %sub3A_599 : vector<128xf32>
    %ne3A_601 = arith.cmpf one, %sub3A_600, %sub3A_600 : vector<128xf32>
    %add3A_602 = vector.broadcast %custom_jvp_call3A_596 : f32 to vector<128xf32>
    %add3A_603 = arith.addf %neg3A_595, %add3A_602 : vector<128xf32>
    %abs3A_604 = math.absf %sub3A_600 : vector<128xf32>
    %neg3A_605 = arith.constant 0.000000e+00 : f32
    %neg3A_606 = vector.broadcast %neg3A_605 : f32 to vector<128xf32>
    %neg3A_607 = arith.subf %neg3A_606, %abs3A_604 : vector<128xf32>
    %exp3A_608 = math.exp %neg3A_607 : vector<128xf32>
    %log1p3A_609 = math.log1p %exp3A_608 : vector<128xf32>
    %add3A_610 = arith.addf %max3A_598, %log1p3A_609 : vector<128xf32>
    %select_n3A_611 = arith.select %ne3A_601, %add3A_603, %add3A_610 : vector<128xi1>, vector<128xf32>
    %neg3A_612 = arith.constant 0.000000e+00 : f32
    %neg3A_613 = vector.broadcast %neg3A_612 : f32 to vector<128xf32>
    %neg3A_614 = arith.subf %neg3A_613, %select_n3A_611 : vector<128xf32>
    %add3A_615 = arith.addf %add3A_563, %neg3A_614 : vector<128xf32>
    %mul3A_616 = arith.mulf %select_n3A_588, %select_n3A_588 : vector<128x64xf32>
    %reduce_sum3A_617 = vector.shape_cast %mul3A_616 : vector<128x64xf32> to vector<1x128x64xf32>
    %reduce_sum3A_618 = arith.constant dense<0.000000e+00> : vector<1xf32>
    %reduce_sum3A_619 = vector.multi_reduction <add>, %reduce_sum3A_617, %reduce_sum3A_618 [1, 2] : vector<1x128x64xf32> to vector<1xf32>
    %reduce_sum3A_620 = vector.shape_cast %reduce_sum3A_619 : vector<1xf32> to vector<1x1x1xf32>
    %reduce_sum3A_621 = vector.extract %reduce_sum3A_620[0, 0, 0] : f32 from vector<1x1x1xf32>
    %add3A_622 = arith.addf %add3A_570, %reduce_sum3A_621 : f32
    %get3A_623 = arith.constant 11 : index
    %get3A_624 = arith.constant 0 : index
    %get3A_625 = arith.constant 0 : index
    %get3A_626 = vector.load %arg3[%get3A_623, %get3A_624, %get3A_625] : memref<40x128x128xf32, #tpu.memory_space<vmem>>, vector<1x128x128xf32>
    %get3A_627 = vector.shape_cast %get3A_626 : vector<1x128x128xf32> to vector<128x128xf32>
    %get3A_628 = arith.constant 11 : index
    %get3A_629 = arith.constant 0 : index
    %get3A_630 = vector.load %arg6[%get3A_628, %get3A_629] : memref<40x128xi32, #tpu.memory_space<vmem>>, vector<1x128xi32>
    %get3A_631 = vector.shape_cast %get3A_630 : vector<1x128xi32> to vector<128xi32>
    %broadcast_in_dim3A_632 = vector.shape_cast %get3A_631 : vector<128xi32> to vector<128x1xi32>
    %slice3A_633 = vector.extract_strided_slice %get3A_627 {offsets = [0, 0], sizes = [128, 64], strides = [1, 1]} : vector<128x128xf32> to vector<128x64xf32>
    %slice3A_634 = vector.extract_strided_slice %get3A_627 {offsets = [0, 64], sizes = [128, 64], strides = [1, 1]} : vector<128x128xf32> to vector<128x64xf32>
    %ge3A_635 = arith.constant 25600 : i32
    %ge3A_636 = vector.broadcast %ge3A_635 : i32 to vector<128x1xi32>
    %ge3A_637 = arith.cmpi sge, %broadcast_in_dim3A_632, %ge3A_636 : vector<128x1xi32>
    %broadcast_in_dim3A_638 = vector.shape_cast %ge3A_637 : vector<128x1xi1> to vector<128x1xi1>
    %broadcast_in_dim3A_639 = vector.broadcast %broadcast_in_dim3A_638 : vector<128x1xi1> to vector<128x64xi1>
    %select_n3A_640 = arith.select %broadcast_in_dim3A_639, %slice3A_634, %slice3A_633 : vector<128x64xi1>, vector<128x64xf32>
    %mul3A_641 = arith.mulf %select_n3A, %select_n3A_640 : vector<128x64xf32>
    %reduce_sum3A_642 = arith.constant dense<0.000000e+00> : vector<128xf32>
    %reduce_sum3A_643 = vector.multi_reduction <add>, %mul3A_641, %reduce_sum3A_642 [1] : vector<128x64xf32> to vector<128xf32>
    %sub3A_644 = arith.subf %mul3A_44, %reduce_sum3A_643 : vector<128xf32>
    %neg3A_645 = arith.constant 0.000000e+00 : f32
    %neg3A_646 = vector.broadcast %neg3A_645 : f32 to vector<128xf32>
    %neg3A_647 = arith.subf %neg3A_646, %sub3A_644 : vector<128xf32>
    %custom_jvp_call3A_648 = arith.constant 0.000000e+00 : f32
    %max3A_649 = vector.broadcast %custom_jvp_call3A_648 : f32 to vector<128xf32>
    %max3A_650 = arith.maximumf %neg3A_647, %max3A_649 : vector<128xf32>
    %sub3A_651 = vector.broadcast %custom_jvp_call3A_648 : f32 to vector<128xf32>
    %sub3A_652 = arith.subf %neg3A_647, %sub3A_651 : vector<128xf32>
    %ne3A_653 = arith.cmpf one, %sub3A_652, %sub3A_652 : vector<128xf32>
    %add3A_654 = vector.broadcast %custom_jvp_call3A_648 : f32 to vector<128xf32>
    %add3A_655 = arith.addf %neg3A_647, %add3A_654 : vector<128xf32>
    %abs3A_656 = math.absf %sub3A_652 : vector<128xf32>
    %neg3A_657 = arith.constant 0.000000e+00 : f32
    %neg3A_658 = vector.broadcast %neg3A_657 : f32 to vector<128xf32>
    %neg3A_659 = arith.subf %neg3A_658, %abs3A_656 : vector<128xf32>
    %exp3A_660 = math.exp %neg3A_659 : vector<128xf32>
    %log1p3A_661 = math.log1p %exp3A_660 : vector<128xf32>
    %add3A_662 = arith.addf %max3A_650, %log1p3A_661 : vector<128xf32>
    %select_n3A_663 = arith.select %ne3A_653, %add3A_655, %add3A_662 : vector<128xi1>, vector<128xf32>
    %neg3A_664 = arith.constant 0.000000e+00 : f32
    %neg3A_665 = vector.broadcast %neg3A_664 : f32 to vector<128xf32>
    %neg3A_666 = arith.subf %neg3A_665, %select_n3A_663 : vector<128xf32>
    %add3A_667 = arith.addf %add3A_615, %neg3A_666 : vector<128xf32>
    %mul3A_668 = arith.mulf %select_n3A_640, %select_n3A_640 : vector<128x64xf32>
    %reduce_sum3A_669 = vector.shape_cast %mul3A_668 : vector<128x64xf32> to vector<1x128x64xf32>
    %reduce_sum3A_670 = arith.constant dense<0.000000e+00> : vector<1xf32>
    %reduce_sum3A_671 = vector.multi_reduction <add>, %reduce_sum3A_669, %reduce_sum3A_670 [1, 2] : vector<1x128x64xf32> to vector<1xf32>
    %reduce_sum3A_672 = vector.shape_cast %reduce_sum3A_671 : vector<1xf32> to vector<1x1x1xf32>
    %reduce_sum3A_673 = vector.extract %reduce_sum3A_672[0, 0, 0] : f32 from vector<1x1x1xf32>
    %add3A_674 = arith.addf %add3A_622, %reduce_sum3A_673 : f32
    %get3A_675 = arith.constant 12 : index
    %get3A_676 = arith.constant 0 : index
    %get3A_677 = arith.constant 0 : index
    %get3A_678 = vector.load %arg3[%get3A_675, %get3A_676, %get3A_677] : memref<40x128x128xf32, #tpu.memory_space<vmem>>, vector<1x128x128xf32>
    %get3A_679 = vector.shape_cast %get3A_678 : vector<1x128x128xf32> to vector<128x128xf32>
    %get3A_680 = arith.constant 12 : index
    %get3A_681 = arith.constant 0 : index
    %get3A_682 = vector.load %arg6[%get3A_680, %get3A_681] : memref<40x128xi32, #tpu.memory_space<vmem>>, vector<1x128xi32>
    %get3A_683 = vector.shape_cast %get3A_682 : vector<1x128xi32> to vector<128xi32>
    %broadcast_in_dim3A_684 = vector.shape_cast %get3A_683 : vector<128xi32> to vector<128x1xi32>
    %slice3A_685 = vector.extract_strided_slice %get3A_679 {offsets = [0, 0], sizes = [128, 64], strides = [1, 1]} : vector<128x128xf32> to vector<128x64xf32>
    %slice3A_686 = vector.extract_strided_slice %get3A_679 {offsets = [0, 64], sizes = [128, 64], strides = [1, 1]} : vector<128x128xf32> to vector<128x64xf32>
    %ge3A_687 = arith.constant 25600 : i32
    %ge3A_688 = vector.broadcast %ge3A_687 : i32 to vector<128x1xi32>
    %ge3A_689 = arith.cmpi sge, %broadcast_in_dim3A_684, %ge3A_688 : vector<128x1xi32>
    %broadcast_in_dim3A_690 = vector.shape_cast %ge3A_689 : vector<128x1xi1> to vector<128x1xi1>
    %broadcast_in_dim3A_691 = vector.broadcast %broadcast_in_dim3A_690 : vector<128x1xi1> to vector<128x64xi1>
    %select_n3A_692 = arith.select %broadcast_in_dim3A_691, %slice3A_686, %slice3A_685 : vector<128x64xi1>, vector<128x64xf32>
    %mul3A_693 = arith.mulf %select_n3A, %select_n3A_692 : vector<128x64xf32>
    %reduce_sum3A_694 = arith.constant dense<0.000000e+00> : vector<128xf32>
    %reduce_sum3A_695 = vector.multi_reduction <add>, %mul3A_693, %reduce_sum3A_694 [1] : vector<128x64xf32> to vector<128xf32>
    %sub3A_696 = arith.subf %mul3A_44, %reduce_sum3A_695 : vector<128xf32>
    %neg3A_697 = arith.constant 0.000000e+00 : f32
    %neg3A_698 = vector.broadcast %neg3A_697 : f32 to vector<128xf32>
    %neg3A_699 = arith.subf %neg3A_698, %sub3A_696 : vector<128xf32>
    %custom_jvp_call3A_700 = arith.constant 0.000000e+00 : f32
    %max3A_701 = vector.broadcast %custom_jvp_call3A_700 : f32 to vector<128xf32>
    %max3A_702 = arith.maximumf %neg3A_699, %max3A_701 : vector<128xf32>
    %sub3A_703 = vector.broadcast %custom_jvp_call3A_700 : f32 to vector<128xf32>
    %sub3A_704 = arith.subf %neg3A_699, %sub3A_703 : vector<128xf32>
    %ne3A_705 = arith.cmpf one, %sub3A_704, %sub3A_704 : vector<128xf32>
    %add3A_706 = vector.broadcast %custom_jvp_call3A_700 : f32 to vector<128xf32>
    %add3A_707 = arith.addf %neg3A_699, %add3A_706 : vector<128xf32>
    %abs3A_708 = math.absf %sub3A_704 : vector<128xf32>
    %neg3A_709 = arith.constant 0.000000e+00 : f32
    %neg3A_710 = vector.broadcast %neg3A_709 : f32 to vector<128xf32>
    %neg3A_711 = arith.subf %neg3A_710, %abs3A_708 : vector<128xf32>
    %exp3A_712 = math.exp %neg3A_711 : vector<128xf32>
    %log1p3A_713 = math.log1p %exp3A_712 : vector<128xf32>
    %add3A_714 = arith.addf %max3A_702, %log1p3A_713 : vector<128xf32>
    %select_n3A_715 = arith.select %ne3A_705, %add3A_707, %add3A_714 : vector<128xi1>, vector<128xf32>
    %neg3A_716 = arith.constant 0.000000e+00 : f32
    %neg3A_717 = vector.broadcast %neg3A_716 : f32 to vector<128xf32>
    %neg3A_718 = arith.subf %neg3A_717, %select_n3A_715 : vector<128xf32>
    %add3A_719 = arith.addf %add3A_667, %neg3A_718 : vector<128xf32>
    %mul3A_720 = arith.mulf %select_n3A_692, %select_n3A_692 : vector<128x64xf32>
    %reduce_sum3A_721 = vector.shape_cast %mul3A_720 : vector<128x64xf32> to vector<1x128x64xf32>
    %reduce_sum3A_722 = arith.constant dense<0.000000e+00> : vector<1xf32>
    %reduce_sum3A_723 = vector.multi_reduction <add>, %reduce_sum3A_721, %reduce_sum3A_722 [1, 2] : vector<1x128x64xf32> to vector<1xf32>
    %reduce_sum3A_724 = vector.shape_cast %reduce_sum3A_723 : vector<1xf32> to vector<1x1x1xf32>
    %reduce_sum3A_725 = vector.extract %reduce_sum3A_724[0, 0, 0] : f32 from vector<1x1x1xf32>
    %add3A_726 = arith.addf %add3A_674, %reduce_sum3A_725 : f32
    %get3A_727 = arith.constant 13 : index
    %get3A_728 = arith.constant 0 : index
    %get3A_729 = arith.constant 0 : index
    %get3A_730 = vector.load %arg3[%get3A_727, %get3A_728, %get3A_729] : memref<40x128x128xf32, #tpu.memory_space<vmem>>, vector<1x128x128xf32>
    %get3A_731 = vector.shape_cast %get3A_730 : vector<1x128x128xf32> to vector<128x128xf32>
    %get3A_732 = arith.constant 13 : index
    %get3A_733 = arith.constant 0 : index
    %get3A_734 = vector.load %arg6[%get3A_732, %get3A_733] : memref<40x128xi32, #tpu.memory_space<vmem>>, vector<1x128xi32>
    %get3A_735 = vector.shape_cast %get3A_734 : vector<1x128xi32> to vector<128xi32>
    %broadcast_in_dim3A_736 = vector.shape_cast %get3A_735 : vector<128xi32> to vector<128x1xi32>
    %slice3A_737 = vector.extract_strided_slice %get3A_731 {offsets = [0, 0], sizes = [128, 64], strides = [1, 1]} : vector<128x128xf32> to vector<128x64xf32>
    %slice3A_738 = vector.extract_strided_slice %get3A_731 {offsets = [0, 64], sizes = [128, 64], strides = [1, 1]} : vector<128x128xf32> to vector<128x64xf32>
    %ge3A_739 = arith.constant 25600 : i32
    %ge3A_740 = vector.broadcast %ge3A_739 : i32 to vector<128x1xi32>
    %ge3A_741 = arith.cmpi sge, %broadcast_in_dim3A_736, %ge3A_740 : vector<128x1xi32>
    %broadcast_in_dim3A_742 = vector.shape_cast %ge3A_741 : vector<128x1xi1> to vector<128x1xi1>
    %broadcast_in_dim3A_743 = vector.broadcast %broadcast_in_dim3A_742 : vector<128x1xi1> to vector<128x64xi1>
    %select_n3A_744 = arith.select %broadcast_in_dim3A_743, %slice3A_738, %slice3A_737 : vector<128x64xi1>, vector<128x64xf32>
    %mul3A_745 = arith.mulf %select_n3A, %select_n3A_744 : vector<128x64xf32>
    %reduce_sum3A_746 = arith.constant dense<0.000000e+00> : vector<128xf32>
    %reduce_sum3A_747 = vector.multi_reduction <add>, %mul3A_745, %reduce_sum3A_746 [1] : vector<128x64xf32> to vector<128xf32>
    %sub3A_748 = arith.subf %mul3A_44, %reduce_sum3A_747 : vector<128xf32>
    %neg3A_749 = arith.constant 0.000000e+00 : f32
    %neg3A_750 = vector.broadcast %neg3A_749 : f32 to vector<128xf32>
    %neg3A_751 = arith.subf %neg3A_750, %sub3A_748 : vector<128xf32>
    %custom_jvp_call3A_752 = arith.constant 0.000000e+00 : f32
    %max3A_753 = vector.broadcast %custom_jvp_call3A_752 : f32 to vector<128xf32>
    %max3A_754 = arith.maximumf %neg3A_751, %max3A_753 : vector<128xf32>
    %sub3A_755 = vector.broadcast %custom_jvp_call3A_752 : f32 to vector<128xf32>
    %sub3A_756 = arith.subf %neg3A_751, %sub3A_755 : vector<128xf32>
    %ne3A_757 = arith.cmpf one, %sub3A_756, %sub3A_756 : vector<128xf32>
    %add3A_758 = vector.broadcast %custom_jvp_call3A_752 : f32 to vector<128xf32>
    %add3A_759 = arith.addf %neg3A_751, %add3A_758 : vector<128xf32>
    %abs3A_760 = math.absf %sub3A_756 : vector<128xf32>
    %neg3A_761 = arith.constant 0.000000e+00 : f32
    %neg3A_762 = vector.broadcast %neg3A_761 : f32 to vector<128xf32>
    %neg3A_763 = arith.subf %neg3A_762, %abs3A_760 : vector<128xf32>
    %exp3A_764 = math.exp %neg3A_763 : vector<128xf32>
    %log1p3A_765 = math.log1p %exp3A_764 : vector<128xf32>
    %add3A_766 = arith.addf %max3A_754, %log1p3A_765 : vector<128xf32>
    %select_n3A_767 = arith.select %ne3A_757, %add3A_759, %add3A_766 : vector<128xi1>, vector<128xf32>
    %neg3A_768 = arith.constant 0.000000e+00 : f32
    %neg3A_769 = vector.broadcast %neg3A_768 : f32 to vector<128xf32>
    %neg3A_770 = arith.subf %neg3A_769, %select_n3A_767 : vector<128xf32>
    %add3A_771 = arith.addf %add3A_719, %neg3A_770 : vector<128xf32>
    %mul3A_772 = arith.mulf %select_n3A_744, %select_n3A_744 : vector<128x64xf32>
    %reduce_sum3A_773 = vector.shape_cast %mul3A_772 : vector<128x64xf32> to vector<1x128x64xf32>
    %reduce_sum3A_774 = arith.constant dense<0.000000e+00> : vector<1xf32>
    %reduce_sum3A_775 = vector.multi_reduction <add>, %reduce_sum3A_773, %reduce_sum3A_774 [1, 2] : vector<1x128x64xf32> to vector<1xf32>
    %reduce_sum3A_776 = vector.shape_cast %reduce_sum3A_775 : vector<1xf32> to vector<1x1x1xf32>
    %reduce_sum3A_777 = vector.extract %reduce_sum3A_776[0, 0, 0] : f32 from vector<1x1x1xf32>
    %add3A_778 = arith.addf %add3A_726, %reduce_sum3A_777 : f32
    %get3A_779 = arith.constant 14 : index
    %get3A_780 = arith.constant 0 : index
    %get3A_781 = arith.constant 0 : index
    %get3A_782 = vector.load %arg3[%get3A_779, %get3A_780, %get3A_781] : memref<40x128x128xf32, #tpu.memory_space<vmem>>, vector<1x128x128xf32>
    %get3A_783 = vector.shape_cast %get3A_782 : vector<1x128x128xf32> to vector<128x128xf32>
    %get3A_784 = arith.constant 14 : index
    %get3A_785 = arith.constant 0 : index
    %get3A_786 = vector.load %arg6[%get3A_784, %get3A_785] : memref<40x128xi32, #tpu.memory_space<vmem>>, vector<1x128xi32>
    %get3A_787 = vector.shape_cast %get3A_786 : vector<1x128xi32> to vector<128xi32>
    %broadcast_in_dim3A_788 = vector.shape_cast %get3A_787 : vector<128xi32> to vector<128x1xi32>
    %slice3A_789 = vector.extract_strided_slice %get3A_783 {offsets = [0, 0], sizes = [128, 64], strides = [1, 1]} : vector<128x128xf32> to vector<128x64xf32>
    %slice3A_790 = vector.extract_strided_slice %get3A_783 {offsets = [0, 64], sizes = [128, 64], strides = [1, 1]} : vector<128x128xf32> to vector<128x64xf32>
    %ge3A_791 = arith.constant 25600 : i32
    %ge3A_792 = vector.broadcast %ge3A_791 : i32 to vector<128x1xi32>
    %ge3A_793 = arith.cmpi sge, %broadcast_in_dim3A_788, %ge3A_792 : vector<128x1xi32>
    %broadcast_in_dim3A_794 = vector.shape_cast %ge3A_793 : vector<128x1xi1> to vector<128x1xi1>
    %broadcast_in_dim3A_795 = vector.broadcast %broadcast_in_dim3A_794 : vector<128x1xi1> to vector<128x64xi1>
    %select_n3A_796 = arith.select %broadcast_in_dim3A_795, %slice3A_790, %slice3A_789 : vector<128x64xi1>, vector<128x64xf32>
    %mul3A_797 = arith.mulf %select_n3A, %select_n3A_796 : vector<128x64xf32>
    %reduce_sum3A_798 = arith.constant dense<0.000000e+00> : vector<128xf32>
    %reduce_sum3A_799 = vector.multi_reduction <add>, %mul3A_797, %reduce_sum3A_798 [1] : vector<128x64xf32> to vector<128xf32>
    %sub3A_800 = arith.subf %mul3A_44, %reduce_sum3A_799 : vector<128xf32>
    %neg3A_801 = arith.constant 0.000000e+00 : f32
    %neg3A_802 = vector.broadcast %neg3A_801 : f32 to vector<128xf32>
    %neg3A_803 = arith.subf %neg3A_802, %sub3A_800 : vector<128xf32>
    %custom_jvp_call3A_804 = arith.constant 0.000000e+00 : f32
    %max3A_805 = vector.broadcast %custom_jvp_call3A_804 : f32 to vector<128xf32>
    %max3A_806 = arith.maximumf %neg3A_803, %max3A_805 : vector<128xf32>
    %sub3A_807 = vector.broadcast %custom_jvp_call3A_804 : f32 to vector<128xf32>
    %sub3A_808 = arith.subf %neg3A_803, %sub3A_807 : vector<128xf32>
    %ne3A_809 = arith.cmpf one, %sub3A_808, %sub3A_808 : vector<128xf32>
    %add3A_810 = vector.broadcast %custom_jvp_call3A_804 : f32 to vector<128xf32>
    %add3A_811 = arith.addf %neg3A_803, %add3A_810 : vector<128xf32>
    %abs3A_812 = math.absf %sub3A_808 : vector<128xf32>
    %neg3A_813 = arith.constant 0.000000e+00 : f32
    %neg3A_814 = vector.broadcast %neg3A_813 : f32 to vector<128xf32>
    %neg3A_815 = arith.subf %neg3A_814, %abs3A_812 : vector<128xf32>
    %exp3A_816 = math.exp %neg3A_815 : vector<128xf32>
    %log1p3A_817 = math.log1p %exp3A_816 : vector<128xf32>
    %add3A_818 = arith.addf %max3A_806, %log1p3A_817 : vector<128xf32>
    %select_n3A_819 = arith.select %ne3A_809, %add3A_811, %add3A_818 : vector<128xi1>, vector<128xf32>
    %neg3A_820 = arith.constant 0.000000e+00 : f32
    %neg3A_821 = vector.broadcast %neg3A_820 : f32 to vector<128xf32>
    %neg3A_822 = arith.subf %neg3A_821, %select_n3A_819 : vector<128xf32>
    %add3A_823 = arith.addf %add3A_771, %neg3A_822 : vector<128xf32>
    %mul3A_824 = arith.mulf %select_n3A_796, %select_n3A_796 : vector<128x64xf32>
    %reduce_sum3A_825 = vector.shape_cast %mul3A_824 : vector<128x64xf32> to vector<1x128x64xf32>
    %reduce_sum3A_826 = arith.constant dense<0.000000e+00> : vector<1xf32>
    %reduce_sum3A_827 = vector.multi_reduction <add>, %reduce_sum3A_825, %reduce_sum3A_826 [1, 2] : vector<1x128x64xf32> to vector<1xf32>
    %reduce_sum3A_828 = vector.shape_cast %reduce_sum3A_827 : vector<1xf32> to vector<1x1x1xf32>
    %reduce_sum3A_829 = vector.extract %reduce_sum3A_828[0, 0, 0] : f32 from vector<1x1x1xf32>
    %add3A_830 = arith.addf %add3A_778, %reduce_sum3A_829 : f32
    %get3A_831 = arith.constant 15 : index
    %get3A_832 = arith.constant 0 : index
    %get3A_833 = arith.constant 0 : index
    %get3A_834 = vector.load %arg3[%get3A_831, %get3A_832, %get3A_833] : memref<40x128x128xf32, #tpu.memory_space<vmem>>, vector<1x128x128xf32>
    %get3A_835 = vector.shape_cast %get3A_834 : vector<1x128x128xf32> to vector<128x128xf32>
    %get3A_836 = arith.constant 15 : index
    %get3A_837 = arith.constant 0 : index
    %get3A_838 = vector.load %arg6[%get3A_836, %get3A_837] : memref<40x128xi32, #tpu.memory_space<vmem>>, vector<1x128xi32>
    %get3A_839 = vector.shape_cast %get3A_838 : vector<1x128xi32> to vector<128xi32>
    %broadcast_in_dim3A_840 = vector.shape_cast %get3A_839 : vector<128xi32> to vector<128x1xi32>
    %slice3A_841 = vector.extract_strided_slice %get3A_835 {offsets = [0, 0], sizes = [128, 64], strides = [1, 1]} : vector<128x128xf32> to vector<128x64xf32>
    %slice3A_842 = vector.extract_strided_slice %get3A_835 {offsets = [0, 64], sizes = [128, 64], strides = [1, 1]} : vector<128x128xf32> to vector<128x64xf32>
    %ge3A_843 = arith.constant 25600 : i32
    %ge3A_844 = vector.broadcast %ge3A_843 : i32 to vector<128x1xi32>
    %ge3A_845 = arith.cmpi sge, %broadcast_in_dim3A_840, %ge3A_844 : vector<128x1xi32>
    %broadcast_in_dim3A_846 = vector.shape_cast %ge3A_845 : vector<128x1xi1> to vector<128x1xi1>
    %broadcast_in_dim3A_847 = vector.broadcast %broadcast_in_dim3A_846 : vector<128x1xi1> to vector<128x64xi1>
    %select_n3A_848 = arith.select %broadcast_in_dim3A_847, %slice3A_842, %slice3A_841 : vector<128x64xi1>, vector<128x64xf32>
    %mul3A_849 = arith.mulf %select_n3A, %select_n3A_848 : vector<128x64xf32>
    %reduce_sum3A_850 = arith.constant dense<0.000000e+00> : vector<128xf32>
    %reduce_sum3A_851 = vector.multi_reduction <add>, %mul3A_849, %reduce_sum3A_850 [1] : vector<128x64xf32> to vector<128xf32>
    %sub3A_852 = arith.subf %mul3A_44, %reduce_sum3A_851 : vector<128xf32>
    %neg3A_853 = arith.constant 0.000000e+00 : f32
    %neg3A_854 = vector.broadcast %neg3A_853 : f32 to vector<128xf32>
    %neg3A_855 = arith.subf %neg3A_854, %sub3A_852 : vector<128xf32>
    %custom_jvp_call3A_856 = arith.constant 0.000000e+00 : f32
    %max3A_857 = vector.broadcast %custom_jvp_call3A_856 : f32 to vector<128xf32>
    %max3A_858 = arith.maximumf %neg3A_855, %max3A_857 : vector<128xf32>
    %sub3A_859 = vector.broadcast %custom_jvp_call3A_856 : f32 to vector<128xf32>
    %sub3A_860 = arith.subf %neg3A_855, %sub3A_859 : vector<128xf32>
    %ne3A_861 = arith.cmpf one, %sub3A_860, %sub3A_860 : vector<128xf32>
    %add3A_862 = vector.broadcast %custom_jvp_call3A_856 : f32 to vector<128xf32>
    %add3A_863 = arith.addf %neg3A_855, %add3A_862 : vector<128xf32>
    %abs3A_864 = math.absf %sub3A_860 : vector<128xf32>
    %neg3A_865 = arith.constant 0.000000e+00 : f32
    %neg3A_866 = vector.broadcast %neg3A_865 : f32 to vector<128xf32>
    %neg3A_867 = arith.subf %neg3A_866, %abs3A_864 : vector<128xf32>
    %exp3A_868 = math.exp %neg3A_867 : vector<128xf32>
    %log1p3A_869 = math.log1p %exp3A_868 : vector<128xf32>
    %add3A_870 = arith.addf %max3A_858, %log1p3A_869 : vector<128xf32>
    %select_n3A_871 = arith.select %ne3A_861, %add3A_863, %add3A_870 : vector<128xi1>, vector<128xf32>
    %neg3A_872 = arith.constant 0.000000e+00 : f32
    %neg3A_873 = vector.broadcast %neg3A_872 : f32 to vector<128xf32>
    %neg3A_874 = arith.subf %neg3A_873, %select_n3A_871 : vector<128xf32>
    %add3A_875 = arith.addf %add3A_823, %neg3A_874 : vector<128xf32>
    %mul3A_876 = arith.mulf %select_n3A_848, %select_n3A_848 : vector<128x64xf32>
    %reduce_sum3A_877 = vector.shape_cast %mul3A_876 : vector<128x64xf32> to vector<1x128x64xf32>
    %reduce_sum3A_878 = arith.constant dense<0.000000e+00> : vector<1xf32>
    %reduce_sum3A_879 = vector.multi_reduction <add>, %reduce_sum3A_877, %reduce_sum3A_878 [1, 2] : vector<1x128x64xf32> to vector<1xf32>
    %reduce_sum3A_880 = vector.shape_cast %reduce_sum3A_879 : vector<1xf32> to vector<1x1x1xf32>
    %reduce_sum3A_881 = vector.extract %reduce_sum3A_880[0, 0, 0] : f32 from vector<1x1x1xf32>
    %add3A_882 = arith.addf %add3A_830, %reduce_sum3A_881 : f32
    %get3A_883 = arith.constant 16 : index
    %get3A_884 = arith.constant 0 : index
    %get3A_885 = arith.constant 0 : index
    %get3A_886 = vector.load %arg3[%get3A_883, %get3A_884, %get3A_885] : memref<40x128x128xf32, #tpu.memory_space<vmem>>, vector<1x128x128xf32>
    %get3A_887 = vector.shape_cast %get3A_886 : vector<1x128x128xf32> to vector<128x128xf32>
    %get3A_888 = arith.constant 16 : index
    %get3A_889 = arith.constant 0 : index
    %get3A_890 = vector.load %arg6[%get3A_888, %get3A_889] : memref<40x128xi32, #tpu.memory_space<vmem>>, vector<1x128xi32>
    %get3A_891 = vector.shape_cast %get3A_890 : vector<1x128xi32> to vector<128xi32>
    %broadcast_in_dim3A_892 = vector.shape_cast %get3A_891 : vector<128xi32> to vector<128x1xi32>
    %slice3A_893 = vector.extract_strided_slice %get3A_887 {offsets = [0, 0], sizes = [128, 64], strides = [1, 1]} : vector<128x128xf32> to vector<128x64xf32>
    %slice3A_894 = vector.extract_strided_slice %get3A_887 {offsets = [0, 64], sizes = [128, 64], strides = [1, 1]} : vector<128x128xf32> to vector<128x64xf32>
    %ge3A_895 = arith.constant 25600 : i32
    %ge3A_896 = vector.broadcast %ge3A_895 : i32 to vector<128x1xi32>
    %ge3A_897 = arith.cmpi sge, %broadcast_in_dim3A_892, %ge3A_896 : vector<128x1xi32>
    %broadcast_in_dim3A_898 = vector.shape_cast %ge3A_897 : vector<128x1xi1> to vector<128x1xi1>
    %broadcast_in_dim3A_899 = vector.broadcast %broadcast_in_dim3A_898 : vector<128x1xi1> to vector<128x64xi1>
    %select_n3A_900 = arith.select %broadcast_in_dim3A_899, %slice3A_894, %slice3A_893 : vector<128x64xi1>, vector<128x64xf32>
    %mul3A_901 = arith.mulf %select_n3A, %select_n3A_900 : vector<128x64xf32>
    %reduce_sum3A_902 = arith.constant dense<0.000000e+00> : vector<128xf32>
    %reduce_sum3A_903 = vector.multi_reduction <add>, %mul3A_901, %reduce_sum3A_902 [1] : vector<128x64xf32> to vector<128xf32>
    %sub3A_904 = arith.subf %mul3A_44, %reduce_sum3A_903 : vector<128xf32>
    %neg3A_905 = arith.constant 0.000000e+00 : f32
    %neg3A_906 = vector.broadcast %neg3A_905 : f32 to vector<128xf32>
    %neg3A_907 = arith.subf %neg3A_906, %sub3A_904 : vector<128xf32>
    %custom_jvp_call3A_908 = arith.constant 0.000000e+00 : f32
    %max3A_909 = vector.broadcast %custom_jvp_call3A_908 : f32 to vector<128xf32>
    %max3A_910 = arith.maximumf %neg3A_907, %max3A_909 : vector<128xf32>
    %sub3A_911 = vector.broadcast %custom_jvp_call3A_908 : f32 to vector<128xf32>
    %sub3A_912 = arith.subf %neg3A_907, %sub3A_911 : vector<128xf32>
    %ne3A_913 = arith.cmpf one, %sub3A_912, %sub3A_912 : vector<128xf32>
    %add3A_914 = vector.broadcast %custom_jvp_call3A_908 : f32 to vector<128xf32>
    %add3A_915 = arith.addf %neg3A_907, %add3A_914 : vector<128xf32>
    %abs3A_916 = math.absf %sub3A_912 : vector<128xf32>
    %neg3A_917 = arith.constant 0.000000e+00 : f32
    %neg3A_918 = vector.broadcast %neg3A_917 : f32 to vector<128xf32>
    %neg3A_919 = arith.subf %neg3A_918, %abs3A_916 : vector<128xf32>
    %exp3A_920 = math.exp %neg3A_919 : vector<128xf32>
    %log1p3A_921 = math.log1p %exp3A_920 : vector<128xf32>
    %add3A_922 = arith.addf %max3A_910, %log1p3A_921 : vector<128xf32>
    %select_n3A_923 = arith.select %ne3A_913, %add3A_915, %add3A_922 : vector<128xi1>, vector<128xf32>
    %neg3A_924 = arith.constant 0.000000e+00 : f32
    %neg3A_925 = vector.broadcast %neg3A_924 : f32 to vector<128xf32>
    %neg3A_926 = arith.subf %neg3A_925, %select_n3A_923 : vector<128xf32>
    %add3A_927 = arith.addf %add3A_875, %neg3A_926 : vector<128xf32>
    %mul3A_928 = arith.mulf %select_n3A_900, %select_n3A_900 : vector<128x64xf32>
    %reduce_sum3A_929 = vector.shape_cast %mul3A_928 : vector<128x64xf32> to vector<1x128x64xf32>
    %reduce_sum3A_930 = arith.constant dense<0.000000e+00> : vector<1xf32>
    %reduce_sum3A_931 = vector.multi_reduction <add>, %reduce_sum3A_929, %reduce_sum3A_930 [1, 2] : vector<1x128x64xf32> to vector<1xf32>
    %reduce_sum3A_932 = vector.shape_cast %reduce_sum3A_931 : vector<1xf32> to vector<1x1x1xf32>
    %reduce_sum3A_933 = vector.extract %reduce_sum3A_932[0, 0, 0] : f32 from vector<1x1x1xf32>
    %add3A_934 = arith.addf %add3A_882, %reduce_sum3A_933 : f32
    %get3A_935 = arith.constant 17 : index
    %get3A_936 = arith.constant 0 : index
    %get3A_937 = arith.constant 0 : index
    %get3A_938 = vector.load %arg3[%get3A_935, %get3A_936, %get3A_937] : memref<40x128x128xf32, #tpu.memory_space<vmem>>, vector<1x128x128xf32>
    %get3A_939 = vector.shape_cast %get3A_938 : vector<1x128x128xf32> to vector<128x128xf32>
    %get3A_940 = arith.constant 17 : index
    %get3A_941 = arith.constant 0 : index
    %get3A_942 = vector.load %arg6[%get3A_940, %get3A_941] : memref<40x128xi32, #tpu.memory_space<vmem>>, vector<1x128xi32>
    %get3A_943 = vector.shape_cast %get3A_942 : vector<1x128xi32> to vector<128xi32>
    %broadcast_in_dim3A_944 = vector.shape_cast %get3A_943 : vector<128xi32> to vector<128x1xi32>
    %slice3A_945 = vector.extract_strided_slice %get3A_939 {offsets = [0, 0], sizes = [128, 64], strides = [1, 1]} : vector<128x128xf32> to vector<128x64xf32>
    %slice3A_946 = vector.extract_strided_slice %get3A_939 {offsets = [0, 64], sizes = [128, 64], strides = [1, 1]} : vector<128x128xf32> to vector<128x64xf32>
    %ge3A_947 = arith.constant 25600 : i32
    %ge3A_948 = vector.broadcast %ge3A_947 : i32 to vector<128x1xi32>
    %ge3A_949 = arith.cmpi sge, %broadcast_in_dim3A_944, %ge3A_948 : vector<128x1xi32>
    %broadcast_in_dim3A_950 = vector.shape_cast %ge3A_949 : vector<128x1xi1> to vector<128x1xi1>
    %broadcast_in_dim3A_951 = vector.broadcast %broadcast_in_dim3A_950 : vector<128x1xi1> to vector<128x64xi1>
    %select_n3A_952 = arith.select %broadcast_in_dim3A_951, %slice3A_946, %slice3A_945 : vector<128x64xi1>, vector<128x64xf32>
    %mul3A_953 = arith.mulf %select_n3A, %select_n3A_952 : vector<128x64xf32>
    %reduce_sum3A_954 = arith.constant dense<0.000000e+00> : vector<128xf32>
    %reduce_sum3A_955 = vector.multi_reduction <add>, %mul3A_953, %reduce_sum3A_954 [1] : vector<128x64xf32> to vector<128xf32>
    %sub3A_956 = arith.subf %mul3A_44, %reduce_sum3A_955 : vector<128xf32>
    %neg3A_957 = arith.constant 0.000000e+00 : f32
    %neg3A_958 = vector.broadcast %neg3A_957 : f32 to vector<128xf32>
    %neg3A_959 = arith.subf %neg3A_958, %sub3A_956 : vector<128xf32>
    %custom_jvp_call3A_960 = arith.constant 0.000000e+00 : f32
    %max3A_961 = vector.broadcast %custom_jvp_call3A_960 : f32 to vector<128xf32>
    %max3A_962 = arith.maximumf %neg3A_959, %max3A_961 : vector<128xf32>
    %sub3A_963 = vector.broadcast %custom_jvp_call3A_960 : f32 to vector<128xf32>
    %sub3A_964 = arith.subf %neg3A_959, %sub3A_963 : vector<128xf32>
    %ne3A_965 = arith.cmpf one, %sub3A_964, %sub3A_964 : vector<128xf32>
    %add3A_966 = vector.broadcast %custom_jvp_call3A_960 : f32 to vector<128xf32>
    %add3A_967 = arith.addf %neg3A_959, %add3A_966 : vector<128xf32>
    %abs3A_968 = math.absf %sub3A_964 : vector<128xf32>
    %neg3A_969 = arith.constant 0.000000e+00 : f32
    %neg3A_970 = vector.broadcast %neg3A_969 : f32 to vector<128xf32>
    %neg3A_971 = arith.subf %neg3A_970, %abs3A_968 : vector<128xf32>
    %exp3A_972 = math.exp %neg3A_971 : vector<128xf32>
    %log1p3A_973 = math.log1p %exp3A_972 : vector<128xf32>
    %add3A_974 = arith.addf %max3A_962, %log1p3A_973 : vector<128xf32>
    %select_n3A_975 = arith.select %ne3A_965, %add3A_967, %add3A_974 : vector<128xi1>, vector<128xf32>
    %neg3A_976 = arith.constant 0.000000e+00 : f32
    %neg3A_977 = vector.broadcast %neg3A_976 : f32 to vector<128xf32>
    %neg3A_978 = arith.subf %neg3A_977, %select_n3A_975 : vector<128xf32>
    %add3A_979 = arith.addf %add3A_927, %neg3A_978 : vector<128xf32>
    %mul3A_980 = arith.mulf %select_n3A_952, %select_n3A_952 : vector<128x64xf32>
    %reduce_sum3A_981 = vector.shape_cast %mul3A_980 : vector<128x64xf32> to vector<1x128x64xf32>
    %reduce_sum3A_982 = arith.constant dense<0.000000e+00> : vector<1xf32>
    %reduce_sum3A_983 = vector.multi_reduction <add>, %reduce_sum3A_981, %reduce_sum3A_982 [1, 2] : vector<1x128x64xf32> to vector<1xf32>
    %reduce_sum3A_984 = vector.shape_cast %reduce_sum3A_983 : vector<1xf32> to vector<1x1x1xf32>
    %reduce_sum3A_985 = vector.extract %reduce_sum3A_984[0, 0, 0] : f32 from vector<1x1x1xf32>
    %add3A_986 = arith.addf %add3A_934, %reduce_sum3A_985 : f32
    %get3A_987 = arith.constant 18 : index
    %get3A_988 = arith.constant 0 : index
    %get3A_989 = arith.constant 0 : index
    %get3A_990 = vector.load %arg3[%get3A_987, %get3A_988, %get3A_989] : memref<40x128x128xf32, #tpu.memory_space<vmem>>, vector<1x128x128xf32>
    %get3A_991 = vector.shape_cast %get3A_990 : vector<1x128x128xf32> to vector<128x128xf32>
    %get3A_992 = arith.constant 18 : index
    %get3A_993 = arith.constant 0 : index
    %get3A_994 = vector.load %arg6[%get3A_992, %get3A_993] : memref<40x128xi32, #tpu.memory_space<vmem>>, vector<1x128xi32>
    %get3A_995 = vector.shape_cast %get3A_994 : vector<1x128xi32> to vector<128xi32>
    %broadcast_in_dim3A_996 = vector.shape_cast %get3A_995 : vector<128xi32> to vector<128x1xi32>
    %slice3A_997 = vector.extract_strided_slice %get3A_991 {offsets = [0, 0], sizes = [128, 64], strides = [1, 1]} : vector<128x128xf32> to vector<128x64xf32>
    %slice3A_998 = vector.extract_strided_slice %get3A_991 {offsets = [0, 64], sizes = [128, 64], strides = [1, 1]} : vector<128x128xf32> to vector<128x64xf32>
    %ge3A_999 = arith.constant 25600 : i32
    %ge3A_1000 = vector.broadcast %ge3A_999 : i32 to vector<128x1xi32>
    %ge3A_1001 = arith.cmpi sge, %broadcast_in_dim3A_996, %ge3A_1000 : vector<128x1xi32>
    %broadcast_in_dim3A_1002 = vector.shape_cast %ge3A_1001 : vector<128x1xi1> to vector<128x1xi1>
    %broadcast_in_dim3A_1003 = vector.broadcast %broadcast_in_dim3A_1002 : vector<128x1xi1> to vector<128x64xi1>
    %select_n3A_1004 = arith.select %broadcast_in_dim3A_1003, %slice3A_998, %slice3A_997 : vector<128x64xi1>, vector<128x64xf32>
    %mul3A_1005 = arith.mulf %select_n3A, %select_n3A_1004 : vector<128x64xf32>
    %reduce_sum3A_1006 = arith.constant dense<0.000000e+00> : vector<128xf32>
    %reduce_sum3A_1007 = vector.multi_reduction <add>, %mul3A_1005, %reduce_sum3A_1006 [1] : vector<128x64xf32> to vector<128xf32>
    %sub3A_1008 = arith.subf %mul3A_44, %reduce_sum3A_1007 : vector<128xf32>
    %neg3A_1009 = arith.constant 0.000000e+00 : f32
    %neg3A_1010 = vector.broadcast %neg3A_1009 : f32 to vector<128xf32>
    %neg3A_1011 = arith.subf %neg3A_1010, %sub3A_1008 : vector<128xf32>
    %custom_jvp_call3A_1012 = arith.constant 0.000000e+00 : f32
    %max3A_1013 = vector.broadcast %custom_jvp_call3A_1012 : f32 to vector<128xf32>
    %max3A_1014 = arith.maximumf %neg3A_1011, %max3A_1013 : vector<128xf32>
    %sub3A_1015 = vector.broadcast %custom_jvp_call3A_1012 : f32 to vector<128xf32>
    %sub3A_1016 = arith.subf %neg3A_1011, %sub3A_1015 : vector<128xf32>
    %ne3A_1017 = arith.cmpf one, %sub3A_1016, %sub3A_1016 : vector<128xf32>
    %add3A_1018 = vector.broadcast %custom_jvp_call3A_1012 : f32 to vector<128xf32>
    %add3A_1019 = arith.addf %neg3A_1011, %add3A_1018 : vector<128xf32>
    %abs3A_1020 = math.absf %sub3A_1016 : vector<128xf32>
    %neg3A_1021 = arith.constant 0.000000e+00 : f32
    %neg3A_1022 = vector.broadcast %neg3A_1021 : f32 to vector<128xf32>
    %neg3A_1023 = arith.subf %neg3A_1022, %abs3A_1020 : vector<128xf32>
    %exp3A_1024 = math.exp %neg3A_1023 : vector<128xf32>
    %log1p3A_1025 = math.log1p %exp3A_1024 : vector<128xf32>
    %add3A_1026 = arith.addf %max3A_1014, %log1p3A_1025 : vector<128xf32>
    %select_n3A_1027 = arith.select %ne3A_1017, %add3A_1019, %add3A_1026 : vector<128xi1>, vector<128xf32>
    %neg3A_1028 = arith.constant 0.000000e+00 : f32
    %neg3A_1029 = vector.broadcast %neg3A_1028 : f32 to vector<128xf32>
    %neg3A_1030 = arith.subf %neg3A_1029, %select_n3A_1027 : vector<128xf32>
    %add3A_1031 = arith.addf %add3A_979, %neg3A_1030 : vector<128xf32>
    %mul3A_1032 = arith.mulf %select_n3A_1004, %select_n3A_1004 : vector<128x64xf32>
    %reduce_sum3A_1033 = vector.shape_cast %mul3A_1032 : vector<128x64xf32> to vector<1x128x64xf32>
    %reduce_sum3A_1034 = arith.constant dense<0.000000e+00> : vector<1xf32>
    %reduce_sum3A_1035 = vector.multi_reduction <add>, %reduce_sum3A_1033, %reduce_sum3A_1034 [1, 2] : vector<1x128x64xf32> to vector<1xf32>
    %reduce_sum3A_1036 = vector.shape_cast %reduce_sum3A_1035 : vector<1xf32> to vector<1x1x1xf32>
    %reduce_sum3A_1037 = vector.extract %reduce_sum3A_1036[0, 0, 0] : f32 from vector<1x1x1xf32>
    %add3A_1038 = arith.addf %add3A_986, %reduce_sum3A_1037 : f32
    %get3A_1039 = arith.constant 19 : index
    %get3A_1040 = arith.constant 0 : index
    %get3A_1041 = arith.constant 0 : index
    %get3A_1042 = vector.load %arg3[%get3A_1039, %get3A_1040, %get3A_1041] : memref<40x128x128xf32, #tpu.memory_space<vmem>>, vector<1x128x128xf32>
    %get3A_1043 = vector.shape_cast %get3A_1042 : vector<1x128x128xf32> to vector<128x128xf32>
    %get3A_1044 = arith.constant 19 : index
    %get3A_1045 = arith.constant 0 : index
    %get3A_1046 = vector.load %arg6[%get3A_1044, %get3A_1045] : memref<40x128xi32, #tpu.memory_space<vmem>>, vector<1x128xi32>
    %get3A_1047 = vector.shape_cast %get3A_1046 : vector<1x128xi32> to vector<128xi32>
    %broadcast_in_dim3A_1048 = vector.shape_cast %get3A_1047 : vector<128xi32> to vector<128x1xi32>
    %slice3A_1049 = vector.extract_strided_slice %get3A_1043 {offsets = [0, 0], sizes = [128, 64], strides = [1, 1]} : vector<128x128xf32> to vector<128x64xf32>
    %slice3A_1050 = vector.extract_strided_slice %get3A_1043 {offsets = [0, 64], sizes = [128, 64], strides = [1, 1]} : vector<128x128xf32> to vector<128x64xf32>
    %ge3A_1051 = arith.constant 25600 : i32
    %ge3A_1052 = vector.broadcast %ge3A_1051 : i32 to vector<128x1xi32>
    %ge3A_1053 = arith.cmpi sge, %broadcast_in_dim3A_1048, %ge3A_1052 : vector<128x1xi32>
    %broadcast_in_dim3A_1054 = vector.shape_cast %ge3A_1053 : vector<128x1xi1> to vector<128x1xi1>
    %broadcast_in_dim3A_1055 = vector.broadcast %broadcast_in_dim3A_1054 : vector<128x1xi1> to vector<128x64xi1>
    %select_n3A_1056 = arith.select %broadcast_in_dim3A_1055, %slice3A_1050, %slice3A_1049 : vector<128x64xi1>, vector<128x64xf32>
    %mul3A_1057 = arith.mulf %select_n3A, %select_n3A_1056 : vector<128x64xf32>
    %reduce_sum3A_1058 = arith.constant dense<0.000000e+00> : vector<128xf32>
    %reduce_sum3A_1059 = vector.multi_reduction <add>, %mul3A_1057, %reduce_sum3A_1058 [1] : vector<128x64xf32> to vector<128xf32>
    %sub3A_1060 = arith.subf %mul3A_44, %reduce_sum3A_1059 : vector<128xf32>
    %neg3A_1061 = arith.constant 0.000000e+00 : f32
    %neg3A_1062 = vector.broadcast %neg3A_1061 : f32 to vector<128xf32>
    %neg3A_1063 = arith.subf %neg3A_1062, %sub3A_1060 : vector<128xf32>
    %custom_jvp_call3A_1064 = arith.constant 0.000000e+00 : f32
    %max3A_1065 = vector.broadcast %custom_jvp_call3A_1064 : f32 to vector<128xf32>
    %max3A_1066 = arith.maximumf %neg3A_1063, %max3A_1065 : vector<128xf32>
    %sub3A_1067 = vector.broadcast %custom_jvp_call3A_1064 : f32 to vector<128xf32>
    %sub3A_1068 = arith.subf %neg3A_1063, %sub3A_1067 : vector<128xf32>
    %ne3A_1069 = arith.cmpf one, %sub3A_1068, %sub3A_1068 : vector<128xf32>
    %add3A_1070 = vector.broadcast %custom_jvp_call3A_1064 : f32 to vector<128xf32>
    %add3A_1071 = arith.addf %neg3A_1063, %add3A_1070 : vector<128xf32>
    %abs3A_1072 = math.absf %sub3A_1068 : vector<128xf32>
    %neg3A_1073 = arith.constant 0.000000e+00 : f32
    %neg3A_1074 = vector.broadcast %neg3A_1073 : f32 to vector<128xf32>
    %neg3A_1075 = arith.subf %neg3A_1074, %abs3A_1072 : vector<128xf32>
    %exp3A_1076 = math.exp %neg3A_1075 : vector<128xf32>
    %log1p3A_1077 = math.log1p %exp3A_1076 : vector<128xf32>
    %add3A_1078 = arith.addf %max3A_1066, %log1p3A_1077 : vector<128xf32>
    %select_n3A_1079 = arith.select %ne3A_1069, %add3A_1071, %add3A_1078 : vector<128xi1>, vector<128xf32>
    %neg3A_1080 = arith.constant 0.000000e+00 : f32
    %neg3A_1081 = vector.broadcast %neg3A_1080 : f32 to vector<128xf32>
    %neg3A_1082 = arith.subf %neg3A_1081, %select_n3A_1079 : vector<128xf32>
    %add3A_1083 = arith.addf %add3A_1031, %neg3A_1082 : vector<128xf32>
    %mul3A_1084 = arith.mulf %select_n3A_1056, %select_n3A_1056 : vector<128x64xf32>
    %reduce_sum3A_1085 = vector.shape_cast %mul3A_1084 : vector<128x64xf32> to vector<1x128x64xf32>
    %reduce_sum3A_1086 = arith.constant dense<0.000000e+00> : vector<1xf32>
    %reduce_sum3A_1087 = vector.multi_reduction <add>, %reduce_sum3A_1085, %reduce_sum3A_1086 [1, 2] : vector<1x128x64xf32> to vector<1xf32>
    %reduce_sum3A_1088 = vector.shape_cast %reduce_sum3A_1087 : vector<1xf32> to vector<1x1x1xf32>
    %reduce_sum3A_1089 = vector.extract %reduce_sum3A_1088[0, 0, 0] : f32 from vector<1x1x1xf32>
    %add3A_1090 = arith.addf %add3A_1038, %reduce_sum3A_1089 : f32
    %get3A_1091 = arith.constant 20 : index
    %get3A_1092 = arith.constant 0 : index
    %get3A_1093 = arith.constant 0 : index
    %get3A_1094 = vector.load %arg3[%get3A_1091, %get3A_1092, %get3A_1093] : memref<40x128x128xf32, #tpu.memory_space<vmem>>, vector<1x128x128xf32>
    %get3A_1095 = vector.shape_cast %get3A_1094 : vector<1x128x128xf32> to vector<128x128xf32>
    %get3A_1096 = arith.constant 20 : index
    %get3A_1097 = arith.constant 0 : index
    %get3A_1098 = vector.load %arg6[%get3A_1096, %get3A_1097] : memref<40x128xi32, #tpu.memory_space<vmem>>, vector<1x128xi32>
    %get3A_1099 = vector.shape_cast %get3A_1098 : vector<1x128xi32> to vector<128xi32>
    %broadcast_in_dim3A_1100 = vector.shape_cast %get3A_1099 : vector<128xi32> to vector<128x1xi32>
    %slice3A_1101 = vector.extract_strided_slice %get3A_1095 {offsets = [0, 0], sizes = [128, 64], strides = [1, 1]} : vector<128x128xf32> to vector<128x64xf32>
    %slice3A_1102 = vector.extract_strided_slice %get3A_1095 {offsets = [0, 64], sizes = [128, 64], strides = [1, 1]} : vector<128x128xf32> to vector<128x64xf32>
    %ge3A_1103 = arith.constant 25600 : i32
    %ge3A_1104 = vector.broadcast %ge3A_1103 : i32 to vector<128x1xi32>
    %ge3A_1105 = arith.cmpi sge, %broadcast_in_dim3A_1100, %ge3A_1104 : vector<128x1xi32>
    %broadcast_in_dim3A_1106 = vector.shape_cast %ge3A_1105 : vector<128x1xi1> to vector<128x1xi1>
    %broadcast_in_dim3A_1107 = vector.broadcast %broadcast_in_dim3A_1106 : vector<128x1xi1> to vector<128x64xi1>
    %select_n3A_1108 = arith.select %broadcast_in_dim3A_1107, %slice3A_1102, %slice3A_1101 : vector<128x64xi1>, vector<128x64xf32>
    %mul3A_1109 = arith.mulf %select_n3A, %select_n3A_1108 : vector<128x64xf32>
    %reduce_sum3A_1110 = arith.constant dense<0.000000e+00> : vector<128xf32>
    %reduce_sum3A_1111 = vector.multi_reduction <add>, %mul3A_1109, %reduce_sum3A_1110 [1] : vector<128x64xf32> to vector<128xf32>
    %sub3A_1112 = arith.subf %mul3A_44, %reduce_sum3A_1111 : vector<128xf32>
    %neg3A_1113 = arith.constant 0.000000e+00 : f32
    %neg3A_1114 = vector.broadcast %neg3A_1113 : f32 to vector<128xf32>
    %neg3A_1115 = arith.subf %neg3A_1114, %sub3A_1112 : vector<128xf32>
    %custom_jvp_call3A_1116 = arith.constant 0.000000e+00 : f32
    %max3A_1117 = vector.broadcast %custom_jvp_call3A_1116 : f32 to vector<128xf32>
    %max3A_1118 = arith.maximumf %neg3A_1115, %max3A_1117 : vector<128xf32>
    %sub3A_1119 = vector.broadcast %custom_jvp_call3A_1116 : f32 to vector<128xf32>
    %sub3A_1120 = arith.subf %neg3A_1115, %sub3A_1119 : vector<128xf32>
    %ne3A_1121 = arith.cmpf one, %sub3A_1120, %sub3A_1120 : vector<128xf32>
    %add3A_1122 = vector.broadcast %custom_jvp_call3A_1116 : f32 to vector<128xf32>
    %add3A_1123 = arith.addf %neg3A_1115, %add3A_1122 : vector<128xf32>
    %abs3A_1124 = math.absf %sub3A_1120 : vector<128xf32>
    %neg3A_1125 = arith.constant 0.000000e+00 : f32
    %neg3A_1126 = vector.broadcast %neg3A_1125 : f32 to vector<128xf32>
    %neg3A_1127 = arith.subf %neg3A_1126, %abs3A_1124 : vector<128xf32>
    %exp3A_1128 = math.exp %neg3A_1127 : vector<128xf32>
    %log1p3A_1129 = math.log1p %exp3A_1128 : vector<128xf32>
    %add3A_1130 = arith.addf %max3A_1118, %log1p3A_1129 : vector<128xf32>
    %select_n3A_1131 = arith.select %ne3A_1121, %add3A_1123, %add3A_1130 : vector<128xi1>, vector<128xf32>
    %neg3A_1132 = arith.constant 0.000000e+00 : f32
    %neg3A_1133 = vector.broadcast %neg3A_1132 : f32 to vector<128xf32>
    %neg3A_1134 = arith.subf %neg3A_1133, %select_n3A_1131 : vector<128xf32>
    %add3A_1135 = arith.addf %add3A_1083, %neg3A_1134 : vector<128xf32>
    %mul3A_1136 = arith.mulf %select_n3A_1108, %select_n3A_1108 : vector<128x64xf32>
    %reduce_sum3A_1137 = vector.shape_cast %mul3A_1136 : vector<128x64xf32> to vector<1x128x64xf32>
    %reduce_sum3A_1138 = arith.constant dense<0.000000e+00> : vector<1xf32>
    %reduce_sum3A_1139 = vector.multi_reduction <add>, %reduce_sum3A_1137, %reduce_sum3A_1138 [1, 2] : vector<1x128x64xf32> to vector<1xf32>
    %reduce_sum3A_1140 = vector.shape_cast %reduce_sum3A_1139 : vector<1xf32> to vector<1x1x1xf32>
    %reduce_sum3A_1141 = vector.extract %reduce_sum3A_1140[0, 0, 0] : f32 from vector<1x1x1xf32>
    %add3A_1142 = arith.addf %add3A_1090, %reduce_sum3A_1141 : f32
    %get3A_1143 = arith.constant 21 : index
    %get3A_1144 = arith.constant 0 : index
    %get3A_1145 = arith.constant 0 : index
    %get3A_1146 = vector.load %arg3[%get3A_1143, %get3A_1144, %get3A_1145] : memref<40x128x128xf32, #tpu.memory_space<vmem>>, vector<1x128x128xf32>
    %get3A_1147 = vector.shape_cast %get3A_1146 : vector<1x128x128xf32> to vector<128x128xf32>
    %get3A_1148 = arith.constant 21 : index
    %get3A_1149 = arith.constant 0 : index
    %get3A_1150 = vector.load %arg6[%get3A_1148, %get3A_1149] : memref<40x128xi32, #tpu.memory_space<vmem>>, vector<1x128xi32>
    %get3A_1151 = vector.shape_cast %get3A_1150 : vector<1x128xi32> to vector<128xi32>
    %broadcast_in_dim3A_1152 = vector.shape_cast %get3A_1151 : vector<128xi32> to vector<128x1xi32>
    %slice3A_1153 = vector.extract_strided_slice %get3A_1147 {offsets = [0, 0], sizes = [128, 64], strides = [1, 1]} : vector<128x128xf32> to vector<128x64xf32>
    %slice3A_1154 = vector.extract_strided_slice %get3A_1147 {offsets = [0, 64], sizes = [128, 64], strides = [1, 1]} : vector<128x128xf32> to vector<128x64xf32>
    %ge3A_1155 = arith.constant 25600 : i32
    %ge3A_1156 = vector.broadcast %ge3A_1155 : i32 to vector<128x1xi32>
    %ge3A_1157 = arith.cmpi sge, %broadcast_in_dim3A_1152, %ge3A_1156 : vector<128x1xi32>
    %broadcast_in_dim3A_1158 = vector.shape_cast %ge3A_1157 : vector<128x1xi1> to vector<128x1xi1>
    %broadcast_in_dim3A_1159 = vector.broadcast %broadcast_in_dim3A_1158 : vector<128x1xi1> to vector<128x64xi1>
    %select_n3A_1160 = arith.select %broadcast_in_dim3A_1159, %slice3A_1154, %slice3A_1153 : vector<128x64xi1>, vector<128x64xf32>
    %mul3A_1161 = arith.mulf %select_n3A, %select_n3A_1160 : vector<128x64xf32>
    %reduce_sum3A_1162 = arith.constant dense<0.000000e+00> : vector<128xf32>
    %reduce_sum3A_1163 = vector.multi_reduction <add>, %mul3A_1161, %reduce_sum3A_1162 [1] : vector<128x64xf32> to vector<128xf32>
    %sub3A_1164 = arith.subf %mul3A_44, %reduce_sum3A_1163 : vector<128xf32>
    %neg3A_1165 = arith.constant 0.000000e+00 : f32
    %neg3A_1166 = vector.broadcast %neg3A_1165 : f32 to vector<128xf32>
    %neg3A_1167 = arith.subf %neg3A_1166, %sub3A_1164 : vector<128xf32>
    %custom_jvp_call3A_1168 = arith.constant 0.000000e+00 : f32
    %max3A_1169 = vector.broadcast %custom_jvp_call3A_1168 : f32 to vector<128xf32>
    %max3A_1170 = arith.maximumf %neg3A_1167, %max3A_1169 : vector<128xf32>
    %sub3A_1171 = vector.broadcast %custom_jvp_call3A_1168 : f32 to vector<128xf32>
    %sub3A_1172 = arith.subf %neg3A_1167, %sub3A_1171 : vector<128xf32>
    %ne3A_1173 = arith.cmpf one, %sub3A_1172, %sub3A_1172 : vector<128xf32>
    %add3A_1174 = vector.broadcast %custom_jvp_call3A_1168 : f32 to vector<128xf32>
    %add3A_1175 = arith.addf %neg3A_1167, %add3A_1174 : vector<128xf32>
    %abs3A_1176 = math.absf %sub3A_1172 : vector<128xf32>
    %neg3A_1177 = arith.constant 0.000000e+00 : f32
    %neg3A_1178 = vector.broadcast %neg3A_1177 : f32 to vector<128xf32>
    %neg3A_1179 = arith.subf %neg3A_1178, %abs3A_1176 : vector<128xf32>
    %exp3A_1180 = math.exp %neg3A_1179 : vector<128xf32>
    %log1p3A_1181 = math.log1p %exp3A_1180 : vector<128xf32>
    %add3A_1182 = arith.addf %max3A_1170, %log1p3A_1181 : vector<128xf32>
    %select_n3A_1183 = arith.select %ne3A_1173, %add3A_1175, %add3A_1182 : vector<128xi1>, vector<128xf32>
    %neg3A_1184 = arith.constant 0.000000e+00 : f32
    %neg3A_1185 = vector.broadcast %neg3A_1184 : f32 to vector<128xf32>
    %neg3A_1186 = arith.subf %neg3A_1185, %select_n3A_1183 : vector<128xf32>
    %add3A_1187 = arith.addf %add3A_1135, %neg3A_1186 : vector<128xf32>
    %mul3A_1188 = arith.mulf %select_n3A_1160, %select_n3A_1160 : vector<128x64xf32>
    %reduce_sum3A_1189 = vector.shape_cast %mul3A_1188 : vector<128x64xf32> to vector<1x128x64xf32>
    %reduce_sum3A_1190 = arith.constant dense<0.000000e+00> : vector<1xf32>
    %reduce_sum3A_1191 = vector.multi_reduction <add>, %reduce_sum3A_1189, %reduce_sum3A_1190 [1, 2] : vector<1x128x64xf32> to vector<1xf32>
    %reduce_sum3A_1192 = vector.shape_cast %reduce_sum3A_1191 : vector<1xf32> to vector<1x1x1xf32>
    %reduce_sum3A_1193 = vector.extract %reduce_sum3A_1192[0, 0, 0] : f32 from vector<1x1x1xf32>
    %add3A_1194 = arith.addf %add3A_1142, %reduce_sum3A_1193 : f32
    %get3A_1195 = arith.constant 22 : index
    %get3A_1196 = arith.constant 0 : index
    %get3A_1197 = arith.constant 0 : index
    %get3A_1198 = vector.load %arg3[%get3A_1195, %get3A_1196, %get3A_1197] : memref<40x128x128xf32, #tpu.memory_space<vmem>>, vector<1x128x128xf32>
    %get3A_1199 = vector.shape_cast %get3A_1198 : vector<1x128x128xf32> to vector<128x128xf32>
    %get3A_1200 = arith.constant 22 : index
    %get3A_1201 = arith.constant 0 : index
    %get3A_1202 = vector.load %arg6[%get3A_1200, %get3A_1201] : memref<40x128xi32, #tpu.memory_space<vmem>>, vector<1x128xi32>
    %get3A_1203 = vector.shape_cast %get3A_1202 : vector<1x128xi32> to vector<128xi32>
    %broadcast_in_dim3A_1204 = vector.shape_cast %get3A_1203 : vector<128xi32> to vector<128x1xi32>
    %slice3A_1205 = vector.extract_strided_slice %get3A_1199 {offsets = [0, 0], sizes = [128, 64], strides = [1, 1]} : vector<128x128xf32> to vector<128x64xf32>
    %slice3A_1206 = vector.extract_strided_slice %get3A_1199 {offsets = [0, 64], sizes = [128, 64], strides = [1, 1]} : vector<128x128xf32> to vector<128x64xf32>
    %ge3A_1207 = arith.constant 25600 : i32
    %ge3A_1208 = vector.broadcast %ge3A_1207 : i32 to vector<128x1xi32>
    %ge3A_1209 = arith.cmpi sge, %broadcast_in_dim3A_1204, %ge3A_1208 : vector<128x1xi32>
    %broadcast_in_dim3A_1210 = vector.shape_cast %ge3A_1209 : vector<128x1xi1> to vector<128x1xi1>
    %broadcast_in_dim3A_1211 = vector.broadcast %broadcast_in_dim3A_1210 : vector<128x1xi1> to vector<128x64xi1>
    %select_n3A_1212 = arith.select %broadcast_in_dim3A_1211, %slice3A_1206, %slice3A_1205 : vector<128x64xi1>, vector<128x64xf32>
    %mul3A_1213 = arith.mulf %select_n3A, %select_n3A_1212 : vector<128x64xf32>
    %reduce_sum3A_1214 = arith.constant dense<0.000000e+00> : vector<128xf32>
    %reduce_sum3A_1215 = vector.multi_reduction <add>, %mul3A_1213, %reduce_sum3A_1214 [1] : vector<128x64xf32> to vector<128xf32>
    %sub3A_1216 = arith.subf %mul3A_44, %reduce_sum3A_1215 : vector<128xf32>
    %neg3A_1217 = arith.constant 0.000000e+00 : f32
    %neg3A_1218 = vector.broadcast %neg3A_1217 : f32 to vector<128xf32>
    %neg3A_1219 = arith.subf %neg3A_1218, %sub3A_1216 : vector<128xf32>
    %custom_jvp_call3A_1220 = arith.constant 0.000000e+00 : f32
    %max3A_1221 = vector.broadcast %custom_jvp_call3A_1220 : f32 to vector<128xf32>
    %max3A_1222 = arith.maximumf %neg3A_1219, %max3A_1221 : vector<128xf32>
    %sub3A_1223 = vector.broadcast %custom_jvp_call3A_1220 : f32 to vector<128xf32>
    %sub3A_1224 = arith.subf %neg3A_1219, %sub3A_1223 : vector<128xf32>
    %ne3A_1225 = arith.cmpf one, %sub3A_1224, %sub3A_1224 : vector<128xf32>
    %add3A_1226 = vector.broadcast %custom_jvp_call3A_1220 : f32 to vector<128xf32>
    %add3A_1227 = arith.addf %neg3A_1219, %add3A_1226 : vector<128xf32>
    %abs3A_1228 = math.absf %sub3A_1224 : vector<128xf32>
    %neg3A_1229 = arith.constant 0.000000e+00 : f32
    %neg3A_1230 = vector.broadcast %neg3A_1229 : f32 to vector<128xf32>
    %neg3A_1231 = arith.subf %neg3A_1230, %abs3A_1228 : vector<128xf32>
    %exp3A_1232 = math.exp %neg3A_1231 : vector<128xf32>
    %log1p3A_1233 = math.log1p %exp3A_1232 : vector<128xf32>
    %add3A_1234 = arith.addf %max3A_1222, %log1p3A_1233 : vector<128xf32>
    %select_n3A_1235 = arith.select %ne3A_1225, %add3A_1227, %add3A_1234 : vector<128xi1>, vector<128xf32>
    %neg3A_1236 = arith.constant 0.000000e+00 : f32
    %neg3A_1237 = vector.broadcast %neg3A_1236 : f32 to vector<128xf32>
    %neg3A_1238 = arith.subf %neg3A_1237, %select_n3A_1235 : vector<128xf32>
    %add3A_1239 = arith.addf %add3A_1187, %neg3A_1238 : vector<128xf32>
    %mul3A_1240 = arith.mulf %select_n3A_1212, %select_n3A_1212 : vector<128x64xf32>
    %reduce_sum3A_1241 = vector.shape_cast %mul3A_1240 : vector<128x64xf32> to vector<1x128x64xf32>
    %reduce_sum3A_1242 = arith.constant dense<0.000000e+00> : vector<1xf32>
    %reduce_sum3A_1243 = vector.multi_reduction <add>, %reduce_sum3A_1241, %reduce_sum3A_1242 [1, 2] : vector<1x128x64xf32> to vector<1xf32>
    %reduce_sum3A_1244 = vector.shape_cast %reduce_sum3A_1243 : vector<1xf32> to vector<1x1x1xf32>
    %reduce_sum3A_1245 = vector.extract %reduce_sum3A_1244[0, 0, 0] : f32 from vector<1x1x1xf32>
    %add3A_1246 = arith.addf %add3A_1194, %reduce_sum3A_1245 : f32
    %get3A_1247 = arith.constant 23 : index
    %get3A_1248 = arith.constant 0 : index
    %get3A_1249 = arith.constant 0 : index
    %get3A_1250 = vector.load %arg3[%get3A_1247, %get3A_1248, %get3A_1249] : memref<40x128x128xf32, #tpu.memory_space<vmem>>, vector<1x128x128xf32>
    %get3A_1251 = vector.shape_cast %get3A_1250 : vector<1x128x128xf32> to vector<128x128xf32>
    %get3A_1252 = arith.constant 23 : index
    %get3A_1253 = arith.constant 0 : index
    %get3A_1254 = vector.load %arg6[%get3A_1252, %get3A_1253] : memref<40x128xi32, #tpu.memory_space<vmem>>, vector<1x128xi32>
    %get3A_1255 = vector.shape_cast %get3A_1254 : vector<1x128xi32> to vector<128xi32>
    %broadcast_in_dim3A_1256 = vector.shape_cast %get3A_1255 : vector<128xi32> to vector<128x1xi32>
    %slice3A_1257 = vector.extract_strided_slice %get3A_1251 {offsets = [0, 0], sizes = [128, 64], strides = [1, 1]} : vector<128x128xf32> to vector<128x64xf32>
    %slice3A_1258 = vector.extract_strided_slice %get3A_1251 {offsets = [0, 64], sizes = [128, 64], strides = [1, 1]} : vector<128x128xf32> to vector<128x64xf32>
    %ge3A_1259 = arith.constant 25600 : i32
    %ge3A_1260 = vector.broadcast %ge3A_1259 : i32 to vector<128x1xi32>
    %ge3A_1261 = arith.cmpi sge, %broadcast_in_dim3A_1256, %ge3A_1260 : vector<128x1xi32>
    %broadcast_in_dim3A_1262 = vector.shape_cast %ge3A_1261 : vector<128x1xi1> to vector<128x1xi1>
    %broadcast_in_dim3A_1263 = vector.broadcast %broadcast_in_dim3A_1262 : vector<128x1xi1> to vector<128x64xi1>
    %select_n3A_1264 = arith.select %broadcast_in_dim3A_1263, %slice3A_1258, %slice3A_1257 : vector<128x64xi1>, vector<128x64xf32>
    %mul3A_1265 = arith.mulf %select_n3A, %select_n3A_1264 : vector<128x64xf32>
    %reduce_sum3A_1266 = arith.constant dense<0.000000e+00> : vector<128xf32>
    %reduce_sum3A_1267 = vector.multi_reduction <add>, %mul3A_1265, %reduce_sum3A_1266 [1] : vector<128x64xf32> to vector<128xf32>
    %sub3A_1268 = arith.subf %mul3A_44, %reduce_sum3A_1267 : vector<128xf32>
    %neg3A_1269 = arith.constant 0.000000e+00 : f32
    %neg3A_1270 = vector.broadcast %neg3A_1269 : f32 to vector<128xf32>
    %neg3A_1271 = arith.subf %neg3A_1270, %sub3A_1268 : vector<128xf32>
    %custom_jvp_call3A_1272 = arith.constant 0.000000e+00 : f32
    %max3A_1273 = vector.broadcast %custom_jvp_call3A_1272 : f32 to vector<128xf32>
    %max3A_1274 = arith.maximumf %neg3A_1271, %max3A_1273 : vector<128xf32>
    %sub3A_1275 = vector.broadcast %custom_jvp_call3A_1272 : f32 to vector<128xf32>
    %sub3A_1276 = arith.subf %neg3A_1271, %sub3A_1275 : vector<128xf32>
    %ne3A_1277 = arith.cmpf one, %sub3A_1276, %sub3A_1276 : vector<128xf32>
    %add3A_1278 = vector.broadcast %custom_jvp_call3A_1272 : f32 to vector<128xf32>
    %add3A_1279 = arith.addf %neg3A_1271, %add3A_1278 : vector<128xf32>
    %abs3A_1280 = math.absf %sub3A_1276 : vector<128xf32>
    %neg3A_1281 = arith.constant 0.000000e+00 : f32
    %neg3A_1282 = vector.broadcast %neg3A_1281 : f32 to vector<128xf32>
    %neg3A_1283 = arith.subf %neg3A_1282, %abs3A_1280 : vector<128xf32>
    %exp3A_1284 = math.exp %neg3A_1283 : vector<128xf32>
    %log1p3A_1285 = math.log1p %exp3A_1284 : vector<128xf32>
    %add3A_1286 = arith.addf %max3A_1274, %log1p3A_1285 : vector<128xf32>
    %select_n3A_1287 = arith.select %ne3A_1277, %add3A_1279, %add3A_1286 : vector<128xi1>, vector<128xf32>
    %neg3A_1288 = arith.constant 0.000000e+00 : f32
    %neg3A_1289 = vector.broadcast %neg3A_1288 : f32 to vector<128xf32>
    %neg3A_1290 = arith.subf %neg3A_1289, %select_n3A_1287 : vector<128xf32>
    %add3A_1291 = arith.addf %add3A_1239, %neg3A_1290 : vector<128xf32>
    %mul3A_1292 = arith.mulf %select_n3A_1264, %select_n3A_1264 : vector<128x64xf32>
    %reduce_sum3A_1293 = vector.shape_cast %mul3A_1292 : vector<128x64xf32> to vector<1x128x64xf32>
    %reduce_sum3A_1294 = arith.constant dense<0.000000e+00> : vector<1xf32>
    %reduce_sum3A_1295 = vector.multi_reduction <add>, %reduce_sum3A_1293, %reduce_sum3A_1294 [1, 2] : vector<1x128x64xf32> to vector<1xf32>
    %reduce_sum3A_1296 = vector.shape_cast %reduce_sum3A_1295 : vector<1xf32> to vector<1x1x1xf32>
    %reduce_sum3A_1297 = vector.extract %reduce_sum3A_1296[0, 0, 0] : f32 from vector<1x1x1xf32>
    %add3A_1298 = arith.addf %add3A_1246, %reduce_sum3A_1297 : f32
    %get3A_1299 = arith.constant 24 : index
    %get3A_1300 = arith.constant 0 : index
    %get3A_1301 = arith.constant 0 : index
    %get3A_1302 = vector.load %arg3[%get3A_1299, %get3A_1300, %get3A_1301] : memref<40x128x128xf32, #tpu.memory_space<vmem>>, vector<1x128x128xf32>
    %get3A_1303 = vector.shape_cast %get3A_1302 : vector<1x128x128xf32> to vector<128x128xf32>
    %get3A_1304 = arith.constant 24 : index
    %get3A_1305 = arith.constant 0 : index
    %get3A_1306 = vector.load %arg6[%get3A_1304, %get3A_1305] : memref<40x128xi32, #tpu.memory_space<vmem>>, vector<1x128xi32>
    %get3A_1307 = vector.shape_cast %get3A_1306 : vector<1x128xi32> to vector<128xi32>
    %broadcast_in_dim3A_1308 = vector.shape_cast %get3A_1307 : vector<128xi32> to vector<128x1xi32>
    %slice3A_1309 = vector.extract_strided_slice %get3A_1303 {offsets = [0, 0], sizes = [128, 64], strides = [1, 1]} : vector<128x128xf32> to vector<128x64xf32>
    %slice3A_1310 = vector.extract_strided_slice %get3A_1303 {offsets = [0, 64], sizes = [128, 64], strides = [1, 1]} : vector<128x128xf32> to vector<128x64xf32>
    %ge3A_1311 = arith.constant 25600 : i32
    %ge3A_1312 = vector.broadcast %ge3A_1311 : i32 to vector<128x1xi32>
    %ge3A_1313 = arith.cmpi sge, %broadcast_in_dim3A_1308, %ge3A_1312 : vector<128x1xi32>
    %broadcast_in_dim3A_1314 = vector.shape_cast %ge3A_1313 : vector<128x1xi1> to vector<128x1xi1>
    %broadcast_in_dim3A_1315 = vector.broadcast %broadcast_in_dim3A_1314 : vector<128x1xi1> to vector<128x64xi1>
    %select_n3A_1316 = arith.select %broadcast_in_dim3A_1315, %slice3A_1310, %slice3A_1309 : vector<128x64xi1>, vector<128x64xf32>
    %mul3A_1317 = arith.mulf %select_n3A, %select_n3A_1316 : vector<128x64xf32>
    %reduce_sum3A_1318 = arith.constant dense<0.000000e+00> : vector<128xf32>
    %reduce_sum3A_1319 = vector.multi_reduction <add>, %mul3A_1317, %reduce_sum3A_1318 [1] : vector<128x64xf32> to vector<128xf32>
    %sub3A_1320 = arith.subf %mul3A_44, %reduce_sum3A_1319 : vector<128xf32>
    %neg3A_1321 = arith.constant 0.000000e+00 : f32
    %neg3A_1322 = vector.broadcast %neg3A_1321 : f32 to vector<128xf32>
    %neg3A_1323 = arith.subf %neg3A_1322, %sub3A_1320 : vector<128xf32>
    %custom_jvp_call3A_1324 = arith.constant 0.000000e+00 : f32
    %max3A_1325 = vector.broadcast %custom_jvp_call3A_1324 : f32 to vector<128xf32>
    %max3A_1326 = arith.maximumf %neg3A_1323, %max3A_1325 : vector<128xf32>
    %sub3A_1327 = vector.broadcast %custom_jvp_call3A_1324 : f32 to vector<128xf32>
    %sub3A_1328 = arith.subf %neg3A_1323, %sub3A_1327 : vector<128xf32>
    %ne3A_1329 = arith.cmpf one, %sub3A_1328, %sub3A_1328 : vector<128xf32>
    %add3A_1330 = vector.broadcast %custom_jvp_call3A_1324 : f32 to vector<128xf32>
    %add3A_1331 = arith.addf %neg3A_1323, %add3A_1330 : vector<128xf32>
    %abs3A_1332 = math.absf %sub3A_1328 : vector<128xf32>
    %neg3A_1333 = arith.constant 0.000000e+00 : f32
    %neg3A_1334 = vector.broadcast %neg3A_1333 : f32 to vector<128xf32>
    %neg3A_1335 = arith.subf %neg3A_1334, %abs3A_1332 : vector<128xf32>
    %exp3A_1336 = math.exp %neg3A_1335 : vector<128xf32>
    %log1p3A_1337 = math.log1p %exp3A_1336 : vector<128xf32>
    %add3A_1338 = arith.addf %max3A_1326, %log1p3A_1337 : vector<128xf32>
    %select_n3A_1339 = arith.select %ne3A_1329, %add3A_1331, %add3A_1338 : vector<128xi1>, vector<128xf32>
    %neg3A_1340 = arith.constant 0.000000e+00 : f32
    %neg3A_1341 = vector.broadcast %neg3A_1340 : f32 to vector<128xf32>
    %neg3A_1342 = arith.subf %neg3A_1341, %select_n3A_1339 : vector<128xf32>
    %add3A_1343 = arith.addf %add3A_1291, %neg3A_1342 : vector<128xf32>
    %mul3A_1344 = arith.mulf %select_n3A_1316, %select_n3A_1316 : vector<128x64xf32>
    %reduce_sum3A_1345 = vector.shape_cast %mul3A_1344 : vector<128x64xf32> to vector<1x128x64xf32>
    %reduce_sum3A_1346 = arith.constant dense<0.000000e+00> : vector<1xf32>
    %reduce_sum3A_1347 = vector.multi_reduction <add>, %reduce_sum3A_1345, %reduce_sum3A_1346 [1, 2] : vector<1x128x64xf32> to vector<1xf32>
    %reduce_sum3A_1348 = vector.shape_cast %reduce_sum3A_1347 : vector<1xf32> to vector<1x1x1xf32>
    %reduce_sum3A_1349 = vector.extract %reduce_sum3A_1348[0, 0, 0] : f32 from vector<1x1x1xf32>
    %add3A_1350 = arith.addf %add3A_1298, %reduce_sum3A_1349 : f32
    %get3A_1351 = arith.constant 25 : index
    %get3A_1352 = arith.constant 0 : index
    %get3A_1353 = arith.constant 0 : index
    %get3A_1354 = vector.load %arg3[%get3A_1351, %get3A_1352, %get3A_1353] : memref<40x128x128xf32, #tpu.memory_space<vmem>>, vector<1x128x128xf32>
    %get3A_1355 = vector.shape_cast %get3A_1354 : vector<1x128x128xf32> to vector<128x128xf32>
    %get3A_1356 = arith.constant 25 : index
    %get3A_1357 = arith.constant 0 : index
    %get3A_1358 = vector.load %arg6[%get3A_1356, %get3A_1357] : memref<40x128xi32, #tpu.memory_space<vmem>>, vector<1x128xi32>
    %get3A_1359 = vector.shape_cast %get3A_1358 : vector<1x128xi32> to vector<128xi32>
    %broadcast_in_dim3A_1360 = vector.shape_cast %get3A_1359 : vector<128xi32> to vector<128x1xi32>
    %slice3A_1361 = vector.extract_strided_slice %get3A_1355 {offsets = [0, 0], sizes = [128, 64], strides = [1, 1]} : vector<128x128xf32> to vector<128x64xf32>
    %slice3A_1362 = vector.extract_strided_slice %get3A_1355 {offsets = [0, 64], sizes = [128, 64], strides = [1, 1]} : vector<128x128xf32> to vector<128x64xf32>
    %ge3A_1363 = arith.constant 25600 : i32
    %ge3A_1364 = vector.broadcast %ge3A_1363 : i32 to vector<128x1xi32>
    %ge3A_1365 = arith.cmpi sge, %broadcast_in_dim3A_1360, %ge3A_1364 : vector<128x1xi32>
    %broadcast_in_dim3A_1366 = vector.shape_cast %ge3A_1365 : vector<128x1xi1> to vector<128x1xi1>
    %broadcast_in_dim3A_1367 = vector.broadcast %broadcast_in_dim3A_1366 : vector<128x1xi1> to vector<128x64xi1>
    %select_n3A_1368 = arith.select %broadcast_in_dim3A_1367, %slice3A_1362, %slice3A_1361 : vector<128x64xi1>, vector<128x64xf32>
    %mul3A_1369 = arith.mulf %select_n3A, %select_n3A_1368 : vector<128x64xf32>
    %reduce_sum3A_1370 = arith.constant dense<0.000000e+00> : vector<128xf32>
    %reduce_sum3A_1371 = vector.multi_reduction <add>, %mul3A_1369, %reduce_sum3A_1370 [1] : vector<128x64xf32> to vector<128xf32>
    %sub3A_1372 = arith.subf %mul3A_44, %reduce_sum3A_1371 : vector<128xf32>
    %neg3A_1373 = arith.constant 0.000000e+00 : f32
    %neg3A_1374 = vector.broadcast %neg3A_1373 : f32 to vector<128xf32>
    %neg3A_1375 = arith.subf %neg3A_1374, %sub3A_1372 : vector<128xf32>
    %custom_jvp_call3A_1376 = arith.constant 0.000000e+00 : f32
    %max3A_1377 = vector.broadcast %custom_jvp_call3A_1376 : f32 to vector<128xf32>
    %max3A_1378 = arith.maximumf %neg3A_1375, %max3A_1377 : vector<128xf32>
    %sub3A_1379 = vector.broadcast %custom_jvp_call3A_1376 : f32 to vector<128xf32>
    %sub3A_1380 = arith.subf %neg3A_1375, %sub3A_1379 : vector<128xf32>
    %ne3A_1381 = arith.cmpf one, %sub3A_1380, %sub3A_1380 : vector<128xf32>
    %add3A_1382 = vector.broadcast %custom_jvp_call3A_1376 : f32 to vector<128xf32>
    %add3A_1383 = arith.addf %neg3A_1375, %add3A_1382 : vector<128xf32>
    %abs3A_1384 = math.absf %sub3A_1380 : vector<128xf32>
    %neg3A_1385 = arith.constant 0.000000e+00 : f32
    %neg3A_1386 = vector.broadcast %neg3A_1385 : f32 to vector<128xf32>
    %neg3A_1387 = arith.subf %neg3A_1386, %abs3A_1384 : vector<128xf32>
    %exp3A_1388 = math.exp %neg3A_1387 : vector<128xf32>
    %log1p3A_1389 = math.log1p %exp3A_1388 : vector<128xf32>
    %add3A_1390 = arith.addf %max3A_1378, %log1p3A_1389 : vector<128xf32>
    %select_n3A_1391 = arith.select %ne3A_1381, %add3A_1383, %add3A_1390 : vector<128xi1>, vector<128xf32>
    %neg3A_1392 = arith.constant 0.000000e+00 : f32
    %neg3A_1393 = vector.broadcast %neg3A_1392 : f32 to vector<128xf32>
    %neg3A_1394 = arith.subf %neg3A_1393, %select_n3A_1391 : vector<128xf32>
    %add3A_1395 = arith.addf %add3A_1343, %neg3A_1394 : vector<128xf32>
    %mul3A_1396 = arith.mulf %select_n3A_1368, %select_n3A_1368 : vector<128x64xf32>
    %reduce_sum3A_1397 = vector.shape_cast %mul3A_1396 : vector<128x64xf32> to vector<1x128x64xf32>
    %reduce_sum3A_1398 = arith.constant dense<0.000000e+00> : vector<1xf32>
    %reduce_sum3A_1399 = vector.multi_reduction <add>, %reduce_sum3A_1397, %reduce_sum3A_1398 [1, 2] : vector<1x128x64xf32> to vector<1xf32>
    %reduce_sum3A_1400 = vector.shape_cast %reduce_sum3A_1399 : vector<1xf32> to vector<1x1x1xf32>
    %reduce_sum3A_1401 = vector.extract %reduce_sum3A_1400[0, 0, 0] : f32 from vector<1x1x1xf32>
    %add3A_1402 = arith.addf %add3A_1350, %reduce_sum3A_1401 : f32
    %get3A_1403 = arith.constant 26 : index
    %get3A_1404 = arith.constant 0 : index
    %get3A_1405 = arith.constant 0 : index
    %get3A_1406 = vector.load %arg3[%get3A_1403, %get3A_1404, %get3A_1405] : memref<40x128x128xf32, #tpu.memory_space<vmem>>, vector<1x128x128xf32>
    %get3A_1407 = vector.shape_cast %get3A_1406 : vector<1x128x128xf32> to vector<128x128xf32>
    %get3A_1408 = arith.constant 26 : index
    %get3A_1409 = arith.constant 0 : index
    %get3A_1410 = vector.load %arg6[%get3A_1408, %get3A_1409] : memref<40x128xi32, #tpu.memory_space<vmem>>, vector<1x128xi32>
    %get3A_1411 = vector.shape_cast %get3A_1410 : vector<1x128xi32> to vector<128xi32>
    %broadcast_in_dim3A_1412 = vector.shape_cast %get3A_1411 : vector<128xi32> to vector<128x1xi32>
    %slice3A_1413 = vector.extract_strided_slice %get3A_1407 {offsets = [0, 0], sizes = [128, 64], strides = [1, 1]} : vector<128x128xf32> to vector<128x64xf32>
    %slice3A_1414 = vector.extract_strided_slice %get3A_1407 {offsets = [0, 64], sizes = [128, 64], strides = [1, 1]} : vector<128x128xf32> to vector<128x64xf32>
    %ge3A_1415 = arith.constant 25600 : i32
    %ge3A_1416 = vector.broadcast %ge3A_1415 : i32 to vector<128x1xi32>
    %ge3A_1417 = arith.cmpi sge, %broadcast_in_dim3A_1412, %ge3A_1416 : vector<128x1xi32>
    %broadcast_in_dim3A_1418 = vector.shape_cast %ge3A_1417 : vector<128x1xi1> to vector<128x1xi1>
    %broadcast_in_dim3A_1419 = vector.broadcast %broadcast_in_dim3A_1418 : vector<128x1xi1> to vector<128x64xi1>
    %select_n3A_1420 = arith.select %broadcast_in_dim3A_1419, %slice3A_1414, %slice3A_1413 : vector<128x64xi1>, vector<128x64xf32>
    %mul3A_1421 = arith.mulf %select_n3A, %select_n3A_1420 : vector<128x64xf32>
    %reduce_sum3A_1422 = arith.constant dense<0.000000e+00> : vector<128xf32>
    %reduce_sum3A_1423 = vector.multi_reduction <add>, %mul3A_1421, %reduce_sum3A_1422 [1] : vector<128x64xf32> to vector<128xf32>
    %sub3A_1424 = arith.subf %mul3A_44, %reduce_sum3A_1423 : vector<128xf32>
    %neg3A_1425 = arith.constant 0.000000e+00 : f32
    %neg3A_1426 = vector.broadcast %neg3A_1425 : f32 to vector<128xf32>
    %neg3A_1427 = arith.subf %neg3A_1426, %sub3A_1424 : vector<128xf32>
    %custom_jvp_call3A_1428 = arith.constant 0.000000e+00 : f32
    %max3A_1429 = vector.broadcast %custom_jvp_call3A_1428 : f32 to vector<128xf32>
    %max3A_1430 = arith.maximumf %neg3A_1427, %max3A_1429 : vector<128xf32>
    %sub3A_1431 = vector.broadcast %custom_jvp_call3A_1428 : f32 to vector<128xf32>
    %sub3A_1432 = arith.subf %neg3A_1427, %sub3A_1431 : vector<128xf32>
    %ne3A_1433 = arith.cmpf one, %sub3A_1432, %sub3A_1432 : vector<128xf32>
    %add3A_1434 = vector.broadcast %custom_jvp_call3A_1428 : f32 to vector<128xf32>
    %add3A_1435 = arith.addf %neg3A_1427, %add3A_1434 : vector<128xf32>
    %abs3A_1436 = math.absf %sub3A_1432 : vector<128xf32>
    %neg3A_1437 = arith.constant 0.000000e+00 : f32
    %neg3A_1438 = vector.broadcast %neg3A_1437 : f32 to vector<128xf32>
    %neg3A_1439 = arith.subf %neg3A_1438, %abs3A_1436 : vector<128xf32>
    %exp3A_1440 = math.exp %neg3A_1439 : vector<128xf32>
    %log1p3A_1441 = math.log1p %exp3A_1440 : vector<128xf32>
    %add3A_1442 = arith.addf %max3A_1430, %log1p3A_1441 : vector<128xf32>
    %select_n3A_1443 = arith.select %ne3A_1433, %add3A_1435, %add3A_1442 : vector<128xi1>, vector<128xf32>
    %neg3A_1444 = arith.constant 0.000000e+00 : f32
    %neg3A_1445 = vector.broadcast %neg3A_1444 : f32 to vector<128xf32>
    %neg3A_1446 = arith.subf %neg3A_1445, %select_n3A_1443 : vector<128xf32>
    %add3A_1447 = arith.addf %add3A_1395, %neg3A_1446 : vector<128xf32>
    %mul3A_1448 = arith.mulf %select_n3A_1420, %select_n3A_1420 : vector<128x64xf32>
    %reduce_sum3A_1449 = vector.shape_cast %mul3A_1448 : vector<128x64xf32> to vector<1x128x64xf32>
    %reduce_sum3A_1450 = arith.constant dense<0.000000e+00> : vector<1xf32>
    %reduce_sum3A_1451 = vector.multi_reduction <add>, %reduce_sum3A_1449, %reduce_sum3A_1450 [1, 2] : vector<1x128x64xf32> to vector<1xf32>
    %reduce_sum3A_1452 = vector.shape_cast %reduce_sum3A_1451 : vector<1xf32> to vector<1x1x1xf32>
    %reduce_sum3A_1453 = vector.extract %reduce_sum3A_1452[0, 0, 0] : f32 from vector<1x1x1xf32>
    %add3A_1454 = arith.addf %add3A_1402, %reduce_sum3A_1453 : f32
    %get3A_1455 = arith.constant 27 : index
    %get3A_1456 = arith.constant 0 : index
    %get3A_1457 = arith.constant 0 : index
    %get3A_1458 = vector.load %arg3[%get3A_1455, %get3A_1456, %get3A_1457] : memref<40x128x128xf32, #tpu.memory_space<vmem>>, vector<1x128x128xf32>
    %get3A_1459 = vector.shape_cast %get3A_1458 : vector<1x128x128xf32> to vector<128x128xf32>
    %get3A_1460 = arith.constant 27 : index
    %get3A_1461 = arith.constant 0 : index
    %get3A_1462 = vector.load %arg6[%get3A_1460, %get3A_1461] : memref<40x128xi32, #tpu.memory_space<vmem>>, vector<1x128xi32>
    %get3A_1463 = vector.shape_cast %get3A_1462 : vector<1x128xi32> to vector<128xi32>
    %broadcast_in_dim3A_1464 = vector.shape_cast %get3A_1463 : vector<128xi32> to vector<128x1xi32>
    %slice3A_1465 = vector.extract_strided_slice %get3A_1459 {offsets = [0, 0], sizes = [128, 64], strides = [1, 1]} : vector<128x128xf32> to vector<128x64xf32>
    %slice3A_1466 = vector.extract_strided_slice %get3A_1459 {offsets = [0, 64], sizes = [128, 64], strides = [1, 1]} : vector<128x128xf32> to vector<128x64xf32>
    %ge3A_1467 = arith.constant 25600 : i32
    %ge3A_1468 = vector.broadcast %ge3A_1467 : i32 to vector<128x1xi32>
    %ge3A_1469 = arith.cmpi sge, %broadcast_in_dim3A_1464, %ge3A_1468 : vector<128x1xi32>
    %broadcast_in_dim3A_1470 = vector.shape_cast %ge3A_1469 : vector<128x1xi1> to vector<128x1xi1>
    %broadcast_in_dim3A_1471 = vector.broadcast %broadcast_in_dim3A_1470 : vector<128x1xi1> to vector<128x64xi1>
    %select_n3A_1472 = arith.select %broadcast_in_dim3A_1471, %slice3A_1466, %slice3A_1465 : vector<128x64xi1>, vector<128x64xf32>
    %mul3A_1473 = arith.mulf %select_n3A, %select_n3A_1472 : vector<128x64xf32>
    %reduce_sum3A_1474 = arith.constant dense<0.000000e+00> : vector<128xf32>
    %reduce_sum3A_1475 = vector.multi_reduction <add>, %mul3A_1473, %reduce_sum3A_1474 [1] : vector<128x64xf32> to vector<128xf32>
    %sub3A_1476 = arith.subf %mul3A_44, %reduce_sum3A_1475 : vector<128xf32>
    %neg3A_1477 = arith.constant 0.000000e+00 : f32
    %neg3A_1478 = vector.broadcast %neg3A_1477 : f32 to vector<128xf32>
    %neg3A_1479 = arith.subf %neg3A_1478, %sub3A_1476 : vector<128xf32>
    %custom_jvp_call3A_1480 = arith.constant 0.000000e+00 : f32
    %max3A_1481 = vector.broadcast %custom_jvp_call3A_1480 : f32 to vector<128xf32>
    %max3A_1482 = arith.maximumf %neg3A_1479, %max3A_1481 : vector<128xf32>
    %sub3A_1483 = vector.broadcast %custom_jvp_call3A_1480 : f32 to vector<128xf32>
    %sub3A_1484 = arith.subf %neg3A_1479, %sub3A_1483 : vector<128xf32>
    %ne3A_1485 = arith.cmpf one, %sub3A_1484, %sub3A_1484 : vector<128xf32>
    %add3A_1486 = vector.broadcast %custom_jvp_call3A_1480 : f32 to vector<128xf32>
    %add3A_1487 = arith.addf %neg3A_1479, %add3A_1486 : vector<128xf32>
    %abs3A_1488 = math.absf %sub3A_1484 : vector<128xf32>
    %neg3A_1489 = arith.constant 0.000000e+00 : f32
    %neg3A_1490 = vector.broadcast %neg3A_1489 : f32 to vector<128xf32>
    %neg3A_1491 = arith.subf %neg3A_1490, %abs3A_1488 : vector<128xf32>
    %exp3A_1492 = math.exp %neg3A_1491 : vector<128xf32>
    %log1p3A_1493 = math.log1p %exp3A_1492 : vector<128xf32>
    %add3A_1494 = arith.addf %max3A_1482, %log1p3A_1493 : vector<128xf32>
    %select_n3A_1495 = arith.select %ne3A_1485, %add3A_1487, %add3A_1494 : vector<128xi1>, vector<128xf32>
    %neg3A_1496 = arith.constant 0.000000e+00 : f32
    %neg3A_1497 = vector.broadcast %neg3A_1496 : f32 to vector<128xf32>
    %neg3A_1498 = arith.subf %neg3A_1497, %select_n3A_1495 : vector<128xf32>
    %add3A_1499 = arith.addf %add3A_1447, %neg3A_1498 : vector<128xf32>
    %mul3A_1500 = arith.mulf %select_n3A_1472, %select_n3A_1472 : vector<128x64xf32>
    %reduce_sum3A_1501 = vector.shape_cast %mul3A_1500 : vector<128x64xf32> to vector<1x128x64xf32>
    %reduce_sum3A_1502 = arith.constant dense<0.000000e+00> : vector<1xf32>
    %reduce_sum3A_1503 = vector.multi_reduction <add>, %reduce_sum3A_1501, %reduce_sum3A_1502 [1, 2] : vector<1x128x64xf32> to vector<1xf32>
    %reduce_sum3A_1504 = vector.shape_cast %reduce_sum3A_1503 : vector<1xf32> to vector<1x1x1xf32>
    %reduce_sum3A_1505 = vector.extract %reduce_sum3A_1504[0, 0, 0] : f32 from vector<1x1x1xf32>
    %add3A_1506 = arith.addf %add3A_1454, %reduce_sum3A_1505 : f32
    %get3A_1507 = arith.constant 28 : index
    %get3A_1508 = arith.constant 0 : index
    %get3A_1509 = arith.constant 0 : index
    %get3A_1510 = vector.load %arg3[%get3A_1507, %get3A_1508, %get3A_1509] : memref<40x128x128xf32, #tpu.memory_space<vmem>>, vector<1x128x128xf32>
    %get3A_1511 = vector.shape_cast %get3A_1510 : vector<1x128x128xf32> to vector<128x128xf32>
    %get3A_1512 = arith.constant 28 : index
    %get3A_1513 = arith.constant 0 : index
    %get3A_1514 = vector.load %arg6[%get3A_1512, %get3A_1513] : memref<40x128xi32, #tpu.memory_space<vmem>>, vector<1x128xi32>
    %get3A_1515 = vector.shape_cast %get3A_1514 : vector<1x128xi32> to vector<128xi32>
    %broadcast_in_dim3A_1516 = vector.shape_cast %get3A_1515 : vector<128xi32> to vector<128x1xi32>
    %slice3A_1517 = vector.extract_strided_slice %get3A_1511 {offsets = [0, 0], sizes = [128, 64], strides = [1, 1]} : vector<128x128xf32> to vector<128x64xf32>
    %slice3A_1518 = vector.extract_strided_slice %get3A_1511 {offsets = [0, 64], sizes = [128, 64], strides = [1, 1]} : vector<128x128xf32> to vector<128x64xf32>
    %ge3A_1519 = arith.constant 25600 : i32
    %ge3A_1520 = vector.broadcast %ge3A_1519 : i32 to vector<128x1xi32>
    %ge3A_1521 = arith.cmpi sge, %broadcast_in_dim3A_1516, %ge3A_1520 : vector<128x1xi32>
    %broadcast_in_dim3A_1522 = vector.shape_cast %ge3A_1521 : vector<128x1xi1> to vector<128x1xi1>
    %broadcast_in_dim3A_1523 = vector.broadcast %broadcast_in_dim3A_1522 : vector<128x1xi1> to vector<128x64xi1>
    %select_n3A_1524 = arith.select %broadcast_in_dim3A_1523, %slice3A_1518, %slice3A_1517 : vector<128x64xi1>, vector<128x64xf32>
    %mul3A_1525 = arith.mulf %select_n3A, %select_n3A_1524 : vector<128x64xf32>
    %reduce_sum3A_1526 = arith.constant dense<0.000000e+00> : vector<128xf32>
    %reduce_sum3A_1527 = vector.multi_reduction <add>, %mul3A_1525, %reduce_sum3A_1526 [1] : vector<128x64xf32> to vector<128xf32>
    %sub3A_1528 = arith.subf %mul3A_44, %reduce_sum3A_1527 : vector<128xf32>
    %neg3A_1529 = arith.constant 0.000000e+00 : f32
    %neg3A_1530 = vector.broadcast %neg3A_1529 : f32 to vector<128xf32>
    %neg3A_1531 = arith.subf %neg3A_1530, %sub3A_1528 : vector<128xf32>
    %custom_jvp_call3A_1532 = arith.constant 0.000000e+00 : f32
    %max3A_1533 = vector.broadcast %custom_jvp_call3A_1532 : f32 to vector<128xf32>
    %max3A_1534 = arith.maximumf %neg3A_1531, %max3A_1533 : vector<128xf32>
    %sub3A_1535 = vector.broadcast %custom_jvp_call3A_1532 : f32 to vector<128xf32>
    %sub3A_1536 = arith.subf %neg3A_1531, %sub3A_1535 : vector<128xf32>
    %ne3A_1537 = arith.cmpf one, %sub3A_1536, %sub3A_1536 : vector<128xf32>
    %add3A_1538 = vector.broadcast %custom_jvp_call3A_1532 : f32 to vector<128xf32>
    %add3A_1539 = arith.addf %neg3A_1531, %add3A_1538 : vector<128xf32>
    %abs3A_1540 = math.absf %sub3A_1536 : vector<128xf32>
    %neg3A_1541 = arith.constant 0.000000e+00 : f32
    %neg3A_1542 = vector.broadcast %neg3A_1541 : f32 to vector<128xf32>
    %neg3A_1543 = arith.subf %neg3A_1542, %abs3A_1540 : vector<128xf32>
    %exp3A_1544 = math.exp %neg3A_1543 : vector<128xf32>
    %log1p3A_1545 = math.log1p %exp3A_1544 : vector<128xf32>
    %add3A_1546 = arith.addf %max3A_1534, %log1p3A_1545 : vector<128xf32>
    %select_n3A_1547 = arith.select %ne3A_1537, %add3A_1539, %add3A_1546 : vector<128xi1>, vector<128xf32>
    %neg3A_1548 = arith.constant 0.000000e+00 : f32
    %neg3A_1549 = vector.broadcast %neg3A_1548 : f32 to vector<128xf32>
    %neg3A_1550 = arith.subf %neg3A_1549, %select_n3A_1547 : vector<128xf32>
    %add3A_1551 = arith.addf %add3A_1499, %neg3A_1550 : vector<128xf32>
    %mul3A_1552 = arith.mulf %select_n3A_1524, %select_n3A_1524 : vector<128x64xf32>
    %reduce_sum3A_1553 = vector.shape_cast %mul3A_1552 : vector<128x64xf32> to vector<1x128x64xf32>
    %reduce_sum3A_1554 = arith.constant dense<0.000000e+00> : vector<1xf32>
    %reduce_sum3A_1555 = vector.multi_reduction <add>, %reduce_sum3A_1553, %reduce_sum3A_1554 [1, 2] : vector<1x128x64xf32> to vector<1xf32>
    %reduce_sum3A_1556 = vector.shape_cast %reduce_sum3A_1555 : vector<1xf32> to vector<1x1x1xf32>
    %reduce_sum3A_1557 = vector.extract %reduce_sum3A_1556[0, 0, 0] : f32 from vector<1x1x1xf32>
    %add3A_1558 = arith.addf %add3A_1506, %reduce_sum3A_1557 : f32
    %get3A_1559 = arith.constant 29 : index
    %get3A_1560 = arith.constant 0 : index
    %get3A_1561 = arith.constant 0 : index
    %get3A_1562 = vector.load %arg3[%get3A_1559, %get3A_1560, %get3A_1561] : memref<40x128x128xf32, #tpu.memory_space<vmem>>, vector<1x128x128xf32>
    %get3A_1563 = vector.shape_cast %get3A_1562 : vector<1x128x128xf32> to vector<128x128xf32>
    %get3A_1564 = arith.constant 29 : index
    %get3A_1565 = arith.constant 0 : index
    %get3A_1566 = vector.load %arg6[%get3A_1564, %get3A_1565] : memref<40x128xi32, #tpu.memory_space<vmem>>, vector<1x128xi32>
    %get3A_1567 = vector.shape_cast %get3A_1566 : vector<1x128xi32> to vector<128xi32>
    %broadcast_in_dim3A_1568 = vector.shape_cast %get3A_1567 : vector<128xi32> to vector<128x1xi32>
    %slice3A_1569 = vector.extract_strided_slice %get3A_1563 {offsets = [0, 0], sizes = [128, 64], strides = [1, 1]} : vector<128x128xf32> to vector<128x64xf32>
    %slice3A_1570 = vector.extract_strided_slice %get3A_1563 {offsets = [0, 64], sizes = [128, 64], strides = [1, 1]} : vector<128x128xf32> to vector<128x64xf32>
    %ge3A_1571 = arith.constant 25600 : i32
    %ge3A_1572 = vector.broadcast %ge3A_1571 : i32 to vector<128x1xi32>
    %ge3A_1573 = arith.cmpi sge, %broadcast_in_dim3A_1568, %ge3A_1572 : vector<128x1xi32>
    %broadcast_in_dim3A_1574 = vector.shape_cast %ge3A_1573 : vector<128x1xi1> to vector<128x1xi1>
    %broadcast_in_dim3A_1575 = vector.broadcast %broadcast_in_dim3A_1574 : vector<128x1xi1> to vector<128x64xi1>
    %select_n3A_1576 = arith.select %broadcast_in_dim3A_1575, %slice3A_1570, %slice3A_1569 : vector<128x64xi1>, vector<128x64xf32>
    %mul3A_1577 = arith.mulf %select_n3A, %select_n3A_1576 : vector<128x64xf32>
    %reduce_sum3A_1578 = arith.constant dense<0.000000e+00> : vector<128xf32>
    %reduce_sum3A_1579 = vector.multi_reduction <add>, %mul3A_1577, %reduce_sum3A_1578 [1] : vector<128x64xf32> to vector<128xf32>
    %sub3A_1580 = arith.subf %mul3A_44, %reduce_sum3A_1579 : vector<128xf32>
    %neg3A_1581 = arith.constant 0.000000e+00 : f32
    %neg3A_1582 = vector.broadcast %neg3A_1581 : f32 to vector<128xf32>
    %neg3A_1583 = arith.subf %neg3A_1582, %sub3A_1580 : vector<128xf32>
    %custom_jvp_call3A_1584 = arith.constant 0.000000e+00 : f32
    %max3A_1585 = vector.broadcast %custom_jvp_call3A_1584 : f32 to vector<128xf32>
    %max3A_1586 = arith.maximumf %neg3A_1583, %max3A_1585 : vector<128xf32>
    %sub3A_1587 = vector.broadcast %custom_jvp_call3A_1584 : f32 to vector<128xf32>
    %sub3A_1588 = arith.subf %neg3A_1583, %sub3A_1587 : vector<128xf32>
    %ne3A_1589 = arith.cmpf one, %sub3A_1588, %sub3A_1588 : vector<128xf32>
    %add3A_1590 = vector.broadcast %custom_jvp_call3A_1584 : f32 to vector<128xf32>
    %add3A_1591 = arith.addf %neg3A_1583, %add3A_1590 : vector<128xf32>
    %abs3A_1592 = math.absf %sub3A_1588 : vector<128xf32>
    %neg3A_1593 = arith.constant 0.000000e+00 : f32
    %neg3A_1594 = vector.broadcast %neg3A_1593 : f32 to vector<128xf32>
    %neg3A_1595 = arith.subf %neg3A_1594, %abs3A_1592 : vector<128xf32>
    %exp3A_1596 = math.exp %neg3A_1595 : vector<128xf32>
    %log1p3A_1597 = math.log1p %exp3A_1596 : vector<128xf32>
    %add3A_1598 = arith.addf %max3A_1586, %log1p3A_1597 : vector<128xf32>
    %select_n3A_1599 = arith.select %ne3A_1589, %add3A_1591, %add3A_1598 : vector<128xi1>, vector<128xf32>
    %neg3A_1600 = arith.constant 0.000000e+00 : f32
    %neg3A_1601 = vector.broadcast %neg3A_1600 : f32 to vector<128xf32>
    %neg3A_1602 = arith.subf %neg3A_1601, %select_n3A_1599 : vector<128xf32>
    %add3A_1603 = arith.addf %add3A_1551, %neg3A_1602 : vector<128xf32>
    %mul3A_1604 = arith.mulf %select_n3A_1576, %select_n3A_1576 : vector<128x64xf32>
    %reduce_sum3A_1605 = vector.shape_cast %mul3A_1604 : vector<128x64xf32> to vector<1x128x64xf32>
    %reduce_sum3A_1606 = arith.constant dense<0.000000e+00> : vector<1xf32>
    %reduce_sum3A_1607 = vector.multi_reduction <add>, %reduce_sum3A_1605, %reduce_sum3A_1606 [1, 2] : vector<1x128x64xf32> to vector<1xf32>
    %reduce_sum3A_1608 = vector.shape_cast %reduce_sum3A_1607 : vector<1xf32> to vector<1x1x1xf32>
    %reduce_sum3A_1609 = vector.extract %reduce_sum3A_1608[0, 0, 0] : f32 from vector<1x1x1xf32>
    %add3A_1610 = arith.addf %add3A_1558, %reduce_sum3A_1609 : f32
    %get3A_1611 = arith.constant 30 : index
    %get3A_1612 = arith.constant 0 : index
    %get3A_1613 = arith.constant 0 : index
    %get3A_1614 = vector.load %arg3[%get3A_1611, %get3A_1612, %get3A_1613] : memref<40x128x128xf32, #tpu.memory_space<vmem>>, vector<1x128x128xf32>
    %get3A_1615 = vector.shape_cast %get3A_1614 : vector<1x128x128xf32> to vector<128x128xf32>
    %get3A_1616 = arith.constant 30 : index
    %get3A_1617 = arith.constant 0 : index
    %get3A_1618 = vector.load %arg6[%get3A_1616, %get3A_1617] : memref<40x128xi32, #tpu.memory_space<vmem>>, vector<1x128xi32>
    %get3A_1619 = vector.shape_cast %get3A_1618 : vector<1x128xi32> to vector<128xi32>
    %broadcast_in_dim3A_1620 = vector.shape_cast %get3A_1619 : vector<128xi32> to vector<128x1xi32>
    %slice3A_1621 = vector.extract_strided_slice %get3A_1615 {offsets = [0, 0], sizes = [128, 64], strides = [1, 1]} : vector<128x128xf32> to vector<128x64xf32>
    %slice3A_1622 = vector.extract_strided_slice %get3A_1615 {offsets = [0, 64], sizes = [128, 64], strides = [1, 1]} : vector<128x128xf32> to vector<128x64xf32>
    %ge3A_1623 = arith.constant 25600 : i32
    %ge3A_1624 = vector.broadcast %ge3A_1623 : i32 to vector<128x1xi32>
    %ge3A_1625 = arith.cmpi sge, %broadcast_in_dim3A_1620, %ge3A_1624 : vector<128x1xi32>
    %broadcast_in_dim3A_1626 = vector.shape_cast %ge3A_1625 : vector<128x1xi1> to vector<128x1xi1>
    %broadcast_in_dim3A_1627 = vector.broadcast %broadcast_in_dim3A_1626 : vector<128x1xi1> to vector<128x64xi1>
    %select_n3A_1628 = arith.select %broadcast_in_dim3A_1627, %slice3A_1622, %slice3A_1621 : vector<128x64xi1>, vector<128x64xf32>
    %mul3A_1629 = arith.mulf %select_n3A, %select_n3A_1628 : vector<128x64xf32>
    %reduce_sum3A_1630 = arith.constant dense<0.000000e+00> : vector<128xf32>
    %reduce_sum3A_1631 = vector.multi_reduction <add>, %mul3A_1629, %reduce_sum3A_1630 [1] : vector<128x64xf32> to vector<128xf32>
    %sub3A_1632 = arith.subf %mul3A_44, %reduce_sum3A_1631 : vector<128xf32>
    %neg3A_1633 = arith.constant 0.000000e+00 : f32
    %neg3A_1634 = vector.broadcast %neg3A_1633 : f32 to vector<128xf32>
    %neg3A_1635 = arith.subf %neg3A_1634, %sub3A_1632 : vector<128xf32>
    %custom_jvp_call3A_1636 = arith.constant 0.000000e+00 : f32
    %max3A_1637 = vector.broadcast %custom_jvp_call3A_1636 : f32 to vector<128xf32>
    %max3A_1638 = arith.maximumf %neg3A_1635, %max3A_1637 : vector<128xf32>
    %sub3A_1639 = vector.broadcast %custom_jvp_call3A_1636 : f32 to vector<128xf32>
    %sub3A_1640 = arith.subf %neg3A_1635, %sub3A_1639 : vector<128xf32>
    %ne3A_1641 = arith.cmpf one, %sub3A_1640, %sub3A_1640 : vector<128xf32>
    %add3A_1642 = vector.broadcast %custom_jvp_call3A_1636 : f32 to vector<128xf32>
    %add3A_1643 = arith.addf %neg3A_1635, %add3A_1642 : vector<128xf32>
    %abs3A_1644 = math.absf %sub3A_1640 : vector<128xf32>
    %neg3A_1645 = arith.constant 0.000000e+00 : f32
    %neg3A_1646 = vector.broadcast %neg3A_1645 : f32 to vector<128xf32>
    %neg3A_1647 = arith.subf %neg3A_1646, %abs3A_1644 : vector<128xf32>
    %exp3A_1648 = math.exp %neg3A_1647 : vector<128xf32>
    %log1p3A_1649 = math.log1p %exp3A_1648 : vector<128xf32>
    %add3A_1650 = arith.addf %max3A_1638, %log1p3A_1649 : vector<128xf32>
    %select_n3A_1651 = arith.select %ne3A_1641, %add3A_1643, %add3A_1650 : vector<128xi1>, vector<128xf32>
    %neg3A_1652 = arith.constant 0.000000e+00 : f32
    %neg3A_1653 = vector.broadcast %neg3A_1652 : f32 to vector<128xf32>
    %neg3A_1654 = arith.subf %neg3A_1653, %select_n3A_1651 : vector<128xf32>
    %add3A_1655 = arith.addf %add3A_1603, %neg3A_1654 : vector<128xf32>
    %mul3A_1656 = arith.mulf %select_n3A_1628, %select_n3A_1628 : vector<128x64xf32>
    %reduce_sum3A_1657 = vector.shape_cast %mul3A_1656 : vector<128x64xf32> to vector<1x128x64xf32>
    %reduce_sum3A_1658 = arith.constant dense<0.000000e+00> : vector<1xf32>
    %reduce_sum3A_1659 = vector.multi_reduction <add>, %reduce_sum3A_1657, %reduce_sum3A_1658 [1, 2] : vector<1x128x64xf32> to vector<1xf32>
    %reduce_sum3A_1660 = vector.shape_cast %reduce_sum3A_1659 : vector<1xf32> to vector<1x1x1xf32>
    %reduce_sum3A_1661 = vector.extract %reduce_sum3A_1660[0, 0, 0] : f32 from vector<1x1x1xf32>
    %add3A_1662 = arith.addf %add3A_1610, %reduce_sum3A_1661 : f32
    %get3A_1663 = arith.constant 31 : index
    %get3A_1664 = arith.constant 0 : index
    %get3A_1665 = arith.constant 0 : index
    %get3A_1666 = vector.load %arg3[%get3A_1663, %get3A_1664, %get3A_1665] : memref<40x128x128xf32, #tpu.memory_space<vmem>>, vector<1x128x128xf32>
    %get3A_1667 = vector.shape_cast %get3A_1666 : vector<1x128x128xf32> to vector<128x128xf32>
    %get3A_1668 = arith.constant 31 : index
    %get3A_1669 = arith.constant 0 : index
    %get3A_1670 = vector.load %arg6[%get3A_1668, %get3A_1669] : memref<40x128xi32, #tpu.memory_space<vmem>>, vector<1x128xi32>
    %get3A_1671 = vector.shape_cast %get3A_1670 : vector<1x128xi32> to vector<128xi32>
    %broadcast_in_dim3A_1672 = vector.shape_cast %get3A_1671 : vector<128xi32> to vector<128x1xi32>
    %slice3A_1673 = vector.extract_strided_slice %get3A_1667 {offsets = [0, 0], sizes = [128, 64], strides = [1, 1]} : vector<128x128xf32> to vector<128x64xf32>
    %slice3A_1674 = vector.extract_strided_slice %get3A_1667 {offsets = [0, 64], sizes = [128, 64], strides = [1, 1]} : vector<128x128xf32> to vector<128x64xf32>
    %ge3A_1675 = arith.constant 25600 : i32
    %ge3A_1676 = vector.broadcast %ge3A_1675 : i32 to vector<128x1xi32>
    %ge3A_1677 = arith.cmpi sge, %broadcast_in_dim3A_1672, %ge3A_1676 : vector<128x1xi32>
    %broadcast_in_dim3A_1678 = vector.shape_cast %ge3A_1677 : vector<128x1xi1> to vector<128x1xi1>
    %broadcast_in_dim3A_1679 = vector.broadcast %broadcast_in_dim3A_1678 : vector<128x1xi1> to vector<128x64xi1>
    %select_n3A_1680 = arith.select %broadcast_in_dim3A_1679, %slice3A_1674, %slice3A_1673 : vector<128x64xi1>, vector<128x64xf32>
    %mul3A_1681 = arith.mulf %select_n3A, %select_n3A_1680 : vector<128x64xf32>
    %reduce_sum3A_1682 = arith.constant dense<0.000000e+00> : vector<128xf32>
    %reduce_sum3A_1683 = vector.multi_reduction <add>, %mul3A_1681, %reduce_sum3A_1682 [1] : vector<128x64xf32> to vector<128xf32>
    %sub3A_1684 = arith.subf %mul3A_44, %reduce_sum3A_1683 : vector<128xf32>
    %neg3A_1685 = arith.constant 0.000000e+00 : f32
    %neg3A_1686 = vector.broadcast %neg3A_1685 : f32 to vector<128xf32>
    %neg3A_1687 = arith.subf %neg3A_1686, %sub3A_1684 : vector<128xf32>
    %custom_jvp_call3A_1688 = arith.constant 0.000000e+00 : f32
    %max3A_1689 = vector.broadcast %custom_jvp_call3A_1688 : f32 to vector<128xf32>
    %max3A_1690 = arith.maximumf %neg3A_1687, %max3A_1689 : vector<128xf32>
    %sub3A_1691 = vector.broadcast %custom_jvp_call3A_1688 : f32 to vector<128xf32>
    %sub3A_1692 = arith.subf %neg3A_1687, %sub3A_1691 : vector<128xf32>
    %ne3A_1693 = arith.cmpf one, %sub3A_1692, %sub3A_1692 : vector<128xf32>
    %add3A_1694 = vector.broadcast %custom_jvp_call3A_1688 : f32 to vector<128xf32>
    %add3A_1695 = arith.addf %neg3A_1687, %add3A_1694 : vector<128xf32>
    %abs3A_1696 = math.absf %sub3A_1692 : vector<128xf32>
    %neg3A_1697 = arith.constant 0.000000e+00 : f32
    %neg3A_1698 = vector.broadcast %neg3A_1697 : f32 to vector<128xf32>
    %neg3A_1699 = arith.subf %neg3A_1698, %abs3A_1696 : vector<128xf32>
    %exp3A_1700 = math.exp %neg3A_1699 : vector<128xf32>
    %log1p3A_1701 = math.log1p %exp3A_1700 : vector<128xf32>
    %add3A_1702 = arith.addf %max3A_1690, %log1p3A_1701 : vector<128xf32>
    %select_n3A_1703 = arith.select %ne3A_1693, %add3A_1695, %add3A_1702 : vector<128xi1>, vector<128xf32>
    %neg3A_1704 = arith.constant 0.000000e+00 : f32
    %neg3A_1705 = vector.broadcast %neg3A_1704 : f32 to vector<128xf32>
    %neg3A_1706 = arith.subf %neg3A_1705, %select_n3A_1703 : vector<128xf32>
    %add3A_1707 = arith.addf %add3A_1655, %neg3A_1706 : vector<128xf32>
    %mul3A_1708 = arith.mulf %select_n3A_1680, %select_n3A_1680 : vector<128x64xf32>
    %reduce_sum3A_1709 = vector.shape_cast %mul3A_1708 : vector<128x64xf32> to vector<1x128x64xf32>
    %reduce_sum3A_1710 = arith.constant dense<0.000000e+00> : vector<1xf32>
    %reduce_sum3A_1711 = vector.multi_reduction <add>, %reduce_sum3A_1709, %reduce_sum3A_1710 [1, 2] : vector<1x128x64xf32> to vector<1xf32>
    %reduce_sum3A_1712 = vector.shape_cast %reduce_sum3A_1711 : vector<1xf32> to vector<1x1x1xf32>
    %reduce_sum3A_1713 = vector.extract %reduce_sum3A_1712[0, 0, 0] : f32 from vector<1x1x1xf32>
    %add3A_1714 = arith.addf %add3A_1662, %reduce_sum3A_1713 : f32
    %get3A_1715 = arith.constant 32 : index
    %get3A_1716 = arith.constant 0 : index
    %get3A_1717 = arith.constant 0 : index
    %get3A_1718 = vector.load %arg3[%get3A_1715, %get3A_1716, %get3A_1717] : memref<40x128x128xf32, #tpu.memory_space<vmem>>, vector<1x128x128xf32>
    %get3A_1719 = vector.shape_cast %get3A_1718 : vector<1x128x128xf32> to vector<128x128xf32>
    %get3A_1720 = arith.constant 32 : index
    %get3A_1721 = arith.constant 0 : index
    %get3A_1722 = vector.load %arg6[%get3A_1720, %get3A_1721] : memref<40x128xi32, #tpu.memory_space<vmem>>, vector<1x128xi32>
    %get3A_1723 = vector.shape_cast %get3A_1722 : vector<1x128xi32> to vector<128xi32>
    %broadcast_in_dim3A_1724 = vector.shape_cast %get3A_1723 : vector<128xi32> to vector<128x1xi32>
    %slice3A_1725 = vector.extract_strided_slice %get3A_1719 {offsets = [0, 0], sizes = [128, 64], strides = [1, 1]} : vector<128x128xf32> to vector<128x64xf32>
    %slice3A_1726 = vector.extract_strided_slice %get3A_1719 {offsets = [0, 64], sizes = [128, 64], strides = [1, 1]} : vector<128x128xf32> to vector<128x64xf32>
    %ge3A_1727 = arith.constant 25600 : i32
    %ge3A_1728 = vector.broadcast %ge3A_1727 : i32 to vector<128x1xi32>
    %ge3A_1729 = arith.cmpi sge, %broadcast_in_dim3A_1724, %ge3A_1728 : vector<128x1xi32>
    %broadcast_in_dim3A_1730 = vector.shape_cast %ge3A_1729 : vector<128x1xi1> to vector<128x1xi1>
    %broadcast_in_dim3A_1731 = vector.broadcast %broadcast_in_dim3A_1730 : vector<128x1xi1> to vector<128x64xi1>
    %select_n3A_1732 = arith.select %broadcast_in_dim3A_1731, %slice3A_1726, %slice3A_1725 : vector<128x64xi1>, vector<128x64xf32>
    %mul3A_1733 = arith.mulf %select_n3A, %select_n3A_1732 : vector<128x64xf32>
    %reduce_sum3A_1734 = arith.constant dense<0.000000e+00> : vector<128xf32>
    %reduce_sum3A_1735 = vector.multi_reduction <add>, %mul3A_1733, %reduce_sum3A_1734 [1] : vector<128x64xf32> to vector<128xf32>
    %sub3A_1736 = arith.subf %mul3A_44, %reduce_sum3A_1735 : vector<128xf32>
    %neg3A_1737 = arith.constant 0.000000e+00 : f32
    %neg3A_1738 = vector.broadcast %neg3A_1737 : f32 to vector<128xf32>
    %neg3A_1739 = arith.subf %neg3A_1738, %sub3A_1736 : vector<128xf32>
    %custom_jvp_call3A_1740 = arith.constant 0.000000e+00 : f32
    %max3A_1741 = vector.broadcast %custom_jvp_call3A_1740 : f32 to vector<128xf32>
    %max3A_1742 = arith.maximumf %neg3A_1739, %max3A_1741 : vector<128xf32>
    %sub3A_1743 = vector.broadcast %custom_jvp_call3A_1740 : f32 to vector<128xf32>
    %sub3A_1744 = arith.subf %neg3A_1739, %sub3A_1743 : vector<128xf32>
    %ne3A_1745 = arith.cmpf one, %sub3A_1744, %sub3A_1744 : vector<128xf32>
    %add3A_1746 = vector.broadcast %custom_jvp_call3A_1740 : f32 to vector<128xf32>
    %add3A_1747 = arith.addf %neg3A_1739, %add3A_1746 : vector<128xf32>
    %abs3A_1748 = math.absf %sub3A_1744 : vector<128xf32>
    %neg3A_1749 = arith.constant 0.000000e+00 : f32
    %neg3A_1750 = vector.broadcast %neg3A_1749 : f32 to vector<128xf32>
    %neg3A_1751 = arith.subf %neg3A_1750, %abs3A_1748 : vector<128xf32>
    %exp3A_1752 = math.exp %neg3A_1751 : vector<128xf32>
    %log1p3A_1753 = math.log1p %exp3A_1752 : vector<128xf32>
    %add3A_1754 = arith.addf %max3A_1742, %log1p3A_1753 : vector<128xf32>
    %select_n3A_1755 = arith.select %ne3A_1745, %add3A_1747, %add3A_1754 : vector<128xi1>, vector<128xf32>
    %neg3A_1756 = arith.constant 0.000000e+00 : f32
    %neg3A_1757 = vector.broadcast %neg3A_1756 : f32 to vector<128xf32>
    %neg3A_1758 = arith.subf %neg3A_1757, %select_n3A_1755 : vector<128xf32>
    %add3A_1759 = arith.addf %add3A_1707, %neg3A_1758 : vector<128xf32>
    %mul3A_1760 = arith.mulf %select_n3A_1732, %select_n3A_1732 : vector<128x64xf32>
    %reduce_sum3A_1761 = vector.shape_cast %mul3A_1760 : vector<128x64xf32> to vector<1x128x64xf32>
    %reduce_sum3A_1762 = arith.constant dense<0.000000e+00> : vector<1xf32>
    %reduce_sum3A_1763 = vector.multi_reduction <add>, %reduce_sum3A_1761, %reduce_sum3A_1762 [1, 2] : vector<1x128x64xf32> to vector<1xf32>
    %reduce_sum3A_1764 = vector.shape_cast %reduce_sum3A_1763 : vector<1xf32> to vector<1x1x1xf32>
    %reduce_sum3A_1765 = vector.extract %reduce_sum3A_1764[0, 0, 0] : f32 from vector<1x1x1xf32>
    %add3A_1766 = arith.addf %add3A_1714, %reduce_sum3A_1765 : f32
    %get3A_1767 = arith.constant 33 : index
    %get3A_1768 = arith.constant 0 : index
    %get3A_1769 = arith.constant 0 : index
    %get3A_1770 = vector.load %arg3[%get3A_1767, %get3A_1768, %get3A_1769] : memref<40x128x128xf32, #tpu.memory_space<vmem>>, vector<1x128x128xf32>
    %get3A_1771 = vector.shape_cast %get3A_1770 : vector<1x128x128xf32> to vector<128x128xf32>
    %get3A_1772 = arith.constant 33 : index
    %get3A_1773 = arith.constant 0 : index
    %get3A_1774 = vector.load %arg6[%get3A_1772, %get3A_1773] : memref<40x128xi32, #tpu.memory_space<vmem>>, vector<1x128xi32>
    %get3A_1775 = vector.shape_cast %get3A_1774 : vector<1x128xi32> to vector<128xi32>
    %broadcast_in_dim3A_1776 = vector.shape_cast %get3A_1775 : vector<128xi32> to vector<128x1xi32>
    %slice3A_1777 = vector.extract_strided_slice %get3A_1771 {offsets = [0, 0], sizes = [128, 64], strides = [1, 1]} : vector<128x128xf32> to vector<128x64xf32>
    %slice3A_1778 = vector.extract_strided_slice %get3A_1771 {offsets = [0, 64], sizes = [128, 64], strides = [1, 1]} : vector<128x128xf32> to vector<128x64xf32>
    %ge3A_1779 = arith.constant 25600 : i32
    %ge3A_1780 = vector.broadcast %ge3A_1779 : i32 to vector<128x1xi32>
    %ge3A_1781 = arith.cmpi sge, %broadcast_in_dim3A_1776, %ge3A_1780 : vector<128x1xi32>
    %broadcast_in_dim3A_1782 = vector.shape_cast %ge3A_1781 : vector<128x1xi1> to vector<128x1xi1>
    %broadcast_in_dim3A_1783 = vector.broadcast %broadcast_in_dim3A_1782 : vector<128x1xi1> to vector<128x64xi1>
    %select_n3A_1784 = arith.select %broadcast_in_dim3A_1783, %slice3A_1778, %slice3A_1777 : vector<128x64xi1>, vector<128x64xf32>
    %mul3A_1785 = arith.mulf %select_n3A, %select_n3A_1784 : vector<128x64xf32>
    %reduce_sum3A_1786 = arith.constant dense<0.000000e+00> : vector<128xf32>
    %reduce_sum3A_1787 = vector.multi_reduction <add>, %mul3A_1785, %reduce_sum3A_1786 [1] : vector<128x64xf32> to vector<128xf32>
    %sub3A_1788 = arith.subf %mul3A_44, %reduce_sum3A_1787 : vector<128xf32>
    %neg3A_1789 = arith.constant 0.000000e+00 : f32
    %neg3A_1790 = vector.broadcast %neg3A_1789 : f32 to vector<128xf32>
    %neg3A_1791 = arith.subf %neg3A_1790, %sub3A_1788 : vector<128xf32>
    %custom_jvp_call3A_1792 = arith.constant 0.000000e+00 : f32
    %max3A_1793 = vector.broadcast %custom_jvp_call3A_1792 : f32 to vector<128xf32>
    %max3A_1794 = arith.maximumf %neg3A_1791, %max3A_1793 : vector<128xf32>
    %sub3A_1795 = vector.broadcast %custom_jvp_call3A_1792 : f32 to vector<128xf32>
    %sub3A_1796 = arith.subf %neg3A_1791, %sub3A_1795 : vector<128xf32>
    %ne3A_1797 = arith.cmpf one, %sub3A_1796, %sub3A_1796 : vector<128xf32>
    %add3A_1798 = vector.broadcast %custom_jvp_call3A_1792 : f32 to vector<128xf32>
    %add3A_1799 = arith.addf %neg3A_1791, %add3A_1798 : vector<128xf32>
    %abs3A_1800 = math.absf %sub3A_1796 : vector<128xf32>
    %neg3A_1801 = arith.constant 0.000000e+00 : f32
    %neg3A_1802 = vector.broadcast %neg3A_1801 : f32 to vector<128xf32>
    %neg3A_1803 = arith.subf %neg3A_1802, %abs3A_1800 : vector<128xf32>
    %exp3A_1804 = math.exp %neg3A_1803 : vector<128xf32>
    %log1p3A_1805 = math.log1p %exp3A_1804 : vector<128xf32>
    %add3A_1806 = arith.addf %max3A_1794, %log1p3A_1805 : vector<128xf32>
    %select_n3A_1807 = arith.select %ne3A_1797, %add3A_1799, %add3A_1806 : vector<128xi1>, vector<128xf32>
    %neg3A_1808 = arith.constant 0.000000e+00 : f32
    %neg3A_1809 = vector.broadcast %neg3A_1808 : f32 to vector<128xf32>
    %neg3A_1810 = arith.subf %neg3A_1809, %select_n3A_1807 : vector<128xf32>
    %add3A_1811 = arith.addf %add3A_1759, %neg3A_1810 : vector<128xf32>
    %mul3A_1812 = arith.mulf %select_n3A_1784, %select_n3A_1784 : vector<128x64xf32>
    %reduce_sum3A_1813 = vector.shape_cast %mul3A_1812 : vector<128x64xf32> to vector<1x128x64xf32>
    %reduce_sum3A_1814 = arith.constant dense<0.000000e+00> : vector<1xf32>
    %reduce_sum3A_1815 = vector.multi_reduction <add>, %reduce_sum3A_1813, %reduce_sum3A_1814 [1, 2] : vector<1x128x64xf32> to vector<1xf32>
    %reduce_sum3A_1816 = vector.shape_cast %reduce_sum3A_1815 : vector<1xf32> to vector<1x1x1xf32>
    %reduce_sum3A_1817 = vector.extract %reduce_sum3A_1816[0, 0, 0] : f32 from vector<1x1x1xf32>
    %add3A_1818 = arith.addf %add3A_1766, %reduce_sum3A_1817 : f32
    %get3A_1819 = arith.constant 34 : index
    %get3A_1820 = arith.constant 0 : index
    %get3A_1821 = arith.constant 0 : index
    %get3A_1822 = vector.load %arg3[%get3A_1819, %get3A_1820, %get3A_1821] : memref<40x128x128xf32, #tpu.memory_space<vmem>>, vector<1x128x128xf32>
    %get3A_1823 = vector.shape_cast %get3A_1822 : vector<1x128x128xf32> to vector<128x128xf32>
    %get3A_1824 = arith.constant 34 : index
    %get3A_1825 = arith.constant 0 : index
    %get3A_1826 = vector.load %arg6[%get3A_1824, %get3A_1825] : memref<40x128xi32, #tpu.memory_space<vmem>>, vector<1x128xi32>
    %get3A_1827 = vector.shape_cast %get3A_1826 : vector<1x128xi32> to vector<128xi32>
    %broadcast_in_dim3A_1828 = vector.shape_cast %get3A_1827 : vector<128xi32> to vector<128x1xi32>
    %slice3A_1829 = vector.extract_strided_slice %get3A_1823 {offsets = [0, 0], sizes = [128, 64], strides = [1, 1]} : vector<128x128xf32> to vector<128x64xf32>
    %slice3A_1830 = vector.extract_strided_slice %get3A_1823 {offsets = [0, 64], sizes = [128, 64], strides = [1, 1]} : vector<128x128xf32> to vector<128x64xf32>
    %ge3A_1831 = arith.constant 25600 : i32
    %ge3A_1832 = vector.broadcast %ge3A_1831 : i32 to vector<128x1xi32>
    %ge3A_1833 = arith.cmpi sge, %broadcast_in_dim3A_1828, %ge3A_1832 : vector<128x1xi32>
    %broadcast_in_dim3A_1834 = vector.shape_cast %ge3A_1833 : vector<128x1xi1> to vector<128x1xi1>
    %broadcast_in_dim3A_1835 = vector.broadcast %broadcast_in_dim3A_1834 : vector<128x1xi1> to vector<128x64xi1>
    %select_n3A_1836 = arith.select %broadcast_in_dim3A_1835, %slice3A_1830, %slice3A_1829 : vector<128x64xi1>, vector<128x64xf32>
    %mul3A_1837 = arith.mulf %select_n3A, %select_n3A_1836 : vector<128x64xf32>
    %reduce_sum3A_1838 = arith.constant dense<0.000000e+00> : vector<128xf32>
    %reduce_sum3A_1839 = vector.multi_reduction <add>, %mul3A_1837, %reduce_sum3A_1838 [1] : vector<128x64xf32> to vector<128xf32>
    %sub3A_1840 = arith.subf %mul3A_44, %reduce_sum3A_1839 : vector<128xf32>
    %neg3A_1841 = arith.constant 0.000000e+00 : f32
    %neg3A_1842 = vector.broadcast %neg3A_1841 : f32 to vector<128xf32>
    %neg3A_1843 = arith.subf %neg3A_1842, %sub3A_1840 : vector<128xf32>
    %custom_jvp_call3A_1844 = arith.constant 0.000000e+00 : f32
    %max3A_1845 = vector.broadcast %custom_jvp_call3A_1844 : f32 to vector<128xf32>
    %max3A_1846 = arith.maximumf %neg3A_1843, %max3A_1845 : vector<128xf32>
    %sub3A_1847 = vector.broadcast %custom_jvp_call3A_1844 : f32 to vector<128xf32>
    %sub3A_1848 = arith.subf %neg3A_1843, %sub3A_1847 : vector<128xf32>
    %ne3A_1849 = arith.cmpf one, %sub3A_1848, %sub3A_1848 : vector<128xf32>
    %add3A_1850 = vector.broadcast %custom_jvp_call3A_1844 : f32 to vector<128xf32>
    %add3A_1851 = arith.addf %neg3A_1843, %add3A_1850 : vector<128xf32>
    %abs3A_1852 = math.absf %sub3A_1848 : vector<128xf32>
    %neg3A_1853 = arith.constant 0.000000e+00 : f32
    %neg3A_1854 = vector.broadcast %neg3A_1853 : f32 to vector<128xf32>
    %neg3A_1855 = arith.subf %neg3A_1854, %abs3A_1852 : vector<128xf32>
    %exp3A_1856 = math.exp %neg3A_1855 : vector<128xf32>
    %log1p3A_1857 = math.log1p %exp3A_1856 : vector<128xf32>
    %add3A_1858 = arith.addf %max3A_1846, %log1p3A_1857 : vector<128xf32>
    %select_n3A_1859 = arith.select %ne3A_1849, %add3A_1851, %add3A_1858 : vector<128xi1>, vector<128xf32>
    %neg3A_1860 = arith.constant 0.000000e+00 : f32
    %neg3A_1861 = vector.broadcast %neg3A_1860 : f32 to vector<128xf32>
    %neg3A_1862 = arith.subf %neg3A_1861, %select_n3A_1859 : vector<128xf32>
    %add3A_1863 = arith.addf %add3A_1811, %neg3A_1862 : vector<128xf32>
    %mul3A_1864 = arith.mulf %select_n3A_1836, %select_n3A_1836 : vector<128x64xf32>
    %reduce_sum3A_1865 = vector.shape_cast %mul3A_1864 : vector<128x64xf32> to vector<1x128x64xf32>
    %reduce_sum3A_1866 = arith.constant dense<0.000000e+00> : vector<1xf32>
    %reduce_sum3A_1867 = vector.multi_reduction <add>, %reduce_sum3A_1865, %reduce_sum3A_1866 [1, 2] : vector<1x128x64xf32> to vector<1xf32>
    %reduce_sum3A_1868 = vector.shape_cast %reduce_sum3A_1867 : vector<1xf32> to vector<1x1x1xf32>
    %reduce_sum3A_1869 = vector.extract %reduce_sum3A_1868[0, 0, 0] : f32 from vector<1x1x1xf32>
    %add3A_1870 = arith.addf %add3A_1818, %reduce_sum3A_1869 : f32
    %get3A_1871 = arith.constant 35 : index
    %get3A_1872 = arith.constant 0 : index
    %get3A_1873 = arith.constant 0 : index
    %get3A_1874 = vector.load %arg3[%get3A_1871, %get3A_1872, %get3A_1873] : memref<40x128x128xf32, #tpu.memory_space<vmem>>, vector<1x128x128xf32>
    %get3A_1875 = vector.shape_cast %get3A_1874 : vector<1x128x128xf32> to vector<128x128xf32>
    %get3A_1876 = arith.constant 35 : index
    %get3A_1877 = arith.constant 0 : index
    %get3A_1878 = vector.load %arg6[%get3A_1876, %get3A_1877] : memref<40x128xi32, #tpu.memory_space<vmem>>, vector<1x128xi32>
    %get3A_1879 = vector.shape_cast %get3A_1878 : vector<1x128xi32> to vector<128xi32>
    %broadcast_in_dim3A_1880 = vector.shape_cast %get3A_1879 : vector<128xi32> to vector<128x1xi32>
    %slice3A_1881 = vector.extract_strided_slice %get3A_1875 {offsets = [0, 0], sizes = [128, 64], strides = [1, 1]} : vector<128x128xf32> to vector<128x64xf32>
    %slice3A_1882 = vector.extract_strided_slice %get3A_1875 {offsets = [0, 64], sizes = [128, 64], strides = [1, 1]} : vector<128x128xf32> to vector<128x64xf32>
    %ge3A_1883 = arith.constant 25600 : i32
    %ge3A_1884 = vector.broadcast %ge3A_1883 : i32 to vector<128x1xi32>
    %ge3A_1885 = arith.cmpi sge, %broadcast_in_dim3A_1880, %ge3A_1884 : vector<128x1xi32>
    %broadcast_in_dim3A_1886 = vector.shape_cast %ge3A_1885 : vector<128x1xi1> to vector<128x1xi1>
    %broadcast_in_dim3A_1887 = vector.broadcast %broadcast_in_dim3A_1886 : vector<128x1xi1> to vector<128x64xi1>
    %select_n3A_1888 = arith.select %broadcast_in_dim3A_1887, %slice3A_1882, %slice3A_1881 : vector<128x64xi1>, vector<128x64xf32>
    %mul3A_1889 = arith.mulf %select_n3A, %select_n3A_1888 : vector<128x64xf32>
    %reduce_sum3A_1890 = arith.constant dense<0.000000e+00> : vector<128xf32>
    %reduce_sum3A_1891 = vector.multi_reduction <add>, %mul3A_1889, %reduce_sum3A_1890 [1] : vector<128x64xf32> to vector<128xf32>
    %sub3A_1892 = arith.subf %mul3A_44, %reduce_sum3A_1891 : vector<128xf32>
    %neg3A_1893 = arith.constant 0.000000e+00 : f32
    %neg3A_1894 = vector.broadcast %neg3A_1893 : f32 to vector<128xf32>
    %neg3A_1895 = arith.subf %neg3A_1894, %sub3A_1892 : vector<128xf32>
    %custom_jvp_call3A_1896 = arith.constant 0.000000e+00 : f32
    %max3A_1897 = vector.broadcast %custom_jvp_call3A_1896 : f32 to vector<128xf32>
    %max3A_1898 = arith.maximumf %neg3A_1895, %max3A_1897 : vector<128xf32>
    %sub3A_1899 = vector.broadcast %custom_jvp_call3A_1896 : f32 to vector<128xf32>
    %sub3A_1900 = arith.subf %neg3A_1895, %sub3A_1899 : vector<128xf32>
    %ne3A_1901 = arith.cmpf one, %sub3A_1900, %sub3A_1900 : vector<128xf32>
    %add3A_1902 = vector.broadcast %custom_jvp_call3A_1896 : f32 to vector<128xf32>
    %add3A_1903 = arith.addf %neg3A_1895, %add3A_1902 : vector<128xf32>
    %abs3A_1904 = math.absf %sub3A_1900 : vector<128xf32>
    %neg3A_1905 = arith.constant 0.000000e+00 : f32
    %neg3A_1906 = vector.broadcast %neg3A_1905 : f32 to vector<128xf32>
    %neg3A_1907 = arith.subf %neg3A_1906, %abs3A_1904 : vector<128xf32>
    %exp3A_1908 = math.exp %neg3A_1907 : vector<128xf32>
    %log1p3A_1909 = math.log1p %exp3A_1908 : vector<128xf32>
    %add3A_1910 = arith.addf %max3A_1898, %log1p3A_1909 : vector<128xf32>
    %select_n3A_1911 = arith.select %ne3A_1901, %add3A_1903, %add3A_1910 : vector<128xi1>, vector<128xf32>
    %neg3A_1912 = arith.constant 0.000000e+00 : f32
    %neg3A_1913 = vector.broadcast %neg3A_1912 : f32 to vector<128xf32>
    %neg3A_1914 = arith.subf %neg3A_1913, %select_n3A_1911 : vector<128xf32>
    %add3A_1915 = arith.addf %add3A_1863, %neg3A_1914 : vector<128xf32>
    %mul3A_1916 = arith.mulf %select_n3A_1888, %select_n3A_1888 : vector<128x64xf32>
    %reduce_sum3A_1917 = vector.shape_cast %mul3A_1916 : vector<128x64xf32> to vector<1x128x64xf32>
    %reduce_sum3A_1918 = arith.constant dense<0.000000e+00> : vector<1xf32>
    %reduce_sum3A_1919 = vector.multi_reduction <add>, %reduce_sum3A_1917, %reduce_sum3A_1918 [1, 2] : vector<1x128x64xf32> to vector<1xf32>
    %reduce_sum3A_1920 = vector.shape_cast %reduce_sum3A_1919 : vector<1xf32> to vector<1x1x1xf32>
    %reduce_sum3A_1921 = vector.extract %reduce_sum3A_1920[0, 0, 0] : f32 from vector<1x1x1xf32>
    %add3A_1922 = arith.addf %add3A_1870, %reduce_sum3A_1921 : f32
    %get3A_1923 = arith.constant 36 : index
    %get3A_1924 = arith.constant 0 : index
    %get3A_1925 = arith.constant 0 : index
    %get3A_1926 = vector.load %arg3[%get3A_1923, %get3A_1924, %get3A_1925] : memref<40x128x128xf32, #tpu.memory_space<vmem>>, vector<1x128x128xf32>
    %get3A_1927 = vector.shape_cast %get3A_1926 : vector<1x128x128xf32> to vector<128x128xf32>
    %get3A_1928 = arith.constant 36 : index
    %get3A_1929 = arith.constant 0 : index
    %get3A_1930 = vector.load %arg6[%get3A_1928, %get3A_1929] : memref<40x128xi32, #tpu.memory_space<vmem>>, vector<1x128xi32>
    %get3A_1931 = vector.shape_cast %get3A_1930 : vector<1x128xi32> to vector<128xi32>
    %broadcast_in_dim3A_1932 = vector.shape_cast %get3A_1931 : vector<128xi32> to vector<128x1xi32>
    %slice3A_1933 = vector.extract_strided_slice %get3A_1927 {offsets = [0, 0], sizes = [128, 64], strides = [1, 1]} : vector<128x128xf32> to vector<128x64xf32>
    %slice3A_1934 = vector.extract_strided_slice %get3A_1927 {offsets = [0, 64], sizes = [128, 64], strides = [1, 1]} : vector<128x128xf32> to vector<128x64xf32>
    %ge3A_1935 = arith.constant 25600 : i32
    %ge3A_1936 = vector.broadcast %ge3A_1935 : i32 to vector<128x1xi32>
    %ge3A_1937 = arith.cmpi sge, %broadcast_in_dim3A_1932, %ge3A_1936 : vector<128x1xi32>
    %broadcast_in_dim3A_1938 = vector.shape_cast %ge3A_1937 : vector<128x1xi1> to vector<128x1xi1>
    %broadcast_in_dim3A_1939 = vector.broadcast %broadcast_in_dim3A_1938 : vector<128x1xi1> to vector<128x64xi1>
    %select_n3A_1940 = arith.select %broadcast_in_dim3A_1939, %slice3A_1934, %slice3A_1933 : vector<128x64xi1>, vector<128x64xf32>
    %mul3A_1941 = arith.mulf %select_n3A, %select_n3A_1940 : vector<128x64xf32>
    %reduce_sum3A_1942 = arith.constant dense<0.000000e+00> : vector<128xf32>
    %reduce_sum3A_1943 = vector.multi_reduction <add>, %mul3A_1941, %reduce_sum3A_1942 [1] : vector<128x64xf32> to vector<128xf32>
    %sub3A_1944 = arith.subf %mul3A_44, %reduce_sum3A_1943 : vector<128xf32>
    %neg3A_1945 = arith.constant 0.000000e+00 : f32
    %neg3A_1946 = vector.broadcast %neg3A_1945 : f32 to vector<128xf32>
    %neg3A_1947 = arith.subf %neg3A_1946, %sub3A_1944 : vector<128xf32>
    %custom_jvp_call3A_1948 = arith.constant 0.000000e+00 : f32
    %max3A_1949 = vector.broadcast %custom_jvp_call3A_1948 : f32 to vector<128xf32>
    %max3A_1950 = arith.maximumf %neg3A_1947, %max3A_1949 : vector<128xf32>
    %sub3A_1951 = vector.broadcast %custom_jvp_call3A_1948 : f32 to vector<128xf32>
    %sub3A_1952 = arith.subf %neg3A_1947, %sub3A_1951 : vector<128xf32>
    %ne3A_1953 = arith.cmpf one, %sub3A_1952, %sub3A_1952 : vector<128xf32>
    %add3A_1954 = vector.broadcast %custom_jvp_call3A_1948 : f32 to vector<128xf32>
    %add3A_1955 = arith.addf %neg3A_1947, %add3A_1954 : vector<128xf32>
    %abs3A_1956 = math.absf %sub3A_1952 : vector<128xf32>
    %neg3A_1957 = arith.constant 0.000000e+00 : f32
    %neg3A_1958 = vector.broadcast %neg3A_1957 : f32 to vector<128xf32>
    %neg3A_1959 = arith.subf %neg3A_1958, %abs3A_1956 : vector<128xf32>
    %exp3A_1960 = math.exp %neg3A_1959 : vector<128xf32>
    %log1p3A_1961 = math.log1p %exp3A_1960 : vector<128xf32>
    %add3A_1962 = arith.addf %max3A_1950, %log1p3A_1961 : vector<128xf32>
    %select_n3A_1963 = arith.select %ne3A_1953, %add3A_1955, %add3A_1962 : vector<128xi1>, vector<128xf32>
    %neg3A_1964 = arith.constant 0.000000e+00 : f32
    %neg3A_1965 = vector.broadcast %neg3A_1964 : f32 to vector<128xf32>
    %neg3A_1966 = arith.subf %neg3A_1965, %select_n3A_1963 : vector<128xf32>
    %add3A_1967 = arith.addf %add3A_1915, %neg3A_1966 : vector<128xf32>
    %mul3A_1968 = arith.mulf %select_n3A_1940, %select_n3A_1940 : vector<128x64xf32>
    %reduce_sum3A_1969 = vector.shape_cast %mul3A_1968 : vector<128x64xf32> to vector<1x128x64xf32>
    %reduce_sum3A_1970 = arith.constant dense<0.000000e+00> : vector<1xf32>
    %reduce_sum3A_1971 = vector.multi_reduction <add>, %reduce_sum3A_1969, %reduce_sum3A_1970 [1, 2] : vector<1x128x64xf32> to vector<1xf32>
    %reduce_sum3A_1972 = vector.shape_cast %reduce_sum3A_1971 : vector<1xf32> to vector<1x1x1xf32>
    %reduce_sum3A_1973 = vector.extract %reduce_sum3A_1972[0, 0, 0] : f32 from vector<1x1x1xf32>
    %add3A_1974 = arith.addf %add3A_1922, %reduce_sum3A_1973 : f32
    %get3A_1975 = arith.constant 37 : index
    %get3A_1976 = arith.constant 0 : index
    %get3A_1977 = arith.constant 0 : index
    %get3A_1978 = vector.load %arg3[%get3A_1975, %get3A_1976, %get3A_1977] : memref<40x128x128xf32, #tpu.memory_space<vmem>>, vector<1x128x128xf32>
    %get3A_1979 = vector.shape_cast %get3A_1978 : vector<1x128x128xf32> to vector<128x128xf32>
    %get3A_1980 = arith.constant 37 : index
    %get3A_1981 = arith.constant 0 : index
    %get3A_1982 = vector.load %arg6[%get3A_1980, %get3A_1981] : memref<40x128xi32, #tpu.memory_space<vmem>>, vector<1x128xi32>
    %get3A_1983 = vector.shape_cast %get3A_1982 : vector<1x128xi32> to vector<128xi32>
    %broadcast_in_dim3A_1984 = vector.shape_cast %get3A_1983 : vector<128xi32> to vector<128x1xi32>
    %slice3A_1985 = vector.extract_strided_slice %get3A_1979 {offsets = [0, 0], sizes = [128, 64], strides = [1, 1]} : vector<128x128xf32> to vector<128x64xf32>
    %slice3A_1986 = vector.extract_strided_slice %get3A_1979 {offsets = [0, 64], sizes = [128, 64], strides = [1, 1]} : vector<128x128xf32> to vector<128x64xf32>
    %ge3A_1987 = arith.constant 25600 : i32
    %ge3A_1988 = vector.broadcast %ge3A_1987 : i32 to vector<128x1xi32>
    %ge3A_1989 = arith.cmpi sge, %broadcast_in_dim3A_1984, %ge3A_1988 : vector<128x1xi32>
    %broadcast_in_dim3A_1990 = vector.shape_cast %ge3A_1989 : vector<128x1xi1> to vector<128x1xi1>
    %broadcast_in_dim3A_1991 = vector.broadcast %broadcast_in_dim3A_1990 : vector<128x1xi1> to vector<128x64xi1>
    %select_n3A_1992 = arith.select %broadcast_in_dim3A_1991, %slice3A_1986, %slice3A_1985 : vector<128x64xi1>, vector<128x64xf32>
    %mul3A_1993 = arith.mulf %select_n3A, %select_n3A_1992 : vector<128x64xf32>
    %reduce_sum3A_1994 = arith.constant dense<0.000000e+00> : vector<128xf32>
    %reduce_sum3A_1995 = vector.multi_reduction <add>, %mul3A_1993, %reduce_sum3A_1994 [1] : vector<128x64xf32> to vector<128xf32>
    %sub3A_1996 = arith.subf %mul3A_44, %reduce_sum3A_1995 : vector<128xf32>
    %neg3A_1997 = arith.constant 0.000000e+00 : f32
    %neg3A_1998 = vector.broadcast %neg3A_1997 : f32 to vector<128xf32>
    %neg3A_1999 = arith.subf %neg3A_1998, %sub3A_1996 : vector<128xf32>
    %custom_jvp_call3A_2000 = arith.constant 0.000000e+00 : f32
    %max3A_2001 = vector.broadcast %custom_jvp_call3A_2000 : f32 to vector<128xf32>
    %max3A_2002 = arith.maximumf %neg3A_1999, %max3A_2001 : vector<128xf32>
    %sub3A_2003 = vector.broadcast %custom_jvp_call3A_2000 : f32 to vector<128xf32>
    %sub3A_2004 = arith.subf %neg3A_1999, %sub3A_2003 : vector<128xf32>
    %ne3A_2005 = arith.cmpf one, %sub3A_2004, %sub3A_2004 : vector<128xf32>
    %add3A_2006 = vector.broadcast %custom_jvp_call3A_2000 : f32 to vector<128xf32>
    %add3A_2007 = arith.addf %neg3A_1999, %add3A_2006 : vector<128xf32>
    %abs3A_2008 = math.absf %sub3A_2004 : vector<128xf32>
    %neg3A_2009 = arith.constant 0.000000e+00 : f32
    %neg3A_2010 = vector.broadcast %neg3A_2009 : f32 to vector<128xf32>
    %neg3A_2011 = arith.subf %neg3A_2010, %abs3A_2008 : vector<128xf32>
    %exp3A_2012 = math.exp %neg3A_2011 : vector<128xf32>
    %log1p3A_2013 = math.log1p %exp3A_2012 : vector<128xf32>
    %add3A_2014 = arith.addf %max3A_2002, %log1p3A_2013 : vector<128xf32>
    %select_n3A_2015 = arith.select %ne3A_2005, %add3A_2007, %add3A_2014 : vector<128xi1>, vector<128xf32>
    %neg3A_2016 = arith.constant 0.000000e+00 : f32
    %neg3A_2017 = vector.broadcast %neg3A_2016 : f32 to vector<128xf32>
    %neg3A_2018 = arith.subf %neg3A_2017, %select_n3A_2015 : vector<128xf32>
    %add3A_2019 = arith.addf %add3A_1967, %neg3A_2018 : vector<128xf32>
    %mul3A_2020 = arith.mulf %select_n3A_1992, %select_n3A_1992 : vector<128x64xf32>
    %reduce_sum3A_2021 = vector.shape_cast %mul3A_2020 : vector<128x64xf32> to vector<1x128x64xf32>
    %reduce_sum3A_2022 = arith.constant dense<0.000000e+00> : vector<1xf32>
    %reduce_sum3A_2023 = vector.multi_reduction <add>, %reduce_sum3A_2021, %reduce_sum3A_2022 [1, 2] : vector<1x128x64xf32> to vector<1xf32>
    %reduce_sum3A_2024 = vector.shape_cast %reduce_sum3A_2023 : vector<1xf32> to vector<1x1x1xf32>
    %reduce_sum3A_2025 = vector.extract %reduce_sum3A_2024[0, 0, 0] : f32 from vector<1x1x1xf32>
    %add3A_2026 = arith.addf %add3A_1974, %reduce_sum3A_2025 : f32
    %get3A_2027 = arith.constant 38 : index
    %get3A_2028 = arith.constant 0 : index
    %get3A_2029 = arith.constant 0 : index
    %get3A_2030 = vector.load %arg3[%get3A_2027, %get3A_2028, %get3A_2029] : memref<40x128x128xf32, #tpu.memory_space<vmem>>, vector<1x128x128xf32>
    %get3A_2031 = vector.shape_cast %get3A_2030 : vector<1x128x128xf32> to vector<128x128xf32>
    %get3A_2032 = arith.constant 38 : index
    %get3A_2033 = arith.constant 0 : index
    %get3A_2034 = vector.load %arg6[%get3A_2032, %get3A_2033] : memref<40x128xi32, #tpu.memory_space<vmem>>, vector<1x128xi32>
    %get3A_2035 = vector.shape_cast %get3A_2034 : vector<1x128xi32> to vector<128xi32>
    %broadcast_in_dim3A_2036 = vector.shape_cast %get3A_2035 : vector<128xi32> to vector<128x1xi32>
    %slice3A_2037 = vector.extract_strided_slice %get3A_2031 {offsets = [0, 0], sizes = [128, 64], strides = [1, 1]} : vector<128x128xf32> to vector<128x64xf32>
    %slice3A_2038 = vector.extract_strided_slice %get3A_2031 {offsets = [0, 64], sizes = [128, 64], strides = [1, 1]} : vector<128x128xf32> to vector<128x64xf32>
    %ge3A_2039 = arith.constant 25600 : i32
    %ge3A_2040 = vector.broadcast %ge3A_2039 : i32 to vector<128x1xi32>
    %ge3A_2041 = arith.cmpi sge, %broadcast_in_dim3A_2036, %ge3A_2040 : vector<128x1xi32>
    %broadcast_in_dim3A_2042 = vector.shape_cast %ge3A_2041 : vector<128x1xi1> to vector<128x1xi1>
    %broadcast_in_dim3A_2043 = vector.broadcast %broadcast_in_dim3A_2042 : vector<128x1xi1> to vector<128x64xi1>
    %select_n3A_2044 = arith.select %broadcast_in_dim3A_2043, %slice3A_2038, %slice3A_2037 : vector<128x64xi1>, vector<128x64xf32>
    %mul3A_2045 = arith.mulf %select_n3A, %select_n3A_2044 : vector<128x64xf32>
    %reduce_sum3A_2046 = arith.constant dense<0.000000e+00> : vector<128xf32>
    %reduce_sum3A_2047 = vector.multi_reduction <add>, %mul3A_2045, %reduce_sum3A_2046 [1] : vector<128x64xf32> to vector<128xf32>
    %sub3A_2048 = arith.subf %mul3A_44, %reduce_sum3A_2047 : vector<128xf32>
    %neg3A_2049 = arith.constant 0.000000e+00 : f32
    %neg3A_2050 = vector.broadcast %neg3A_2049 : f32 to vector<128xf32>
    %neg3A_2051 = arith.subf %neg3A_2050, %sub3A_2048 : vector<128xf32>
    %custom_jvp_call3A_2052 = arith.constant 0.000000e+00 : f32
    %max3A_2053 = vector.broadcast %custom_jvp_call3A_2052 : f32 to vector<128xf32>
    %max3A_2054 = arith.maximumf %neg3A_2051, %max3A_2053 : vector<128xf32>
    %sub3A_2055 = vector.broadcast %custom_jvp_call3A_2052 : f32 to vector<128xf32>
    %sub3A_2056 = arith.subf %neg3A_2051, %sub3A_2055 : vector<128xf32>
    %ne3A_2057 = arith.cmpf one, %sub3A_2056, %sub3A_2056 : vector<128xf32>
    %add3A_2058 = vector.broadcast %custom_jvp_call3A_2052 : f32 to vector<128xf32>
    %add3A_2059 = arith.addf %neg3A_2051, %add3A_2058 : vector<128xf32>
    %abs3A_2060 = math.absf %sub3A_2056 : vector<128xf32>
    %neg3A_2061 = arith.constant 0.000000e+00 : f32
    %neg3A_2062 = vector.broadcast %neg3A_2061 : f32 to vector<128xf32>
    %neg3A_2063 = arith.subf %neg3A_2062, %abs3A_2060 : vector<128xf32>
    %exp3A_2064 = math.exp %neg3A_2063 : vector<128xf32>
    %log1p3A_2065 = math.log1p %exp3A_2064 : vector<128xf32>
    %add3A_2066 = arith.addf %max3A_2054, %log1p3A_2065 : vector<128xf32>
    %select_n3A_2067 = arith.select %ne3A_2057, %add3A_2059, %add3A_2066 : vector<128xi1>, vector<128xf32>
    %neg3A_2068 = arith.constant 0.000000e+00 : f32
    %neg3A_2069 = vector.broadcast %neg3A_2068 : f32 to vector<128xf32>
    %neg3A_2070 = arith.subf %neg3A_2069, %select_n3A_2067 : vector<128xf32>
    %add3A_2071 = arith.addf %add3A_2019, %neg3A_2070 : vector<128xf32>
    %mul3A_2072 = arith.mulf %select_n3A_2044, %select_n3A_2044 : vector<128x64xf32>
    %reduce_sum3A_2073 = vector.shape_cast %mul3A_2072 : vector<128x64xf32> to vector<1x128x64xf32>
    %reduce_sum3A_2074 = arith.constant dense<0.000000e+00> : vector<1xf32>
    %reduce_sum3A_2075 = vector.multi_reduction <add>, %reduce_sum3A_2073, %reduce_sum3A_2074 [1, 2] : vector<1x128x64xf32> to vector<1xf32>
    %reduce_sum3A_2076 = vector.shape_cast %reduce_sum3A_2075 : vector<1xf32> to vector<1x1x1xf32>
    %reduce_sum3A_2077 = vector.extract %reduce_sum3A_2076[0, 0, 0] : f32 from vector<1x1x1xf32>
    %add3A_2078 = arith.addf %add3A_2026, %reduce_sum3A_2077 : f32
    %get3A_2079 = arith.constant 39 : index
    %get3A_2080 = arith.constant 0 : index
    %get3A_2081 = arith.constant 0 : index
    %get3A_2082 = vector.load %arg3[%get3A_2079, %get3A_2080, %get3A_2081] : memref<40x128x128xf32, #tpu.memory_space<vmem>>, vector<1x128x128xf32>
    %get3A_2083 = vector.shape_cast %get3A_2082 : vector<1x128x128xf32> to vector<128x128xf32>
    %get3A_2084 = arith.constant 39 : index
    %get3A_2085 = arith.constant 0 : index
    %get3A_2086 = vector.load %arg6[%get3A_2084, %get3A_2085] : memref<40x128xi32, #tpu.memory_space<vmem>>, vector<1x128xi32>
    %get3A_2087 = vector.shape_cast %get3A_2086 : vector<1x128xi32> to vector<128xi32>
    %broadcast_in_dim3A_2088 = vector.shape_cast %get3A_2087 : vector<128xi32> to vector<128x1xi32>
    %slice3A_2089 = vector.extract_strided_slice %get3A_2083 {offsets = [0, 0], sizes = [128, 64], strides = [1, 1]} : vector<128x128xf32> to vector<128x64xf32>
    %slice3A_2090 = vector.extract_strided_slice %get3A_2083 {offsets = [0, 64], sizes = [128, 64], strides = [1, 1]} : vector<128x128xf32> to vector<128x64xf32>
    %ge3A_2091 = arith.constant 25600 : i32
    %ge3A_2092 = vector.broadcast %ge3A_2091 : i32 to vector<128x1xi32>
    %ge3A_2093 = arith.cmpi sge, %broadcast_in_dim3A_2088, %ge3A_2092 : vector<128x1xi32>
    %broadcast_in_dim3A_2094 = vector.shape_cast %ge3A_2093 : vector<128x1xi1> to vector<128x1xi1>
    %broadcast_in_dim3A_2095 = vector.broadcast %broadcast_in_dim3A_2094 : vector<128x1xi1> to vector<128x64xi1>
    %select_n3A_2096 = arith.select %broadcast_in_dim3A_2095, %slice3A_2090, %slice3A_2089 : vector<128x64xi1>, vector<128x64xf32>
    %mul3A_2097 = arith.mulf %select_n3A, %select_n3A_2096 : vector<128x64xf32>
    %reduce_sum3A_2098 = arith.constant dense<0.000000e+00> : vector<128xf32>
    %reduce_sum3A_2099 = vector.multi_reduction <add>, %mul3A_2097, %reduce_sum3A_2098 [1] : vector<128x64xf32> to vector<128xf32>
    %sub3A_2100 = arith.subf %mul3A_44, %reduce_sum3A_2099 : vector<128xf32>
    %neg3A_2101 = arith.constant 0.000000e+00 : f32
    %neg3A_2102 = vector.broadcast %neg3A_2101 : f32 to vector<128xf32>
    %neg3A_2103 = arith.subf %neg3A_2102, %sub3A_2100 : vector<128xf32>
    %custom_jvp_call3A_2104 = arith.constant 0.000000e+00 : f32
    %max3A_2105 = vector.broadcast %custom_jvp_call3A_2104 : f32 to vector<128xf32>
    %max3A_2106 = arith.maximumf %neg3A_2103, %max3A_2105 : vector<128xf32>
    %sub3A_2107 = vector.broadcast %custom_jvp_call3A_2104 : f32 to vector<128xf32>
    %sub3A_2108 = arith.subf %neg3A_2103, %sub3A_2107 : vector<128xf32>
    %ne3A_2109 = arith.cmpf one, %sub3A_2108, %sub3A_2108 : vector<128xf32>
    %add3A_2110 = vector.broadcast %custom_jvp_call3A_2104 : f32 to vector<128xf32>
    %add3A_2111 = arith.addf %neg3A_2103, %add3A_2110 : vector<128xf32>
    %abs3A_2112 = math.absf %sub3A_2108 : vector<128xf32>
    %neg3A_2113 = arith.constant 0.000000e+00 : f32
    %neg3A_2114 = vector.broadcast %neg3A_2113 : f32 to vector<128xf32>
    %neg3A_2115 = arith.subf %neg3A_2114, %abs3A_2112 : vector<128xf32>
    %exp3A_2116 = math.exp %neg3A_2115 : vector<128xf32>
    %log1p3A_2117 = math.log1p %exp3A_2116 : vector<128xf32>
    %add3A_2118 = arith.addf %max3A_2106, %log1p3A_2117 : vector<128xf32>
    %select_n3A_2119 = arith.select %ne3A_2109, %add3A_2111, %add3A_2118 : vector<128xi1>, vector<128xf32>
    %neg3A_2120 = arith.constant 0.000000e+00 : f32
    %neg3A_2121 = vector.broadcast %neg3A_2120 : f32 to vector<128xf32>
    %neg3A_2122 = arith.subf %neg3A_2121, %select_n3A_2119 : vector<128xf32>
    %add3A_2123 = arith.addf %add3A_2071, %neg3A_2122 : vector<128xf32>
    %mul3A_2124 = arith.mulf %select_n3A_2096, %select_n3A_2096 : vector<128x64xf32>
    %reduce_sum3A_2125 = vector.shape_cast %mul3A_2124 : vector<128x64xf32> to vector<1x128x64xf32>
    %reduce_sum3A_2126 = arith.constant dense<0.000000e+00> : vector<1xf32>
    %reduce_sum3A_2127 = vector.multi_reduction <add>, %reduce_sum3A_2125, %reduce_sum3A_2126 [1, 2] : vector<1x128x64xf32> to vector<1xf32>
    %reduce_sum3A_2128 = vector.shape_cast %reduce_sum3A_2127 : vector<1xf32> to vector<1x1x1xf32>
    %reduce_sum3A_2129 = vector.extract %reduce_sum3A_2128[0, 0, 0] : f32 from vector<1x1x1xf32>
    %add3A_2130 = arith.addf %add3A_2078, %reduce_sum3A_2129 : f32
    %reduce_sum3A_2131 = vector.shape_cast %add3A_2123 : vector<128xf32> to vector<1x128xf32>
    %reduce_sum3A_2132 = arith.constant dense<0.000000e+00> : vector<1xf32>
    %reduce_sum3A_2133 = vector.multi_reduction <add>, %reduce_sum3A_2131, %reduce_sum3A_2132 [1] : vector<1x128xf32> to vector<1xf32>
    %reduce_sum3A_2134 = vector.shape_cast %reduce_sum3A_2133 : vector<1xf32> to vector<1x1xf32>
    %reduce_sum3A_2135 = vector.extract %reduce_sum3A_2134[0, 0] : f32 from vector<1x1xf32>
    %neg3A_2136 = arith.constant 0.000000e+00 : f32
    %neg3A_2137 = arith.subf %neg3A_2136, %reduce_sum3A_2135 : f32
    %mul3A_2138 = arith.constant 9.99999974E-5 : f32
    %mul3A_2139 = arith.mulf %mul3A_2138, %add3A_2130 : f32
    %add3A_2140 = arith.addf %neg3A_2137, %mul3A_2139 : f32
    %eq3A = arith.constant 0 : i32
    %eq3A_2141 = arith.cmpi eq, %arg0, %eq3A : i32
    %convert_element_type3A = arith.extui %eq3A_2141 : i1 to i32
    %cond3A = arith.constant 0 : i32
    %cond3A_2142 = arith.cmpi ne, %convert_element_type3A, %cond3A : i32
    scf.if %cond3A_2142 {
      %broadcast_in_dim3A_2150 = arith.constant 0.000000e+00 : f32
      %broadcast_in_dim3A_2151 = vector.broadcast %broadcast_in_dim3A_2150 : f32 to vector<1x128xf32>
      %swap3A_2152 = arith.constant 0 : index
      %swap3A_2153 = arith.constant 0 : index
      %swap3A_2154 = vector.load %arg8[%swap3A_2152, %swap3A_2153] : memref<1x128xf32, #tpu.memory_space<vmem>>, vector<1x128xf32>
      tpu.vector_store %arg8[%swap3A_2152, %swap3A_2153], %broadcast_in_dim3A_2151 {strides = array<i32>} : memref<1x128xf32, #tpu.memory_space<vmem>>, vector<1x128xf32>,
    } else {
    }
    %get3A_2143 = arith.constant 0 : index
    %get3A_2144 = arith.constant 0 : index
    %get3A_2145 = vector.load %arg8[%get3A_2143, %get3A_2144] : memref<1x128xf32, #tpu.memory_space<vmem>>, vector<1x128xf32>
    %broadcast_in_dim3A_2146 = vector.broadcast %add3A_2140 : f32 to vector<1x128xf32>
    %add3A_2147 = arith.addf %get3A_2145, %broadcast_in_dim3A_2146 : vector<1x128xf32>
    %swap3A = arith.constant 0 : index
    %swap3A_2148 = arith.constant 0 : index
    %swap3A_2149 = vector.load %arg8[%swap3A, %swap3A_2148] : memref<1x128xf32, #tpu.memory_space<vmem>>, vector<1x128xf32>
    tpu.vector_store %arg8[%swap3A, %swap3A_2148], %add3A_2147 {strides = array<i32>} : memref<1x128xf32, #tpu.memory_space<vmem>>, vector<1x128xf32>,
    return
  }
  func.func @transform_0(%arg0: i32) -> (i32, i32) {
    %c0_i32 = arith.constant 0 : i32
    %c0_i32_0 = arith.constant 0 : i32
    return %arg0, %c0_i32 : i32, i32
  }
  func.func @transform_1(%arg0: i32) -> (i32, i32) {
    %c0_i32 = arith.constant 0 : i32
    %c0_i32_0 = arith.constant 0 : i32
    return %arg0, %c0_i32 : i32, i32
  }
  func.func @transform_2(%arg0: i32) -> (i32, i32, i32) {
    %c0_i32 = arith.constant 0 : i32
    %c0_i32_0 = arith.constant 0 : i32
    %c0_i32_1 = arith.constant 0 : i32
    return %c0_i32, %arg0, %c0_i32_0 : i32, i32, i32
  }
  func.func @transform_3(%arg0: i32) -> (i32, i32) {
    %c0_i32 = arith.constant 0 : i32
    %c0_i32_0 = arith.constant 0 : i32
    return %c0_i32, %arg0 : i32, i32
  }
  func.func @transform_4(%arg0: i32) -> (i32, i32) {
    %c0_i32 = arith.constant 0 : i32
    %c0_i32_0 = arith.constant 0 : i32
    return %c0_i32, %arg0 : i32, i32
  }
  func.func @transform_5(%arg0: i32) -> (i32, i32) {
    %c0_i32 = arith.constant 0 : i32
    %c0_i32_0 = arith.constant 0 : i32
    return %c0_i32, %arg0 : i32, i32
  }
  func.func @transform_6(%arg0: i32) -> (i32, i32) {
    %c0_i32 = arith.constant 0 : i32
    %c0_i32_0 = arith.constant 0 : i32
    return %c0_i32, %arg0 : i32, i32
  }
  func.func @transform_7(%arg0: i32) -> (i32, i32) {
    %c0_i32 = arith.constant 0 : i32
    %c0_i32_0 = arith.constant 0 : i32
    %c0_i32_1 = arith.constant 0 : i32
    return %c0_i32, %c0_i32_0 : i32, i32
  }
}

</mosaic_0001>

<sc_bundles>
// kernel: gather_offload_async_start.1
scs
__scs_entry_jumppad:
0x0: {  	(pc) =	sbr.rel $0x88, $3  }
0x1: {  	(tag) =	ssettag $0x0;
	lr =	simm.s32 $0x1  }
0x2: {  	[smem:$0x3F93] =	sst lr;
	_ =	strace $0xD0000000  }
0x3: {  	_ = 	snop  }
0x4: {  	_ = 	snop  }
0x5: {  	_ = 	snop  }
0x6: {  	_ = 	snop  }
0x7: {  	_ = 	snop  }
__scs_overlays_trampoline_lowered:
0x8: {  	[smem:$0x3FA2] =	sst s0  }
0x9: {  	[smem:$0x3FA3] =	sst s1  }
0xa: {  	[smem:$0x3FA4] =	sst s2  }
0xb: {  	[smem:$0x3FA5] =	sst s3  }
0xc: {  	[smem:$0x3FA6] =	sst s4  }
0xd: {  	[smem:$0x3FA7] =	sst s5  }
0xe: {  	[smem:$0x3FA8] =	sst s6  }
0xf: {  	[smem:$0x3FA9] =	sst s7  }
0x10: {  	[smem:$0x3FAA] =	sst s8  }
0x11: {  	[smem:$0x3FAB] =	sst s9;
	s0 =	simm.s32 @!p0 $0x0  }
0x12: {  	s1 =	sld [smem:$0x3F91];
	s0 =	simm.s32 @p0 $0x1  }
0x13: {  	[smem:$0x3FAC] =	sst s0;
	s0 =	simm.s32 @!p1 $0x0  }
0x14: {  	s2 =	sld [smem:$0x3F90];
	s0 =	simm.s32 @p1 $0x1  }
0x15: {  	[smem:$0x3FAD] =	sst s0;
	s0 =	simm.s32 @!p2 $0x0  }
0x16: {  	s3 =	sld [smem:$0x3FDB];
	s0 =	simm.s32 @p2 $0x1  }
0x17: {  	s4 =	simm.s32 $0x1BF5;
	[smem:$0x3FAF] =	sst s0  }
0x18: {  	s0 =	sld [smem:$0x3F92];
	_ =	swait.ge [sflag:s4], $0x0  }
0x19: {  	s7 =	sld [smem:$0x3F93]  }
0x1a: {  	s8 =	sadd.s32 $0xFFFFE003, lr  }
0x1b: {  	s9 =	sadd.s32 $0xFFFFFEF7, lr;
	s5 =	simm.s32 $0xFFFFFFFF;
	p2 =	slt.u32 s8, $0xFFFFF086  }
0x1c: {  	p1 =	slt.u32 s9, $0xF7A;
	s5 =	simm.s32 @!p2 $0x0  }
0x1d: {  	s5 =	simm.s32 @p1 $0x1;
	p0 =	seq.s32 s7, s2  }
0x1e: {  	s7 =	smul.u32 @!p0 $0xF7A, s2;
	p2 =	seq.s32 @!p0 s5, $0x0  }
0x1f: {  	s9 =	smul.u32 $0xF7A, s1;
	s8 =	simm.s32 @!p0 $0x1BF5;
	p2 =	por !p2, p0  }
0x20: {  	[sflag:s8] =	ssyncset.s32 @!p0 $0xFFFFF086;
	s6 =	sadd.s32 @!p0 s3, s7;
	s7 =	simm.s32 @!p0 $0x108  }
0x21: {  	s3 =	sadd.s32 s3, s9;
	s6 =	sadd.s32 @!p0 $0x88, s6;
	s7 =	simm.s32 @p2 $0x1082  }
0x22: {  	[simem:s7], [sflag:s8] =	dma.local @!p0 [hbm:s6], $0xF7A  }
0x23: {  	s9 =	sor.u32 $0xD0000000, s2;
	s6 =	simm.s32 $0x108;
	_ =	swait.ge @!p0 [sflag:s8], $0x0  }
0x24: {  	s3 =	sadd.s32 $0x88, s3;
	s6 =	simm.s32 @!p1 $0x1082;
	[sflag:s4] =	ssyncset.s32 $0xFFFFF086  }
0x25: {  	[simem:s6], [sflag:s4] =	dma.local [hbm:s3], $0xF7A  }
0x26: {  	[smem:$0x3F93] =	sst s1;
	(tag) =	ssettag s2;
	_ =	strace s9  }
0x27: {  	s1 =	sld [smem:$0x3FA3]  }
0x28: {  	s2 =	sld [smem:$0x3FA4]  }
0x29: {  	s4 =	sld [smem:$0x3FA6]  }
0x2a: {  	p0 =	seq.s32 s5, $0x0;
	s5 =	sld [smem:$0x3FA7]  }
0x2b: {  	s6 =	sld [smem:$0x3FA8]  }
0x2c: {  	s7 =	sld [smem:$0x3FA9]  }
0x2d: {  	s3 =	simm.s32 $0x108;
	s8 =	sld [smem:$0x3FAA]  }
0x2e: {  	s3 =	simm.s32 @!p0 $0x1082;
	s9 =	sld [smem:$0x3FAB]  }
0x2f: {  	lr =	sadd.s32 s0, s3;
	s0 =	sld [smem:$0x3FA2]  }
0x30: {  	s3 =	sld [smem:$0x3FA5]  }
0x31: {  	[smem:$0x3FAE] =	sst s10  }
0x32: {  	s10 =	sld [smem:$0x3FAC];
	_ =	sdelay $0x3  }
0x33: {  	p0 =	seq.s32 s10, $0x1;
	s10 =	sld [smem:$0x3FAE];
	_ =	sdelay $0x3  }
0x34: {  	[smem:$0x3FAE] =	sst s10  }
0x35: {  	s10 =	sld [smem:$0x3FAD];
	_ =	sdelay $0x3  }
0x36: {  	p1 =	seq.s32 s10, $0x1;
	s10 =	sld [smem:$0x3FAE];
	_ =	sdelay $0x3  }
0x37: {  	[smem:$0x3FAE] =	sst s10  }
0x38: {  	s10 =	sld [smem:$0x3FAF]  }
0x39: {  	_ = 	snop;
	(pc) =	sbr.ind lr, $3  }
0x3a: {  	_ = 	snop  }
0x3b: {  	_ = 	snop  }
0x3c: {  	p2 =	seq.s32 s10, $0x1;
	s10 =	sld [smem:$0x3FAE]  }
0x3d: {  	_ =	shalt  }
0x3e: {  	_ =	shalt  }
0x3f: {  	_ =	shalt  }
0x40: {  	_ =	shalt  }
0x41: {  	_ =	shalt  }
0x42: {  	_ =	shalt  }
0x43: {  	_ =	shalt  }
0x44: {  	_ =	shalt  }
0x45: {  	_ =	shalt  }
0x46: {  	_ =	shalt  }
0x47: {  	_ =	shalt  }
0x48: {  	_ =	shalt  }
0x49: {  	_ =	shalt  }
0x4a: {  	_ =	shalt  }
0x4b: {  	_ =	shalt  }
0x4c: {  	_ =	shalt  }
0x4d: {  	_ =	shalt  }
0x4e: {  	_ =	shalt  }
0x4f: {  	_ =	shalt  }
0x50: {  	_ =	shalt  }
0x51: {  	_ =	shalt  }
0x52: {  	_ =	shalt  }
0x53: {  	_ =	shalt  }
0x54: {  	_ =	shalt  }
0x55: {  	_ =	shalt  }
0x56: {  	_ =	shalt  }
0x57: {  	_ =	shalt  }
0x58: {  	_ =	shalt  }
0x59: {  	_ =	shalt  }
0x5a: {  	_ =	shalt  }
0x5b: {  	_ =	shalt  }
0x5c: {  	_ =	shalt  }
0x5d: {  	_ =	shalt  }
0x5e: {  	_ =	shalt  }
0x5f: {  	_ =	shalt  }
0x60: {  	_ =	shalt  }
0x61: {  	_ =	shalt  }
0x62: {  	_ =	shalt  }
0x63: {  	_ =	shalt  }
0x64: {  	_ =	shalt  }
0x65: {  	_ =	shalt  }
0x66: {  	_ =	shalt  }
0x67: {  	_ =	shalt  }
0x68: {  	_ =	shalt  }
0x69: {  	_ =	shalt  }
0x6a: {  	_ =	shalt  }
0x6b: {  	_ =	shalt  }
0x6c: {  	_ =	shalt  }
0x6d: {  	_ =	shalt  }
0x6e: {  	_ =	shalt  }
0x6f: {  	_ =	shalt  }
0x70: {  	_ =	shalt  }
0x71: {  	_ =	shalt  }
0x72: {  	_ =	shalt  }
0x73: {  	_ =	shalt  }
0x74: {  	_ =	shalt  }
0x75: {  	_ =	shalt  }
0x76: {  	_ =	shalt  }
0x77: {  	_ =	shalt  }
0x78: {  	_ =	shalt  }
0x79: {  	_ =	shalt  }
0x7a: {  	_ =	shalt  }
0x7b: {  	_ =	shalt  }
0x7c: {  	_ =	shalt  }
0x7d: {  	_ =	shalt  }
0x7e: {  	_ =	shalt  }
0x7f: {  	_ =	shalt  }
0x80: {  	_ =	shalt  }
0x81: {  	_ =	shalt  }
0x82: {  	_ =	shalt  }
0x83: {  	_ =	shalt  }
0x84: {  	_ =	shalt  }
0x85: {  	_ =	shalt  }
0x86: {  	_ =	shalt  }
0x87: {  	_ =	shalt  }
.Lfunc_end0:
.L_simem_size_0:
called_computation.3_lowered:
.L_overlay_start_0:
0x88: {  	s2 =	sld [smem:$0x3FD9]  }
0x89: {  	s3 =	sld [smem:$0x3FFE];
	_ =	sdelay $0x1  }
0x8a: {  	s1 =	srdreg.scid  }
0x8b: {  	s0 =	sand.u32 $0x1, s1  }
0x8c: {  	s17 =	sshll.u32 s0, $0xA;
	s2 =	sadd.s32 s3, s2  }
0x8d: {  	s2 =	sadd.s32 s2, s17  }
0x8e: {  	[smem:$0x3FBA] =	sst s2  }
0x8f: {  	_ = 	snop  }
0x90: {  	(tm) =	ssettm $0x1  }
0x91: {  	s18 =	sld [smem:$0x3FFB];
	_ =	sdelay $0x3  }
0x92: {  	_ =	strace s18  }
0x93: {  	s2 =	sld [smem:$0x3FFC];
	_ =	sdelay $0x3  }
0x94: {  	_ =	strace s2  }
0x95: {  	s2 =	sld [smem:$0x3FFD];
	_ =	sdelay $0x3  }
0x96: {  	_ =	strace s2  }
0x97: {  	_ =	strace $0x8FFFFFFF  }
0x98: {  	s19 =	sld [smem:$0x3FDB];
	_ =	sdelay $0x1  }
0x99: {  	s20 =	simm.s32 $_scs_section_size  }
0x9a: {  	s4 =	simm.s32 $_size__tile_overlayer_lowered;
	s5 =	simm.s32 $_tile_overlayer_lowered  }
0x9b: {  	s6 =	simm.s32 $0x1BFF;
	s21 =	sshll.u32 s5, $0x1;
	s3 =	sadd.s32 s20, s19  }
0x9c: {  	s22 =	simm.s32 $0x0;
	s4 =	sshll.u32 s4, $0x1;
	s5 =	sadd.s32 s21, s3  }
0x9d: {  	[timem:s22], [sflag:s6] =	dma.local [hbm:s5], s4  }
0x9e: {  	_ =	swait.ge [sflag:s6], s4  }
0x9f: {  	s4 =	ssub.s32 $0x0, s4;
	[sflag:s6] =	ssyncset.done $0x0  }
0xa0: {  	[sflag:s6] =	ssyncadd.s32 s4;
	_ =	sdelay $0x1  }
0xa1: {  	s23 =	simm.s32 $0x1B8B  }
0xa2: {  	_ =	swait.ge [sflag:s23], $0x1  }
0xa3: {  	[sflag:s23] =	ssyncset.done $0x0  }
0xa4: {  	[sflag:s23] =	ssyncadd.s32 $0xFFFFFFFF  }
0xa5: {  	s4 =	sld [smem:$0x0]  }
0xa6: {  	s5 =	sand.u32 $0xFFFFFFFE, s1  }
0xa7: {  	p0 =	sne.s32 s1, s5  }
0xa8: {  	s5 =	sshll.u32 @p0 s5, $0xE  }
0xa9: {  	s5 =	sadd.s32 @p0 $0x11B8D, s5;
	s6 =	sshll.u32 @p0 s4, $0x11  }
0xaa: {  	s5 =	sor.u32 @p0 s6, s5  }
0xab: {  	[sflag:s5] =	ssyncadd.remote.s32 @p0 $0x1;
	_ =	sdelay $0x1  }
0xac: {  	s5 =	simm.s32 @p0 $0x1B8D  }
0xad: {  	_ =	swait.eq @p0 [sflag:s5], $0x1  }
0xae: {  	[sflag:s5] =	ssyncadd.s32 @p0 $0xFFFFFFFF  }
0xaf: {  	s6 =	sshll.u32 @!p0 s1, $0xE  }
0xb0: {  	s6 =	sor.u32 @!p0 $0x4000, s6;
	s5 =	simm.s32 @!p0 $0x1B8D  }
0xb1: {  	s4 =	sshll.u32 @!p0 s4, $0x11;
	s6 =	sadd.s32 @!p0 $0x11B8D, s6;
	_ =	swait.eq @!p0 [sflag:s5], $0x1  }
0xb2: {  	s4 =	sor.u32 @!p0 s4, s6;
	[sflag:s5] =	ssyncadd.s32 @!p0 $0xFFFFFFFF  }
0xb3: {  	s25 =	simm.s32 $0x1B8E;
	s24 =	sld [smem:$0x3FFE];
	[sflag:s4] =	ssyncadd.remote.s32 @!p0 $0x1  }
0xb4: {  	s26 =	simm.s32 $execute0_lowered;
	[smem:$0x3FD2] =	sst s25  }
0xb5: {  	s5 =	sshll.u32 s26, $0x1;
	_ =	strace $0x8000004C;
	[dreg:$0x1] =	wrdreg $0xFFFFFFFF  }
0xb6: {  	s28 =	simm.s32 $_size_execute0_lowered;
	s3 =	sadd.s32 s3, s5;
	[dreg:$0x0] =	wrdreg $0x0  }
0xb7: {  	s5 =	sshll.u32 s28, $0x1;
	[dreg:$0x2] =	wrdreg s3  }
0xb8: {  	[dreg:$0x3] =	wrdreg s5  }
0xb9: {  	[dreg:$0x4] =	wrdreg $0xC0  }
0xba: {  	_ =	task [dreg:s22], $0x5FFFF  }
0xbb: {  	[dreg:$0x1] =	wrdreg $0xFFFFFFFF  }
0xbc: {  	[dreg:$0x0] =	wrdreg $0x60  }
0xbd: {  	[dreg:$0x2] =	wrdreg s24  }
0xbe: {  	[dreg:$0x3] =	wrdreg $0xA  }
0xbf: {  	_ =	task.clear_ibuf [dreg:s22], $0x4FFFF;
	_ =	strace $0x9000004C  }
0xc0: {  	s29 =	simm.s32 $0xA;
	_ =	strace $0x8000004E  }
0xc1: {  	_ =	swait.ge [sflag:s29], $0x1  }
0xc2: {  	[sflag:s29] =	ssyncadd.s32 $0xFFFFFFFF  }
0xc3: {  	_ =	strace $0x9000004E  }
0xc4: {  	_ =	sfence  }
0xc5: {  	s30 =	sld [smem:$0x0];
	_ =	sdelay $0x2  }
0xc6: {  	s31 =	sshll.u32 s1, $0xD;
	s1 =	sshrl.u32 s1, $0x2  }
0xc7: {  	s4 =	sand.u32 $0x4000, s31;
	s1 =	sadd.s32 s1, s30  }
0xc8: {  	s0 =	sor.u32 s4, s0;
	s1 =	sshll.u32 s1, $0x11  }
0xc9: {  	s0 =	sor.u32 s1, s0  }
0xca: {  	s0 =	sadd.s32 $0x8F2B, s0  }
0xcb: {  	[sflag:s0] =	ssyncadd.remote.s32 $0x1  }
0xcc: {  	_ =	sfence.sel $0xFFFF  }
0xcd: {  	[dreg:$0x0] =	wrdreg $0xFFFFFFFF;
	(pc) =	sbr.abs _section_cstart, $3  }
0xce: {  	[dreg:$0x1] =	wrdreg $0xFFFFFFFF  }
0xcf: {  	_ =	task.clear_ibuf [dreg:s22], $0x2FFFF;
	_ =	strace $0x9FFFFFFF  }
0xd0: {  	(tm) =	ssettm $0x7FFFFFFF  }
0xd1: {  	_ =	shalt  }
tec
execute0_lowered:
.L_overlay_start_1:
0x0: {  	(tag) =	ssettag $0x1  }
0x1: {  	s7 =	rddreg [dreg:$0x0]  }
0x2: {  	s0 =	rddreg [dreg:$0x1];
	_ =	strace $0x8000004D  }
0x3: {  	s1 =	srdreg.scid;
	s4 =	simm.s32 $0x1;
	s9 =	simm.s32 $0x3  }
0x4: {  	s12 =	simm.s32 $0x0;
	s10 =	simm.s32 $0x0;
	s5 =	sshll.u32 s1, $0x4  }
.Ltmp0:
0x5: {  	s1 =	stileid.u32;
	s5 =	sand.u32 $0x10, s5;
	(pc) =	sbr.rel .LBB2_1-.Ltmp0, $4  }
0x6: {  	s2 =	sadd.s32 $0x4800, s7;
	s3 =	sadd.s32 $0x78800, s7;
	s6 =	sor.u32 s1, s5  }
0x7: {  	[sflag:s4] =	ssyncpa.u1 $0x0;
	s5 =	simm.s32 $0x2;
	s6 =	sshll.u32 s6, $0x7  }
0x8: {  	s7 =	sadd.s32 $0x78A00, s7;
	[sflag:s5] =	ssyncpa.u1 $0x0;
	s8 =	sadd.s32 $0x80, s6  }
0x9: {  	vm0 =	vmmov $0xff;
	vm1 =	vcmask $0x3F20;
	[sflag:s9] =	ssyncpa.u1 $0x0;
	s9 =	simm.s32 $0x80;
	s11 =	smov.u32 s6  }
.LBB2_9:
0xa: {  	p0 =	seq.s32 s10, $0x2  }
.Ltmp1:
0xb: {  	_ = 	snop;
	(pc) =	sbr.rel @p0 .LBB2_11-.Ltmp1, $1  }
0xc: {  	_ =	sdelay $0x3  }
.LBB2_10:
0xd: {  	s12 =	sadd.s32 $0x80, s11  }
0xe: {  	s13 =	smov.u32 s6;
	p0 =	slt.s32 s12, s8  }
0xf: {  	s13 =	smov.u32 @p0 s12  }
0x10: {  	s10 =	sadd.s32 $0x1, s10;
	s12 =	smov.u32 s11;
	s11 =	smov.u32 s13  }
.LBB2_1:
0x11: {  	p0 =	sne.s32 s10, $0x0  }
.Ltmp2:
0x12: {  	_ = 	snop;
	(pc) =	sbr.rel @!p0 .LBB2_2-.Ltmp2, $1  }
0x13: {  	_ =	sdelay $0x3  }
0x14: {  	s13 =	sand.u32 $0x1, s10  }
0x15: {  	p0 =	seq.s32 s13, $0x0  }
.Ltmp3:
0x16: {  	_ = 	snop;
	(pc) =	sbr.rel @p0 .LBB2_9-.Ltmp3, $1  }
0x17: {  	_ =	sdelay $0x3  }
0x18: {  	_ =	swait.ge [sflag:s5], $0x80  }
0x19: {  	[sflag:s5] =	ssyncset.done $0x0  }
0x1a: {  	s13 =	simm.s32 $0x0;
	[sflag:s5] =	ssyncadd.s32 $0xFFFFFF80  }
0x1b: {  	v0 =	vld.msk [tilespmem:s13+$0x80 ss:$0x1], $0xffff;
	_ =	sdelay $0x4  }
0x1c: {  	vm2 =	vgt.s32 v0, $0x0  }
0x1d: {  	v0 =	vnsel vm2, $0x0, v0  }
0x1e: {  	v0 =	vmin.u32 v0, $0x63FF  }
0x1f: {  	v0 =	vshll.u32 v0, $0x4;
	_ =	sdelay $0x3  }
0x20: {  	s13 =	simm.s32 $0x4100  }
0x21: {  	[tilespmem:s13], [sflag:$0x1] =	stream.indirect_vreg.gather [hbm:s2], $0x80, v0, vm0, $0x38;
	[tilespmem:$0x8100] =	vst v63  }
0x22: {  	s14 =	simm.s32 $0x4500;
	s31 =	simm.s32 $0x10  }
0x23: {  	[tilespmem:s14], [sflag:$0x1] =	stream.indirect_vreg.gather [hbm:s2], $0x80, v0, vm1, $0x38;
	[tilespmem:$0x8100] =	vst v63  }
0x24: {  	s14 =	simm.s32 $0x80;
	v0 =	vld.msk [tilespmem:s31+$0x80 ss:$0x1], $0xffff  }
.LBB2_5:
0x25: {  	p0 =	sne.s32 s14, $0x1C0;
	_ =	sdelay $0x4  }
0x26: {  	vm2 =	vgt.s32 v0, $0x0  }
0x27: {  	v0 =	vnsel vm2, $0x0, v0  }
0x28: {  	v0 =	vmin.u32 v0, $0x63FF  }
0x29: {  	v0 =	vshll.u32 v0, $0x4;
	_ =	sdelay $0x3  }
.Ltmp4:
0x2a: {  	s13 =	sadd.s32 $0x800, s13;
	(pc) =	sbr.rel @p0 .LBB2_5-.Ltmp4, $4  }
0x2b: {  	[tilespmem:s13], [sflag:$0x1] =	stream.indirect_vreg.gather [hbm:s2], $0x80, v0, vm0, $0x38;
	[tilespmem:$0x8100] =	vst v63  }
0x2c: {  	s15 =	sshra.s32 s14, $0x2;
	s16 =	sadd.s32 $0x400, s13  }
0x2d: {  	[tilespmem:s16], [sflag:$0x1] =	stream.indirect_vreg.gather [hbm:s2], $0x80, v0, vm1, $0x38;
	[tilespmem:$0x8100] =	vst v63  }
0x2e: {  	s14 =	sadd.s32 $0x40, s14;
	v0 =	vld.msk [tilespmem:s15+$0x80 ss:$0x1], $0xffff  }
0x2f: {  	_ =	sdelay $0x3  }
0x30: {  	vm2 =	vgt.s32 v0, $0x0  }
0x31: {  	v0 =	vnsel vm2, $0x0, v0  }
0x32: {  	v0 =	vmin.u32 v0, $0x63FF  }
0x33: {  	v0 =	vshll.u32 v0, $0x4;
	_ =	sdelay $0x3  }
0x34: {  	s13 =	sadd.s32 $0x800, s13  }
0x35: {  	[tilespmem:s13], [sflag:$0x1] =	stream.indirect_vreg.gather [hbm:s2], $0x80, v0, vm0, $0x38;
	[tilespmem:$0x8100] =	vst v63  }
0x36: {  	s13 =	sadd.s32 $0x400, s13  }
0x37: {  	[tilespmem:s13], [sflag:$0x1] =	stream.indirect_vreg.gather [hbm:s2], $0x80, v0, vm1, $0x38;
	[tilespmem:$0x8100] =	vst v63  }
0x38: {  	s12 =	sshll.u32 s12, $0x4;
	s14 =	simm.s32 $0x80;
	_ =	swait.ge [sflag:s4], $0x4000  }
0x39: {  	s15 =	simm.s32 $0x4500;
	s12 =	sadd.s32 s12, s7;
	[sflag:s4] =	ssyncset.done $0x0  }
0x3a: {  	s16 =	sadd.s32 $0x0, s12;
	s13 =	simm.s32 $0x4100;
	[sflag:s4] =	ssyncadd.s32 $0xFFFFC000  }
.LBB2_7:
0x3b: {  	[hbm:s16] =	stream.linear.scatter [tilespmem:s13], [sflag:$0x3], $0x400, $0x38;
	[tilespmem:$0x8100] =	vst v63  }
0x3c: {  	s16 =	smov.u32 s14;
	s13 =	smov.u32 s15;
	p0 =	sne.s32 s14, $0x780  }
.Ltmp5:
0x3d: {  	s14 =	sadd.s32 $0x80, s14;
	(pc) =	sbr.rel @p0 .LBB2_7-.Ltmp5, $2  }
0x3e: {  	_ =	sdelay $0x2  }
0x3f: {  	s15 =	sadd.s32 $0x400, s15;
	s16 =	sadd.s32 s16, s12  }
.Ltmp6:
0x40: {  	(pc) =	sbr.rel .LBB2_9-.Ltmp6, $2  }
0x41: {  	_ =	sdelay $0x2  }
0x42: {  	[hbm:s16] =	stream.linear.scatter [tilespmem:s13], [sflag:$0x3], $0x400, $0x38;
	[tilespmem:$0x8100] =	vst v63  }
.LBB2_2:
.Ltmp7:
0x43: {  	(pc) =	sbr.rel .LBB2_10-.Ltmp7, $4  }
0x44: {  	_ = 	snop  }
0x45: {  	s12 =	sshrl.u32 s11, $0x3  }
0x46: {  	s13 =	sand.u32 $0x7, s11;
	s12 =	sadd.s32 s3, s12  }
0x47: {  	[tilespmem:s9], [sflag:$0x2] =	stream.linear.gather [hbm4b:s12+s13], $0x80, $0x38;
	[tilespmem:$0x8100] =	vst v63  }
.LBB2_11:
0x48: {  	s2 =	simm.s32 $0x3  }
0x49: {  	_ =	swait.ge [sflag:s2], $0x4000  }
0x4a: {  	[sflag:s2] =	ssyncset.done $0x0  }
0x4b: {  	[sflag:s2] =	ssyncadd.s32 $0xFFFFC000  }
0x4c: {  	_ =	sfence.sel $0x180000  }
0x4d: {  	s3 =	simm.s32 $0x2;
	[bflag:$0x0] =	sbarrier.arrive $0xFFFF  }
0x4e: {  	[sflag:s3] =	ssyncpa.u1 $0x1  }
0x4f: {  	s31 =	simm.s32 $0x1;
	[sflag:s2] =	ssyncpa.u1 $0x1  }
0x50: {  	[sflag:s31] =	ssyncpa.u1 $0x1  }
0x51: {  	p0 =	sne.s32 s1, $0x0;
	_ =	strace $0x9000004D  }
0x52: {  	s0 =	sadd.s32 @!p0 $0x100000, s0;
	[bflag:$0x2] =	sbarrier.arrive $0xFFFF  }
0x53: {  	[sflag:s0] =	ssyncadd.tile.s32 @!p0 $0x1;
	_ =	shalt  }
.Lfunc_end2:
_tile_overlayer_lowered:
.L_overlay_start_2:
0x54: {  	(tag) =	ssettag $0x2  }
0x55: {  	s0 =	rddreg [dreg:$0x0];
	s2 =	stileid.u32  }
0x56: {  	s1 =	rddreg [dreg:$0x1];
	p0 =	sne.s32 s2, $0x0  }
0x57: {  	s3 =	rddreg [dreg:$0x2];
	[bflag:$0x3] =	sbarrier.arrive $0xFFFF;
	s2 =	simm.s32 @!p0 $0x1C01  }
0x58: {  	[timem:s3], [sflag:s2] =	dma.local @!p0 [hbm:s0], s1  }
0x59: {  	s0 =	simm.s32 @!p0 $0x1  }
0x5a: {  	_ =	swait.ge @!p0 [sflag:s0], s1  }
0x5b: {  	s1 =	ssub.s32 @!p0 $0x0, s1;
	[sflag:s0] =	ssyncset.done @!p0 $0x0  }
0x5c: {  	[sflag:s0] =	ssyncadd.s32 @!p0 s1  }
0x5d: {  	[bflag:$0x3] =	sbarrier.arrive $0xFFFF  }
0x5e: {  	_ =	shalt  }

// kernel: gather_offload_async_start
scs
__scs_entry_jumppad:
0x0: {  	(pc) =	sbr.rel $0x88, $3  }
0x1: {  	(tag) =	ssettag $0x0;
	lr =	simm.s32 $0x1  }
0x2: {  	[smem:$0x3F93] =	sst lr;
	_ =	strace $0xD0000000  }
0x3: {  	_ = 	snop  }
0x4: {  	_ = 	snop  }
0x5: {  	_ = 	snop  }
0x6: {  	_ = 	snop  }
0x7: {  	_ = 	snop  }
__scs_overlays_trampoline_lowered:
0x8: {  	[smem:$0x3FA2] =	sst s0  }
0x9: {  	[smem:$0x3FA3] =	sst s1  }
0xa: {  	[smem:$0x3FA4] =	sst s2  }
0xb: {  	[smem:$0x3FA5] =	sst s3  }
0xc: {  	[smem:$0x3FA6] =	sst s4  }
0xd: {  	[smem:$0x3FA7] =	sst s5  }
0xe: {  	[smem:$0x3FA8] =	sst s6  }
0xf: {  	[smem:$0x3FA9] =	sst s7  }
0x10: {  	[smem:$0x3FAA] =	sst s8  }
0x11: {  	[smem:$0x3FAB] =	sst s9;
	s0 =	simm.s32 @!p0 $0x0  }
0x12: {  	s1 =	sld [smem:$0x3F91];
	s0 =	simm.s32 @p0 $0x1  }
0x13: {  	[smem:$0x3FAC] =	sst s0;
	s0 =	simm.s32 @!p1 $0x0  }
0x14: {  	s2 =	sld [smem:$0x3F90];
	s0 =	simm.s32 @p1 $0x1  }
0x15: {  	[smem:$0x3FAD] =	sst s0;
	s0 =	simm.s32 @!p2 $0x0  }
0x16: {  	s3 =	sld [smem:$0x3FDB];
	s0 =	simm.s32 @p2 $0x1  }
0x17: {  	s4 =	simm.s32 $0x1BF5;
	[smem:$0x3FAF] =	sst s0  }
0x18: {  	s0 =	sld [smem:$0x3F92];
	_ =	swait.ge [sflag:s4], $0x0  }
0x19: {  	s7 =	sld [smem:$0x3F93]  }
0x1a: {  	s8 =	sadd.s32 $0xFFFFE003, lr  }
0x1b: {  	s9 =	sadd.s32 $0xFFFFFEF7, lr;
	s5 =	simm.s32 $0xFFFFFFFF;
	p2 =	slt.u32 s8, $0xFFFFF086  }
0x1c: {  	p1 =	slt.u32 s9, $0xF7A;
	s5 =	simm.s32 @!p2 $0x0  }
0x1d: {  	s5 =	simm.s32 @p1 $0x1;
	p0 =	seq.s32 s7, s2  }
0x1e: {  	s7 =	smul.u32 @!p0 $0xF7A, s2;
	p2 =	seq.s32 @!p0 s5, $0x0  }
0x1f: {  	s9 =	smul.u32 $0xF7A, s1;
	s8 =	simm.s32 @!p0 $0x1BF5;
	p2 =	por !p2, p0  }
0x20: {  	[sflag:s8] =	ssyncset.s32 @!p0 $0xFFFFF086;
	s6 =	sadd.s32 @!p0 s3, s7;
	s7 =	simm.s32 @!p0 $0x108  }
0x21: {  	s3 =	sadd.s32 s3, s9;
	s6 =	sadd.s32 @!p0 $0x88, s6;
	s7 =	simm.s32 @p2 $0x1082  }
0x22: {  	[simem:s7], [sflag:s8] =	dma.local @!p0 [hbm:s6], $0xF7A  }
0x23: {  	s9 =	sor.u32 $0xD0000000, s2;
	s6 =	simm.s32 $0x108;
	_ =	swait.ge @!p0 [sflag:s8], $0x0  }
0x24: {  	s3 =	sadd.s32 $0x88, s3;
	s6 =	simm.s32 @!p1 $0x1082;
	[sflag:s4] =	ssyncset.s32 $0xFFFFF086  }
0x25: {  	[simem:s6], [sflag:s4] =	dma.local [hbm:s3], $0xF7A  }
0x26: {  	[smem:$0x3F93] =	sst s1;
	(tag) =	ssettag s2;
	_ =	strace s9  }
0x27: {  	s1 =	sld [smem:$0x3FA3]  }
0x28: {  	s2 =	sld [smem:$0x3FA4]  }
0x29: {  	s4 =	sld [smem:$0x3FA6]  }
0x2a: {  	p0 =	seq.s32 s5, $0x0;
	s5 =	sld [smem:$0x3FA7]  }
0x2b: {  	s6 =	sld [smem:$0x3FA8]  }
0x2c: {  	s7 =	sld [smem:$0x3FA9]  }
0x2d: {  	s3 =	simm.s32 $0x108;
	s8 =	sld [smem:$0x3FAA]  }
0x2e: {  	s3 =	simm.s32 @!p0 $0x1082;
	s9 =	sld [smem:$0x3FAB]  }
0x2f: {  	lr =	sadd.s32 s0, s3;
	s0 =	sld [smem:$0x3FA2]  }
0x30: {  	s3 =	sld [smem:$0x3FA5]  }
0x31: {  	[smem:$0x3FAE] =	sst s10  }
0x32: {  	s10 =	sld [smem:$0x3FAC];
	_ =	sdelay $0x3  }
0x33: {  	p0 =	seq.s32 s10, $0x1;
	s10 =	sld [smem:$0x3FAE];
	_ =	sdelay $0x3  }
0x34: {  	[smem:$0x3FAE] =	sst s10  }
0x35: {  	s10 =	sld [smem:$0x3FAD];
	_ =	sdelay $0x3  }
0x36: {  	p1 =	seq.s32 s10, $0x1;
	s10 =	sld [smem:$0x3FAE];
	_ =	sdelay $0x3  }
0x37: {  	[smem:$0x3FAE] =	sst s10  }
0x38: {  	s10 =	sld [smem:$0x3FAF]  }
0x39: {  	_ = 	snop;
	(pc) =	sbr.ind lr, $3  }
0x3a: {  	_ = 	snop  }
0x3b: {  	_ = 	snop  }
0x3c: {  	p2 =	seq.s32 s10, $0x1;
	s10 =	sld [smem:$0x3FAE]  }
0x3d: {  	_ =	shalt  }
0x3e: {  	_ =	shalt  }
0x3f: {  	_ =	shalt  }
0x40: {  	_ =	shalt  }
0x41: {  	_ =	shalt  }
0x42: {  	_ =	shalt  }
0x43: {  	_ =	shalt  }
0x44: {  	_ =	shalt  }
0x45: {  	_ =	shalt  }
0x46: {  	_ =	shalt  }
0x47: {  	_ =	shalt  }
0x48: {  	_ =	shalt  }
0x49: {  	_ =	shalt  }
0x4a: {  	_ =	shalt  }
0x4b: {  	_ =	shalt  }
0x4c: {  	_ =	shalt  }
0x4d: {  	_ =	shalt  }
0x4e: {  	_ =	shalt  }
0x4f: {  	_ =	shalt  }
0x50: {  	_ =	shalt  }
0x51: {  	_ =	shalt  }
0x52: {  	_ =	shalt  }
0x53: {  	_ =	shalt  }
0x54: {  	_ =	shalt  }
0x55: {  	_ =	shalt  }
0x56: {  	_ =	shalt  }
0x57: {  	_ =	shalt  }
0x58: {  	_ =	shalt  }
0x59: {  	_ =	shalt  }
0x5a: {  	_ =	shalt  }
0x5b: {  	_ =	shalt  }
0x5c: {  	_ =	shalt  }
0x5d: {  	_ =	shalt  }
0x5e: {  	_ =	shalt  }
0x5f: {  	_ =	shalt  }
0x60: {  	_ =	shalt  }
0x61: {  	_ =	shalt  }
0x62: {  	_ =	shalt  }
0x63: {  	_ =	shalt  }
0x64: {  	_ =	shalt  }
0x65: {  	_ =	shalt  }
0x66: {  	_ =	shalt  }
0x67: {  	_ =	shalt  }
0x68: {  	_ =	shalt  }
0x69: {  	_ =	shalt  }
0x6a: {  	_ =	shalt  }
0x6b: {  	_ =	shalt  }
0x6c: {  	_ =	shalt  }
0x6d: {  	_ =	shalt  }
0x6e: {  	_ =	shalt  }
0x6f: {  	_ =	shalt  }
0x70: {  	_ =	shalt  }
0x71: {  	_ =	shalt  }
0x72: {  	_ =	shalt  }
0x73: {  	_ =	shalt  }
0x74: {  	_ =	shalt  }
0x75: {  	_ =	shalt  }
0x76: {  	_ =	shalt  }
0x77: {  	_ =	shalt  }
0x78: {  	_ =	shalt  }
0x79: {  	_ =	shalt  }
0x7a: {  	_ =	shalt  }
0x7b: {  	_ =	shalt  }
0x7c: {  	_ =	shalt  }
0x7d: {  	_ =	shalt  }
0x7e: {  	_ =	shalt  }
0x7f: {  	_ =	shalt  }
0x80: {  	_ =	shalt  }
0x81: {  	_ =	shalt  }
0x82: {  	_ =	shalt  }
0x83: {  	_ =	shalt  }
0x84: {  	_ =	shalt  }
0x85: {  	_ =	shalt  }
0x86: {  	_ =	shalt  }
0x87: {  	_ =	shalt  }
.Lfunc_end0:
.L_simem_size_0:
called_computation.2_lowered:
.L_overlay_start_0:
0x88: {  	s2 =	sld [smem:$0x3FD9]  }
0x89: {  	s3 =	sld [smem:$0x3FFE];
	_ =	sdelay $0x1  }
0x8a: {  	s1 =	srdreg.scid  }
0x8b: {  	s0 =	sand.u32 $0x1, s1  }
0x8c: {  	s16 =	sshll.u32 s0, $0xA;
	s2 =	sadd.s32 s3, s2  }
0x8d: {  	s2 =	sadd.s32 s2, s16  }
0x8e: {  	[smem:$0x3FBA] =	sst s2  }
0x8f: {  	_ = 	snop  }
0x90: {  	(tm) =	ssettm $0x1  }
0x91: {  	s17 =	sld [smem:$0x3FFB];
	_ =	sdelay $0x3  }
0x92: {  	_ =	strace s17  }
0x93: {  	s2 =	sld [smem:$0x3FFC];
	_ =	sdelay $0x3  }
0x94: {  	_ =	strace s2  }
0x95: {  	s2 =	sld [smem:$0x3FFD];
	_ =	sdelay $0x3  }
0x96: {  	_ =	strace s2  }
0x97: {  	_ =	strace $0x8FFFFFFF  }
0x98: {  	s18 =	sld [smem:$0x3FDB];
	_ =	sdelay $0x1  }
0x99: {  	s19 =	simm.s32 $_scs_section_size  }
0x9a: {  	s4 =	simm.s32 $_size__tile_overlayer_lowered;
	s5 =	simm.s32 $_tile_overlayer_lowered  }
0x9b: {  	s22 =	simm.s32 $0x1BFF;
	s21 =	sshll.u32 s5, $0x1;
	s2 =	sadd.s32 s19, s18  }
0x9c: {  	s6 =	simm.s32 $0x0;
	s20 =	sshll.u32 s4, $0x1;
	s4 =	sadd.s32 s21, s2  }
0x9d: {  	[timem:s6], [sflag:s22] =	dma.local [hbm:s4], s20  }
0x9e: {  	_ =	swait.ge [sflag:s22], s20  }
0x9f: {  	s3 =	ssub.s32 $0x0, s20;
	[sflag:s22] =	ssyncset.done $0x0  }
0xa0: {  	[sflag:s22] =	ssyncadd.s32 s3;
	_ =	sdelay $0x1  }
0xa1: {  	s23 =	simm.s32 $0x1B8B  }
0xa2: {  	_ =	swait.ge [sflag:s23], $0x1  }
0xa3: {  	[sflag:s23] =	ssyncset.done $0x0  }
0xa4: {  	s25 =	simm.s32 $0x1B8E;
	s24 =	sld [smem:$0x3FFE];
	[sflag:s23] =	ssyncadd.s32 $0xFFFFFFFF  }
0xa5: {  	s26 =	simm.s32 $execute0_lowered;
	[smem:$0x3FD2] =	sst s25  }
0xa6: {  	s4 =	sshll.u32 s26, $0x1;
	_ =	strace $0x80000049;
	[dreg:$0x1] =	wrdreg $0xFFFFFFFF  }
0xa7: {  	s28 =	simm.s32 $_size_execute0_lowered;
	s2 =	sadd.s32 s2, s4;
	[dreg:$0x0] =	wrdreg $0x0  }
0xa8: {  	s4 =	sshll.u32 s28, $0x1;
	[dreg:$0x2] =	wrdreg s2  }
0xa9: {  	[dreg:$0x3] =	wrdreg s4  }
0xaa: {  	[dreg:$0x4] =	wrdreg $0xC0  }
0xab: {  	_ =	task [dreg:s6], $0x5FFFF  }
0xac: {  	[dreg:$0x1] =	wrdreg $0xFFFFFFFF  }
0xad: {  	[dreg:$0x0] =	wrdreg $0x60  }
0xae: {  	[dreg:$0x2] =	wrdreg s24  }
0xaf: {  	[dreg:$0x3] =	wrdreg $0x9  }
0xb0: {  	_ =	task.clear_ibuf [dreg:s6], $0x4FFFF;
	_ =	strace $0x90000049  }
0xb1: {  	s29 =	simm.s32 $0x9;
	_ =	strace $0x8000004B  }
0xb2: {  	_ =	swait.ge [sflag:s29], $0x1  }
0xb3: {  	[sflag:s29] =	ssyncadd.s32 $0xFFFFFFFF  }
0xb4: {  	_ =	strace $0x9000004B  }
0xb5: {  	_ =	sfence  }
0xb6: {  	s30 =	sld [smem:$0x0];
	_ =	sdelay $0x2  }
0xb7: {  	s31 =	sshll.u32 s1, $0xD;
	s1 =	sshrl.u32 s1, $0x2  }
0xb8: {  	s3 =	sand.u32 $0x4000, s31;
	s1 =	sadd.s32 s1, s30  }
0xb9: {  	s0 =	sor.u32 s3, s0;
	s1 =	sshll.u32 s1, $0x11  }
0xba: {  	s0 =	sor.u32 s1, s0  }
0xbb: {  	s0 =	sadd.s32 $0x8F2B, s0  }
0xbc: {  	[sflag:s0] =	ssyncadd.remote.s32 $0x1  }
0xbd: {  	_ =	sfence.sel $0xFFFF  }
0xbe: {  	[dreg:$0x0] =	wrdreg $0xFFFFFFFF;
	(pc) =	sbr.abs _section_cstart, $3  }
0xbf: {  	[dreg:$0x1] =	wrdreg $0xFFFFFFFF  }
0xc0: {  	_ =	task.clear_ibuf [dreg:s6], $0x2FFFF;
	_ =	strace $0x9FFFFFFF  }
0xc1: {  	(tm) =	ssettm $0x7FFFFFFF  }
tec
execute0_lowered:
.L_overlay_start_1:
0x0: {  	(tag) =	ssettag $0x1  }
0x1: {  	s7 =	rddreg [dreg:$0x0]  }
0x2: {  	s0 =	rddreg [dreg:$0x1];
	_ =	strace $0x8000004A  }
0x3: {  	s1 =	srdreg.scid;
	s4 =	simm.s32 $0x1;
	s9 =	simm.s32 $0x3  }
0x4: {  	s12 =	simm.s32 $0x0;
	s10 =	simm.s32 $0x0;
	s5 =	sshll.u32 s1, $0x4  }
.Ltmp0:
0x5: {  	s1 =	stileid.u32;
	s5 =	sand.u32 $0x10, s5;
	(pc) =	sbr.rel .LBB2_1-.Ltmp0, $4  }
0x6: {  	s2 =	sadd.s32 $0x4800, s7;
	s3 =	sadd.s32 $0x28DE00, s7;
	s6 =	sor.u32 s1, s5  }
0x7: {  	[sflag:s4] =	ssyncpa.u1 $0x0;
	s5 =	simm.s32 $0x2;
	s6 =	sshll.u32 s6, $0x7  }
0x8: {  	s7 =	sadd.s32 $0x68800, s7;
	[sflag:s5] =	ssyncpa.u1 $0x0;
	s8 =	sadd.s32 $0x80, s6  }
0x9: {  	vm0 =	vmmov $0xff;
	vm1 =	vcmask $0x3F20;
	[sflag:s9] =	ssyncpa.u1 $0x0;
	s9 =	simm.s32 $0x80;
	s11 =	smov.u32 s6  }
.LBB2_9:
0xa: {  	p0 =	seq.s32 s10, $0x2  }
.Ltmp1:
0xb: {  	_ = 	snop;
	(pc) =	sbr.rel @p0 .LBB2_11-.Ltmp1, $1  }
0xc: {  	_ =	sdelay $0x3  }
.LBB2_10:
0xd: {  	s12 =	sadd.s32 $0x80, s11  }
0xe: {  	s13 =	smov.u32 s6;
	p0 =	slt.s32 s12, s8  }
0xf: {  	s13 =	smov.u32 @p0 s12  }
0x10: {  	s10 =	sadd.s32 $0x1, s10;
	s12 =	smov.u32 s11;
	s11 =	smov.u32 s13  }
.LBB2_1:
0x11: {  	p0 =	sne.s32 s10, $0x0  }
.Ltmp2:
0x12: {  	_ = 	snop;
	(pc) =	sbr.rel @!p0 .LBB2_2-.Ltmp2, $1  }
0x13: {  	_ =	sdelay $0x3  }
0x14: {  	s13 =	sand.u32 $0x1, s10  }
0x15: {  	p0 =	seq.s32 s13, $0x0  }
.Ltmp3:
0x16: {  	_ = 	snop;
	(pc) =	sbr.rel @p0 .LBB2_9-.Ltmp3, $1  }
0x17: {  	_ =	sdelay $0x3  }
0x18: {  	_ =	swait.ge [sflag:s5], $0x80  }
0x19: {  	[sflag:s5] =	ssyncset.done $0x0  }
0x1a: {  	s13 =	simm.s32 $0x0;
	[sflag:s5] =	ssyncadd.s32 $0xFFFFFF80  }
0x1b: {  	v0 =	vld.msk [tilespmem:s13+$0x80 ss:$0x1], $0xffff;
	_ =	sdelay $0x4  }
0x1c: {  	vm2 =	vgt.s32 v0, $0x0  }
0x1d: {  	v0 =	vnsel vm2, $0x0, v0  }
0x1e: {  	v0 =	vmin.u32 v0, $0x63FF  }
0x1f: {  	v0 =	vshll.u32 v0, $0x4;
	_ =	sdelay $0x3  }
0x20: {  	s13 =	simm.s32 $0x4100  }
0x21: {  	[tilespmem:s13], [sflag:$0x1] =	stream.indirect_vreg.gather [hbm:s2], $0x80, v0, vm0, $0x38;
	[tilespmem:$0x8100] =	vst v63  }
0x22: {  	s14 =	simm.s32 $0x4500;
	s31 =	simm.s32 $0x10  }
0x23: {  	[tilespmem:s14], [sflag:$0x1] =	stream.indirect_vreg.gather [hbm:s2], $0x80, v0, vm1, $0x38;
	[tilespmem:$0x8100] =	vst v63  }
0x24: {  	s14 =	simm.s32 $0x80;
	v0 =	vld.msk [tilespmem:s31+$0x80 ss:$0x1], $0xffff  }
.LBB2_5:
0x25: {  	p0 =	sne.s32 s14, $0x1C0;
	_ =	sdelay $0x4  }
0x26: {  	vm2 =	vgt.s32 v0, $0x0  }
0x27: {  	v0 =	vnsel vm2, $0x0, v0  }
0x28: {  	v0 =	vmin.u32 v0, $0x63FF  }
0x29: {  	v0 =	vshll.u32 v0, $0x4;
	_ =	sdelay $0x3  }
.Ltmp4:
0x2a: {  	s13 =	sadd.s32 $0x800, s13;
	(pc) =	sbr.rel @p0 .LBB2_5-.Ltmp4, $4  }
0x2b: {  	[tilespmem:s13], [sflag:$0x1] =	stream.indirect_vreg.gather [hbm:s2], $0x80, v0, vm0, $0x38;
	[tilespmem:$0x8100] =	vst v63  }
0x2c: {  	s15 =	sshra.s32 s14, $0x2;
	s16 =	sadd.s32 $0x400, s13  }
0x2d: {  	[tilespmem:s16], [sflag:$0x1] =	stream.indirect_vreg.gather [hbm:s2], $0x80, v0, vm1, $0x38;
	[tilespmem:$0x8100] =	vst v63  }
0x2e: {  	s14 =	sadd.s32 $0x40, s14;
	v0 =	vld.msk [tilespmem:s15+$0x80 ss:$0x1], $0xffff  }
0x2f: {  	_ =	sdelay $0x3  }
0x30: {  	vm2 =	vgt.s32 v0, $0x0  }
0x31: {  	v0 =	vnsel vm2, $0x0, v0  }
0x32: {  	v0 =	vmin.u32 v0, $0x63FF  }
0x33: {  	v0 =	vshll.u32 v0, $0x4;
	_ =	sdelay $0x3  }
0x34: {  	s13 =	sadd.s32 $0x800, s13  }
0x35: {  	[tilespmem:s13], [sflag:$0x1] =	stream.indirect_vreg.gather [hbm:s2], $0x80, v0, vm0, $0x38;
	[tilespmem:$0x8100] =	vst v63  }
0x36: {  	s13 =	sadd.s32 $0x400, s13  }
0x37: {  	[tilespmem:s13], [sflag:$0x1] =	stream.indirect_vreg.gather [hbm:s2], $0x80, v0, vm1, $0x38;
	[tilespmem:$0x8100] =	vst v63  }
0x38: {  	s12 =	sshll.u32 s12, $0x4;
	s14 =	simm.s32 $0x80;
	_ =	swait.ge [sflag:s4], $0x4000  }
0x39: {  	s15 =	simm.s32 $0x4500;
	s12 =	sadd.s32 s12, s7;
	[sflag:s4] =	ssyncset.done $0x0  }
0x3a: {  	s16 =	sadd.s32 $0x0, s12;
	s13 =	simm.s32 $0x4100;
	[sflag:s4] =	ssyncadd.s32 $0xFFFFC000  }
.LBB2_7:
0x3b: {  	[hbm:s16] =	stream.linear.scatter [tilespmem:s13], [sflag:$0x3], $0x400, $0x38;
	[tilespmem:$0x8100] =	vst v63  }
0x3c: {  	s16 =	smov.u32 s14;
	s13 =	smov.u32 s15;
	p0 =	sne.s32 s14, $0x780  }
.Ltmp5:
0x3d: {  	s14 =	sadd.s32 $0x80, s14;
	(pc) =	sbr.rel @p0 .LBB2_7-.Ltmp5, $2  }
0x3e: {  	_ =	sdelay $0x2  }
0x3f: {  	s15 =	sadd.s32 $0x400, s15;
	s16 =	sadd.s32 s16, s12  }
.Ltmp6:
0x40: {  	(pc) =	sbr.rel .LBB2_9-.Ltmp6, $2  }
0x41: {  	_ =	sdelay $0x2  }
0x42: {  	[hbm:s16] =	stream.linear.scatter [tilespmem:s13], [sflag:$0x3], $0x400, $0x38;
	[tilespmem:$0x8100] =	vst v63  }
.LBB2_2:
.Ltmp7:
0x43: {  	(pc) =	sbr.rel .LBB2_10-.Ltmp7, $4  }
0x44: {  	_ = 	snop  }
0x45: {  	s12 =	sshrl.u32 s11, $0x3  }
0x46: {  	s13 =	sand.u32 $0x7, s11;
	s12 =	sadd.s32 s3, s12  }
0x47: {  	[tilespmem:s9], [sflag:$0x2] =	stream.linear.gather [hbm4b:s12+s13], $0x80, $0x38;
	[tilespmem:$0x8100] =	vst v63  }
.LBB2_11:
0x48: {  	s2 =	simm.s32 $0x3  }
0x49: {  	_ =	swait.ge [sflag:s2], $0x4000  }
0x4a: {  	[sflag:s2] =	ssyncset.done $0x0  }
0x4b: {  	[sflag:s2] =	ssyncadd.s32 $0xFFFFC000  }
0x4c: {  	_ =	sfence.sel $0x180000  }
0x4d: {  	s3 =	simm.s32 $0x2;
	[bflag:$0x0] =	sbarrier.arrive $0xFFFF  }
0x4e: {  	[sflag:s3] =	ssyncpa.u1 $0x1  }
0x4f: {  	s31 =	simm.s32 $0x1;
	[sflag:s2] =	ssyncpa.u1 $0x1  }
0x50: {  	[sflag:s31] =	ssyncpa.u1 $0x1  }
0x51: {  	p0 =	sne.s32 s1, $0x0;
	_ =	strace $0x9000004A  }
0x52: {  	s0 =	sadd.s32 @!p0 $0x100000, s0;
	[bflag:$0x2] =	sbarrier.arrive $0xFFFF  }
0x53: {  	[sflag:s0] =	ssyncadd.tile.s32 @!p0 $0x1;
	_ =	shalt  }
.Lfunc_end2:
_tile_overlayer_lowered:
.L_overlay_start_2:
0x54: {  	(tag) =	ssettag $0x2  }
0x55: {  	s0 =	rddreg [dreg:$0x0];
	s2 =	stileid.u32  }
0x56: {  	s1 =	rddreg [dreg:$0x1];
	p0 =	sne.s32 s2, $0x0  }
0x57: {  	s3 =	rddreg [dreg:$0x2];
	[bflag:$0x3] =	sbarrier.arrive $0xFFFF;
	s2 =	simm.s32 @!p0 $0x1C01  }
0x58: {  	[timem:s3], [sflag:s2] =	dma.local @!p0 [hbm:s0], s1  }
0x59: {  	s0 =	simm.s32 @!p0 $0x1  }
0x5a: {  	_ =	swait.ge @!p0 [sflag:s0], s1  }
0x5b: {  	s1 =	ssub.s32 @!p0 $0x0, s1;
	[sflag:s0] =	ssyncset.done @!p0 $0x0  }
0x5c: {  	[sflag:s0] =	ssyncadd.s32 @!p0 s1  }
0x5d: {  	[bflag:$0x3] =	sbarrier.arrive $0xFFFF  }
0x5e: {  	_ =	shalt  }

// kernel: scatter_offload_async_start.1
scs
__scs_entry_jumppad:
0x0: {  	(pc) =	sbr.rel $0x88, $3  }
0x1: {  	(tag) =	ssettag $0x0;
	lr =	simm.s32 $0x1  }
0x2: {  	[smem:$0x3F93] =	sst lr;
	_ =	strace $0xD0000000  }
0x3: {  	_ = 	snop  }
0x4: {  	_ = 	snop  }
0x5: {  	_ = 	snop  }
0x6: {  	_ = 	snop  }
0x7: {  	_ = 	snop  }
__scs_overlays_trampoline_lowered:
0x8: {  	[smem:$0x3FA2] =	sst s0  }
0x9: {  	[smem:$0x3FA3] =	sst s1  }
0xa: {  	[smem:$0x3FA4] =	sst s2  }
0xb: {  	[smem:$0x3FA5] =	sst s3  }
0xc: {  	[smem:$0x3FA6] =	sst s4  }
0xd: {  	[smem:$0x3FA7] =	sst s5  }
0xe: {  	[smem:$0x3FA8] =	sst s6  }
0xf: {  	[smem:$0x3FA9] =	sst s7  }
0x10: {  	[smem:$0x3FAA] =	sst s8  }
0x11: {  	[smem:$0x3FAB] =	sst s9;
	s0 =	simm.s32 @!p0 $0x0  }
0x12: {  	s1 =	sld [smem:$0x3F91];
	s0 =	simm.s32 @p0 $0x1  }
0x13: {  	[smem:$0x3FAC] =	sst s0;
	s0 =	simm.s32 @!p1 $0x0  }
0x14: {  	s2 =	sld [smem:$0x3F90];
	s0 =	simm.s32 @p1 $0x1  }
0x15: {  	[smem:$0x3FAD] =	sst s0;
	s0 =	simm.s32 @!p2 $0x0  }
0x16: {  	s3 =	sld [smem:$0x3FDB];
	s0 =	simm.s32 @p2 $0x1  }
0x17: {  	s4 =	simm.s32 $0x1BF5;
	[smem:$0x3FAF] =	sst s0  }
0x18: {  	s0 =	sld [smem:$0x3F92];
	_ =	swait.ge [sflag:s4], $0x0  }
0x19: {  	s7 =	sld [smem:$0x3F93]  }
0x1a: {  	s8 =	sadd.s32 $0xFFFFE003, lr  }
0x1b: {  	s9 =	sadd.s32 $0xFFFFFEF7, lr;
	s5 =	simm.s32 $0xFFFFFFFF;
	p2 =	slt.u32 s8, $0xFFFFF086  }
0x1c: {  	p1 =	slt.u32 s9, $0xF7A;
	s5 =	simm.s32 @!p2 $0x0  }
0x1d: {  	s5 =	simm.s32 @p1 $0x1;
	p0 =	seq.s32 s7, s2  }
0x1e: {  	s7 =	smul.u32 @!p0 $0xF7A, s2;
	p2 =	seq.s32 @!p0 s5, $0x0  }
0x1f: {  	s9 =	smul.u32 $0xF7A, s1;
	s8 =	simm.s32 @!p0 $0x1BF5;
	p2 =	por !p2, p0  }
0x20: {  	[sflag:s8] =	ssyncset.s32 @!p0 $0xFFFFF086;
	s6 =	sadd.s32 @!p0 s3, s7;
	s7 =	simm.s32 @!p0 $0x108  }
0x21: {  	s3 =	sadd.s32 s3, s9;
	s6 =	sadd.s32 @!p0 $0x88, s6;
	s7 =	simm.s32 @p2 $0x1082  }
0x22: {  	[simem:s7], [sflag:s8] =	dma.local @!p0 [hbm:s6], $0xF7A  }
0x23: {  	s9 =	sor.u32 $0xD0000000, s2;
	s6 =	simm.s32 $0x108;
	_ =	swait.ge @!p0 [sflag:s8], $0x0  }
0x24: {  	s3 =	sadd.s32 $0x88, s3;
	s6 =	simm.s32 @!p1 $0x1082;
	[sflag:s4] =	ssyncset.s32 $0xFFFFF086  }
0x25: {  	[simem:s6], [sflag:s4] =	dma.local [hbm:s3], $0xF7A  }
0x26: {  	[smem:$0x3F93] =	sst s1;
	(tag) =	ssettag s2;
	_ =	strace s9  }
0x27: {  	s1 =	sld [smem:$0x3FA3]  }
0x28: {  	s2 =	sld [smem:$0x3FA4]  }
0x29: {  	s4 =	sld [smem:$0x3FA6]  }
0x2a: {  	p0 =	seq.s32 s5, $0x0;
	s5 =	sld [smem:$0x3FA7]  }
0x2b: {  	s6 =	sld [smem:$0x3FA8]  }
0x2c: {  	s7 =	sld [smem:$0x3FA9]  }
0x2d: {  	s3 =	simm.s32 $0x108;
	s8 =	sld [smem:$0x3FAA]  }
0x2e: {  	s3 =	simm.s32 @!p0 $0x1082;
	s9 =	sld [smem:$0x3FAB]  }
0x2f: {  	lr =	sadd.s32 s0, s3;
	s0 =	sld [smem:$0x3FA2]  }
0x30: {  	s3 =	sld [smem:$0x3FA5]  }
0x31: {  	[smem:$0x3FAE] =	sst s10  }
0x32: {  	s10 =	sld [smem:$0x3FAC];
	_ =	sdelay $0x3  }
0x33: {  	p0 =	seq.s32 s10, $0x1;
	s10 =	sld [smem:$0x3FAE];
	_ =	sdelay $0x3  }
0x34: {  	[smem:$0x3FAE] =	sst s10  }
0x35: {  	s10 =	sld [smem:$0x3FAD];
	_ =	sdelay $0x3  }
0x36: {  	p1 =	seq.s32 s10, $0x1;
	s10 =	sld [smem:$0x3FAE];
	_ =	sdelay $0x3  }
0x37: {  	[smem:$0x3FAE] =	sst s10  }
0x38: {  	s10 =	sld [smem:$0x3FAF]  }
0x39: {  	_ = 	snop;
	(pc) =	sbr.ind lr, $3  }
0x3a: {  	_ = 	snop  }
0x3b: {  	_ = 	snop  }
0x3c: {  	p2 =	seq.s32 s10, $0x1;
	s10 =	sld [smem:$0x3FAE]  }
0x3d: {  	_ =	shalt  }
0x3e: {  	_ =	shalt  }
0x3f: {  	_ =	shalt  }
0x40: {  	_ =	shalt  }
0x41: {  	_ =	shalt  }
0x42: {  	_ =	shalt  }
0x43: {  	_ =	shalt  }
0x44: {  	_ =	shalt  }
0x45: {  	_ =	shalt  }
0x46: {  	_ =	shalt  }
0x47: {  	_ =	shalt  }
0x48: {  	_ =	shalt  }
0x49: {  	_ =	shalt  }
0x4a: {  	_ =	shalt  }
0x4b: {  	_ =	shalt  }
0x4c: {  	_ =	shalt  }
0x4d: {  	_ =	shalt  }
0x4e: {  	_ =	shalt  }
0x4f: {  	_ =	shalt  }
0x50: {  	_ =	shalt  }
0x51: {  	_ =	shalt  }
0x52: {  	_ =	shalt  }
0x53: {  	_ =	shalt  }
0x54: {  	_ =	shalt  }
0x55: {  	_ =	shalt  }
0x56: {  	_ =	shalt  }
0x57: {  	_ =	shalt  }
0x58: {  	_ =	shalt  }
0x59: {  	_ =	shalt  }
0x5a: {  	_ =	shalt  }
0x5b: {  	_ =	shalt  }
0x5c: {  	_ =	shalt  }
0x5d: {  	_ =	shalt  }
0x5e: {  	_ =	shalt  }
0x5f: {  	_ =	shalt  }
0x60: {  	_ =	shalt  }
0x61: {  	_ =	shalt  }
0x62: {  	_ =	shalt  }
0x63: {  	_ =	shalt  }
0x64: {  	_ =	shalt  }
0x65: {  	_ =	shalt  }
0x66: {  	_ =	shalt  }
0x67: {  	_ =	shalt  }
0x68: {  	_ =	shalt  }
0x69: {  	_ =	shalt  }
0x6a: {  	_ =	shalt  }
0x6b: {  	_ =	shalt  }
0x6c: {  	_ =	shalt  }
0x6d: {  	_ =	shalt  }
0x6e: {  	_ =	shalt  }
0x6f: {  	_ =	shalt  }
0x70: {  	_ =	shalt  }
0x71: {  	_ =	shalt  }
0x72: {  	_ =	shalt  }
0x73: {  	_ =	shalt  }
0x74: {  	_ =	shalt  }
0x75: {  	_ =	shalt  }
0x76: {  	_ =	shalt  }
0x77: {  	_ =	shalt  }
0x78: {  	_ =	shalt  }
0x79: {  	_ =	shalt  }
0x7a: {  	_ =	shalt  }
0x7b: {  	_ =	shalt  }
0x7c: {  	_ =	shalt  }
0x7d: {  	_ =	shalt  }
0x7e: {  	_ =	shalt  }
0x7f: {  	_ =	shalt  }
0x80: {  	_ =	shalt  }
0x81: {  	_ =	shalt  }
0x82: {  	_ =	shalt  }
0x83: {  	_ =	shalt  }
0x84: {  	_ =	shalt  }
0x85: {  	_ =	shalt  }
0x86: {  	_ =	shalt  }
0x87: {  	_ =	shalt  }
.Lfunc_end0:
.L_simem_size_0:
called_computation.1_lowered:
.L_overlay_start_0:
0x88: {  	s0 =	sld [smem:$0x3FD9]  }
0x89: {  	s1 =	sld [smem:$0x3FFE];
	_ =	sdelay $0x3  }
0x8a: {  	s0 =	sadd.s32 s1, s0  }
0x8b: {  	[smem:$0x3FBA] =	sst s0  }
0x8c: {  	_ = 	snop  }
0x8d: {  	(tm) =	ssettm $0x1  }
0x8e: {  	s15 =	sld [smem:$0x3FFB];
	_ =	sdelay $0x3  }
0x8f: {  	_ =	strace s15  }
0x90: {  	s0 =	sld [smem:$0x3FFC];
	_ =	sdelay $0x3  }
0x91: {  	_ =	strace s0  }
0x92: {  	s0 =	sld [smem:$0x3FFD];
	_ =	sdelay $0x3  }
0x93: {  	_ =	strace s0  }
0x94: {  	_ =	strace $0x8FFFFFFF  }
0x95: {  	s16 =	sld [smem:$0x3FDB];
	_ =	sdelay $0x1  }
0x96: {  	s17 =	simm.s32 $_scs_section_size  }
0x97: {  	s2 =	simm.s32 $_size__tile_overlayer_lowered;
	s3 =	simm.s32 $_tile_overlayer_lowered  }
0x98: {  	s20 =	simm.s32 $0x1BFF;
	s19 =	sshll.u32 s3, $0x1;
	s0 =	sadd.s32 s17, s16  }
0x99: {  	s4 =	simm.s32 $0x0;
	s18 =	sshll.u32 s2, $0x1;
	s2 =	sadd.s32 s19, s0  }
0x9a: {  	[timem:s4], [sflag:s20] =	dma.local [hbm:s2], s18  }
0x9b: {  	_ =	swait.ge [sflag:s20], s18  }
0x9c: {  	s1 =	ssub.s32 $0x0, s18;
	[sflag:s20] =	ssyncset.done $0x0  }
0x9d: {  	[sflag:s20] =	ssyncadd.s32 s1;
	_ =	sdelay $0x1  }
0x9e: {  	s21 =	simm.s32 $0x1B8B  }
0x9f: {  	_ =	swait.ge [sflag:s21], $0x1  }
0xa0: {  	[sflag:s21] =	ssyncset.done $0x0  }
0xa1: {  	s23 =	simm.s32 $0x1B8E;
	s22 =	sld [smem:$0x3FFE];
	[sflag:s21] =	ssyncadd.s32 $0xFFFFFFFF  }
0xa2: {  	s24 =	simm.s32 $execute0_lowered;
	[smem:$0x3FD2] =	sst s23  }
0xa3: {  	s2 =	sshll.u32 s24, $0x1;
	_ =	strace $0x80000046;
	[dreg:$0x1] =	wrdreg $0xFFFFFFFF  }
0xa4: {  	s25 =	simm.s32 $_size_execute0_lowered;
	s0 =	sadd.s32 s0, s2;
	[dreg:$0x0] =	wrdreg $0x0  }
0xa5: {  	s2 =	sshll.u32 s25, $0x1;
	[dreg:$0x2] =	wrdreg s0  }
0xa6: {  	[dreg:$0x3] =	wrdreg s2  }
0xa7: {  	[dreg:$0x4] =	wrdreg $0xC0  }
0xa8: {  	_ =	task [dreg:s4], $0x5FFFF  }
0xa9: {  	[dreg:$0x1] =	wrdreg $0xFFFFFFFF  }
0xaa: {  	[dreg:$0x0] =	wrdreg $0x60  }
0xab: {  	[dreg:$0x2] =	wrdreg s22  }
0xac: {  	[dreg:$0x3] =	wrdreg $0x9  }
0xad: {  	_ =	task.clear_ibuf [dreg:s4], $0x4FFFF;
	_ =	strace $0x90000046  }
0xae: {  	s26 =	simm.s32 $0x9;
	_ =	strace $0x80000048  }
0xaf: {  	_ =	swait.ge [sflag:s26], $0x1  }
0xb0: {  	[sflag:s26] =	ssyncadd.s32 $0xFFFFFFFF  }
0xb1: {  	_ =	strace $0x90000048  }
0xb2: {  	_ =	sfence  }
0xb3: {  	s28 =	sld [smem:$0x0];
	_ =	sdelay $0x1  }
0xb4: {  	s29 =	srdreg.scid  }
0xb5: {  	s30 =	sshll.u32 s29, $0xD;
	s31 =	sshrl.u32 s29, $0x2  }
0xb6: {  	s1 =	sand.u32 $0x1, s29;
	s2 =	sand.u32 $0x4000, s30;
	s0 =	sadd.s32 s31, s28  }
0xb7: {  	s1 =	sor.u32 s2, s1;
	s0 =	sshll.u32 s0, $0x11  }
0xb8: {  	s0 =	sor.u32 s0, s1  }
0xb9: {  	s0 =	sadd.s32 $0x8F2B, s0  }
0xba: {  	[sflag:s0] =	ssyncadd.remote.s32 $0x1  }
0xbb: {  	_ =	sfence.sel $0xFFFF  }
0xbc: {  	[dreg:$0x0] =	wrdreg $0xFFFFFFFF;
	(pc) =	sbr.abs _section_cstart, $3  }
0xbd: {  	[dreg:$0x1] =	wrdreg $0xFFFFFFFF  }
0xbe: {  	_ =	task.clear_ibuf [dreg:s4], $0x2FFFF;
	_ =	strace $0x9FFFFFFF  }
0xbf: {  	(tm) =	ssettm $0x7FFFFFFF  }
tec
execute0_lowered:
.L_overlay_start_1:
0x0: {  	(tag) =	ssettag $0x1  }
0x1: {  	s0 =	rddreg [dreg:$0x0];
	s14 =	stileid.u32  }
0x2: {  	_ =	strace $0x80000047;
	s2 =	simm.s32 $0x1;
	s1 =	smul.u32 $0x6, s14  }
0x3: {  	v1 =	vimm.s32 $0xFFFFFFFF;
	s3 =	smin.u32 s14, $0x4;
	[sflag:s2] =	ssyncpa.u1 $0x0  }
0x4: {  	[tilespmem:$0x10] =	vst v1;
	s1 =	sadd.s32 s3, s1  }
0x5: {  	v0 =	vimm.f32 $0.0e+00;
	p0 =	slt.u32 s14, $0x4;
	[tilespmem:$0x20] =	vst v1;
	s3 =	smul.u32 $0x1F40, s1;
	s1 =	simm.s32 $0xDAC0  }
0x6: {  	[tilespmem:$0x30] =	vst v0;
	s1 =	simm.s32 @!p0 $0xBB80  }
0x7: {  	[tilespmem:$0x40] =	vst v0;
	s1 =	sadd.s32 s1, s3  }
0x8: {  	[tilespmem:$0x50] =	vst v0;
	s4 =	smin.u32 s1, $0xC3500  }
0x9: {  	[tilespmem:$0x60] =	vst v1;
	s9 =	ssub.s32 s4, s3  }
0xa: {  	s7 =	simm.s32 $0x2;
	s8 =	simm.s32 $0x8;
	[tilespmem:$0x70] =	vst v1;
	p0 =	sgt.s32 s9, $0x0  }
0xb: {  	s31 =	simm.s32 $0x9;
	s16 =	simm.s32 $0x0;
	[tilespmem:$0x80] =	vst v1;
	s9 =	simm.s32 @!p0 $0x0  }
0xc: {  	s17 =	simm.s32 $0xF0;
	s18 =	simm.s32 $0xFFFFFFFF;
	v1 =	vimm.s32 $0x0;
	[tilespmem:$0xB0] =	vst v0;
	s5 =	smulhi.u32 $0x10624DD3, s9  }
0xd: {  	s19 =	simm.s32 $0xFFFFC280;
	s20 =	simm.s32 $0xFFFFFFFE;
	s21 =	simm.s32 $0xF;
	[tilespmem:$0x90] =	vst v1  }
0xe: {  	[tilespmem:$0xA0] =	vst v1;
	[sflag:s7] =	ssyncpa.u1 $0x0;
	s7 =	simm.s32 $0x7;
	s10 =	sshrl.u32 s5, $0x9  }
0xf: {  	s25 =	simm.s32 $0x0;
	[sflag:s7] =	ssyncpa.u1 $0x0;
	s11 =	smul.u32 $0x1F40, s10  }
0x10: {  	s24 =	simm.s32 $0x0;
	s6 =	sadd.s32 $0x2A6800, s0;
	[sflag:s8] =	ssyncpa.u1 $0x0  }
.Ltmp0:
0x11: {  	[sflag:s31] =	ssyncpa.u1 $0x0;
	p0 =	sne.s32 s9, s11;
	(pc) =	sbr.rel .LBB2_1-.Ltmp0, $4  }
0x12: {  	s23 =	smov.u32 s3;
	s1 =	sadd.s32 $0x323000, s0;
	s2 =	simm.s32 @!p0 $0x0  }
0x13: {  	s5 =	sadd.s32 $0x28E000, s0;
	p0 =	por $0x0, $0x0;
	s9 =	sadd.s32 s2, s10  }
0x14: {  	vm0 =	vmmov $0xffff;
	v2 =	vlaneseq.u32;
	s10 =	sshll.u32 s14, $0x1;
	s14 =	sshllo.u32 s14, $0x1;
	s11 =	sadd.s32 $0x1, s9  }
0x15: {  	vm1 =	vmxor vm1, vm1;
	vm2 =	vmmov $0x1;
	vm3 =	vcmask $0x3F3C;
	s12 =	sadd.s32 $0x2, s9;
	s13 =	sor.u32 $0x81, s10;
	s15 =	sor.u32 $0x80, s10  }
.LBB2_9:
0x16: {  	p1 =	slt.u32 s24, $0x3  }
0x17: {  	s0 =	simm.s32 @!p1 $0x2  }
0x18: {  	_ =	swait.ge @!p1 [sflag:s0], $0x1F40  }
0x19: {  	[sflag:s0] =	ssyncset.done @!p1 $0x0  }
0x1a: {  	[sflag:s0] =	ssyncadd.s32 @!p1 $0xFFFFE0C0;
	s0 =	simm.s32 @!p1 $0x9  }
0x1b: {  	_ =	swait.ge @!p1 [sflag:s0], $0x10  }
0x1c: {  	[sflag:s0] =	ssyncset.done @!p1 $0x0  }
0x1d: {  	[sflag:s0] =	ssyncadd.s32 @!p1 $0xFFFFFFF0;
	p1 =	sne.s32 s24, s12  }
.Ltmp1:
0x1e: {  	s2 =	sadd.s32 $0x1F40, s23;
	(pc) =	sbr.rel @!p1 .LBB2_10-.Ltmp1, $4  }
0x1f: {  	s22 =	smov.u32 s3;
	s31 =	sadd.s32 $0x1, s24;
	s17 =	sadd.s32 $0x1F40, s17  }
0x20: {  	s18 =	sadd.s32 $0x1, s18;
	s25 =	smov.u32 s23;
	p2 =	slt.s32 s2, s4  }
0x21: {  	p0 =	por !p0, !p0;
	s19 =	sadd.s32 $0x1F40, s19;
	s22 =	smov.u32 @p2 s2  }
0x22: {  	s20 =	sadd.s32 $0x1, s20;
	s23 =	smov.u32 s22;
	s24 =	smov.u32 s31  }
.LBB2_1:
0x23: {  	p1 =	sge.u32 s24, s9  }
0x24: {  	s0 =	smulhi.u32 @!p1 $0xAAAAAAAB, s24;
	_ =	sdelay $0x1  }
0x25: {  	s0 =	sshrl.u32 @!p1 s0, $0x1  }
0x26: {  	s0 =	smul.u32 @!p1 $0x3, s0;
	_ =	sdelay $0x1  }
0x27: {  	s0 =	ssub.s32 @!p1 s24, s0  }
0x28: {  	s0 =	smul.u32 @!p1 $0x7D00, s0;
	_ =	sdelay $0x1  }
0x29: {  	s2 =	sshrl.u32 @!p1 s23, $0x3;
	s0 =	sshrl.u32 @!p1 s0, $0x2  }
0x2a: {  	s22 =	sand.u32 @!p1 $0x7, s23;
	s2 =	sadd.s32 @!p1 s5, s2;
	s0 =	sadd.s32 @!p1 $0x100, s0  }
0x2b: {  	[tilespmem:s0], [sflag:$0x7] =	stream.linear.gather @!p1 [hbm4b:s2+s22], $0x1F40, $0x38;
	[tilespmem:$0x11A60] =	vst v63  }
0x2c: {  	s0 =	sadd.s32 $0xFFFFFFFF, s24  }
0x2d: {  	p1 =	sge.u32 s0, s9  }
.Ltmp2:
0x2e: {  	_ = 	snop;
	(pc) =	sbr.rel @p1 .LBB2_5-.Ltmp2, $1  }
0x2f: {  	_ =	sdelay $0x3  }
0x30: {  	s2 =	smulhi.u32 $0xAAAAAAAB, s0;
	_ =	sdelay $0x1  }
0x31: {  	s2 =	sshrl.u32 s2, $0x1  }
0x32: {  	s2 =	smul.u32 $0x3, s2;
	_ =	sdelay $0x1  }
0x33: {  	s2 =	ssub.s32 s0, s2  }
0x34: {  	s2 =	smul.u32 $0x7D00, s2  }
0x35: {  	_ =	swait.ge [sflag:s7], $0x1F40  }
0x36: {  	[sflag:s7] =	ssyncset.done $0x0;
	s2 =	sshrl.u32 s2, $0x2  }
0x37: {  	[sflag:s7] =	ssyncadd.s32 $0xFFFFE0C0;
	(ifvalue) =	ssetifvalue $0xFFFFFFFF;
	v3 =	vld.msk [tilespmem:s2+$0x100 ss:$0x1], $0xffff;
	_ =	sdelay $0x2  }
0x38: {  	s30 =	smulhi.u32 $0xAAAAAAAB, s18;
	p1 =	sne.s32 s24, $0x1  }
0x39: {  	v4 =	vimm.s32 @!p1 $0x0  }
0x3a: {  	s2 =	sshrl.u32 s30, $0x1;
	v4 =	vperm.xlane @!p1 v3, v4  }
0x3b: {  	s22 =	sshll.u32 s24, $0x4;
	s2 =	smul.u32 $0xFFFE8900, s2;
	vm4 =	vlt.u32 v3, $0xC800  }
0x3c: {  	s22 =	sand.u32 $0x10, s22;
	v3 =	vnsel vm4, $0xFFFFFFFE, v3;
	vm4 =	vlt.u32 @!p1 v4, $0xC800  }
0x3d: {  	s2 =	sshra.s32 s2, $0x2;
	[tilespmem:s22+$0x60] =	vst v3;
	v3 =	vnsel @!p1 vm4, $0xFFFFFFFE, v4  }
0x3e: {  	s28 =	sadd.s32 s2, s17;
	[tilespmem:$0x80] =	vst @!p1 v3  }
0x3f: {  	v3 =	vld.msk [tilespmem:s28+$0x0 ss:$0x1], $0xffff;
	_ =	sdelay $0x4  }
0x40: {  	(xrf1) =	vunique.msk.u32 $0xffff, v3;
	_ =	sdelay $0xd  }
0x41: {  	v4 =	vimm.s32 $0xFFFFFFFF;
	v5, _, _ =	vpop (xrf1)  }
0x42: {  	vm5 =	vne.s32 v3, v4;
	vm4 =	veq.s32 v5, v2  }
0x43: {  	vm6 =	vlt.u32 v3, $0xC800;
	vm4 =	vmand vm5, vm4  }
0x44: {  	vm4 =	vmand vm6, vm4  }
0x45: {  	v4 =	vnsel vm4, $0xFFFFFFFF, v3  }
0x46: {  	s31 =	sand.u32 $0x1, s0  }
0x47: {  	s0 =	simm.s32 $0x1F40;
	p1 =	seq.s32 s31, $0x1  }
0x48: {  	s0 =	simm.s32 @!p1 $0x0  }
0x49: {  	s26 =	sadd.s32 $0x7DF0, s0;
	(ifvalue) =	ssetifvalue $0xFFFFFFFF  }
0x4a: {  	v3 =	vperm.xlane v3, v1;
	[tilespmem:s26], [sflag:$0x8] =	stream.indirect_vreg.gather [hbm4b:s1+s16], $0x1, v4, vm0, $0x4038;
	v4 =	vnsel vm6, $0xFFFFFFFE, v4;
	[tilespmem:$0x11A60] =	vst v63  }
0x4b: {  	s2 =	simm.s32 $0x0;
	s22 =	sadd.s32 $0xFFFFFFF0, s28;
	[tilespmem:s28+$0x0] =	vst v4  }
.LBB2_3:
0x4c: {  	v4 =	vld.msk [tilespmem:s22+$0x0 ss:$0x1], $0xffff;
	s2 =	sadd.s32 $0x10, s2;
	v5 =	vmov v3;
	s28 =	smov.u32 s22  }
0x4d: {  	p1 =	slt.u32 s2, $0x1F30;
	_ =	sdelay $0x4  }
0x4e: {  	v3 =	vperm.xlane v4, v1;
	(xrf1) =	vunique.msk.u32 $0xffff, v4;
	_ =	sdelay $0xd  }
0x4f: {  	v6, _, _ =	vpop (xrf1)  }
0x50: {  	vm5 =	vne.s32 v4, v5;
	vm4 =	veq.s32 v6, v2  }
0x51: {  	vm6 =	vlt.u32 v4, $0xC800;
	vm4 =	vmand vm5, vm4  }
0x52: {  	vm4 =	vmand vm6, vm4  }
0x53: {  	v4 =	vnsel vm4, $0xFFFFFFFF, v4  }
.Ltmp3:
0x54: {  	v5 =	vnsel vm6, $0xFFFFFFFE, v4;
	(pc) =	sbr.rel @p1 .LBB2_3-.Ltmp3, $3  }
0x55: {  	_ =	sdelay $0x1  }
0x56: {  	s22 =	sadd.s32 $0xFFFFFFF0, s22;
	s26 =	sadd.s32 $0xFFFFFFF0, s26;
	(ifvalue) =	ssetifvalue $0xFFFFFFFF  }
0x57: {  	[tilespmem:s26], [sflag:$0x8] =	stream.indirect_vreg.gather [hbm4b:s1+s16], $0x1, v4, vm0, $0x4038;
	[tilespmem:s28+$0x0] =	vst v5  }
0x58: {  	s2 =	sshrl.u32 s25, $0x3  }
0x59: {  	s0 =	sadd.s32 $0x9D40, s0;
	s2 =	sadd.s32 s6, s2  }
0x5a: {  	[tilespmem:s0], [sflag:$0x8] =	stream.linear.gather [hbm:s2], $0x1F40, $0x38;
	[tilespmem:$0x11A60] =	vst v63  }
.LBB2_5:
0x5b: {  	p1 =	slt.u32 s24, $0x2  }
0x5c: {  	p2 =	sge.u32 @!p1 s24, s12  }
0x5d: {  	p1 =	por p1, p2  }
.Ltmp4:
0x5e: {  	_ = 	snop;
	(pc) =	sbr.rel @p1 .LBB2_9-.Ltmp4, $1  }
0x5f: {  	_ =	sdelay $0x3  }
0x60: {  	s0 =	sadd.s32 $0xFFFFFFFE, s24  }
0x61: {  	s2 =	smulhi.u32 $0xAAAAAAAB, s0;
	_ =	sdelay $0x1  }
0x62: {  	s2 =	sshrl.u32 s2, $0x1  }
0x63: {  	s2 =	smul.u32 $0x3, s2;
	_ =	sdelay $0x1  }
0x64: {  	s0 =	ssub.s32 s0, s2  }
0x65: {  	_ =	swait.ge [sflag:s8], $0x3E80;
	s0 =	smul.u32 $0x1F40, s0  }
0x66: {  	p1 =	sne.s32 s24, s11;
	[sflag:s8] =	ssyncset.done $0x0  }
0x67: {  	[sflag:s8] =	ssyncadd.s32 $0xFFFFC180;
	s2 =	sadd.s32 @!p1 $0x203F, s0  }
0x68: {  	[spmem:s13] =	stream.linear.scatter @!p1 [tilespmem:s2], [sflag:$0x1], $0x1, $0x38;
	[tilespmem:$0x11A60] =	vst v63  }
0x69: {  	s2 =	simm.s32 @!p1 $0x1  }
0x6a: {  	_ =	swait.ge @!p1 [sflag:s2], $0x1  }
0x6b: {  	s22 =	sshll.u32 s24, $0x4;
	[sflag:s2] =	ssyncset.done @!p1 $0x0  }
0x6c: {  	s25 =	sand.u32 $0x10, s22;
	[sflag:s2] =	ssyncadd.s32 @!p1 $0xFFFFFFFF  }
0x6d: {  	s2 =	sxor.u32 $0x10, s25;
	v4 =	vld [tilespmem:s25+$0x10]  }
0x6e: {  	v5 =	vld [tilespmem:s2+$0x60]  }
0x6f: {  	v3 =	vld [tilespmem:$0x80];
	_ =	sdelay $0x2  }
0x70: {  	(v2sf) =	vpush v4, $0x0  }
0x71: {  	(v2sf) =	vpush v5, $0x0  }
0x72: {  	(v2sf) =	vpush v3, $0x0;
	_ =	sdelay $0xc  }
0x73: {  	s22 =	spop (v2sf)  }
0x74: {  	s26 =	spop (v2sf)  }
0x75: {  	s28 =	spop (v2sf)  }
0x76: {  	p2 =	seq.s32 s22, s26;
	p3 =	seq.s32 s28, s22  }
0x77: {  	p3 =	por p2, p3  }
0x78: {  	s26 =	sand.u32 $0x1, s24;
	v4 =	vpsel p3, $0xFFFFFFFF, v4  }
0x79: {  	s29 =	smul.u32 $0x1F40, s26;
	[tilespmem:s25+$0x10] =	vst.msk $0x1, v4  }
0x7a: {  	v4 =	vld [tilespmem:$0x30]  }
0x7b: {  	v5 =	vld [tilespmem:s29+$0x9D40]  }
0x7c: {  	v6 =	vld [tilespmem:s25+$0x40];
	_ =	sdelay $0x3  }
0x7d: {  	vm4 =	vmmov vm1;
	v5 =	vadd.f32 v5, v4  }
0x7e: {  	vm5 =	vmmov vm2;
	vm4 =	vmmov @p2 vm2;
	s22 =	sshll.u32 s26, $0x4;
	v4 =	vadd.f32 v6, v4  }
0x7f: {  	s26 =	sor.u32 $0x11A40, s22;
	vm5 =	vmmov @p3 vm1;
	[tilespmem:s29+$0x9D40] =	vst.msk vm4, v5  }
0x80: {  	[tilespmem:s26+$0x0] =	vst.msk vm5, v4  }
0x81: {  	v4 =	vld [tilespmem:s29+$0x7DF0];
	_ =	sdelay $0x3  }
0x82: {  	v5 =	vimm.f32 $0.0e+00  }
0x83: {  	v4 =	vshift.insert v4, v5, s21  }
0x84: {  	s22 =	sor.u32 $0x40, s2  }
0x85: {  	[tilespmem:s22+$0x0] =	vst.msk $0x1, v4  }
0x86: {  	[tilespmem:s29+$0x7DFF] =	vst.msk $0x1, v5  }
0x87: {  	v4 =	vld [tilespmem:s0+$0x2030];
	_ =	sdelay $0x1  }
0x88: {  	s22 =	smulhi.u32 $0xAAAAAAAB, s20;
	s0 =	simm.s32 $0x1  }
0x89: {  	s0 =	simm.s32 @!p0 $0x0  }
0x8a: {  	s22 =	sshrl.u32 s22, $0x1;
	s0 =	smul.u32 $0x7D00, s0  }
0x8b: {  	s22 =	smul.u32 $0xFFFE8900, s22;
	v4 =	vshift.insert v4, v1, s21  }
0x8c: {  	s0 =	sshrl.u32 s0, $0x2  }
0x8d: {  	s22 =	sshra.s32 s22, $0x2;
	s30 =	sadd.s32 $0x9D40, s0;
	[tilespmem:s2+$0x10] =	vst.msk $0x1, v4  }
0x8e: {  	s22 =	sadd.s32 s22, s19;
	v6 =	vld [tilespmem:s30+$0x0]  }
0x8f: {  	v7 =	vld [tilespmem:s22+$0x0];
	_ =	sdelay $0x3  }
0x90: {  	v5 =	vadd.f32 v6, v5  }
0x91: {  	vm4 =	vne.s32 v7, $0xFFFFFFFF  }
0x92: {  	(xrf2) =	vadd.seg.scan.f32 vm4, v5;
	_ =	sdelay $0x3  }
0x93: {  	s31 =	sadd.s32 $0x5EC0, s0;
	v5 =	vperm.xlane v4, v1  }
0x94: {  	v6 =	vld [tilespmem:s31+$0x0]  }
0x95: {  	vm5 =	veq.s32 v7, v3;
	vm6 =	veq.s32 v7, v5  }
0x96: {  	vm7 =	vgt.u32 v7, $0xFFFFFFFD;
	vm6 =	vmor vm6, vm5  }
0x97: {  	vm6 =	vmor vm6, vm7  }
0x98: {  	v9 =	vld [tilespmem:$0xA0];
	v7 =	vsel vm6, $0xFFFFFFFF, v7  }
0x99: {  	v10 =	vld [tilespmem:$0x90];
	v6 =	vsel vm5, $0x0, v6;
	v8, _, _ =	vpop (xrf2)  }
0x9a: {  	v6 =	vadd.f32 v8, v6  }
0x9b: {  	s0 =	sadd.s32 $0xDBC0, s0  }
0x9c: {  	vm4 =	vmand vm4, vm3;
	[tilespmem:s0+$0x0] =	vst v6;
	(ifvalue) =	ssetifvalue $0xFFFFFFFF  }
0x9d: {  	vm6 =	veq.s32 v9, $0x1;
	[hbm4b:s1+s16] =	stream.indirect_vreg.scatter [tilespmem:s0], [sflag:$0x2], $0x1, v7, vm0, $0x4038;
	v7 =	vsel vm4, $0x0, v8;
	[tilespmem:$0x11A60] =	vst v63  }
0x9e: {  	s2 =	simm.s32 $0x0;
	s22 =	sadd.s32 $0x10, s22;
	vm4 =	vmor vm6, vm5;
	v6 =	vsel vm5, v8, v10;
	v7 =	vshift.insert v7, v0, s21  }
.LBB2_7:
0x9f: {  	v8 =	vld [tilespmem:s22+$0x0];
	s30 =	sadd.s32 $0x10, s30  }
0xa0: {  	s31 =	sadd.s32 $0x10, s31;
	v9 =	vld [tilespmem:s30+$0x0]  }
0xa1: {  	s2 =	sadd.s32 $0x10, s2;
	v10 =	vld [tilespmem:s31+$0x0]  }
0xa2: {  	p2 =	slt.u32 s2, $0x1F30;
	_ =	sdelay $0x2  }
0xa3: {  	v7 =	vadd.f32 v9, v7  }
0xa4: {  	vm5 =	vne.s32 v8, $0xFFFFFFFF  }
0xa5: {  	vm6 =	vmand vm5, vm3;
	(xrf2) =	vadd.seg.scan.f32 vm5, v7;
	_ =	sdelay $0x5  }
0xa6: {  	vm7 =	veq.s32 v8, v5;
	vm5 =	veq.s32 v8, v3  }
0xa7: {  	vm8 =	vgt.u32 v8, $0xFFFFFFFD;
	vm4 =	vmor vm4, vm5;
	vm7 =	vmor vm7, vm5  }
0xa8: {  	vm7 =	vmor vm7, vm8  }
0xa9: {  	v8 =	vsel vm7, $0xFFFFFFFF, v8  }
.Ltmp5:
0xaa: {  	v7 =	vsel vm5, $0x0, v10;
	v9, _, _ =	vpop (xrf2);
	(pc) =	sbr.rel @p2 .LBB2_7-.Ltmp5, $4  }
0xab: {  	v6 =	vsel vm5, v9, v6;
	v10 =	vadd.f32 v9, v7;
	v7 =	vsel vm6, $0x0, v9  }
0xac: {  	s0 =	sadd.s32 $0x10, s0;
	v7 =	vshift.insert v7, v0, s21  }
0xad: {  	s22 =	sadd.s32 $0x10, s22;
	[tilespmem:s0+$0x0] =	vst v10;
	(ifvalue) =	ssetifvalue $0xFFFFFFFF  }
0xae: {  	[hbm4b:s1+s16] =	stream.indirect_vreg.scatter [tilespmem:s0], [sflag:$0x2], $0x1, v8, vm0, $0x4038;
	[tilespmem:$0x11A60] =	vst v63  }
0xaf: {  	v3 =	vld [tilespmem:s29+$0xFAF0];
	_ =	sdelay $0x4  }
0xb0: {  	v3 =	vshift.insert v3, v0, s21  }
0xb1: {  	s0 =	simm.s32 $0x30  }
0xb2: {  	[tilespmem:s0+$0x0] =	vst.msk $0x1, v3  }
0xb3: {  	v3 =	vsel vm4, $0x1, v1;
	[tilespmem:$0x90] =	vst v6  }
0xb4: {  	s0 =	sadd.s32 @!p1 $0xFAFF, s29;
	[tilespmem:$0xA0] =	vst v3  }
0xb5: {  	[spmem:s14] =	stream.linear.scatter @!p1 [tilespmem:s0], [sflag:$0x1], $0x1, $0x38;
	[tilespmem:$0x11A60] =	vst v63  }
0xb6: {  	s0 =	simm.s32 @!p1 $0x1  }
0xb7: {  	v3 =	vmctz.xlane @!p1 vm4;
	_ =	swait.ge @!p1 [sflag:s0], $0x1  }
0xb8: {  	(v2sf) =	vpush @!p1 v4, $0x0  }
0xb9: {  	(v2sf) =	vpush @!p1 v3, $0x0;
	_ =	sdelay $0xd  }
0xba: {  	s2 =	spop @!p1 (v2sf)  }
0xbb: {  	s22 =	spop @!p1 (v2sf)  }
0xbc: {  	p2 =	sne.s32 @!p1 s28, s2;
	p3 =	slt.s32 @!p1 s22, $0xF  }
0xbd: {  	[sflag:s0] =	ssyncset.done @!p1 $0x0;
	p2 =	por p2, p1;
	p3 =	por !p3, p1  }
0xbe: {  	[sflag:s0] =	ssyncadd.s32 @!p1 $0xFFFFFFFF;
	v3 =	vimm.s32 @!p2 $0xFFFFFFFF;
	s22 =	simm.s32 @p3 $0xF  }
0xbf: {  	[tilespmem:$0x80] =	vst @!p2 v3;
	s2 =	sadd.s32 @!p1 $0x90, s22  }
0xc0: {  	[spmem:s10] =	stream.linear.scatter @!p1 [tilespmem:s2], [sflag:$0x1], $0x1, $0x38;
	[tilespmem:$0x11A60] =	vst v63  }
0xc1: {  	_ =	swait.ge @!p1 [sflag:s0], $0x1  }
0xc2: {  	[sflag:s0] =	ssyncset.done @!p1 $0x0  }
0xc3: {  	s2 =	simm.s32 @!p1 $0x80;
	[sflag:s0] =	ssyncadd.s32 @!p1 $0xFFFFFFFF  }
0xc4: {  	[spmem:s15] =	stream.linear.scatter @!p1 [tilespmem:s2], [sflag:$0x1], $0x1, $0x38;
	[tilespmem:$0x11A60] =	vst v63  }
0xc5: {  	_ =	swait.ge @!p1 [sflag:s0], $0x1  }
0xc6: {  	[sflag:s0] =	ssyncset.done @!p1 $0x0  }
0xc7: {  	[sflag:s0] =	ssyncadd.s32 @!p1 $0xFFFFFFFF;
	(ifvalue) =	ssetifvalue $0xFFFFFFFF;
	v3 =	vld [tilespmem:s25+$0x10];
	_ =	sdelay $0x3  }
.Ltmp6:
0xc8: {  	_ = 	snop;
	(pc) =	sbr.rel .LBB2_9-.Ltmp6, $3  }
0xc9: {  	_ =	sdelay $0x1  }
0xca: {  	(ifvalue) =	ssetifvalue $0xFFFFFFFF  }
0xcb: {  	[hbm4b:s1+s16] =	stream.indirect_vreg.scatter [tilespmem:s26], [sflag:$0x9], $0x1, v3, vm0, $0x4038;
	[tilespmem:$0x11A60] =	vst v63  }
.LBB2_10:
0xcc: {  	_ =	sfence.sel $0x180000  }
0xcd: {  	s0 =	simm.s32 $0x7;
	[bflag:$0x0] =	sbarrier.arrive $0xFFFF  }
0xce: {  	s26 =	simm.s32 $0x8;
	[sflag:s0] =	ssyncpa.u1 $0x1  }
0xcf: {  	s28 =	simm.s32 $0x9;
	[sflag:s26] =	ssyncpa.u1 $0x1  }
0xd0: {  	[sflag:s28] =	ssyncpa.u1 $0x1  }
0xd1: {  	_ =	sfence.stream.spmem  }
0xd2: {  	s29 =	simm.s32 $0x3;
	[bflag:$0x0] =	sbarrier.arrive $0xFFFF  }
0xd3: {  	s30 =	simm.s32 $0x4;
	[sflag:s29] =	ssyncpa.u1 $0x1  }
0xd4: {  	s31 =	simm.s32 $0x3C;
	s2 =	stileid.u32;
	[sflag:s30] =	ssyncpa.u1 $0x1  }
0xd5: {  	p0 =	sne.s32 s2, $0x0;
	[sflag:s31] =	ssyncpa.u1 $0x1  }
0xd6: {  	s0 =	simm.s32 @p0 $0x1;
	_ =	sfence @p0  }
0xd7: {  	[sflag:s0] =	ssyncpa.u1 @p0 $0x1;
	s0 =	simm.s32 @p0 $0x2  }
0xd8: {  	[sflag:s0] =	ssyncpa.u1 @p0 $0x1  }
0xd9: {  	_ =	strace @p0 $0x90000047  }
0xda: {  	[bflag:$0x2] =	sbarrier.arrive @p0 $0xFFFF  }
0xdb: {  	_ =	shalt @p0  }
.LBB2_11:
0xdc: {  	_ =	sfence.stream.spmem;
	s0 =	simm.s32 $0x5  }
0xdd: {  	s2 =	simm.s32 $0x80;
	s3 =	simm.s32 $0xC0;
	[sflag:s0] =	ssyncpa.u1 $0x0  }
0xde: {  	[tilespmem:s3], [sflag:$0x5] =	stream.linear.gather [spmem:s2], $0x20, $0x38;
	[tilespmem:$0x11A60] =	vst v63  }
0xdf: {  	s2 =	simm.s32 $0x0;
	s3 =	simm.s32 $0xE0  }
0xe0: {  	[tilespmem:s3], [sflag:$0x5] =	stream.linear.gather [spmem:s2], $0x20, $0x38;
	[tilespmem:$0x11A60] =	vst v63  }
.Ltmp7:
0xe1: {  	_ = 	snop;
	(pc) =	sbr.rel .LBB2_12-.Ltmp7, $4  }
0xe2: {  	_ =	swait.ge [sflag:s0], $0x40  }
0xe3: {  	[sflag:s0] =	ssyncset.done $0x0  }
0xe4: {  	s31 =	simm.s32 $0x6;
	[sflag:s0] =	ssyncadd.s32 $0xFFFFFFC0  }
0xe5: {  	s4 =	simm.s32 $0x0;
	[sflag:s31] =	ssyncpa.u1 $0x0  }
.LBB2_17:
0xe6: {  	p0 =	sgt.u32 s5, $0xC7FF  }
0xe7: {  	s0 =	sshrl.u32 @!p0 s5, $0x3  }
0xe8: {  	s5 =	sand.u32 @!p0 $0x7, s5;
	s6 =	simm.s32 @!p0 $0xB0;
	s0 =	sadd.s32 @!p0 s1, s0  }
0xe9: {  	[tilespmem:s6], [sflag:$0x6] =	stream.linear.gather @!p0 [hbm4b:s0+s5], $0x1, $0x38;
	[tilespmem:$0x11A60] =	vst v63  }
0xea: {  	s0 =	simm.s32 @!p0 $0x6  }
0xeb: {  	_ =	swait.ge @!p0 [sflag:s0], $0x1  }
0xec: {  	[sflag:s0] =	ssyncset.done @!p0 $0x0  }
0xed: {  	[sflag:s0] =	ssyncadd.s32 @!p0 $0xFFFFFFFF  }
0xee: {  	v2 =	vmov @!p0 s4;
	v1 =	vld.msk @!p0 [tilespmem:$0xB0], $0x1;
	_ =	sdelay $0x3  }
0xef: {  	s0 =	simm.s32 @!p0 $0xE0  }
0xf0: {  	[tilespmem:v2+s0+$0x0], v1 =	vst.idx.ret.add.f32.msk @!p0 $0x1, v1  }
0xf1: {  	[tilespmem:s2+$0xC0] =	vst.msk $0x1, v0  }
0xf2: {  	v0 =	vld.msk [tilespmem:s4+$0xE0], $0x1;
	_ =	sdelay $0x4  }
0xf3: {  	[tilespmem:s2+$0xE0] =	vst.msk $0x1, v0;
	s2 =	sadd.s32 $0x1, s2  }
.LBB2_19:
0xf4: {  	s4 =	sadd.s32 $0x1, s4  }
0xf5: {  	p0 =	sne.s32 s4, $0x20  }
.Ltmp8:
0xf6: {  	_ = 	snop;
	(pc) =	sbr.rel @!p0 .LBB2_20-.Ltmp8, $1  }
0xf7: {  	_ =	sdelay $0x3  }
.LBB2_12:
0xf8: {  	v0 =	vld.msk [tilespmem:s4+$0xC0], $0x1;
	_ =	sdelay $0x4  }
0xf9: {  	(v2sf) =	vpush v0, $0x0;
	_ =	sdelay $0xe  }
0xfa: {  	s5 =	spop (v2sf)  }
0xfb: {  	p0 =	seq.s32 s5, $0xFFFFFFFF  }
.Ltmp9:
0xfc: {  	_ = 	snop;
	(pc) =	sbr.rel @p0 .LBB2_19-.Ltmp9, $1  }
0xfd: {  	_ =	sdelay $0x3  }
0xfe: {  	p0 =	slt.s32 s2, $0x1  }
.Ltmp10:
0xff: {  	_ = 	snop;
	(pc) =	sbr.rel @p0 .LBB2_17-.Ltmp10, $1  }
0x100: {  	_ =	sdelay $0x3  }
0x101: {  	s0 =	simm.s32 $0xC0;
	p0 =	por $0x0, $0x0  }
0x102: {  	v1 =	vld.msk @!p0 [tilespmem:s0+$0x0], $0x1;
	_ =	sdelay $0x4  }
0x103: {  	(v2sf) =	vpush @!p0 v1, $0x0;
	_ =	sdelay $0xd  }
0x104: {  	p2 =	sne.s32 s2, $0x1  }
.Ltmp11:
0x105: {  	s6 =	spop @!p0 (v2sf);
	(pc) =	sbr.rel @!p2 .LBB2_16-.Ltmp11, $4  }
0x106: {  	p1 =	seq.s32 @!p0 s5, s6  }
0x107: {  	s6 =	simm.s32 $0x0;
	p1 =	por !p1, p0  }
0x108: {  	s8 =	simm.s32 $0xFFFFFFFF;
	s6 =	simm.s32 @p1 $0xFFFFFFFF  }
0x109: {  	s7 =	simm.s32 $0x1;
	s6 =	smov.u32 @p0 s8  }
.LBB2_15:
0x10a: {  	s8 =	smov.u32 s6;
	p0 =	sne.s32 s6, $0xFFFFFFFF  }
0x10b: {  	s0 =	sadd.s32 $0x1, s0;
	s6 =	smov.u32 s7;
	s7 =	sadd.s32 $0x1, s7  }
0x10c: {  	p1 =	sne.s32 s2, s7;
	v1 =	vld.msk @!p0 [tilespmem:s0+$0x0], $0x1;
	_ =	sdelay $0x4  }
0x10d: {  	(v2sf) =	vpush @!p0 v1, $0x0;
	_ =	sdelay $0xe  }
.Ltmp12:
0x10e: {  	s9 =	spop @!p0 (v2sf);
	(pc) =	sbr.rel @p1 .LBB2_15-.Ltmp12, $4  }
0x10f: {  	p2 =	seq.s32 @!p0 s5, s9  }
0x110: {  	p2 =	por !p2, p0  }
0x111: {  	s6 =	simm.s32 @p2 $0xFFFFFFFF  }
0x112: {  	s6 =	smov.u32 @p0 s8  }
.LBB2_16:
0x113: {  	p0 =	sne.s32 s6, $0xFFFFFFFF  }
.Ltmp13:
0x114: {  	_ = 	snop;
	(pc) =	sbr.rel @!p0 .LBB2_17-.Ltmp13, $1  }
0x115: {  	_ =	sdelay $0x3  }
0x116: {  	v0 =	vld.msk [tilespmem:s4+$0xE0], $0x1;
	v1 =	vmov s6  }
.Ltmp14:
0x117: {  	_ = 	snop;
	(pc) =	sbr.rel .LBB2_19-.Ltmp14, $2  }
0x118: {  	_ =	sdelay $0x2  }
0x119: {  	[tilespmem:v1+s3+$0x0], v0 =	vst.idx.ret.add.f32.msk $0x1, v0  }
.LBB2_20:
0x11a: {  	p0 =	slt.s32 s2, $0x1  }
.Ltmp15:
0x11b: {  	_ = 	snop;
	(pc) =	sbr.rel @p0 .LBB2_24-.Ltmp15, $3  }
0x11c: {  	_ =	sdelay $0x1  }
0x11d: {  	s0 =	simm.s32 $0x6  }
0x11e: {  	s3 =	simm.s32 $0x0;
	[sflag:s0] =	ssyncpa.u1 $0x1  }
0x11f: {  	s0 =	simm.s32 $0xC0  }
0x120: {  	v0 =	vld.msk [tilespmem:s0+$0x0], $0x1;
	_ =	sdelay $0x4  }
0x121: {  	(v2sf) =	vpush v0, $0x0;
	_ =	sdelay $0xe  }
0x122: {  	s2 =	sadd.s32 $0xFFFFFFFF, s2;
	s4 =	spop (v2sf)  }
0x123: {  	p1 =	sne.s32 s2, $0x0;
	p0 =	sgt.u32 s4, $0xC7FF  }
.Ltmp16:
0x124: {  	s5 =	sshrl.u32 @!p0 s4, $0x3;
	(pc) =	sbr.rel @!p1 .LBB2_23-.Ltmp16, $4  }
0x125: {  	s0 =	simm.s32 $0xE0;
	s4 =	sand.u32 @!p0 $0x7, s4;
	s5 =	sadd.s32 @!p0 s1, s5  }
0x126: {  	[hbm4b:s5+s4] =	stream.linear.scatter @!p0 [tilespmem:s0], [sflag:$0x5], $0x1, $0x38;
	[tilespmem:$0x11A60] =	vst v63  }
0x127: {  	s5 =	simm.s32 $0x0  }
0x128: {  	s4 =	simm.s32 $0xC1;
	s5 =	simm.s32 @!p0 $0x4  }
.LBB2_22:
0x129: {  	v0 =	vld.msk [tilespmem:s4+$0x0], $0x1;
	s2 =	sadd.s32 $0xFFFFFFFF, s2;
	s3 =	sadd.s32 s3, s5  }
0x12a: {  	p0 =	sne.s32 s2, $0x0;
	_ =	sdelay $0x3  }
0x12b: {  	(v2sf) =	vpush v0, $0x0;
	_ =	sdelay $0xe  }
.Ltmp17:
0x12c: {  	s6 =	spop (v2sf);
	(pc) =	sbr.rel @p0 .LBB2_22-.Ltmp17, $4  }
0x12d: {  	s5 =	simm.s32 $0x0;
	p1 =	sgt.u32 s6, $0xC7FF  }
0x12e: {  	s0 =	sadd.s32 $0x1, s0;
	s5 =	simm.s32 @!p1 $0x4;
	s7 =	sshrl.u32 @!p1 s6, $0x3  }
0x12f: {  	s4 =	sadd.s32 $0x1, s4;
	s6 =	sand.u32 @!p1 $0x7, s6;
	s7 =	sadd.s32 @!p1 s1, s7  }
0x130: {  	[hbm4b:s7+s6] =	stream.linear.scatter @!p1 [tilespmem:s0], [sflag:$0x5], $0x1, $0x38;
	[tilespmem:$0x11A60] =	vst v63  }
.LBB2_23:
0x131: {  	s0 =	sadd.s32 s3, s5  }
0x132: {  	s3 =	sshrl.u32 s0, $0x2  }
.LBB2_24:
0x133: {  	s0 =	simm.s32 $0x5  }
0x134: {  	_ =	swait.ge [sflag:s0], s3  }
0x135: {  	s1 =	ssub.s32 $0x0, s3;
	[sflag:s0] =	ssyncset.done $0x0  }
0x136: {  	[sflag:s0] =	ssyncadd.s32 s1  }
0x137: {  	[sflag:s0] =	ssyncpa.u1 $0x1  }
0x138: {  	s29 =	simm.s32 $0x1;
	_ =	sfence  }
0x139: {  	s30 =	simm.s32 $0x2;
	[sflag:s29] =	ssyncpa.u1 $0x1  }
0x13a: {  	[sflag:s30] =	ssyncpa.u1 $0x1  }
0x13b: {  	_ =	strace $0x90000047  }
0x13c: {  	[bflag:$0x2] =	sbarrier.arrive $0xFFFF  }
0x13d: {  	s31 =	rddreg [dreg:$0x1]  }
0x13e: {  	s0 =	sadd.s32 $0x100000, s31  }
0x13f: {  	[sflag:s0] =	ssyncadd.tile.s32 $0x1;
	_ =	shalt  }
.Lfunc_end2:
_tile_overlayer_lowered:
.L_overlay_start_2:
0x140: {  	(tag) =	ssettag $0x2  }
0x141: {  	s0 =	rddreg [dreg:$0x0];
	s2 =	stileid.u32  }
0x142: {  	s1 =	rddreg [dreg:$0x1];
	p0 =	sne.s32 s2, $0x0  }
0x143: {  	s3 =	rddreg [dreg:$0x2];
	[bflag:$0x3] =	sbarrier.arrive $0xFFFF;
	s2 =	simm.s32 @!p0 $0x1C01  }
0x144: {  	[timem:s3], [sflag:s2] =	dma.local @!p0 [hbm:s0], s1  }
0x145: {  	s0 =	simm.s32 @!p0 $0x1  }
0x146: {  	_ =	swait.ge @!p0 [sflag:s0], s1  }
0x147: {  	s1 =	ssub.s32 @!p0 $0x0, s1;
	[sflag:s0] =	ssyncset.done @!p0 $0x0  }
0x148: {  	[sflag:s0] =	ssyncadd.s32 @!p0 s1  }
0x149: {  	[bflag:$0x3] =	sbarrier.arrive $0xFFFF  }
0x14a: {  	_ =	shalt  }

// kernel: scatter_offload_async_start.3
scs
__scs_entry_jumppad:
0x0: {  	(pc) =	sbr.rel $0x88, $3  }
0x1: {  	(tag) =	ssettag $0x0;
	lr =	simm.s32 $0x1  }
0x2: {  	[smem:$0x3F93] =	sst lr;
	_ =	strace $0xD0000000  }
0x3: {  	_ = 	snop  }
0x4: {  	_ = 	snop  }
0x5: {  	_ = 	snop  }
0x6: {  	_ = 	snop  }
0x7: {  	_ = 	snop  }
__scs_overlays_trampoline_lowered:
0x8: {  	[smem:$0x3FA2] =	sst s0  }
0x9: {  	[smem:$0x3FA3] =	sst s1  }
0xa: {  	[smem:$0x3FA4] =	sst s2  }
0xb: {  	[smem:$0x3FA5] =	sst s3  }
0xc: {  	[smem:$0x3FA6] =	sst s4  }
0xd: {  	[smem:$0x3FA7] =	sst s5  }
0xe: {  	[smem:$0x3FA8] =	sst s6  }
0xf: {  	[smem:$0x3FA9] =	sst s7  }
0x10: {  	[smem:$0x3FAA] =	sst s8  }
0x11: {  	[smem:$0x3FAB] =	sst s9;
	s0 =	simm.s32 @!p0 $0x0  }
0x12: {  	s1 =	sld [smem:$0x3F91];
	s0 =	simm.s32 @p0 $0x1  }
0x13: {  	[smem:$0x3FAC] =	sst s0;
	s0 =	simm.s32 @!p1 $0x0  }
0x14: {  	s2 =	sld [smem:$0x3F90];
	s0 =	simm.s32 @p1 $0x1  }
0x15: {  	[smem:$0x3FAD] =	sst s0;
	s0 =	simm.s32 @!p2 $0x0  }
0x16: {  	s3 =	sld [smem:$0x3FDB];
	s0 =	simm.s32 @p2 $0x1  }
0x17: {  	s4 =	simm.s32 $0x1BF5;
	[smem:$0x3FAF] =	sst s0  }
0x18: {  	s0 =	sld [smem:$0x3F92];
	_ =	swait.ge [sflag:s4], $0x0  }
0x19: {  	s7 =	sld [smem:$0x3F93]  }
0x1a: {  	s8 =	sadd.s32 $0xFFFFE003, lr  }
0x1b: {  	s9 =	sadd.s32 $0xFFFFFEF7, lr;
	s5 =	simm.s32 $0xFFFFFFFF;
	p2 =	slt.u32 s8, $0xFFFFF086  }
0x1c: {  	p1 =	slt.u32 s9, $0xF7A;
	s5 =	simm.s32 @!p2 $0x0  }
0x1d: {  	s5 =	simm.s32 @p1 $0x1;
	p0 =	seq.s32 s7, s2  }
0x1e: {  	s7 =	smul.u32 @!p0 $0xF7A, s2;
	p2 =	seq.s32 @!p0 s5, $0x0  }
0x1f: {  	s9 =	smul.u32 $0xF7A, s1;
	s8 =	simm.s32 @!p0 $0x1BF5;
	p2 =	por !p2, p0  }
0x20: {  	[sflag:s8] =	ssyncset.s32 @!p0 $0xFFFFF086;
	s6 =	sadd.s32 @!p0 s3, s7;
	s7 =	simm.s32 @!p0 $0x108  }
0x21: {  	s3 =	sadd.s32 s3, s9;
	s6 =	sadd.s32 @!p0 $0x88, s6;
	s7 =	simm.s32 @p2 $0x1082  }
0x22: {  	[simem:s7], [sflag:s8] =	dma.local @!p0 [hbm:s6], $0xF7A  }
0x23: {  	s9 =	sor.u32 $0xD0000000, s2;
	s6 =	simm.s32 $0x108;
	_ =	swait.ge @!p0 [sflag:s8], $0x0  }
0x24: {  	s3 =	sadd.s32 $0x88, s3;
	s6 =	simm.s32 @!p1 $0x1082;
	[sflag:s4] =	ssyncset.s32 $0xFFFFF086  }
0x25: {  	[simem:s6], [sflag:s4] =	dma.local [hbm:s3], $0xF7A  }
0x26: {  	[smem:$0x3F93] =	sst s1;
	(tag) =	ssettag s2;
	_ =	strace s9  }
0x27: {  	s1 =	sld [smem:$0x3FA3]  }
0x28: {  	s2 =	sld [smem:$0x3FA4]  }
0x29: {  	s4 =	sld [smem:$0x3FA6]  }
0x2a: {  	p0 =	seq.s32 s5, $0x0;
	s5 =	sld [smem:$0x3FA7]  }
0x2b: {  	s6 =	sld [smem:$0x3FA8]  }
0x2c: {  	s7 =	sld [smem:$0x3FA9]  }
0x2d: {  	s3 =	simm.s32 $0x108;
	s8 =	sld [smem:$0x3FAA]  }
0x2e: {  	s3 =	simm.s32 @!p0 $0x1082;
	s9 =	sld [smem:$0x3FAB]  }
0x2f: {  	lr =	sadd.s32 s0, s3;
	s0 =	sld [smem:$0x3FA2]  }
0x30: {  	s3 =	sld [smem:$0x3FA5]  }
0x31: {  	[smem:$0x3FAE] =	sst s10  }
0x32: {  	s10 =	sld [smem:$0x3FAC];
	_ =	sdelay $0x3  }
0x33: {  	p0 =	seq.s32 s10, $0x1;
	s10 =	sld [smem:$0x3FAE];
	_ =	sdelay $0x3  }
0x34: {  	[smem:$0x3FAE] =	sst s10  }
0x35: {  	s10 =	sld [smem:$0x3FAD];
	_ =	sdelay $0x3  }
0x36: {  	p1 =	seq.s32 s10, $0x1;
	s10 =	sld [smem:$0x3FAE];
	_ =	sdelay $0x3  }
0x37: {  	[smem:$0x3FAE] =	sst s10  }
0x38: {  	s10 =	sld [smem:$0x3FAF]  }
0x39: {  	_ = 	snop;
	(pc) =	sbr.ind lr, $3  }
0x3a: {  	_ = 	snop  }
0x3b: {  	_ = 	snop  }
0x3c: {  	p2 =	seq.s32 s10, $0x1;
	s10 =	sld [smem:$0x3FAE]  }
0x3d: {  	_ =	shalt  }
0x3e: {  	_ =	shalt  }
0x3f: {  	_ =	shalt  }
0x40: {  	_ =	shalt  }
0x41: {  	_ =	shalt  }
0x42: {  	_ =	shalt  }
0x43: {  	_ =	shalt  }
0x44: {  	_ =	shalt  }
0x45: {  	_ =	shalt  }
0x46: {  	_ =	shalt  }
0x47: {  	_ =	shalt  }
0x48: {  	_ =	shalt  }
0x49: {  	_ =	shalt  }
0x4a: {  	_ =	shalt  }
0x4b: {  	_ =	shalt  }
0x4c: {  	_ =	shalt  }
0x4d: {  	_ =	shalt  }
0x4e: {  	_ =	shalt  }
0x4f: {  	_ =	shalt  }
0x50: {  	_ =	shalt  }
0x51: {  	_ =	shalt  }
0x52: {  	_ =	shalt  }
0x53: {  	_ =	shalt  }
0x54: {  	_ =	shalt  }
0x55: {  	_ =	shalt  }
0x56: {  	_ =	shalt  }
0x57: {  	_ =	shalt  }
0x58: {  	_ =	shalt  }
0x59: {  	_ =	shalt  }
0x5a: {  	_ =	shalt  }
0x5b: {  	_ =	shalt  }
0x5c: {  	_ =	shalt  }
0x5d: {  	_ =	shalt  }
0x5e: {  	_ =	shalt  }
0x5f: {  	_ =	shalt  }
0x60: {  	_ =	shalt  }
0x61: {  	_ =	shalt  }
0x62: {  	_ =	shalt  }
0x63: {  	_ =	shalt  }
0x64: {  	_ =	shalt  }
0x65: {  	_ =	shalt  }
0x66: {  	_ =	shalt  }
0x67: {  	_ =	shalt  }
0x68: {  	_ =	shalt  }
0x69: {  	_ =	shalt  }
0x6a: {  	_ =	shalt  }
0x6b: {  	_ =	shalt  }
0x6c: {  	_ =	shalt  }
0x6d: {  	_ =	shalt  }
0x6e: {  	_ =	shalt  }
0x6f: {  	_ =	shalt  }
0x70: {  	_ =	shalt  }
0x71: {  	_ =	shalt  }
0x72: {  	_ =	shalt  }
0x73: {  	_ =	shalt  }
0x74: {  	_ =	shalt  }
0x75: {  	_ =	shalt  }
0x76: {  	_ =	shalt  }
0x77: {  	_ =	shalt  }
0x78: {  	_ =	shalt  }
0x79: {  	_ =	shalt  }
0x7a: {  	_ =	shalt  }
0x7b: {  	_ =	shalt  }
0x7c: {  	_ =	shalt  }
0x7d: {  	_ =	shalt  }
0x7e: {  	_ =	shalt  }
0x7f: {  	_ =	shalt  }
0x80: {  	_ =	shalt  }
0x81: {  	_ =	shalt  }
0x82: {  	_ =	shalt  }
0x83: {  	_ =	shalt  }
0x84: {  	_ =	shalt  }
0x85: {  	_ =	shalt  }
0x86: {  	_ =	shalt  }
0x87: {  	_ =	shalt  }
.Lfunc_end0:
.L_simem_size_0:
called_computation_lowered:
.L_overlay_start_0:
0x88: {  	s2 =	sld [smem:$0x3FD9]  }
0x89: {  	s3 =	sld [smem:$0x3FFE];
	_ =	sdelay $0x1  }
0x8a: {  	s1 =	srdreg.scid  }
0x8b: {  	s0 =	sand.u32 $0x1, s1  }
0x8c: {  	s15 =	sshll.u32 s0, $0xA;
	s2 =	sadd.s32 s3, s2  }
0x8d: {  	s2 =	sadd.s32 s2, s15  }
0x8e: {  	[smem:$0x3FBA] =	sst s2  }
0x8f: {  	_ = 	snop  }
0x90: {  	(tm) =	ssettm $0x1  }
0x91: {  	s16 =	sld [smem:$0x3FFB];
	_ =	sdelay $0x3  }
0x92: {  	_ =	strace s16  }
0x93: {  	s2 =	sld [smem:$0x3FFC];
	_ =	sdelay $0x3  }
0x94: {  	_ =	strace s2  }
0x95: {  	s2 =	sld [smem:$0x3FFD];
	_ =	sdelay $0x3  }
0x96: {  	_ =	strace s2  }
0x97: {  	_ =	strace $0x8FFFFFFF  }
0x98: {  	s17 =	sld [smem:$0x3FDB];
	_ =	sdelay $0x1  }
0x99: {  	s18 =	simm.s32 $_scs_section_size  }
0x9a: {  	s4 =	simm.s32 $_size__tile_overlayer_lowered;
	s5 =	simm.s32 $_tile_overlayer_lowered  }
0x9b: {  	s21 =	simm.s32 $0x1BFF;
	s20 =	sshll.u32 s5, $0x1;
	s2 =	sadd.s32 s18, s17  }
0x9c: {  	s6 =	simm.s32 $0x0;
	s19 =	sshll.u32 s4, $0x1;
	s4 =	sadd.s32 s20, s2  }
0x9d: {  	[timem:s6], [sflag:s21] =	dma.local [hbm:s4], s19  }
0x9e: {  	_ =	swait.ge [sflag:s21], s19  }
0x9f: {  	s3 =	ssub.s32 $0x0, s19;
	[sflag:s21] =	ssyncset.done $0x0  }
0xa0: {  	[sflag:s21] =	ssyncadd.s32 s3;
	_ =	sdelay $0x1  }
0xa1: {  	s22 =	simm.s32 $0x1B8B  }
0xa2: {  	_ =	swait.ge [sflag:s22], $0x1  }
0xa3: {  	[sflag:s22] =	ssyncset.done $0x0  }
0xa4: {  	s23 =	sld [smem:$0x3FFE];
	[sflag:s22] =	ssyncadd.s32 $0xFFFFFFFF  }
0xa5: {  	s25 =	simm.s32 $0x1B8E;
	s24 =	sld [smem:$0x0]  }
0xa6: {  	s26 =	simm.s32 $execute0_lowered;
	[smem:$0x3FD2] =	sst s25  }
0xa7: {  	s5 =	sshll.u32 s26, $0x1;
	_ =	strace $0x8000004F;
	[dreg:$0x1] =	wrdreg $0xFFFFFFFF  }
0xa8: {  	s28 =	simm.s32 $_size_execute0_lowered;
	s2 =	sadd.s32 s2, s5;
	[dreg:$0x0] =	wrdreg $0x0  }
0xa9: {  	s5 =	sshll.u32 s28, $0x1;
	[dreg:$0x2] =	wrdreg s2  }
0xaa: {  	[dreg:$0x3] =	wrdreg s5  }
0xab: {  	[dreg:$0x4] =	wrdreg $0xC0  }
0xac: {  	_ =	task [dreg:s6], $0x5FFFF  }
0xad: {  	[dreg:$0x1] =	wrdreg $0xFFFFFFFF  }
0xae: {  	[dreg:$0x0] =	wrdreg $0x60  }
0xaf: {  	[dreg:$0x2] =	wrdreg s23  }
0xb0: {  	[dreg:$0x3] =	wrdreg s1  }
0xb1: {  	[dreg:$0x4] =	wrdreg s24  }
0xb2: {  	[dreg:$0x5] =	wrdreg $0x9  }
0xb3: {  	_ =	task.clear_ibuf [dreg:s6], $0x6FFFF;
	_ =	strace $0x9000004F  }
0xb4: {  	s29 =	simm.s32 $0x9;
	_ =	strace $0x80000051  }
0xb5: {  	_ =	swait.ge [sflag:s29], $0x1  }
0xb6: {  	[sflag:s29] =	ssyncadd.s32 $0xFFFFFFFF  }
0xb7: {  	_ =	strace $0x90000051  }
0xb8: {  	_ =	sfence  }
0xb9: {  	s30 =	sld [smem:$0x0];
	_ =	sdelay $0x2  }
0xba: {  	s31 =	sshll.u32 s1, $0xD;
	s1 =	sshrl.u32 s1, $0x2  }
0xbb: {  	s3 =	sand.u32 $0x4000, s31;
	s1 =	sadd.s32 s1, s30  }
0xbc: {  	s0 =	sor.u32 s3, s0;
	s1 =	sshll.u32 s1, $0x11  }
0xbd: {  	s0 =	sor.u32 s1, s0  }
0xbe: {  	s0 =	sadd.s32 $0x8F2B, s0  }
0xbf: {  	[sflag:s0] =	ssyncadd.remote.s32 $0x1  }
0xc0: {  	_ =	sfence.sel $0xFFFF  }
0xc1: {  	[dreg:$0x0] =	wrdreg $0xFFFFFFFF;
	(pc) =	sbr.abs _section_cstart, $3  }
0xc2: {  	[dreg:$0x1] =	wrdreg $0xFFFFFFFF  }
0xc3: {  	_ =	task.clear_ibuf [dreg:s6], $0x2FFFF;
	_ =	strace $0x9FFFFFFF  }
0xc4: {  	(tm) =	ssettm $0x7FFFFFFF  }
0xc5: {  	_ =	shalt  }
tec
execute0_lowered:
.L_overlay_start_1:
0x0: {  	(tag) =	ssettag $0x1  }
0x1: {  	s2 =	rddreg [dreg:$0x0]  }
0x2: {  	s4 =	rddreg [dreg:$0x1];
	_ =	strace $0x80000050;
	s0 =	simm.s32 $0x1  }
0x3: {  	s3 =	simm.s32 $0x88;
	v0 =	vimm.s32 $0x0;
	[sflag:s0] =	ssyncpa.u1 $0x0  }
0x4: {  	s1 =	sadd.s32 $0x10EB400, s2;
	[tilespmem:s3+$0x30] =	vst v0  }
0x5: {  	s0 =	sadd.s32 $0x1C5800, s2;
	s6 =	sadd.s32 $0x4B6400, s2;
	[tilespmem:s3+$0x20] =	vst v0  }
0x6: {  	s2 =	sadd.s32 $0x1DE000, s2;
	s7 =	sand.u32 $0x1, s4;
	s4 =	simm.s32 $0x40;
	[tilespmem:s3+$0x10] =	vst v0  }
.LBB2_1:
0x7: {  	s4 =	sadd.s32 $0x40, s4  }
0x8: {  	[tilespmem:s3+$0x0] =	vst v0;
	s3 =	sadd.s32 $0x40, s3;
	p0 =	slt.u32 s4, $0x5040  }
.Ltmp0:
0x9: {  	(pc) =	sbr.rel @p0 .LBB2_1-.Ltmp0, $4  }
0xa: {  	_ = 	snop  }
0xb: {  	[tilespmem:s3+$0x30] =	vst v0  }
0xc: {  	[tilespmem:s3+$0x20] =	vst v0  }
0xd: {  	[tilespmem:s3+$0x10] =	vst v0  }
0xe: {  	s8 =	stileid.u32  }
0xf: {  	s4 =	smul.u32 $0x4E, s8  }
0x10: {  	s5 =	smin.u32 s8, $0x2  }
0x11: {  	s4 =	sadd.s32 s5, s4  }
0x12: {  	p0 =	slt.u32 s8, $0x2;
	s12 =	smul.u32 $0x140, s4;
	s4 =	simm.s32 $0x62C0  }
0x13: {  	s4 =	simm.s32 @!p0 $0x6180  }
0x14: {  	s25 =	simm.s32 $0x2;
	s4 =	sadd.s32 s4, s12  }
0x15: {  	s28 =	simm.s32 $0x9;
	s9 =	simm.s32 $0xA;
	s14 =	smin.u32 s4, $0x61A80  }
0x16: {  	s30 =	simm.s32 $0xB;
	[dreg:$0x4] =	wrdreg s7;
	s4 =	ssub.s32 s14, s12  }
0x17: {  	s31 =	smul.u32 $0xC350, s7;
	s13 =	simm.s32 $0x1;
	p0 =	sgt.s32 s4, $0x0  }
0x18: {  	s19 =	simm.s32 $0x0;
	s20 =	simm.s32 $0xA808;
	s4 =	simm.s32 @!p0 $0x0  }
0x19: {  	s21 =	simm.s32 $0xFFFFFFFF;
	p1 =	por $0x0, $0x0;
	s26 =	smulhi.u32 $0x66666667, s4  }
0x1a: {  	[tilespmem:s3+$0x0] =	vst v0;
	s23 =	simm.s32 $0x0;
	[sflag:s25] =	ssyncpa.u1 $0x0;
	s18 =	sshll.u32 s8, $0x7  }
0x1b: {  	s0 =	sadd.s32 s31, s0;
	[dreg:$0xa] =	wrdreg s18;
	s3 =	sshrl.u32 s26, $0x7  }
0x1c: {  	v0 =	vimm.s32 $0xFFFFFFFF;
	s17 =	sadd.s32 s31, s2;
	[dreg:$0x9] =	wrdreg s0;
	s29 =	smul.u32 $0x140, s3  }
0x1d: {  	s25 =	simm.s32 $0x0;
	[tilespmem:$0xA108] =	vst v0;
	[sflag:s28] =	ssyncpa.u1 $0x0;
	[dreg:$0x8] =	wrdreg s17  }
.Ltmp1:
0x1e: {  	p0 =	sne.s32 s4, s29;
	s4 =	simm.s32 $0x1;
	(pc) =	sbr.rel .LBB2_3-.Ltmp1, $4  }
0x1f: {  	[sflag:s9] =	ssyncpa.u1 $0x0;
	[dreg:$0x5] =	wrdreg s12;
	s4 =	simm.s32 @!p0 $0x0  }
0x20: {  	[sflag:s30] =	ssyncpa.u1 $0x0;
	[dreg:$0x6] =	wrdreg s14;
	s15 =	sadd.s32 s4, s3  }
0x21: {  	s24 =	smov.u32 s12;
	s22 =	sadd.s32 $0x1, s15;
	[dreg:$0x7] =	wrdreg s15  }
0x22: {  	v0 =	vlaneseq.u32;
	s26 =	simm.s32 $0x0;
	p0 =	por $0x1, $0x1;
	[dreg:$0xb] =	wrdreg s22  }
.LBB2_22:
0x23: {  	s0 =	sshrl.u32 s3, $0x2  }
.LBB2_24:
0x24: {  	s3 =	simm.s32 $0xC  }
0x25: {  	_ =	swait.ge [sflag:s3], s0  }
0x26: {  	s31 =	ssub.s32 $0x0, s0;
	v1 =	vmov s4;
	vm0 =	veq.s32 v0, $0x0;
	[sflag:s3] =	ssyncset.done $0x0  }
0x27: {  	vm15 =	veq.s32 v0, $0x2;
	v1 =	vsel vm0, s2, v1;
	[sflag:s3] =	ssyncadd.s32 s31  }
0x28: {  	v1 =	vsel vm15, s26, v1;
	[sflag:s3] =	ssyncpa.u1 $0x1  }
0x29: {  	[tilespmem:$0xA108] =	vst v1  }
.LBB2_25:
0x2a: {  	s0 =	sadd.s32 $0x140, s24  }
0x2b: {  	s2 =	smov.u32 s12;
	p2 =	slt.s32 s0, s14  }
0x2c: {  	s2 =	smov.u32 @p2 s0;
	p2 =	sne.s32 s25, s22  }
.Ltmp2:
0x2d: {  	_ = 	snop;
	(pc) =	sbr.rel @!p2 .LBB2_26-.Ltmp2, $4  }
0x2e: {  	_ = 	snop  }
0x2f: {  	s26 =	smov.u32 s23;
	s31 =	sadd.s32 $0x1, s25;
	p0 =	por !p0, !p0  }
0x30: {  	s23 =	smov.u32 s24;
	s20 =	sadd.s32 $0x140, s20;
	s21 =	sadd.s32 $0x1, s21  }
0x31: {  	p1 =	por !p1, !p1;
	s25 =	smov.u32 s31;
	s24 =	smov.u32 s2  }
.LBB2_3:
0x32: {  	p2 =	sge.u32 s25, s15  }
0x33: {  	s0 =	smulhi.u32 @!p2 $0xAAAAAAAB, s25  }
0x34: {  	s2 =	smov.u32 s24;
	p3 =	sgt.s32 @!p2 s24, $0x61940  }
0x35: {  	s3 =	sshra.s32 @!p2 s24, $0x1F;
	p3 =	por !p3, p2;
	s0 =	sshrl.u32 @!p2 s0, $0x1  }
0x36: {  	s3 =	sand.u32 @!p2 s3, s24;
	s2 =	simm.s32 @p3 $0x61940;
	s0 =	smul.u32 @!p2 $0x3, s0  }
0x37: {  	s2 =	ssub.s32 @!p2 s2, s3  }
0x38: {  	s2 =	sadd.s32 @!p2 $0xFFF9E6C0, s2;
	s0 =	ssub.s32 @!p2 s25, s0  }
0x39: {  	s3 =	sshll.u32 @!p2 s2, $0x2;
	p3 =	sgt.s32 @!p2 s2, $0x13F;
	s0 =	smul.u32 @!p2 $0x500, s0  }
0x3a: {  	s4 =	sand.u32 @!p2 $0x7, s24;
	s2 =	ssub.s32 @!p2 $0x500, s3;
	p3 =	por !p3, p2  }
0x3b: {  	s3 =	sshrl.u32 @!p2 s24, $0x3;
	s2 =	sshrl.u32 @!p2 s2, $0x2;
	s0 =	sshrl.u32 @!p2 s0, $0x2  }
0x3c: {  	s3 =	sadd.s32 @!p2 s3, s17;
	s2 =	simm.s32 @!p3 $0x0;
	s0 =	sadd.s32 @!p2 $0xA948, s0  }
0x3d: {  	[tilespmem:s0], [sflag:$0xA] =	stream.linear.gather @!p2 [hbm4b:s3+s4], s2, $0x38;
	[tilespmem:$0x1EF88] =	vst v63  }
0x3e: {  	s0 =	sadd.s32 $0xFFFFFFFF, s25  }
0x3f: {  	p2 =	sge.u32 s0, s15  }
.Ltmp3:
0x40: {  	_ = 	snop;
	(pc) =	sbr.rel @p2 .LBB2_7-.Ltmp3, $1  }
0x41: {  	_ =	sdelay $0x3  }
0x42: {  	p2 =	sgt.s32 s23, $0x61940;
	s2 =	smov.u32 s23;
	s3 =	sshra.s32 s23, $0x1F  }
0x43: {  	s2 =	simm.s32 @!p2 $0x61940;
	s3 =	sand.u32 s3, s23  }
0x44: {  	s17 =	smulhi.u32 $0xAAAAAAAB, s21;
	s2 =	ssub.s32 s2, s3  }
0x45: {  	s0 =	sand.u32 $0x1, s0;
	s2 =	sadd.s32 $0xFFF9E6C0, s2  }
0x46: {  	s5 =	simm.s32 $0xA;
	s3 =	sshrl.u32 s17, $0x1;
	s4 =	sshll.u32 s2, $0x2  }
0x47: {  	s7 =	sshrl.u32 s23, $0x3;
	s3 =	smul.u32 $0xFFFFF100, s3;
	s4 =	ssub.s32 $0x500, s4  }
0x48: {  	s18 =	smul.u32 $0x500, s0;
	p2 =	sgt.s32 s2, $0x13F;
	s2 =	sshrl.u32 s4, $0x2  }
0x49: {  	s9 =	sand.u32 $0x7, s23;
	s3 =	sshra.s32 s3, $0x2;
	s2 =	simm.s32 @p2 $0x0  }
0x4a: {  	s0 =	sadd.s32 s3, s20;
	s4 =	sshrl.u32 s18, $0x2;
	_ =	swait.ge [sflag:s5], s2  }
0x4b: {  	s22 =	ssub.s32 $0x0, s2;
	[sflag:s5] =	ssyncset.done $0x0;
	s8 =	rddreg [dreg:$0x9]  }
0x4c: {  	s4 =	sadd.s32 $0xAD08, s4;
	[sflag:s5] =	ssyncadd.s32 s22;
	s3 =	sadd.s32 s7, s8  }
0x4d: {  	[tilespmem:s4], [sflag:$0xB] =	stream.linear.gather [hbm4b:s3+s9], s2, $0x38;
	[tilespmem:$0x1EF88] =	vst v63  }
0x4e: {  	v1 =	vld.msk [tilespmem:s0+$0x0], $0xffff;
	_ =	sdelay $0x4  }
0x4f: {  	v1 =	vshll.u32 v1, $0x4  }
0x50: {  	(v2sf) =	vpush v1, $0x0  }
0x51: {  	(v2sf) =	vpush v1, $0x1  }
0x52: {  	(v2sf) =	vpush v1, $0x2;
	_ =	sdelay $0x3  }
0x53: {  	(v2sf) =	vpush v1, $0x3;
	_ =	sdelay $0x1  }
0x54: {  	(v2sf) =	vpush v1, $0x4  }
0x55: {  	s2 =	simm.s32 $0x1;
	(v2sf) =	vpush v1, $0x5  }
0x56: {  	s2 =	simm.s32 @!p0 $0x0  }
0x57: {  	s2 =	smul.u32 $0x28000, s2;
	(v2sf) =	vpush v1, $0x6;
	_ =	sdelay $0x1  }
0x58: {  	s2 =	sshrl.u32 s2, $0x2  }
0x59: {  	s28 =	sadd.s32 $0xB708, s2  }
0x5a: {  	s12 =	sadd.s32 $0xFFFFF880, s28;
	s17 =	sadd.s32 $0xFFFFF900, s28;
	s10 =	spop (v2sf);
	(v2sf) =	vpush v1, $0x7  }
0x5b: {  	s18 =	sadd.s32 $0xFFFFF980, s28;
	s11 =	sand.u32 $0x1FFFFFF0, s10;
	s14 =	spop (v2sf)  }
0x5c: {  	(v2sf) =	vpush v1, $0x8;
	s2 =	sadd.s32 s6, s11;
	s15 =	sand.u32 $0x1FFFFFF0, s14;
	s16 =	spop (v2sf)  }
0x5d: {  	[tilespmem:s12], [sflag:$0x9] =	stream.linear.gather [hbm4b:s2+s19], $0x40, $0x38;
	[tilespmem:$0x1EF88] =	vst v63  }
0x5e: {  	s5 =	sadd.s32 $0xFFFFFA00, s28;
	s2 =	sadd.s32 s6, s15;
	s3 =	sand.u32 $0x1FFFFFF0, s16  }
0x5f: {  	(v2sf) =	vpush v1, $0x9;
	[tilespmem:s17], [sflag:$0x9] =	stream.linear.gather [hbm4b:s2+s19], $0x40, $0x38;
	[tilespmem:$0x1EF88] =	vst v63  }
0x60: {  	s7 =	sadd.s32 $0xFFFFFA80, s28;
	s22 =	spop (v2sf);
	s3 =	sadd.s32 s6, s3  }
0x61: {  	(v2sf) =	vpush v1, $0xA;
	[tilespmem:s18], [sflag:$0x9] =	stream.linear.gather [hbm4b:s3+s19], $0x40, $0x38;
	[tilespmem:$0x1EF88] =	vst v63  }
0x62: {  	s11 =	sadd.s32 $0xFFFFFB00, s28;
	s4 =	spop (v2sf);
	(v2sf) =	vpush v1, $0xB;
	s3 =	sand.u32 $0x1FFFFFF0, s22  }
0x63: {  	s8 =	spop (v2sf);
	s2 =	sadd.s32 s6, s3;
	s3 =	sand.u32 $0x1FFFFFF0, s4  }
0x64: {  	(v2sf) =	vpush v1, $0xC;
	[tilespmem:s5], [sflag:$0x9] =	stream.linear.gather [hbm4b:s2+s19], $0x40, $0x38;
	[tilespmem:$0x1EF88] =	vst v63  }
0x65: {  	s9 =	sand.u32 $0x1FFFFFF0, s8;
	s10 =	spop (v2sf);
	s3 =	sadd.s32 s6, s3  }
0x66: {  	(v2sf) =	vpush v1, $0xD;
	[tilespmem:s7], [sflag:$0x9] =	stream.linear.gather [hbm4b:s3+s19], $0x40, $0x38;
	[tilespmem:$0x1EF88] =	vst v63  }
0x67: {  	s12 =	sadd.s32 $0xFFFFFB80, s28;
	s2 =	sadd.s32 s6, s9;
	s3 =	sand.u32 $0x1FFFFFF0, s10  }
0x68: {  	[tilespmem:s11], [sflag:$0x9] =	stream.linear.gather [hbm4b:s2+s19], $0x40, $0x38;
	[tilespmem:$0x1EF88] =	vst v63  }
0x69: {  	s17 =	sadd.s32 $0xFFFFFC00, s28;
	s3 =	sadd.s32 s6, s3;
	s14 =	spop (v2sf)  }
0x6a: {  	[tilespmem:s12], [sflag:$0x9] =	stream.linear.gather [hbm4b:s3+s19], $0x40, $0x38;
	(v2sf) =	vpush v1, $0xE;
	[tilespmem:$0x1EF88] =	vst v63  }
0x6b: {  	s18 =	sadd.s32 $0xFFFFFC80, s28;
	s15 =	sand.u32 $0x1FFFFFF0, s14;
	s16 =	spop (v2sf)  }
0x6c: {  	s5 =	sadd.s32 $0xFFFFFD00, s28;
	(v2sf) =	vpush v1, $0xF;
	s2 =	sadd.s32 s6, s15;
	s3 =	sand.u32 $0x1FFFFFF0, s16  }
0x6d: {  	[tilespmem:s17], [sflag:$0x9] =	stream.linear.gather [hbm4b:s2+s19], $0x40, $0x38;
	[tilespmem:$0x1EF88] =	vst v63  }
0x6e: {  	s7 =	sadd.s32 $0xFFFFFD80, s28;
	s22 =	spop (v2sf);
	s3 =	sadd.s32 s6, s3  }
0x6f: {  	[tilespmem:s18], [sflag:$0x9] =	stream.linear.gather [hbm4b:s3+s19], $0x40, $0x38;
	[tilespmem:$0x1EF88] =	vst v63  }
0x70: {  	s11 =	sadd.s32 $0xFFFFFE00, s28;
	s4 =	spop (v2sf);
	s3 =	sand.u32 $0x1FFFFFF0, s22  }
0x71: {  	s8 =	spop (v2sf);
	s2 =	sadd.s32 s6, s3;
	s3 =	sand.u32 $0x1FFFFFF0, s4  }
0x72: {  	[tilespmem:s5], [sflag:$0x9] =	stream.linear.gather [hbm4b:s2+s19], $0x40, $0x38;
	[tilespmem:$0x1EF88] =	vst v63  }
0x73: {  	s9 =	sand.u32 $0x1FFFFFF0, s8;
	s10 =	spop (v2sf);
	s3 =	sadd.s32 s6, s3  }
0x74: {  	[tilespmem:s7], [sflag:$0x9] =	stream.linear.gather [hbm4b:s3+s19], $0x40, $0x38;
	[tilespmem:$0x1EF88] =	vst v63  }
0x75: {  	s14 =	spop (v2sf);
	s2 =	sadd.s32 s6, s9;
	s3 =	sand.u32 $0x1FFFFFF0, s10  }
0x76: {  	[tilespmem:s11], [sflag:$0x9] =	stream.linear.gather [hbm4b:s2+s19], $0x40, $0x38;
	[tilespmem:$0x1EF88] =	vst v63  }
0x77: {  	s12 =	sadd.s32 $0xFFFFFE80, s28;
	s15 =	sand.u32 $0x1FFFFFF0, s14;
	s3 =	sadd.s32 s6, s3  }
0x78: {  	[tilespmem:s12], [sflag:$0x9] =	stream.linear.gather [hbm4b:s3+s19], $0x40, $0x38;
	[tilespmem:$0x1EF88] =	vst v63  }
0x79: {  	s17 =	sadd.s32 $0xFFFFFF00, s28;
	s2 =	sadd.s32 s6, s15;
	s16 =	spop (v2sf)  }
0x7a: {  	[tilespmem:s17], [sflag:$0x9] =	stream.linear.gather [hbm4b:s2+s19], $0x40, $0x38;
	[tilespmem:$0x1EF88] =	vst v63  }
0x7b: {  	s29 =	simm.s32 $0x0;
	s3 =	sand.u32 $0x1FFFFFF0, s16;
	s18 =	spop (v2sf)  }
0x7c: {  	s22 =	sadd.s32 $0xFFFFFF80, s28;
	s3 =	sadd.s32 s6, s3;
	s2 =	sand.u32 $0x1FFFFFF0, s18  }
0x7d: {  	[tilespmem:s22], [sflag:$0x9] =	stream.linear.gather [hbm4b:s3+s19], $0x40, $0x38;
	[tilespmem:$0x1EF88] =	vst v63  }
0x7e: {  	s31 =	sadd.s32 $0x10, s0;
	s30 =	sadd.s32 $0x800, s28;
	s2 =	sadd.s32 s6, s2  }
.LBB2_5:
0x7f: {  	[tilespmem:s28], [sflag:$0x9] =	stream.linear.gather [hbm4b:s2+s19], $0x40, $0x38;
	[tilespmem:$0x1EF88] =	vst v63  }
0x80: {  	s29 =	sadd.s32 $0x10, s29;
	s28 =	smov.u32 s30  }
0x81: {  	p2 =	slt.u32 s29, $0x130;
	v1 =	vld.msk [tilespmem:s31+$0x0], $0xffff;
	_ =	sdelay $0x4  }
0x82: {  	v1 =	vshll.u32 v1, $0x4  }
0x83: {  	(v2sf) =	vpush v1, $0x0  }
0x84: {  	(v2sf) =	vpush v1, $0x1  }
0x85: {  	(v2sf) =	vpush v1, $0x2;
	_ =	sdelay $0x1  }
0x86: {  	(v2sf) =	vpush v1, $0x3;
	_ =	sdelay $0x1  }
0x87: {  	(v2sf) =	vpush v1, $0x4;
	_ =	sdelay $0x1  }
0x88: {  	(v2sf) =	vpush v1, $0x5;
	_ =	sdelay $0x1  }
0x89: {  	(v2sf) =	vpush v1, $0x6  }
0x8a: {  	s4 =	sadd.s32 $0xFFFFFE80, s30;
	s0 =	sadd.s32 $0xFFFFFF00, s30  }
0x8b: {  	s3 =	sadd.s32 $0xFFFFFD00, s30;
	s2 =	sadd.s32 $0xFFFFFD80, s30;
	s5 =	sadd.s32 $0xFFFFFE00, s30;
	(v2sf) =	vpush v1, $0x7  }
0x8c: {  	s10 =	sadd.s32 $0xFFFFFB80, s30;
	s9 =	sadd.s32 $0xFFFFFC00, s30;
	s16 =	sadd.s32 $0xFFFFFC80, s30  }
0x8d: {  	s11 =	sadd.s32 $0xFFFFFA00, s30;
	s12 =	sadd.s32 $0xFFFFFA80, s30;
	s15 =	sadd.s32 $0xFFFFFB00, s30;
	(v2sf) =	vpush v1, $0x8  }
0x8e: {  	s18 =	sadd.s32 $0xFFFFF900, s30;
	s7 =	sadd.s32 $0xFFFFF980, s30;
	s22 =	spop (v2sf)  }
0x8f: {  	s8 =	sadd.s32 $0xFFFFF880, s30;
	s22 =	sand.u32 $0x1FFFFFF0, s22;
	s14 =	spop (v2sf);
	(v2sf) =	vpush v1, $0x9  }
0x90: {  	s22 =	sadd.s32 s6, s22;
	s14 =	sand.u32 $0x1FFFFFF0, s14;
	s17 =	spop (v2sf)  }
0x91: {  	[tilespmem:s8], [sflag:$0x9] =	stream.linear.gather [hbm4b:s22+s19], $0x40, $0x38;
	(v2sf) =	vpush v1, $0xA;
	[tilespmem:$0x1EF88] =	vst v63  }
0x92: {  	s8 =	sadd.s32 s6, s14;
	s14 =	sand.u32 $0x1FFFFFF0, s17;
	s17 =	spop (v2sf)  }
0x93: {  	[tilespmem:s18], [sflag:$0x9] =	stream.linear.gather [hbm4b:s8+s19], $0x40, $0x38;
	(v2sf) =	vpush v1, $0xB;
	[tilespmem:$0x1EF88] =	vst v63  }
0x94: {  	s8 =	sadd.s32 s6, s14;
	s14 =	sand.u32 $0x1FFFFFF0, s17;
	s17 =	spop (v2sf)  }
0x95: {  	[tilespmem:s7], [sflag:$0x9] =	stream.linear.gather [hbm4b:s8+s19], $0x40, $0x38;
	(v2sf) =	vpush v1, $0xC;
	[tilespmem:$0x1EF88] =	vst v63  }
0x96: {  	s7 =	sadd.s32 s6, s14;
	s8 =	sand.u32 $0x1FFFFFF0, s17;
	s14 =	spop (v2sf)  }
0x97: {  	[tilespmem:s11], [sflag:$0x9] =	stream.linear.gather [hbm4b:s7+s19], $0x40, $0x38;
	(v2sf) =	vpush v1, $0xD;
	[tilespmem:$0x1EF88] =	vst v63  }
0x98: {  	s7 =	sadd.s32 s6, s8;
	s8 =	sand.u32 $0x1FFFFFF0, s14;
	s11 =	spop (v2sf)  }
0x99: {  	[tilespmem:s12], [sflag:$0x9] =	stream.linear.gather [hbm4b:s7+s19], $0x40, $0x38;
	(v2sf) =	vpush v1, $0xE;
	[tilespmem:$0x1EF88] =	vst v63  }
0x9a: {  	s7 =	sadd.s32 s6, s8;
	s8 =	sand.u32 $0x1FFFFFF0, s11;
	s11 =	spop (v2sf)  }
0x9b: {  	[tilespmem:s15], [sflag:$0x9] =	stream.linear.gather [hbm4b:s7+s19], $0x40, $0x38;
	(v2sf) =	vpush v1, $0xF;
	[tilespmem:$0x1EF88] =	vst v63  }
0x9c: {  	s7 =	sadd.s32 s6, s8;
	s8 =	sand.u32 $0x1FFFFFF0, s11;
	s11 =	spop (v2sf)  }
0x9d: {  	[tilespmem:s10], [sflag:$0x9] =	stream.linear.gather [hbm4b:s7+s19], $0x40, $0x38;
	[tilespmem:$0x1EF88] =	vst v63  }
0x9e: {  	s7 =	sadd.s32 s6, s8;
	s8 =	sand.u32 $0x1FFFFFF0, s11;
	s10 =	spop (v2sf)  }
0x9f: {  	[tilespmem:s9], [sflag:$0x9] =	stream.linear.gather [hbm4b:s7+s19], $0x40, $0x38;
	[tilespmem:$0x1EF88] =	vst v63  }
0xa0: {  	s7 =	sadd.s32 s6, s8;
	s8 =	sand.u32 $0x1FFFFFF0, s10;
	s9 =	spop (v2sf)  }
0xa1: {  	[tilespmem:s16], [sflag:$0x9] =	stream.linear.gather [hbm4b:s7+s19], $0x40, $0x38;
	[tilespmem:$0x1EF88] =	vst v63  }
0xa2: {  	s7 =	sadd.s32 s6, s8;
	s8 =	sand.u32 $0x1FFFFFF0, s9;
	s9 =	spop (v2sf)  }
0xa3: {  	[tilespmem:s3], [sflag:$0x9] =	stream.linear.gather [hbm4b:s7+s19], $0x40, $0x38;
	[tilespmem:$0x1EF88] =	vst v63  }
0xa4: {  	s3 =	sadd.s32 s6, s8;
	s7 =	sand.u32 $0x1FFFFFF0, s9;
	s8 =	spop (v2sf)  }
0xa5: {  	[tilespmem:s2], [sflag:$0x9] =	stream.linear.gather [hbm4b:s3+s19], $0x40, $0x38;
	[tilespmem:$0x1EF88] =	vst v63  }
0xa6: {  	s2 =	sadd.s32 s6, s7;
	s3 =	sand.u32 $0x1FFFFFF0, s8;
	s7 =	spop (v2sf)  }
0xa7: {  	[tilespmem:s5], [sflag:$0x9] =	stream.linear.gather [hbm4b:s2+s19], $0x40, $0x38;
	[tilespmem:$0x1EF88] =	vst v63  }
0xa8: {  	s2 =	sadd.s32 s6, s3;
	s3 =	sand.u32 $0x1FFFFFF0, s7;
	s5 =	spop (v2sf)  }
0xa9: {  	[tilespmem:s4], [sflag:$0x9] =	stream.linear.gather [hbm4b:s2+s19], $0x40, $0x38;
	[tilespmem:$0x1EF88] =	vst v63  }
0xaa: {  	s2 =	sadd.s32 s6, s3  }
.Ltmp4:
0xab: {  	s3 =	sand.u32 $0x1FFFFFF0, s5;
	s4 =	spop (v2sf);
	(pc) =	sbr.rel @p2 .LBB2_5-.Ltmp4, $4  }
0xac: {  	[tilespmem:s0], [sflag:$0x9] =	stream.linear.gather [hbm4b:s2+s19], $0x40, $0x38;
	[tilespmem:$0x1EF88] =	vst v63  }
0xad: {  	s0 =	sadd.s32 s6, s3;
	s2 =	sadd.s32 $0xFFFFFF80, s30;
	s3 =	sand.u32 $0x1FFFFFF0, s4  }
0xae: {  	[tilespmem:s2], [sflag:$0x9] =	stream.linear.gather [hbm4b:s0+s19], $0x40, $0x38;
	[tilespmem:$0x1EF88] =	vst v63  }
0xaf: {  	s31 =	sadd.s32 $0x10, s31;
	s30 =	sadd.s32 $0x800, s30;
	s2 =	sadd.s32 s6, s3  }
0xb0: {  	[tilespmem:s28], [sflag:$0x9] =	stream.linear.gather [hbm4b:s2+s19], $0x40, $0x38;
	[tilespmem:$0x1EF88] =	vst v63  }
0xb1: {  	s12 =	rddreg [dreg:$0x5]  }
0xb2: {  	s14 =	rddreg [dreg:$0x6]  }
0xb3: {  	s15 =	rddreg [dreg:$0x7]  }
0xb4: {  	s17 =	rddreg [dreg:$0x8]  }
0xb5: {  	s18 =	rddreg [dreg:$0xa]  }
0xb6: {  	s22 =	rddreg [dreg:$0xb]  }
.LBB2_7:
0xb7: {  	p2 =	slt.u32 s25, $0x2  }
.Ltmp5:
0xb8: {  	_ = 	snop;
	(pc) =	sbr.rel @p2 .LBB2_25-.Ltmp5, $1  }
0xb9: {  	_ =	sdelay $0x3  }
0xba: {  	p2 =	sgt.s32 s26, $0x61940;
	s0 =	smov.u32 s26;
	s2 =	sshra.s32 s26, $0x1F  }
0xbb: {  	s0 =	simm.s32 @!p2 $0x61940;
	s2 =	sand.u32 s2, s26  }
0xbc: {  	s0 =	ssub.s32 s0, s2  }
0xbd: {  	s0 =	sadd.s32 $0xFFF9E6C0, s0  }
0xbe: {  	s3 =	simm.s32 $0x9;
	s29 =	sshll.u32 s0, $0x2  }
0xbf: {  	_ =	swait.ge [sflag:s3], $0x5000;
	s2 =	ssub.s32 $0x500, s29  }
0xc0: {  	[sflag:s3] =	ssyncset.done $0x0;
	p2 =	sgt.s32 s0, $0x13F;
	s0 =	sshrl.u32 s2, $0x2  }
0xc1: {  	s30 =	simm.s32 $0xB;
	[sflag:s3] =	ssyncadd.s32 $0xFFFFB000;
	s0 =	simm.s32 @p2 $0x0  }
0xc2: {  	_ =	swait.ge [sflag:s30], s0  }
0xc3: {  	s0 =	ssub.s32 $0x0, s0;
	[sflag:s30] =	ssyncset.done $0x0  }
0xc4: {  	[sflag:s30] =	ssyncadd.s32 s0  }
0xc5: {  	v1 =	vld [tilespmem:$0xA108];
	_ =	sdelay $0x4  }
0xc6: {  	(v2sf) =	vpush v1, $0x0  }
0xc7: {  	(v2sf) =	vpush v1, $0x1  }
0xc8: {  	(v2sf) =	vpush v1, $0x2;
	_ =	sdelay $0x3  }
0xc9: {  	s0 =	sadd.s32 $0x140, s26  }
0xca: {  	s4 =	ssub.s32 $0xC3500, s26;
	p2 =	slt.s32 s14, s0  }
0xcb: {  	s0 =	smov.u32 @p2 s14;
	p2 =	sgt.s32 s4, $0x0  }
0xcc: {  	s0 =	ssub.s32 s0, s26;
	s4 =	simm.s32 @!p2 $0x0  }
0xcd: {  	p2 =	slt.s32 s4, s0  }
0xce: {  	s0 =	smov.u32 @p2 s4  }
0xcf: {  	s2 =	simm.s32 $0x1;
	p2 =	slt.s32 s0, $0x1  }
.Ltmp6:
0xd0: {  	s2 =	simm.s32 @!p1 $0x0;
	(pc) =	sbr.rel @p2 .LBB2_12-.Ltmp6, $4  }
0xd1: {  	s7 =	smul.u32 $0x500, s2  }
0xd2: {  	s3 =	spop (v2sf)  }
0xd3: {  	s31 =	sshrl.u32 s7, $0x2;
	s5 =	spop (v2sf)  }
0xd4: {  	s28 =	sadd.s32 $0xAD08, s31;
	s26 =	spop (v2sf)  }
0xd5: {  	s4 =	smin.u32 s0, $0x10  }
0xd6: {  	v1 =	vmov s4  }
0xd7: {  	p3 =	sgt.s32 s0, $0x10;
	vm1 =	vgt.u32 v1, v0  }
.Ltmp7:
0xd8: {  	_ = 	snop;
	(pc) =	sbr.rel @!p3 .LBB2_11-.Ltmp7, $2  }
0xd9: {  	_ =	sdelay $0x2  }
0xda: {  	s9 =	simm.s32 $0x10;
	s10 =	sadd.s32 $0xFFFFFFF0, s0;
	s4 =	smov.u32 s28;
	vm0 =	vmmov vm1  }
.LBB2_10:
0xdb: {  	s7 =	smin.u32 s10, $0x10;
	s9 =	sadd.s32 $0x10, s9;
	v1 =	vld.msk [tilespmem:s4+$0x0 ss:$0x1], vm1  }
0xdc: {  	v2 =	vmov s7;
	p3 =	slt.s32 s9, s0  }
0xdd: {  	vm1 =	vgt.u32 v2, v0  }
.Ltmp8:
0xde: {  	(pc) =	sbr.rel @p3 .LBB2_10-.Ltmp8, $3  }
0xdf: {  	_ =	sdelay $0x1  }
0xe0: {  	v1 =	vshll.u32 v1, $0x4  }
0xe1: {  	s10 =	sadd.s32 $0xFFFFFFF0, s10;
	[tilespmem:s4+$0x0] =	vst.msk vm0, v1;
	s4 =	sadd.s32 $0x10, s4;
	vm0 =	vmmov vm1  }
.LBB2_11:
0xe2: {  	_ =	sdelay $0x4  }
0xe3: {  	v1 =	vld.msk [tilespmem:s4+$0x0 ss:$0x1], vm1;
	_ =	sdelay $0x4  }
0xe4: {  	v1 =	vshll.u32 v1, $0x4  }
0xe5: {  	[tilespmem:s4+$0x0] =	vst.msk vm0, v1  }
.LBB2_12:
0xe6: {  	s4 =	sand.u32 $0x1, s25  }
0xe7: {  	s4 =	smul.u32 $0x140, s4  }
0xe8: {  	p3 =	sne.s32 s5, $0xFFFFFFFF  }
0xe9: {  	v1 =	vld.msk @!p3 [tilespmem:s4+$0xAD08], $0x1;
	_ =	sdelay $0x4  }
0xea: {  	(v2sf) =	vpush @!p3 v1, $0x0;
	_ =	sdelay $0xc  }
.Ltmp9:
0xeb: {  	_ = 	snop;
	(pc) =	sbr.rel @p2 .LBB2_23-.Ltmp9, $4  }
0xec: {  	_ = 	snop  }
0xed: {  	s29 =	spop @!p3 (v2sf)  }
0xee: {  	s31 =	simm.s32 $0xC;
	s26 =	simm.s32 @!p3 $0x0;
	s4 =	smov.u32 s29  }
0xef: {  	[sflag:s31] =	ssyncpa.u1 $0x0;
	s29 =	smov.u32 @p3 s3;
	s4 =	smov.u32 @p3 s5  }
0xf0: {  	v1 =	vld.msk [tilespmem:s28+$0x0], $0x1;
	_ =	sdelay $0x4  }
0xf1: {  	(v2sf) =	vpush v1, $0x0;
	_ =	sdelay $0xe  }
0xf2: {  	s2 =	smul.u32 $0x28000, s2;
	s5 =	spop (v2sf)  }
0xf3: {  	s31 =	ssub.s32 $0x0, s0;
	p2 =	seq.s32 s29, s5  }
0xf4: {  	s3 =	smov.u32 s29;
	s2 =	sshrl.u32 s2, $0x2;
	p3 =	sgt.s32 @!p2 s29, $0x0  }
0xf5: {  	s30 =	sadd.s32 $0xAFA8, s2;
	s2 =	sadd.s32 $0x1, s31;
	p3 =	por !p3, p2  }
0xf6: {  	s3 =	simm.s32 @p3 $0x0;
	p3 =	seq.s32 s2, $0x0  }
.Ltmp10:
0xf7: {  	_ = 	snop;
	(pc) =	sbr.rel @p3 .LBB2_15-.Ltmp10, $4  }
0xf8: {  	_ = 	snop  }
0xf9: {  	s0 =	simm.s32 $0x0;
	s9 =	simm.s32 @!p2 $0x1;
	s3 =	smin.u32 @!p2 s3, $0xC7FF8  }
0xfa: {  	s10 =	simm.s32 @!p2 $0x50C8;
	s9 =	smov.u32 @p2 s0;
	s7 =	sand.u32 @!p2 $0xFFFF8, s3  }
0xfb: {  	s16 =	sand.u32 @!p2 $0x7, s3;
	s3 =	sadd.s32 $0x1, s28;
	s11 =	sadd.s32 @!p2 s1, s7  }
.LBB2_14:
0xfc: {  	s7 =	smov.u32 s9  }
0xfd: {  	[tilespmem:s10], [sflag:$0x2] =	stream.linear.gather @!p2 [hbm4b:s11+s16], $0x40, $0x38;
	[tilespmem:$0x1EF88] =	vst v63  }
0xfe: {  	s2 =	sadd.s32 $0x1, s2;
	s8 =	smov.u32 s5;
	v1 =	vld.msk [tilespmem:s3+$0x0], $0x1  }
0xff: {  	p3 =	seq.s32 s2, $0x0;
	_ =	sdelay $0x3  }
0x100: {  	(v2sf) =	vpush v1, $0x0;
	_ =	sdelay $0xe  }
0x101: {  	s5 =	spop (v2sf)  }
0x102: {  	p2 =	seq.s32 s8, s5  }
0x103: {  	p4 =	sgt.s32 @!p2 s8, $0x0;
	s10 =	sshll.u32 @!p2 s9, $0x8;
	s9 =	sadd.s32 @!p2 $0x1, s9  }
.Ltmp11:
0x104: {  	p4 =	por !p4, p2;
	s10 =	sshra.s32 @!p2 s10, $0x2;
	(pc) =	sbr.rel @!p3 .LBB2_14-.Ltmp11, $4  }
0x105: {  	s9 =	smov.u32 @p2 s7;
	s8 =	simm.s32 @p4 $0x0;
	s10 =	sadd.s32 @!p2 $0x50C8, s10  }
0x106: {  	s7 =	smin.u32 @!p2 s8, $0xC7FF8  }
0x107: {  	s8 =	sand.u32 @!p2 $0xFFFF8, s7;
	s16 =	sand.u32 @!p2 $0x7, s7  }
0x108: {  	s3 =	sadd.s32 $0x1, s3;
	s11 =	sadd.s32 @!p2 s1, s8  }
.LBB2_15:
0x109: {  	[tilespmem:s10], [sflag:$0x2] =	stream.linear.gather @!p2 [hbm4b:s11+s16], $0x40, $0x38;
	[tilespmem:$0x1EF88] =	vst v63  }
.Ltmp12:
0x10a: {  	s2 =	sshll.u32 s9, $0x6;
	(pc) =	sbr.rel .LBB2_16-.Ltmp12, $4  }
0x10b: {  	s3 =	simm.s32 $0x2;
	s2 =	sand.u32 $0x3FFFFFC0, s2  }
0x10c: {  	_ =	swait.ge [sflag:s3], s2  }
0x10d: {  	s2 =	ssub.s32 $0x0, s2;
	[sflag:s3] =	ssyncset.done $0x0  }
0x10e: {  	[sflag:s3] =	ssyncadd.s32 s2;
	s3 =	simm.s32 $0x0  }
.LBB2_17:
0x10f: {  	v1 =	vld [tilespmem:s30+$0xFFFFFFE0];
	_ =	sdelay $0x4  }
0x110: {  	[tilespmem:s5+$0x88] =	vst.add.f32.msk $0xffff, v1  }
0x111: {  	v1 =	vld [tilespmem:s30+$0xFFFFFFF0];
	_ =	sdelay $0x4  }
0x112: {  	[tilespmem:s5+$0x98] =	vst.add.f32.msk $0xffff, v1  }
0x113: {  	v1 =	vld [tilespmem:s30+$0x0];
	_ =	sdelay $0x4  }
0x114: {  	[tilespmem:s5+$0xA8] =	vst.add.f32.msk $0xffff, v1  }
0x115: {  	v1 =	vld [tilespmem:s30+$0x10];
	_ =	sdelay $0x4  }
0x116: {  	[tilespmem:s5+$0xB8] =	vst.add.f32.msk $0xffff, v1  }
.LBB2_21:
0x117: {  	s31 =	sadd.s32 $0x1, s31  }
0x118: {  	p2 =	seq.s32 s31, $0x0  }
.Ltmp13:
0x119: {  	_ = 	snop;
	(pc) =	sbr.rel @p2 .LBB2_22-.Ltmp13, $2  }
0x11a: {  	_ =	sdelay $0x2  }
0x11b: {  	s30 =	sadd.s32 $0x80, s30;
	s28 =	sadd.s32 $0x1, s28;
	s29 =	smov.u32 s2  }
.LBB2_16:
0x11c: {  	v1 =	vld.msk [tilespmem:s28+$0x0], $0x1;
	_ =	sdelay $0x4  }
0x11d: {  	(v2sf) =	vpush v1, $0x0;
	_ =	sdelay $0xe  }
0x11e: {  	s2 =	spop (v2sf)  }
0x11f: {  	p2 =	sne.s32 s29, s2  }
.Ltmp14:
0x120: {  	_ = 	snop;
	(pc) =	sbr.rel @!p2 .LBB2_17-.Ltmp14, $3  }
0x121: {  	_ =	sdelay $0x1  }
0x122: {  	s5 =	sshll.u32 s26, $0x8  }
0x123: {  	s5 =	sshra.s32 s5, $0x2  }
0x124: {  	p2 =	seq.s32 s29, s4  }
.Ltmp15:
0x125: {  	_ = 	snop;
	(pc) =	sbr.rel @!p2 .LBB2_19-.Ltmp15, $1  }
0x126: {  	_ =	sdelay $0x3  }
.Ltmp16:
0x127: {  	s5 =	sadd.s32 $0x88, s5;
	(pc) =	sbr.rel .LBB2_20-.Ltmp16, $4  }
0x128: {  	[spmem:s18] =	stream.linear.scatter [tilespmem:s5], [sflag:$0x1], $0x40, $0x38;
	[tilespmem:$0x1EF88] =	vst v63  }
0x129: {  	_ =	swait.ge [sflag:s13], $0x40  }
0x12a: {  	[sflag:s13] =	ssyncset.done $0x0  }
0x12b: {  	[sflag:s13] =	ssyncadd.s32 $0xFFFFFFC0  }
.LBB2_19:
0x12c: {  	s7 =	sshll.u32 s0, $0x8  }
0x12d: {  	s7 =	sshra.s32 s7, $0x2  }
0x12e: {  	v1 =	vld [tilespmem:s7+$0x50C8];
	_ =	sdelay $0x4  }
0x12f: {  	[tilespmem:s5+$0x88] =	vst.add.f32.msk $0xffff, v1  }
0x130: {  	v1 =	vld [tilespmem:s7+$0x50D8];
	_ =	sdelay $0x4  }
0x131: {  	[tilespmem:s5+$0x98] =	vst.add.f32.msk $0xffff, v1  }
0x132: {  	v1 =	vld [tilespmem:s7+$0x50E8];
	_ =	sdelay $0x4  }
0x133: {  	[tilespmem:s5+$0xA8] =	vst.add.f32.msk $0xffff, v1  }
0x134: {  	v1 =	vld [tilespmem:s7+$0x50F8];
	_ =	sdelay $0x2  }
0x135: {  	p2 =	sgt.u32 s29, $0xC7FF8  }
0x136: {  	s7 =	sand.u32 @!p2 $0xFFFF8, s29  }
0x137: {  	s8 =	sadd.s32 $0x88, s5;
	[tilespmem:s5+$0xB8] =	vst.add.f32.msk $0xffff, v1;
	s5 =	sadd.s32 @!p2 s1, s7;
	s7 =	sand.u32 @!p2 $0x7, s29  }
0x138: {  	[hbm4b:s5+s7] =	stream.linear.scatter @!p2 [tilespmem:s8], [sflag:$0xC], $0x40, $0x38;
	[tilespmem:$0x1EF88] =	vst v63  }
0x139: {  	s5 =	simm.s32 $0x0  }
0x13a: {  	s5 =	simm.s32 @!p2 $0x100  }
0x13b: {  	s3 =	sadd.s32 s5, s3  }
.LBB2_20:
0x13c: {  	s5 =	sadd.s32 $0x1, s26  }
0x13d: {  	s7 =	smulhi.u32 $0xCCCCCCCD, s5;
	_ =	sdelay $0x1  }
0x13e: {  	v1 =	vld [tilespmem:s30+$0xFFFFFFE0];
	s7 =	sshrl.u32 s7, $0x8  }
0x13f: {  	s7 =	smul.u32 $0x140, s7;
	_ =	sdelay $0x1  }
0x140: {  	s26 =	ssub.s32 s5, s7  }
0x141: {  	s5 =	sshll.u32 s26, $0x6  }
0x142: {  	[tilespmem:s5+$0x88] =	vst v1  }
0x143: {  	v1 =	vld [tilespmem:s30+$0xFFFFFFF0];
	_ =	sdelay $0x4  }
0x144: {  	[tilespmem:s5+$0x98] =	vst v1  }
0x145: {  	v1 =	vld [tilespmem:s30+$0x0];
	_ =	sdelay $0x4  }
0x146: {  	[tilespmem:s5+$0xA8] =	vst v1  }
0x147: {  	v1 =	vld [tilespmem:s30+$0x10]  }
.Ltmp17:
0x148: {  	_ = 	snop;
	(pc) =	sbr.rel .LBB2_21-.Ltmp17, $2  }
0x149: {  	_ =	sdelay $0x2  }
0x14a: {  	s0 =	sadd.s32 $0x1, s0;
	[tilespmem:s5+$0xB8] =	vst v1  }
.LBB2_23:
.Ltmp18:
0x14b: {  	(pc) =	sbr.rel .LBB2_24-.Ltmp18, $4  }
0x14c: {  	_ = 	snop  }
0x14d: {  	s0 =	simm.s32 $0x2  }
0x14e: {  	_ =	swait.ge [sflag:s0], $0x0  }
0x14f: {  	s2 =	smov.u32 s29;
	[sflag:s0] =	ssyncset.done $0x0;
	s0 =	simm.s32 $0x0  }
.LBB2_26:
0x150: {  	_ =	sfence.sel $0x180000  }
0x151: {  	s0 =	simm.s32 $0x9;
	[bflag:$0x0] =	sbarrier.arrive $0xFFFF  }
0x152: {  	s24 =	simm.s32 $0xA;
	[sflag:s0] =	ssyncpa.u1 $0x1  }
0x153: {  	s25 =	simm.s32 $0xB;
	[sflag:s24] =	ssyncpa.u1 $0x1  }
0x154: {  	s26 =	simm.s32 $0x2;
	[sflag:s25] =	ssyncpa.u1 $0x1  }
0x155: {  	[sflag:s26] =	ssyncpa.u1 $0x1  }
0x156: {  	v0 =	vld [tilespmem:$0xA108];
	_ =	sdelay $0x4  }
0x157: {  	(v2sf) =	vpush v0, $0x0  }
0x158: {  	(v2sf) =	vpush v0, $0x1;
	_ =	sdelay $0x1  }
0x159: {  	(v2sf) =	vpush v0, $0x2;
	_ =	sdelay $0xb  }
0x15a: {  	s0 =	spop (v2sf)  }
0x15b: {  	s2 =	spop (v2sf)  }
0x15c: {  	s3 =	smov.u32 s0;
	p0 =	sne.s32 s0, s2  }
0x15d: {  	s4 =	spop (v2sf);
	s3 =	simm.s32 @!p0 $0xFFFFFFFF  }
0x15e: {  	v2 =	vimm.s32 $0x1;
	v3 =	vlaneseq.u32;
	p0 =	seq.s32 s4, $0xFFFFFFFF;
	v1 =	vmov s3  }
0x15f: {  	s14 =	stileid.u32;
	v0 =	vperm.xlane v0, v2;
	p1 =	sne.s32 @!p0 s0, s2;
	v1 =	vperm.xlane v1, v3  }
0x160: {  	vm0 =	vcmask $0x3F04;
	s6 =	simm.s32 $0xA108;
	s0 =	simm.s32 @!p0 $0x1;
	p1 =	por !p1, p0  }
0x161: {  	s3 =	sshll.u32 s14, $0x1;
	s2 =	sshll.u32 @!p0 s4, $0x8;
	s0 =	simm.s32 @p1 $0x0;
	v0 =	vsel vm0, v1, v0  }
0x162: {  	s5 =	sor.u32 $0x800, s3;
	s2 =	sshra.s32 @!p0 s2, $0x2;
	s0 =	sor.u32 @!p0 s0, s3;
	[tilespmem:$0xA108] =	vst v0  }
0x163: {  	[spmem:s5] =	stream.linear.scatter [tilespmem:s6], [sflag:$0x1], $0x2, $0x38;
	[tilespmem:$0x1EF88] =	vst v63  }
0x164: {  	s2 =	sadd.s32 @!p0 $0x88, s2;
	s0 =	sshll.u32 @!p0 s0, $0x6  }
0x165: {  	[spmem:s0] =	stream.linear.scatter @!p0 [tilespmem:s2], [sflag:$0x1], $0x40, $0x38;
	[tilespmem:$0x1EF88] =	vst v63  }
0x166: {  	s0 =	simm.s32 @!p0 $0x42  }
0x167: {  	s28 =	simm.s32 $0x1;
	s0 =	simm.s32 @p0 $0x2  }
0x168: {  	_ =	swait.ge [sflag:s28], s0  }
0x169: {  	s0 =	ssub.s32 $0x0, s0;
	[sflag:s28] =	ssyncset.done $0x0  }
0x16a: {  	p0 =	sne.s32 s14, $0x0;
	[sflag:s28] =	ssyncadd.s32 s0  }
.Ltmp19:
0x16b: {  	_ =	sfence.stream.spmem;
	(pc) =	sbr.rel @p0 .LBB2_43-.Ltmp19, $4  }
0x16c: {  	s29 =	simm.s32 $0x3;
	[bflag:$0x0] =	sbarrier.arrive $0xFFFF  }
0x16d: {  	s30 =	simm.s32 $0x4;
	[sflag:s29] =	ssyncpa.u1 $0x1  }
0x16e: {  	s31 =	simm.s32 $0x3C;
	[sflag:s30] =	ssyncpa.u1 $0x1  }
0x16f: {  	s13 =	rddreg [dreg:$0x4];
	[sflag:s31] =	ssyncpa.u1 $0x1  }
0x170: {  	_ =	sfence.stream.spmem;
	s0 =	simm.s32 $0x5  }
0x171: {  	s2 =	simm.s32 $0x800;
	s3 =	simm.s32 $0xA118;
	[sflag:s0] =	ssyncpa.u1 $0x0  }
0x172: {  	[tilespmem:s3], [sflag:$0x5] =	stream.linear.gather [spmem:s2], $0x20, $0x38;
	[tilespmem:$0x1EF88] =	vst v63  }
0x173: {  	s26 =	simm.s32 $0x0;
	s28 =	simm.s32 $0xA138  }
0x174: {  	[tilespmem:s28], [sflag:$0x5] =	stream.linear.gather [spmem:s26], $0x800, $0x38;
	[tilespmem:$0x1EF88] =	vst v63  }
0x175: {  	_ =	swait.ge [sflag:s0], $0x820  }
0x176: {  	[sflag:s0] =	ssyncset.done $0x0  }
0x177: {  	s29 =	simm.s32 $0x0;
	[sflag:s0] =	ssyncadd.s32 $0xFFFFF7E0  }
0x178: {  	v0 =	vld.msk [tilespmem:s29+$0xA118], $0x1;
	_ =	sdelay $0x1  }
0x179: {  	s30 =	simm.s32 $0x1  }
0x17a: {  	v1 =	vld.msk [tilespmem:s30+$0xA118], $0x1;
	_ =	sdelay $0x1  }
0x17b: {  	(v2sf) =	vpush v0, $0x0;
	_ =	sdelay $0x2  }
0x17c: {  	(v2sf) =	vpush v1, $0x0;
	_ =	sdelay $0x2  }
0x17d: {  	s31 =	simm.s32 $0x2  }
0x17e: {  	v0 =	vld.msk [tilespmem:s31+$0xA118], $0x1;
	_ =	sdelay $0x2  }
0x17f: {  	s2 =	simm.s32 $0xFFFFFFFF;
	s3 =	simm.s32 $0xFFFFFFFF;
	s0 =	simm.s32 $0xC  }
.LBB2_28:
0x180: {  	s4 =	smov.u32 s3;
	s5 =	smov.u32 s2  }
0x181: {  	s2 =	sshra.s32 s0, $0x2;
	p1 =	sne.s32 s0, $0x7C;
	s0 =	sadd.s32 $0x4, s0;
	(v2sf) =	vpush v0, $0x0  }
0x182: {  	v0 =	vld.msk [tilespmem:s2+$0xA118], $0x1  }
.Ltmp20:
0x183: {  	(pc) =	sbr.rel @p1 .LBB2_28-.Ltmp20, $4  }
0x184: {  	s3 =	spop (v2sf)  }
0x185: {  	p2 =	sne.s32 s5, $0xFFFFFFFF;
	s2 =	smov.u32 s3  }
0x186: {  	p3 =	seq.s32 s3, $0xFFFFFFFF;
	s2 =	smov.u32 @p2 s5  }
0x187: {  	s3 =	smov.u32 @p3 s4;
	s2 =	smov.u32 @p3 s5  }
0x188: {  	(v2sf) =	vpush v0, $0x0;
	_ =	sdelay $0x8  }
0x189: {  	s0 =	spop (v2sf)  }
0x18a: {  	p1 =	sne.s32 s2, $0xFFFFFFFF;
	s4 =	smov.u32 s0  }
0x18b: {  	s6 =	simm.s32 $0x0;
	p2 =	seq.s32 s0, $0xFFFFFFFF;
	s4 =	smov.u32 @p1 s2  }
0x18c: {  	s9 =	simm.s32 $0xA0C8;
	s4 =	smov.u32 @p2 s2;
	s2 =	spop (v2sf)  }
0x18d: {  	s0 =	smov.u32 @p2 s3;
	p1 =	sne.s32 s4, $0xFFFFFFFF;
	s5 =	smov.u32 s2  }
.Ltmp21:
0x18e: {  	p2 =	seq.s32 s2, $0xFFFFFFFF;
	s5 =	smov.u32 @p1 s4;
	(pc) =	sbr.rel .LBB2_30-.Ltmp21, $4  }
0x18f: {  	s10 =	simm.s32 $0x0;
	s5 =	smov.u32 @p2 s4;
	s7 =	spop (v2sf)  }
0x190: {  	s2 =	smov.u32 @p2 s0;
	p1 =	sne.s32 s5, $0xFFFFFFFF;
	s8 =	smov.u32 s7  }
0x191: {  	s0 =	simm.s32 $0x6;
	p2 =	seq.s32 s7, $0xFFFFFFFF;
	s8 =	smov.u32 @p1 s5  }
0x192: {  	[sflag:s0] =	ssyncpa.u1 $0x0;
	s7 =	smov.u32 @p2 s2;
	s8 =	smov.u32 @p2 s5  }
.LBB2_36:
0x193: {  	p1 =	sgt.u32 s2, $0xC7FF8  }
0x194: {  	p2 =	seq.s32 @!p1 s2, s8  }
0x195: {  	p1 =	por p1, p2  }
0x196: {  	p2 =	sne.s32 @!p1 s2, s7  }
0x197: {  	p1 =	por p1, !p2  }
0x198: {  	s2 =	sshll.u32 @p1 s10, $0x8  }
0x199: {  	s3 =	sand.u32 @!p1 $0xFFFF8, s2  }
0x19a: {  	s2 =	sand.u32 @!p1 $0x7, s2;
	s3 =	sadd.s32 @!p1 s1, s3  }
0x19b: {  	[tilespmem:s9], [sflag:$0x6] =	stream.linear.gather @!p1 [hbm4b:s3+s2], $0x40, $0x38;
	[tilespmem:$0x1EF88] =	vst v63  }
0x19c: {  	_ =	swait.ge @!p1 [sflag:s0], $0x40  }
0x19d: {  	[sflag:s0] =	ssyncset.done @!p1 $0x0  }
0x19e: {  	[sflag:s0] =	ssyncadd.s32 @!p1 $0xFFFFFFC0  }
0x19f: {  	v1 =	vld @!p1 [tilespmem:$0xA0C8];
	_ =	sdelay $0x2  }
0x1a0: {  	s2 =	sshll.u32 @!p1 s10, $0x8  }
0x1a1: {  	s3 =	sshrl.u32 @!p1 s2, $0x2  }
0x1a2: {  	[tilespmem:s3+$0xA138] =	vst.add.f32.msk @!p1 $0xffff, v1  }
0x1a3: {  	v1 =	vld @!p1 [tilespmem:$0xA0D8];
	_ =	sdelay $0x4  }
0x1a4: {  	[tilespmem:s3+$0xA148] =	vst.add.f32.msk @!p1 $0xffff, v1  }
0x1a5: {  	v1 =	vld @!p1 [tilespmem:$0xA0E8];
	_ =	sdelay $0x4  }
0x1a6: {  	[tilespmem:s3+$0xA158] =	vst.add.f32.msk @!p1 $0xffff, v1  }
0x1a7: {  	v1 =	vld @!p1 [tilespmem:$0xA0F8];
	_ =	sdelay $0x4  }
0x1a8: {  	[tilespmem:s3+$0xA168] =	vst.add.f32.msk @!p1 $0xffff, v1  }
0x1a9: {  	s2 =	sshrl.u32 s2, $0x2;
	[tilespmem:s6+$0xA118] =	vst.msk $0x1, v0  }
0x1aa: {  	v0 =	vld [tilespmem:s2+$0xA138];
	_ =	sdelay $0x2  }
0x1ab: {  	s31 =	sshll.u32 s6, $0x8  }
0x1ac: {  	s3 =	sshra.s32 s31, $0x2  }
0x1ad: {  	[tilespmem:s3+$0xA138] =	vst v0  }
0x1ae: {  	v0 =	vld [tilespmem:s2+$0xA148];
	_ =	sdelay $0x4  }
0x1af: {  	[tilespmem:s3+$0xA148] =	vst v0  }
0x1b0: {  	v0 =	vld [tilespmem:s2+$0xA158];
	_ =	sdelay $0x4  }
0x1b1: {  	[tilespmem:s3+$0xA158] =	vst v0  }
0x1b2: {  	v0 =	vld [tilespmem:s2+$0xA168];
	_ =	sdelay $0x4  }
0x1b3: {  	s6 =	sadd.s32 $0x1, s6;
	[tilespmem:s3+$0xA168] =	vst v0  }
.LBB2_37:
0x1b4: {  	s10 =	sadd.s32 $0x1, s10  }
0x1b5: {  	p1 =	sne.s32 s10, $0x20  }
.Ltmp22:
0x1b6: {  	_ = 	snop;
	(pc) =	sbr.rel @!p1 .LBB2_38-.Ltmp22, $1  }
0x1b7: {  	_ =	sdelay $0x3  }
.LBB2_30:
0x1b8: {  	v0 =	vld.msk [tilespmem:s10+$0xA118], $0x1;
	_ =	sdelay $0x4  }
0x1b9: {  	(v2sf) =	vpush v0, $0x0;
	_ =	sdelay $0xe  }
0x1ba: {  	s2 =	spop (v2sf)  }
0x1bb: {  	p1 =	seq.s32 s2, $0xFFFFFFFF  }
.Ltmp23:
0x1bc: {  	_ = 	snop;
	(pc) =	sbr.rel @p1 .LBB2_37-.Ltmp23, $1  }
0x1bd: {  	_ =	sdelay $0x3  }
0x1be: {  	p1 =	slt.s32 s6, $0x1  }
.Ltmp24:
0x1bf: {  	_ = 	snop;
	(pc) =	sbr.rel @p1 .LBB2_36-.Ltmp24, $1  }
0x1c0: {  	_ =	sdelay $0x3  }
0x1c1: {  	s3 =	simm.s32 $0xA118;
	p1 =	por $0x0, $0x0  }
0x1c2: {  	v1 =	vld.msk @!p1 [tilespmem:s3+$0x0], $0x1;
	_ =	sdelay $0x4  }
0x1c3: {  	(v2sf) =	vpush @!p1 v1, $0x0;
	_ =	sdelay $0xd  }
0x1c4: {  	p3 =	sne.s32 s6, $0x1  }
.Ltmp25:
0x1c5: {  	s4 =	spop @!p1 (v2sf);
	(pc) =	sbr.rel @!p3 .LBB2_34-.Ltmp25, $4  }
0x1c6: {  	p2 =	seq.s32 @!p1 s2, s4  }
0x1c7: {  	s4 =	simm.s32 $0x0;
	p2 =	por !p2, p1  }
0x1c8: {  	s11 =	simm.s32 $0xFFFFFFFF;
	s4 =	simm.s32 @p2 $0xFFFFFFFF  }
0x1c9: {  	s5 =	simm.s32 $0x1;
	s4 =	smov.u32 @p1 s11  }
.LBB2_33:
0x1ca: {  	s11 =	smov.u32 s4;
	p1 =	sne.s32 s4, $0xFFFFFFFF  }
0x1cb: {  	s3 =	sadd.s32 $0x1, s3;
	s4 =	smov.u32 s5;
	s5 =	sadd.s32 $0x1, s5  }
0x1cc: {  	p2 =	sne.s32 s6, s5;
	v1 =	vld.msk @!p1 [tilespmem:s3+$0x0], $0x1;
	_ =	sdelay $0x4  }
0x1cd: {  	(v2sf) =	vpush @!p1 v1, $0x0;
	_ =	sdelay $0xe  }
.Ltmp26:
0x1ce: {  	s12 =	spop @!p1 (v2sf);
	(pc) =	sbr.rel @p2 .LBB2_33-.Ltmp26, $4  }
0x1cf: {  	p3 =	seq.s32 @!p1 s2, s12  }
0x1d0: {  	p3 =	por !p3, p1  }
0x1d1: {  	s4 =	simm.s32 @p3 $0xFFFFFFFF  }
0x1d2: {  	s4 =	smov.u32 @p1 s11  }
.LBB2_34:
0x1d3: {  	p1 =	seq.s32 s4, $0xFFFFFFFF  }
.Ltmp27:
0x1d4: {  	_ = 	snop;
	(pc) =	sbr.rel @p1 .LBB2_36-.Ltmp27, $1  }
0x1d5: {  	_ =	sdelay $0x3  }
0x1d6: {  	s2 =	sshll.u32 s10, $0x6  }
0x1d7: {  	s2 =	sand.u32 $0x3FFFFFC0, s2  }
0x1d8: {  	v0 =	vld [tilespmem:s2+$0xA138];
	_ =	sdelay $0x2  }
0x1d9: {  	s3 =	sshll.u32 s4, $0x8  }
0x1da: {  	s3 =	sshra.s32 s3, $0x2  }
0x1db: {  	[tilespmem:s3+$0xA138] =	vst.add.f32.msk $0xffff, v0  }
0x1dc: {  	v0 =	vld [tilespmem:s2+$0xA148];
	_ =	sdelay $0x4  }
0x1dd: {  	[tilespmem:s3+$0xA148] =	vst.add.f32.msk $0xffff, v0  }
0x1de: {  	v0 =	vld [tilespmem:s2+$0xA158];
	_ =	sdelay $0x4  }
0x1df: {  	[tilespmem:s3+$0xA158] =	vst.add.f32.msk $0xffff, v0  }
0x1e0: {  	v0 =	vld [tilespmem:s2+$0xA168]  }
.Ltmp28:
0x1e1: {  	_ = 	snop;
	(pc) =	sbr.rel .LBB2_37-.Ltmp28, $2  }
0x1e2: {  	_ =	sdelay $0x2  }
0x1e3: {  	[tilespmem:s3+$0xA168] =	vst.add.f32.msk $0xffff, v0  }
.LBB2_38:
0x1e4: {  	s0 =	simm.s32 $0x6;
	p1 =	seq.s32 s6, $0x0  }
0x1e5: {  	[sflag:s0] =	ssyncpa.u1 $0x1;
	v0 =	vimm.s32 @p1 $0xFFFFFFFF  }
0x1e6: {  	s0 =	sadd.s32 $0xFFFFFFFF, s6;
	[tilespmem:$0xA938] =	vst @p1 v0  }
0x1e7: {  	v0 =	vld.msk @!p1 [tilespmem:s0+$0xA118], $0x1;
	_ =	sdelay $0x1  }
0x1e8: {  	v1 =	vld.msk @!p1 [tilespmem:$0xA118], $0x1;
	_ =	sdelay $0x2  }
0x1e9: {  	p2 =	seq.s32 @!p1 s0, $0x0;
	v0 =	vbroadcast @!p1 v0, $0x0  }
0x1ea: {  	vm0 =	vmmov @!p1 $0x1;
	p2 =	por !p2, p1  }
0x1eb: {  	v1 =	vnsel @!p1 vm0, $0xFFFFFFFF, v1;
	vm0 =	vcmask @!p1 $0x308;
	v0 =	vpsel !p2, $0xFFFFFFFF, v0  }
0x1ec: {  	p2 =	sne.s32 @!p1 s8, s7;
	v0 =	vsel @!p1 vm0, v1, v0  }
0x1ed: {  	s2 =	simm.s32 @!p1 $0xA138;
	s3 =	simm.s32 @!p1 $0x0;
	p3 =	por !p2, p1;
	[tilespmem:$0xA938] =	vst @!p1 v0  }
0x1ee: {  	[spmem:s3] =	stream.linear.scatter @!p1 [tilespmem:s2], [sflag:$0x1], $0x40, $0x38;
	[tilespmem:$0x1EF88] =	vst v63  }
0x1ef: {  	s2 =	sshll.u32 @!p3 s0, $0x8  }
0x1f0: {  	s2 =	sshra.s32 @!p3 s2, $0x2  }
0x1f1: {  	s3 =	simm.s32 @!p3 $0x40;
	s2 =	sadd.s32 @!p3 $0xA138, s2  }
0x1f2: {  	[spmem:s3] =	stream.linear.scatter @!p3 [tilespmem:s2], [sflag:$0x1], $0x40, $0x38;
	[tilespmem:$0x1EF88] =	vst v63  }
0x1f3: {  	s2 =	simm.s32 @!p3 $0x1  }
0x1f4: {  	_ =	swait.ge @!p3 [sflag:s2], $0x80  }
0x1f5: {  	p1 =	por p2, p1;
	[sflag:s2] =	ssyncset.done @!p3 $0x0  }
0x1f6: {  	[sflag:s2] =	ssyncadd.s32 @!p3 $0xFFFFFF80;
	s2 =	simm.s32 @!p1 $0x1  }
0x1f7: {  	_ =	swait.ge @!p1 [sflag:s2], $0x40  }
0x1f8: {  	s29 =	simm.s32 $0xA938;
	[sflag:s2] =	ssyncset.done @!p1 $0x0  }
0x1f9: {  	s30 =	simm.s32 $0x800;
	s31 =	simm.s32 $0x1;
	[sflag:s2] =	ssyncadd.s32 @!p1 $0xFFFFFFC0  }
0x1fa: {  	[spmem:s30] =	stream.linear.scatter [tilespmem:s29], [sflag:$0x1], $0x10, $0x38;
	[tilespmem:$0x1EF88] =	vst v63  }
0x1fb: {  	_ =	swait.ge [sflag:s31], $0x10  }
0x1fc: {  	[sflag:s31] =	ssyncset.done $0x0  }
0x1fd: {  	p1 =	seq.s32 s13, $0x0;
	s9 =	rddreg [dreg:$0x1];
	[sflag:s31] =	ssyncadd.s32 $0xFFFFFFF0  }
0x1fe: {  	s3 =	sshll.u32 @p1 s9, $0xE;
	s8 =	rddreg [dreg:$0x2]  }
0x1ff: {  	s2 =	sadd.s32 @p1 $0x15C3C, s3;
	s3 =	sshll.u32 @p1 s8, $0x11  }
0x200: {  	_ =	sfence.stream.spmem;
	s2 =	sor.u32 @p1 s3, s2  }
0x201: {  	[sflag:s2] =	ssyncadd.remote.s32 @p1 $0x1;
	s2 =	simm.s32 @p1 $0x4  }
0x202: {  	s4 =	simm.s32 @!p1 $0x3C;
	s3 =	sand.u32 $0xFFFFFFFE, s9;
	_ =	swait.ge @p1 [sflag:s2], $0x12  }
0x203: {  	s5 =	simm.s32 @!p1 $0x0;
	s3 =	sadd.s32 @!p1 $0x4, s3;
	[sflag:s2] =	ssyncset.done @p1 $0x0  }
0x204: {  	s7 =	simm.s32 @!p1 $0x80;
	[sflag:s2] =	ssyncadd.s32 @p1 $0xFFFFFFEE;
	s2 =	sshll.u32 @!p1 s3, $0x1A  }
0x205: {  	s3 =	sshll.u32 @!p1 s3, $0xD;
	s2 =	sor.u32 @!p1 s2, s8;
	_ =	swait.eq @!p1 [sflag:s4], $0x1  }
0x206: {  	s3 =	sor.u32 @!p1 $0x1C04, s3;
	s4 =	simm.s32 @!p1 $0x1C03;
	s2 =	sor.u32 @!p1 $0x80004000, s2  }
0x207: {  	[spmem:s7], [sflag:s3] =	dma.general @!p1 [spmem:s5], [sflag:s4], length:$0x10, [dreg:$0x0], stride_count:$0x0, ici_dest:s2, dma_misc:DstOpCode:WRITE  }
0x208: {  	p2 =	slt.s32 s0, $0x2;
	s5 =	simm.s32 @!p1 $0x100;
	s7 =	simm.s32 @!p1 $0x102  }
0x209: {  	[spmem:s7], [sflag:s3] =	dma.general @!p1 [spmem:s5], [sflag:s4], length:$0x2, [dreg:$0x0], stride_count:$0x0, ici_dest:s2, dma_misc:DstOpCode:WRITE  }
.Ltmp29:
0x20a: {  	s2 =	simm.s32 @!p1 $0x3;
	(pc) =	sbr.rel @p2 .LBB2_42-.Ltmp29, $4  }
0x20b: {  	s3 =	sshll.u32 @!p1 s9, $0xE;
	_ =	swait.ge @!p1 [sflag:s2], $0x12  }
0x20c: {  	s4 =	sshll.u32 @!p1 s8, $0x11;
	s3 =	sadd.s32 @!p1 $0x11C3C, s3;
	[sflag:s2] =	ssyncset.done @!p1 $0x0  }
0x20d: {  	[sflag:s2] =	ssyncadd.s32 @!p1 $0xFFFFFFEE;
	s2 =	sor.u32 @!p1 s4, s3  }
0x20e: {  	s0 =	simm.s32 $0x0;
	[sflag:s2] =	ssyncadd.remote.s32 @!p1 $0xFFFFFFFF  }
0x20f: {  	s0 =	simm.s32 $0xA119  }
0x210: {  	v0 =	vld.msk [tilespmem:s0+$0x0], $0x1;
	_ =	sdelay $0x4  }
0x211: {  	(v2sf) =	vpush v0, $0x0;
	_ =	sdelay $0xc  }
0x212: {  	s2 =	sadd.s32 $0xFFFFFFFE, s6  }
0x213: {  	s2 =	sadd.s32 $0xFFFFFFFF, s2  }
0x214: {  	p2 =	sne.s32 s2, $0x0;
	s3 =	spop (v2sf)  }
.Ltmp30:
0x215: {  	p1 =	sgt.u32 s3, $0xC7FF8;
	(pc) =	sbr.rel @!p2 .LBB2_41-.Ltmp30, $4  }
0x216: {  	s5 =	simm.s32 $0x0;
	s4 =	sand.u32 @!p1 $0xFFFF8, s3  }
0x217: {  	s0 =	simm.s32 $0xA178;
	s3 =	sand.u32 @!p1 $0x7, s3;
	s4 =	sadd.s32 @!p1 s1, s4  }
0x218: {  	[hbm4b:s4+s3] =	stream.linear.scatter @!p1 [tilespmem:s0], [sflag:$0x5], $0x40, $0x38;
	[tilespmem:$0x1EF88] =	vst v63  }
0x219: {  	s5 =	simm.s32 @!p1 $0x100;
	s3 =	simm.s32 $0x0;
	s4 =	simm.s32 $0xA11A  }
.LBB2_40:
0x21a: {  	v0 =	vld.msk [tilespmem:s4+$0x0], $0x1;
	s2 =	sadd.s32 $0xFFFFFFFF, s2;
	s3 =	sadd.s32 s3, s5  }
0x21b: {  	p1 =	sne.s32 s2, $0x0;
	_ =	sdelay $0x3  }
0x21c: {  	(v2sf) =	vpush v0, $0x0;
	_ =	sdelay $0xe  }
.Ltmp31:
0x21d: {  	s6 =	spop (v2sf);
	(pc) =	sbr.rel @p1 .LBB2_40-.Ltmp31, $4  }
0x21e: {  	s5 =	simm.s32 $0x0;
	p2 =	sgt.u32 s6, $0xC7FF8  }
0x21f: {  	s0 =	sadd.s32 $0x40, s0;
	s5 =	simm.s32 @!p2 $0x100;
	s7 =	sand.u32 @!p2 $0xFFFF8, s6  }
0x220: {  	s4 =	sadd.s32 $0x1, s4;
	s6 =	sand.u32 @!p2 $0x7, s6;
	s7 =	sadd.s32 @!p2 s1, s7  }
0x221: {  	[hbm4b:s7+s6] =	stream.linear.scatter @!p2 [tilespmem:s0], [sflag:$0x5], $0x40, $0x38;
	[tilespmem:$0x1EF88] =	vst v63  }
.LBB2_41:
0x222: {  	s0 =	sadd.s32 s3, s5  }
0x223: {  	s0 =	sshrl.u32 s0, $0x2  }
.LBB2_42:
0x224: {  	s2 =	simm.s32 $0x5  }
0x225: {  	_ =	swait.ge [sflag:s2], s0  }
0x226: {  	s31 =	ssub.s32 $0x0, s0;
	[sflag:s2] =	ssyncset.done $0x0  }
0x227: {  	[sflag:s2] =	ssyncadd.s32 s31  }
0x228: {  	[sflag:s2] =	ssyncpa.u1 $0x1  }
.LBB2_43:
0x229: {  	s0 =	sor.u32 s13, s14  }
0x22a: {  	p1 =	sne.s32 s0, $0x0  }
.Ltmp32:
0x22b: {  	_ = 	snop;
	(pc) =	sbr.rel @p1 .LBB2_58-.Ltmp32, $3  }
0x22c: {  	_ =	sdelay $0x1  }
0x22d: {  	[bflag:$0x0] =	sbarrier.arrive $0xFFFF  }
0x22e: {  	_ =	sfence  }
0x22f: {  	s2 =	simm.s32 $0x7  }
0x230: {  	s0 =	simm.s32 $0x800;
	s3 =	simm.s32 $0xA118;
	[sflag:s2] =	ssyncpa.u1 $0x0  }
0x231: {  	[tilespmem:s3], [sflag:$0x7] =	stream.linear.gather [spmem:s0], $0x20, $0x38;
	[tilespmem:$0x1EF88] =	vst v63  }
0x232: {  	s30 =	simm.s32 $0xA138;
	s0 =	simm.s32 $0x0  }
0x233: {  	[tilespmem:s30], [sflag:$0x7] =	stream.linear.gather [spmem:s0], $0x800, $0x38;
	[tilespmem:$0x1EF88] =	vst v63  }
.Ltmp33:
0x234: {  	_ = 	snop;
	(pc) =	sbr.rel .LBB2_45-.Ltmp33, $4  }
0x235: {  	_ =	swait.ge [sflag:s2], $0x820  }
0x236: {  	[sflag:s2] =	ssyncset.done $0x0  }
0x237: {  	s31 =	simm.s32 $0x8;
	[sflag:s2] =	ssyncadd.s32 $0xFFFFF7E0  }
0x238: {  	s2 =	simm.s32 $0x0;
	[sflag:s31] =	ssyncpa.u1 $0x0  }
.LBB2_51:
0x239: {  	p1 =	slt.u32 s3, $0xC7FF9  }
0x23a: {  	s4 =	sand.u32 @p1 $0xFFFF8, s3  }
0x23b: {  	s3 =	sand.u32 @p1 $0x7, s3;
	s5 =	simm.s32 @p1 $0xA0C8;
	s4 =	sadd.s32 @p1 s1, s4  }
0x23c: {  	[tilespmem:s5], [sflag:$0x8] =	stream.linear.gather @p1 [hbm4b:s4+s3], $0x40, $0x38;
	[tilespmem:$0x1EF88] =	vst v63  }
0x23d: {  	s3 =	simm.s32 @p1 $0x8  }
0x23e: {  	_ =	swait.ge @p1 [sflag:s3], $0x40  }
0x23f: {  	[sflag:s3] =	ssyncset.done @p1 $0x0  }
0x240: {  	[sflag:s3] =	ssyncadd.s32 @p1 $0xFFFFFFC0  }
0x241: {  	v1 =	vld @p1 [tilespmem:$0xA0C8];
	_ =	sdelay $0x2  }
0x242: {  	s3 =	sshll.u32 @p1 s2, $0x8  }
0x243: {  	s4 =	sshrl.u32 @p1 s3, $0x2  }
0x244: {  	[tilespmem:s4+$0xA138] =	vst.add.f32.msk @p1 $0xffff, v1  }
0x245: {  	v1 =	vld @p1 [tilespmem:$0xA0D8];
	_ =	sdelay $0x4  }
0x246: {  	[tilespmem:s4+$0xA148] =	vst.add.f32.msk @p1 $0xffff, v1  }
0x247: {  	v1 =	vld @p1 [tilespmem:$0xA0E8];
	_ =	sdelay $0x4  }
0x248: {  	[tilespmem:s4+$0xA158] =	vst.add.f32.msk @p1 $0xffff, v1  }
0x249: {  	v1 =	vld @p1 [tilespmem:$0xA0F8];
	_ =	sdelay $0x3  }
0x24a: {  	s5 =	sshll.u32 @!p1 s2, $0x8  }
0x24b: {  	s5 =	smov.u32 @p1 s3;
	[tilespmem:s4+$0xA168] =	vst.add.f32.msk @p1 $0xffff, v1  }
0x24c: {  	s3 =	sshrl.u32 s5, $0x2;
	[tilespmem:s0+$0xA118] =	vst.msk $0x1, v0  }
0x24d: {  	v0 =	vld [tilespmem:s3+$0xA138];
	_ =	sdelay $0x2  }
0x24e: {  	s31 =	sshll.u32 s0, $0x8  }
0x24f: {  	s4 =	sshra.s32 s31, $0x2  }
0x250: {  	[tilespmem:s4+$0xA138] =	vst v0  }
0x251: {  	v0 =	vld [tilespmem:s3+$0xA148];
	_ =	sdelay $0x4  }
0x252: {  	[tilespmem:s4+$0xA148] =	vst v0  }
0x253: {  	v0 =	vld [tilespmem:s3+$0xA158];
	_ =	sdelay $0x4  }
0x254: {  	[tilespmem:s4+$0xA158] =	vst v0  }
0x255: {  	v0 =	vld [tilespmem:s3+$0xA168];
	_ =	sdelay $0x4  }
0x256: {  	s0 =	sadd.s32 $0x1, s0;
	[tilespmem:s4+$0xA168] =	vst v0  }
.LBB2_52:
0x257: {  	s2 =	sadd.s32 $0x1, s2  }
0x258: {  	p1 =	sne.s32 s2, $0x20  }
.Ltmp34:
0x259: {  	_ = 	snop;
	(pc) =	sbr.rel @!p1 .LBB2_53-.Ltmp34, $1  }
0x25a: {  	_ =	sdelay $0x3  }
.LBB2_45:
0x25b: {  	v0 =	vld.msk [tilespmem:s2+$0xA118], $0x1;
	_ =	sdelay $0x4  }
0x25c: {  	(v2sf) =	vpush v0, $0x0;
	_ =	sdelay $0xe  }
0x25d: {  	s3 =	spop (v2sf)  }
0x25e: {  	p1 =	seq.s32 s3, $0xFFFFFFFF  }
.Ltmp35:
0x25f: {  	_ = 	snop;
	(pc) =	sbr.rel @p1 .LBB2_52-.Ltmp35, $1  }
0x260: {  	_ =	sdelay $0x3  }
0x261: {  	p1 =	slt.s32 s0, $0x1  }
.Ltmp36:
0x262: {  	_ = 	snop;
	(pc) =	sbr.rel @p1 .LBB2_51-.Ltmp36, $1  }
0x263: {  	_ =	sdelay $0x3  }
0x264: {  	s4 =	simm.s32 $0xA118;
	p1 =	por $0x0, $0x0  }
0x265: {  	v1 =	vld.msk @!p1 [tilespmem:s4+$0x0], $0x1;
	_ =	sdelay $0x4  }
0x266: {  	(v2sf) =	vpush @!p1 v1, $0x0;
	_ =	sdelay $0xd  }
0x267: {  	p3 =	sne.s32 s0, $0x1  }
.Ltmp37:
0x268: {  	s5 =	spop @!p1 (v2sf);
	(pc) =	sbr.rel @!p3 .LBB2_49-.Ltmp37, $4  }
0x269: {  	p2 =	seq.s32 @!p1 s3, s5  }
0x26a: {  	s5 =	simm.s32 $0x0;
	p2 =	por !p2, p1  }
0x26b: {  	s7 =	simm.s32 $0xFFFFFFFF;
	s5 =	simm.s32 @p2 $0xFFFFFFFF  }
0x26c: {  	s6 =	simm.s32 $0x1;
	s5 =	smov.u32 @p1 s7  }
.LBB2_48:
0x26d: {  	s7 =	smov.u32 s5;
	p1 =	sne.s32 s5, $0xFFFFFFFF  }
0x26e: {  	s4 =	sadd.s32 $0x1, s4;
	s5 =	smov.u32 s6;
	s6 =	sadd.s32 $0x1, s6  }
0x26f: {  	p2 =	sne.s32 s0, s6;
	v1 =	vld.msk @!p1 [tilespmem:s4+$0x0], $0x1;
	_ =	sdelay $0x4  }
0x270: {  	(v2sf) =	vpush @!p1 v1, $0x0;
	_ =	sdelay $0xe  }
.Ltmp38:
0x271: {  	s8 =	spop @!p1 (v2sf);
	(pc) =	sbr.rel @p2 .LBB2_48-.Ltmp38, $4  }
0x272: {  	p3 =	seq.s32 @!p1 s3, s8  }
0x273: {  	p3 =	por !p3, p1  }
0x274: {  	s5 =	simm.s32 @p3 $0xFFFFFFFF  }
0x275: {  	s5 =	smov.u32 @p1 s7  }
.LBB2_49:
0x276: {  	p1 =	seq.s32 s5, $0xFFFFFFFF  }
.Ltmp39:
0x277: {  	_ = 	snop;
	(pc) =	sbr.rel @p1 .LBB2_51-.Ltmp39, $1  }
0x278: {  	_ =	sdelay $0x3  }
0x279: {  	s3 =	sshll.u32 s2, $0x6  }
0x27a: {  	s3 =	sand.u32 $0x3FFFFFC0, s3  }
0x27b: {  	v0 =	vld [tilespmem:s3+$0xA138];
	_ =	sdelay $0x2  }
0x27c: {  	s4 =	sshll.u32 s5, $0x8  }
0x27d: {  	s4 =	sshra.s32 s4, $0x2  }
0x27e: {  	[tilespmem:s4+$0xA138] =	vst.add.f32.msk $0xffff, v0  }
0x27f: {  	v0 =	vld [tilespmem:s3+$0xA148];
	_ =	sdelay $0x4  }
0x280: {  	[tilespmem:s4+$0xA148] =	vst.add.f32.msk $0xffff, v0  }
0x281: {  	v0 =	vld [tilespmem:s3+$0xA158];
	_ =	sdelay $0x4  }
0x282: {  	[tilespmem:s4+$0xA158] =	vst.add.f32.msk $0xffff, v0  }
0x283: {  	v0 =	vld [tilespmem:s3+$0xA168]  }
.Ltmp40:
0x284: {  	_ = 	snop;
	(pc) =	sbr.rel .LBB2_52-.Ltmp40, $2  }
0x285: {  	_ =	sdelay $0x2  }
0x286: {  	[tilespmem:s4+$0xA168] =	vst.add.f32.msk $0xffff, v0  }
.LBB2_53:
0x287: {  	p1 =	slt.s32 s0, $0x1  }
.Ltmp41:
0x288: {  	_ = 	snop;
	(pc) =	sbr.rel @p1 .LBB2_57-.Ltmp41, $3  }
0x289: {  	_ =	sdelay $0x1  }
0x28a: {  	s2 =	simm.s32 $0x8  }
0x28b: {  	[sflag:s2] =	ssyncpa.u1 $0x1;
	s2 =	simm.s32 $0x0  }
0x28c: {  	s3 =	simm.s32 $0xA118  }
0x28d: {  	v0 =	vld.msk [tilespmem:s3+$0x0], $0x1;
	_ =	sdelay $0x4  }
0x28e: {  	(v2sf) =	vpush v0, $0x0;
	_ =	sdelay $0xe  }
0x28f: {  	s0 =	sadd.s32 $0xFFFFFFFF, s0;
	s4 =	spop (v2sf)  }
0x290: {  	p2 =	sne.s32 s0, $0x0;
	p1 =	sgt.u32 s4, $0xC7FF8  }
.Ltmp42:
0x291: {  	s5 =	sand.u32 @!p1 $0xFFFF8, s4;
	(pc) =	sbr.rel @!p2 .LBB2_56-.Ltmp42, $4  }
0x292: {  	s3 =	simm.s32 $0xA138;
	s4 =	sand.u32 @!p1 $0x7, s4;
	s5 =	sadd.s32 @!p1 s1, s5  }
0x293: {  	[hbm4b:s5+s4] =	stream.linear.scatter @!p1 [tilespmem:s3], [sflag:$0x7], $0x40, $0x38;
	[tilespmem:$0x1EF88] =	vst v63  }
0x294: {  	s5 =	simm.s32 $0x0  }
0x295: {  	s4 =	simm.s32 $0xA119;
	s5 =	simm.s32 @!p1 $0x100  }
.LBB2_55:
0x296: {  	v0 =	vld.msk [tilespmem:s4+$0x0], $0x1;
	s0 =	sadd.s32 $0xFFFFFFFF, s0;
	s2 =	sadd.s32 s2, s5  }
0x297: {  	p1 =	sne.s32 s0, $0x0;
	_ =	sdelay $0x3  }
0x298: {  	(v2sf) =	vpush v0, $0x0;
	_ =	sdelay $0xe  }
.Ltmp43:
0x299: {  	s6 =	spop (v2sf);
	(pc) =	sbr.rel @p1 .LBB2_55-.Ltmp43, $4  }
0x29a: {  	s5 =	simm.s32 $0x0;
	p2 =	sgt.u32 s6, $0xC7FF8  }
0x29b: {  	s3 =	sadd.s32 $0x40, s3;
	s5 =	simm.s32 @!p2 $0x100;
	s7 =	sand.u32 @!p2 $0xFFFF8, s6  }
0x29c: {  	s4 =	sadd.s32 $0x1, s4;
	s6 =	sand.u32 @!p2 $0x7, s6;
	s7 =	sadd.s32 @!p2 s1, s7  }
0x29d: {  	[hbm4b:s7+s6] =	stream.linear.scatter @!p2 [tilespmem:s3], [sflag:$0x7], $0x40, $0x38;
	[tilespmem:$0x1EF88] =	vst v63  }
.LBB2_56:
0x29e: {  	s0 =	sadd.s32 s2, s5  }
0x29f: {  	s2 =	sshrl.u32 s0, $0x2  }
.LBB2_57:
0x2a0: {  	s0 =	simm.s32 $0x7  }
0x2a1: {  	_ =	swait.ge [sflag:s0], s2  }
0x2a2: {  	s1 =	ssub.s32 $0x0, s2;
	[sflag:s0] =	ssyncset.done $0x0  }
0x2a3: {  	[sflag:s0] =	ssyncadd.s32 s1  }
0x2a4: {  	[sflag:s0] =	ssyncpa.u1 $0x1  }
.LBB2_58:
0x2a5: {  	_ =	sfence;
	s0 =	simm.s32 $0x1  }
0x2a6: {  	[sflag:s0] =	ssyncpa.u1 $0x1  }
0x2a7: {  	_ =	strace $0x90000050  }
0x2a8: {  	[bflag:$0x2] =	sbarrier.arrive $0xFFFF  }
0x2a9: {  	s0 =	rddreg [dreg:$0x3]  }
0x2aa: {  	s0 =	sadd.s32 @!p0 $0x100000, s0  }
0x2ab: {  	[sflag:s0] =	ssyncadd.tile.s32 @!p0 $0x1;
	_ =	shalt  }
.Lfunc_end2:
_tile_overlayer_lowered:
.L_overlay_start_2:
0x2ac: {  	(tag) =	ssettag $0x2  }
0x2ad: {  	s0 =	rddreg [dreg:$0x0];
	s2 =	stileid.u32  }
0x2ae: {  	s1 =	rddreg [dreg:$0x1];
	p0 =	sne.s32 s2, $0x0  }
0x2af: {  	s3 =	rddreg [dreg:$0x2];
	[bflag:$0x3] =	sbarrier.arrive $0xFFFF;
	s2 =	simm.s32 @!p0 $0x1C01  }
0x2b0: {  	[timem:s3], [sflag:s2] =	dma.local @!p0 [hbm:s0], s1  }
0x2b1: {  	s0 =	simm.s32 @!p0 $0x1  }
0x2b2: {  	_ =	swait.ge @!p0 [sflag:s0], s1  }
0x2b3: {  	s1 =	ssub.s32 @!p0 $0x0, s1;
	[sflag:s0] =	ssyncset.done @!p0 $0x0  }
0x2b4: {  	[sflag:s0] =	ssyncadd.s32 @!p0 s1  }
0x2b5: {  	[bflag:$0x3] =	sbarrier.arrive $0xFFFF  }
0x2b6: {  	_ =	shalt  }

</sc_bundles>
